<compile_context>
chip_gen: v7x
topology: tpu7x:2x2x1
jax: 0.10.2.dev20260603
libtpu: 0.0.44.dev20260713+nightly
codegen_flags: <defaults>
</compile_context>

<pallas_src>
import jax
import jax.numpy as jnp
from jax import lax
from jax.experimental import pallas as pl
from jax.experimental.pallas import tpu as pltpu
from jax.experimental.pallas import tpu_sc as plsc

BATCH = 16384
DIM = 32
LANES = 128
NC = 2
NS = 16
NW = NC * NS
B_PER_W = BATCH // NW
GROUPS = B_PER_W // 16
NBUF = 8


def _gmf_body(uidx_hbm, iidx_hbm, user_t, item_t, w_hbm, b_hbm,
              out_hbm,
              uidx_v, iidx_v, ustage, istage, out_v, w_v, b_v,
              usems, isems):
    wid = lax.axis_index("s") * NC + lax.axis_index("c")
    base = wid * B_PER_W

    pltpu.sync_copy(uidx_hbm.at[pl.ds(base, B_PER_W)], uidx_v)
    pltpu.sync_copy(iidx_hbm.at[pl.ds(base, B_PER_W)], iidx_v)
    pltpu.sync_copy(w_hbm, w_v)
    pltpu.sync_copy(b_hbm, b_v)

    lanes = lax.iota(jnp.int32, 16)
    w_lo = w_v[pl.ds(0, 16)]
    w_hi = w_v[pl.ds(16, 16)]
    bias = b_v[...]

    def fire(slot, ucol, icol):
        ublk = pl.multiple_of((ucol >> 7) * LANES, LANES)
        iblk = pl.multiple_of((icol >> 7) * LANES, LANES)
        pltpu.async_copy(user_t.at[:, pl.ds(ublk, LANES)],
                         ustage.at[slot], usems.at[slot])
        pltpu.async_copy(item_t.at[:, pl.ds(iblk, LANES)],
                         istage.at[slot], isems.at[slot])

    ugrp0 = uidx_v[pl.ds(0, 16)]
    igrp0 = iidx_v[pl.ds(0, 16)]
    for k in range(NBUF):
        fire(k, ugrp0[k], igrp0[k])

    def group(g, carry):
        ugrp = uidx_v[pl.ds(g * 16, 16)]
        igrp = iidx_v[pl.ds(g * 16, 16)]
        nstart = jnp.minimum(g * 16 + 16, B_PER_W - 16)
        ugrp_n = uidx_v[pl.ds(nstart, 16)]
        igrp_n = iidx_v[pl.ds(nstart, 16)]
        acc = bias
        for k in range(16):
            slot = k % NBUF
            pltpu.make_async_copy(user_t.at[:, pl.ds(0, LANES)],
                                  ustage.at[slot], usems.at[slot]).wait()
            pltpu.make_async_copy(item_t.at[:, pl.ds(0, LANES)],
                                  istage.at[slot], isems.at[slot]).wait()
            ul = jnp.full((16,), ugrp[k] & (LANES - 1), jnp.int32)
            il = jnp.full((16,), igrp[k] & (LANES - 1), jnp.int32)
            gu_lo = plsc.load_gather(ustage.at[slot], [lanes, ul])
            gu_hi = plsc.load_gather(ustage.at[slot], [lanes + 16, ul])
            gi_lo = plsc.load_gather(istage.at[slot], [lanes, il])
            gi_hi = plsc.load_gather(istage.at[slot], [lanes + 16, il])
            p = gu_lo * gi_lo * w_lo + gu_hi * gi_hi * w_hi
            s = jnp.sum(p)
            acc = acc + jnp.where(lanes == k, s, 0.0)
            if k + NBUF < 16:
                fire(slot, ugrp[k + NBUF], igrp[k + NBUF])
            else:
                fire(slot, ugrp_n[k + NBUF - 16], igrp_n[k + NBUF - 16])
        out_v[pl.ds(g * 16, 16)] = 1.0 / (1.0 + jnp.exp(-acc))
        return carry

    lax.fori_loop(0, GROUPS, group, 0)

    for k in range(NBUF):
        pltpu.make_async_copy(user_t.at[:, pl.ds(0, LANES)],
                              ustage.at[k], usems.at[k]).wait()
        pltpu.make_async_copy(item_t.at[:, pl.ds(0, LANES)],
                              istage.at[k], isems.at[k]).wait()

    pltpu.sync_copy(out_v, out_hbm.at[pl.ds(base, B_PER_W)])


@jax.jit
def kernel(user_indices, item_indices, user_table, item_table, W, b):
    uidx = user_indices.astype(jnp.int32)
    iidx = item_indices.astype(jnp.int32)
    w32 = W.reshape(DIM).astype(jnp.float32)
    b16 = jnp.broadcast_to(b.astype(jnp.float32), (16,))
    user_t = user_table.T
    item_t = item_table.T

    run = pl.kernel(
        _gmf_body,
        out_type=jax.ShapeDtypeStruct((BATCH,), jnp.float32),
        mesh=plsc.VectorSubcoreMesh(core_axis_name="c", subcore_axis_name="s"),
        compiler_params=pltpu.CompilerParams(
            needs_layout_passes=False, use_tc_tiling_on_sc=True),
        scratch_types=[
            pltpu.VMEM((B_PER_W,), jnp.int32),
            pltpu.VMEM((B_PER_W,), jnp.int32),
            pltpu.VMEM((NBUF, DIM, LANES), jnp.float32),
            pltpu.VMEM((NBUF, DIM, LANES), jnp.float32),
            pltpu.VMEM((B_PER_W,), jnp.float32),
            pltpu.VMEM((DIM,), jnp.float32),
            pltpu.VMEM((16,), jnp.float32),
            pltpu.SemaphoreType.DMA((NBUF,)),
            pltpu.SemaphoreType.DMA((NBUF,)),
        ],
    )
    out = run(uidx, iidx, user_t, item_t, w32, b16)
    return out.reshape(BATCH, 1)

# --- scband reference (transcript-rebuilt; emitter-appended) ---
"""Pipeline reference for scband-gmf-4990751998604 (READ-ONLY COPY).

The authoritative reference and input builder live on the scoring server;
editing this copy changes nothing except your own understanding.
"""

import jax, jax.numpy as jnp
import numpy as np

NUM_USERS = 1000000
NUM_ITEMS = 1000000
LATENT_DIM = 32
BATCH = 16384


def setup_inputs(seed: int = 0) -> dict:
    key = jax.random.key(seed)
    k1, k2, k3, k4, k5, k6 = jax.random.split(key, 6)
    user_indices = jax.random.randint(k1, (BATCH,), 0, NUM_USERS, dtype=jnp.int64 if jax.config.read('jax_enable_x64') else jnp.int32)
    item_indices = jax.random.randint(k2, (BATCH,), 0, NUM_ITEMS, dtype=jnp.int64 if jax.config.read('jax_enable_x64') else jnp.int32)
    user_table = jax.random.normal(k3, (NUM_USERS, LATENT_DIM), dtype=jnp.float32) * 0.02
    item_table = jax.random.normal(k4, (NUM_ITEMS, LATENT_DIM), dtype=jnp.float32) * 0.02
    W = jax.random.normal(k5, (LATENT_DIM, 1), dtype=jnp.float32) * (1.0 / np.sqrt(LATENT_DIM))
    b = jax.random.normal(k6, (1,), dtype=jnp.float32) * 0.01
    return {
        'user_indices': user_indices,
        'item_indices': item_indices,
        'user_table': user_table,
        'item_table': item_table,
        'W': W,
        'b': b,
    }


def reference(user_indices, item_indices, user_table, item_table, W, b):
    user_embedding = jnp.take(user_table, user_indices, axis=0)
    item_embedding = jnp.take(item_table, item_indices, axis=0)
    element_product = user_embedding * item_embedding
    logits = element_product @ W + b
    rating = jax.nn.sigmoid(logits)
    return rating

if __name__ == "__main__":
    import jax
    _d = setup_inputs()
    print(jax.jit(kernel)(*tuple(_d.values())))

</pallas_src>

<mosaic_0001>
#map = affine_map<(d0, d1) -> (0)>
#map1 = affine_map<(d0, d1) -> (0, 0)>
module attributes {stable_mosaic.version = 14 : i64} {
  func.func @_gmf_body(%arg0: i32, %arg1: i32, %arg2: memref<16384xi32, #tpu.memory_space<hbm>>, %arg3: memref<16384xi32, #tpu.memory_space<hbm>>, %arg4: memref<32x1000000xf32, #tpu.memory_space<hbm>>, %arg5: memref<32x1000000xf32, #tpu.memory_space<hbm>>, %arg6: memref<32xf32, #tpu.memory_space<hbm>>, %arg7: memref<16xf32, #tpu.memory_space<hbm>>, %arg8: memref<16384xf32, #tpu.memory_space<hbm>>, %arg9: memref<512xi32, #tpu.memory_space<vmem>>, %arg10: memref<512xi32, #tpu.memory_space<vmem>>, %arg11: memref<8x32x128xf32, #tpu.memory_space<vmem>>, %arg12: memref<8x32x128xf32, #tpu.memory_space<vmem>>, %arg13: memref<512xf32, #tpu.memory_space<vmem>>, %arg14: memref<32xf32, #tpu.memory_space<vmem>>, %arg15: memref<16xf32, #tpu.memory_space<vmem>>, %arg16: memref<8x!tpu.dma_semaphore, #tpu.memory_space<semaphore_mem>>, %arg17: memref<8x!tpu.dma_semaphore, #tpu.memory_space<semaphore_mem>>) attributes {dimension_semantics = [#tpu.dimension_semantics<core_parallel>, #tpu.dimension_semantics<subcore_parallel>], iteration_bounds = array<i64: 2, 16>, scalar_prefetch = 0 : i64, scratch_operands = 9 : i64, tpu.core_type = #tpu.core_type<sc_vector_subcore>, window_params = [{transform_indices = #map}, {transform_indices = #map}, {transform_indices = #map1}, {transform_indices = #map1}, {transform_indices = #map}, {transform_indices = #map}, {transform_indices = #map}]} {
    %mul3A = arith.constant 2 : i32
    %mul3A_0 = arith.muli %arg1, %mul3A : i32
    %add3A = arith.addi %mul3A_0, %arg0 : i32
    %mul3A_1 = arith.constant 512 : i32
    %mul3A_2 = arith.muli %add3A, %mul3A_1 : i32
    "tpu.region"() ({
      %run_scoped3A = tpu.sem_alloc : memref<!tpu.dma_semaphore, #tpu.memory_space<semaphore_mem>>
      %dma_start3A_667 = tpu.memref_slice %arg2[%mul3A_2] : memref<16384xi32, #tpu.memory_space<hbm>> -> memref<512xi32, #tpu.memory_space<hbm>>
      %dma_start3A_668 = tpu.memref_slice %arg2[%mul3A_2] : memref<16384xi32, #tpu.memory_space<hbm>> -> memref<512xi32, #tpu.memory_space<hbm>>
      tpu.enqueue_dma source(%dma_start3A_668 : memref<512xi32, #tpu.memory_space<hbm>>) target(%arg9 : memref<512xi32, #tpu.memory_space<vmem>>) target_semaphore(%run_scoped3A : memref<!tpu.dma_semaphore, #tpu.memory_space<semaphore_mem>>)
      %dma_wait3A_669 = tpu.memref_slice %arg2[%mul3A_2] : memref<16384xi32, #tpu.memory_space<hbm>> -> memref<512xi32, #tpu.memory_space<hbm>>
      %dma_wait3A_670 = tpu.memref_slice %arg2[%mul3A_2] : memref<16384xi32, #tpu.memory_space<hbm>> -> memref<512xi32, #tpu.memory_space<hbm>>
      tpu.wait_dma2 semaphore(%run_scoped3A : memref<!tpu.dma_semaphore, #tpu.memory_space<semaphore_mem>>) src(%dma_wait3A_670 : memref<512xi32, #tpu.memory_space<hbm>>) dst(%arg9 : memref<512xi32, #tpu.memory_space<vmem>>)
      tpu.yield
    }) : () -> ()
    "tpu.region"() ({
      %run_scoped3A = tpu.sem_alloc : memref<!tpu.dma_semaphore, #tpu.memory_space<semaphore_mem>>
      %dma_start3A_667 = tpu.memref_slice %arg3[%mul3A_2] : memref<16384xi32, #tpu.memory_space<hbm>> -> memref<512xi32, #tpu.memory_space<hbm>>
      %dma_start3A_668 = tpu.memref_slice %arg3[%mul3A_2] : memref<16384xi32, #tpu.memory_space<hbm>> -> memref<512xi32, #tpu.memory_space<hbm>>
      tpu.enqueue_dma source(%dma_start3A_668 : memref<512xi32, #tpu.memory_space<hbm>>) target(%arg10 : memref<512xi32, #tpu.memory_space<vmem>>) target_semaphore(%run_scoped3A : memref<!tpu.dma_semaphore, #tpu.memory_space<semaphore_mem>>)
      %dma_wait3A_669 = tpu.memref_slice %arg3[%mul3A_2] : memref<16384xi32, #tpu.memory_space<hbm>> -> memref<512xi32, #tpu.memory_space<hbm>>
      %dma_wait3A_670 = tpu.memref_slice %arg3[%mul3A_2] : memref<16384xi32, #tpu.memory_space<hbm>> -> memref<512xi32, #tpu.memory_space<hbm>>
      tpu.wait_dma2 semaphore(%run_scoped3A : memref<!tpu.dma_semaphore, #tpu.memory_space<semaphore_mem>>) src(%dma_wait3A_670 : memref<512xi32, #tpu.memory_space<hbm>>) dst(%arg10 : memref<512xi32, #tpu.memory_space<vmem>>)
      tpu.yield
    }) : () -> ()
    "tpu.region"() ({
      %run_scoped3A = tpu.sem_alloc : memref<!tpu.dma_semaphore, #tpu.memory_space<semaphore_mem>>
      tpu.enqueue_dma source(%arg6 : memref<32xf32, #tpu.memory_space<hbm>>) target(%arg14 : memref<32xf32, #tpu.memory_space<vmem>>) target_semaphore(%run_scoped3A : memref<!tpu.dma_semaphore, #tpu.memory_space<semaphore_mem>>)
      tpu.wait_dma2 semaphore(%run_scoped3A : memref<!tpu.dma_semaphore, #tpu.memory_space<semaphore_mem>>) src(%arg6 : memref<32xf32, #tpu.memory_space<hbm>>) dst(%arg14 : memref<32xf32, #tpu.memory_space<vmem>>)
      tpu.yield
    }) : () -> ()
    "tpu.region"() ({
      %run_scoped3A = tpu.sem_alloc : memref<!tpu.dma_semaphore, #tpu.memory_space<semaphore_mem>>
      tpu.enqueue_dma source(%arg7 : memref<16xf32, #tpu.memory_space<hbm>>) target(%arg15 : memref<16xf32, #tpu.memory_space<vmem>>) target_semaphore(%run_scoped3A : memref<!tpu.dma_semaphore, #tpu.memory_space<semaphore_mem>>)
      tpu.wait_dma2 semaphore(%run_scoped3A : memref<!tpu.dma_semaphore, #tpu.memory_space<semaphore_mem>>) src(%arg7 : memref<16xf32, #tpu.memory_space<hbm>>) dst(%arg15 : memref<16xf32, #tpu.memory_space<vmem>>)
      tpu.yield
    }) : () -> ()
    %iota3A = tpu.iota {dimensions = array<i32: 0>} : vector<16xi32>
    %get3A = arith.constant 0 : index
    %get3A_3 = tpu.vector_load %arg14[%get3A] {strides = array<i32>} : memref<32xf32, #tpu.memory_space<vmem>>, vector<16xf32>,
    %get3A_4 = arith.constant 16 : index
    %get3A_5 = tpu.vector_load %arg14[%get3A_4] {strides = array<i32>} : memref<32xf32, #tpu.memory_space<vmem>>, vector<16xf32>,
    %get3A_6 = arith.constant 0 : index
    %get3A_7 = tpu.vector_load %arg15[%get3A_6] {strides = array<i32>} : memref<16xf32, #tpu.memory_space<vmem>>, vector<16xf32>,
    %get3A_8 = arith.constant 0 : index
    %get3A_9 = tpu.vector_load %arg9[%get3A_8] {strides = array<i32>} : memref<512xi32, #tpu.memory_space<vmem>>, vector<16xi32>,
    %get3A_10 = arith.constant 0 : index
    %get3A_11 = tpu.vector_load %arg10[%get3A_10] {strides = array<i32>} : memref<512xi32, #tpu.memory_space<vmem>>, vector<16xi32>,
    %slice3A = vector.extract_strided_slice %get3A_9 {offsets = [0], sizes = [1], strides = [1]} : vector<16xi32> to vector<1xi32>
    %squeeze3A = vector.extract %slice3A[0] : i32 from vector<1xi32>
    %slice3A_12 = vector.extract_strided_slice %get3A_11 {offsets = [0], sizes = [1], strides = [1]} : vector<16xi32> to vector<1xi32>
    %squeeze3A_13 = vector.extract %slice3A_12[0] : i32 from vector<1xi32>
    %shift_right_arithmetic3A = arith.constant 7 : i32
    %shift_right_arithmetic3A_14 = arith.shrsi %squeeze3A, %shift_right_arithmetic3A : i32
    %mul3A_15 = arith.constant 128 : i32
    %mul3A_16 = arith.muli %shift_right_arithmetic3A_14, %mul3A_15 : i32
    %multiple_of3A = tpu.assume_multiple %mul3A_16, 128 : i32
    %shift_right_arithmetic3A_17 = arith.constant 7 : i32
    %shift_right_arithmetic3A_18 = arith.shrsi %squeeze3A_13, %shift_right_arithmetic3A_17 : i32
    %mul3A_19 = arith.constant 128 : i32
    %mul3A_20 = arith.muli %shift_right_arithmetic3A_18, %mul3A_19 : i32
    %multiple_of3A_21 = tpu.assume_multiple %mul3A_20, 128 : i32
    %dma_start3A = arith.constant 0 : i32
    %dma_start3A_22 = arith.constant 0 : i32
    %dma_start3A_23 = arith.constant 0 : i32
    %dma_start3A_24 = arith.constant 0 : i32
    %dma_start3A_25 = tpu.memref_slice %arg11[%dma_start3A, %dma_start3A_23, %dma_start3A_24] : memref<8x32x128xf32, #tpu.memory_space<vmem>> -> memref<1x32x128xf32, #tpu.memory_space<vmem>>
    %dma_start3A_26 = tpu.memref_squeeze %dma_start3A_25 : memref<1x32x128xf32, #tpu.memory_space<vmem>> -> memref<32x128xf32, #tpu.memory_space<vmem>>
    %dma_start3A_27 = arith.constant 0 : i32
    %dma_start3A_28 = tpu.memref_slice %arg4[%dma_start3A_27, %multiple_of3A] : memref<32x1000000xf32, #tpu.memory_space<hbm>> -> memref<32x128xf32, #tpu.memory_space<hbm>>
    %dma_start3A_29 = tpu.memref_slice %arg16[%dma_start3A_22] : memref<8x!tpu.dma_semaphore, #tpu.memory_space<semaphore_mem>> -> memref<1x!tpu.dma_semaphore, #tpu.memory_space<semaphore_mem>>
    %dma_start3A_30 = tpu.memref_squeeze %dma_start3A_29 : memref<1x!tpu.dma_semaphore, #tpu.memory_space<semaphore_mem>> -> memref<!tpu.dma_semaphore, #tpu.memory_space<semaphore_mem>>
    %dma_start3A_31 = arith.constant 0 : i32
    %dma_start3A_32 = arith.constant 0 : i32
    %dma_start3A_33 = tpu.memref_slice %arg11[%dma_start3A, %dma_start3A_31, %dma_start3A_32] : memref<8x32x128xf32, #tpu.memory_space<vmem>> -> memref<1x32x128xf32, #tpu.memory_space<vmem>>
    %dma_start3A_34 = tpu.memref_squeeze %dma_start3A_33 : memref<1x32x128xf32, #tpu.memory_space<vmem>> -> memref<32x128xf32, #tpu.memory_space<vmem>>
    %dma_start3A_35 = arith.constant 0 : i32
    %dma_start3A_36 = tpu.memref_slice %arg4[%dma_start3A_35, %multiple_of3A] : memref<32x1000000xf32, #tpu.memory_space<hbm>> -> memref<32x128xf32, #tpu.memory_space<hbm>>
    tpu.enqueue_dma source(%dma_start3A_36 : memref<32x128xf32, #tpu.memory_space<hbm>>) target(%dma_start3A_34 : memref<32x128xf32, #tpu.memory_space<vmem>>) target_semaphore(%dma_start3A_30 : memref<!tpu.dma_semaphore, #tpu.memory_space<semaphore_mem>>)
    %dma_start3A_37 = arith.constant 0 : i32
    %dma_start3A_38 = arith.constant 0 : i32
    %dma_start3A_39 = arith.constant 0 : i32
    %dma_start3A_40 = arith.constant 0 : i32
    %dma_start3A_41 = tpu.memref_slice %arg12[%dma_start3A_37, %dma_start3A_39, %dma_start3A_40] : memref<8x32x128xf32, #tpu.memory_space<vmem>> -> memref<1x32x128xf32, #tpu.memory_space<vmem>>
    %dma_start3A_42 = tpu.memref_squeeze %dma_start3A_41 : memref<1x32x128xf32, #tpu.memory_space<vmem>> -> memref<32x128xf32, #tpu.memory_space<vmem>>
    %dma_start3A_43 = arith.constant 0 : i32
    %dma_start3A_44 = tpu.memref_slice %arg5[%dma_start3A_43, %multiple_of3A_21] : memref<32x1000000xf32, #tpu.memory_space<hbm>> -> memref<32x128xf32, #tpu.memory_space<hbm>>
    %dma_start3A_45 = tpu.memref_slice %arg17[%dma_start3A_38] : memref<8x!tpu.dma_semaphore, #tpu.memory_space<semaphore_mem>> -> memref<1x!tpu.dma_semaphore, #tpu.memory_space<semaphore_mem>>
    %dma_start3A_46 = tpu.memref_squeeze %dma_start3A_45 : memref<1x!tpu.dma_semaphore, #tpu.memory_space<semaphore_mem>> -> memref<!tpu.dma_semaphore, #tpu.memory_space<semaphore_mem>>
    %dma_start3A_47 = arith.constant 0 : i32
    %dma_start3A_48 = arith.constant 0 : i32
    %dma_start3A_49 = tpu.memref_slice %arg12[%dma_start3A_37, %dma_start3A_47, %dma_start3A_48] : memref<8x32x128xf32, #tpu.memory_space<vmem>> -> memref<1x32x128xf32, #tpu.memory_space<vmem>>
    %dma_start3A_50 = tpu.memref_squeeze %dma_start3A_49 : memref<1x32x128xf32, #tpu.memory_space<vmem>> -> memref<32x128xf32, #tpu.memory_space<vmem>>
    %dma_start3A_51 = arith.constant 0 : i32
    %dma_start3A_52 = tpu.memref_slice %arg5[%dma_start3A_51, %multiple_of3A_21] : memref<32x1000000xf32, #tpu.memory_space<hbm>> -> memref<32x128xf32, #tpu.memory_space<hbm>>
    tpu.enqueue_dma source(%dma_start3A_52 : memref<32x128xf32, #tpu.memory_space<hbm>>) target(%dma_start3A_50 : memref<32x128xf32, #tpu.memory_space<vmem>>) target_semaphore(%dma_start3A_46 : memref<!tpu.dma_semaphore, #tpu.memory_space<semaphore_mem>>)
    %slice3A_53 = vector.extract_strided_slice %get3A_9 {offsets = [1], sizes = [1], strides = [1]} : vector<16xi32> to vector<1xi32>
    %squeeze3A_54 = vector.extract %slice3A_53[0] : i32 from vector<1xi32>
    %slice3A_55 = vector.extract_strided_slice %get3A_11 {offsets = [1], sizes = [1], strides = [1]} : vector<16xi32> to vector<1xi32>
    %squeeze3A_56 = vector.extract %slice3A_55[0] : i32 from vector<1xi32>
    %shift_right_arithmetic3A_57 = arith.constant 7 : i32
    %shift_right_arithmetic3A_58 = arith.shrsi %squeeze3A_54, %shift_right_arithmetic3A_57 : i32
    %mul3A_59 = arith.constant 128 : i32
    %mul3A_60 = arith.muli %shift_right_arithmetic3A_58, %mul3A_59 : i32
    %multiple_of3A_61 = tpu.assume_multiple %mul3A_60, 128 : i32
    %shift_right_arithmetic3A_62 = arith.constant 7 : i32
    %shift_right_arithmetic3A_63 = arith.shrsi %squeeze3A_56, %shift_right_arithmetic3A_62 : i32
    %mul3A_64 = arith.constant 128 : i32
    %mul3A_65 = arith.muli %shift_right_arithmetic3A_63, %mul3A_64 : i32
    %multiple_of3A_66 = tpu.assume_multiple %mul3A_65, 128 : i32
    %dma_start3A_67 = arith.constant 1 : i32
    %dma_start3A_68 = arith.constant 1 : i32
    %dma_start3A_69 = arith.constant 0 : i32
    %dma_start3A_70 = arith.constant 0 : i32
    %dma_start3A_71 = tpu.memref_slice %arg11[%dma_start3A_67, %dma_start3A_69, %dma_start3A_70] : memref<8x32x128xf32, #tpu.memory_space<vmem>> -> memref<1x32x128xf32, #tpu.memory_space<vmem>>
    %dma_start3A_72 = tpu.memref_squeeze %dma_start3A_71 : memref<1x32x128xf32, #tpu.memory_space<vmem>> -> memref<32x128xf32, #tpu.memory_space<vmem>>
    %dma_start3A_73 = arith.constant 0 : i32
    %dma_start3A_74 = tpu.memref_slice %arg4[%dma_start3A_73, %multiple_of3A_61] : memref<32x1000000xf32, #tpu.memory_space<hbm>> -> memref<32x128xf32, #tpu.memory_space<hbm>>
    %dma_start3A_75 = tpu.memref_slice %arg16[%dma_start3A_68] : memref<8x!tpu.dma_semaphore, #tpu.memory_space<semaphore_mem>> -> memref<1x!tpu.dma_semaphore, #tpu.memory_space<semaphore_mem>>
    %dma_start3A_76 = tpu.memref_squeeze %dma_start3A_75 : memref<1x!tpu.dma_semaphore, #tpu.memory_space<semaphore_mem>> -> memref<!tpu.dma_semaphore, #tpu.memory_space<semaphore_mem>>
    %dma_start3A_77 = arith.constant 0 : i32
    %dma_start3A_78 = arith.constant 0 : i32
    %dma_start3A_79 = tpu.memref_slice %arg11[%dma_start3A_67, %dma_start3A_77, %dma_start3A_78] : memref<8x32x128xf32, #tpu.memory_space<vmem>> -> memref<1x32x128xf32, #tpu.memory_space<vmem>>
    %dma_start3A_80 = tpu.memref_squeeze %dma_start3A_79 : memref<1x32x128xf32, #tpu.memory_space<vmem>> -> memref<32x128xf32, #tpu.memory_space<vmem>>
    %dma_start3A_81 = arith.constant 0 : i32
    %dma_start3A_82 = tpu.memref_slice %arg4[%dma_start3A_81, %multiple_of3A_61] : memref<32x1000000xf32, #tpu.memory_space<hbm>> -> memref<32x128xf32, #tpu.memory_space<hbm>>
    tpu.enqueue_dma source(%dma_start3A_82 : memref<32x128xf32, #tpu.memory_space<hbm>>) target(%dma_start3A_80 : memref<32x128xf32, #tpu.memory_space<vmem>>) target_semaphore(%dma_start3A_76 : memref<!tpu.dma_semaphore, #tpu.memory_space<semaphore_mem>>)
    %dma_start3A_83 = arith.constant 1 : i32
    %dma_start3A_84 = arith.constant 1 : i32
    %dma_start3A_85 = arith.constant 0 : i32
    %dma_start3A_86 = arith.constant 0 : i32
    %dma_start3A_87 = tpu.memref_slice %arg12[%dma_start3A_83, %dma_start3A_85, %dma_start3A_86] : memref<8x32x128xf32, #tpu.memory_space<vmem>> -> memref<1x32x128xf32, #tpu.memory_space<vmem>>
    %dma_start3A_88 = tpu.memref_squeeze %dma_start3A_87 : memref<1x32x128xf32, #tpu.memory_space<vmem>> -> memref<32x128xf32, #tpu.memory_space<vmem>>
    %dma_start3A_89 = arith.constant 0 : i32
    %dma_start3A_90 = tpu.memref_slice %arg5[%dma_start3A_89, %multiple_of3A_66] : memref<32x1000000xf32, #tpu.memory_space<hbm>> -> memref<32x128xf32, #tpu.memory_space<hbm>>
    %dma_start3A_91 = tpu.memref_slice %arg17[%dma_start3A_84] : memref<8x!tpu.dma_semaphore, #tpu.memory_space<semaphore_mem>> -> memref<1x!tpu.dma_semaphore, #tpu.memory_space<semaphore_mem>>
    %dma_start3A_92 = tpu.memref_squeeze %dma_start3A_91 : memref<1x!tpu.dma_semaphore, #tpu.memory_space<semaphore_mem>> -> memref<!tpu.dma_semaphore, #tpu.memory_space<semaphore_mem>>
    %dma_start3A_93 = arith.constant 0 : i32
    %dma_start3A_94 = arith.constant 0 : i32
    %dma_start3A_95 = tpu.memref_slice %arg12[%dma_start3A_83, %dma_start3A_93, %dma_start3A_94] : memref<8x32x128xf32, #tpu.memory_space<vmem>> -> memref<1x32x128xf32, #tpu.memory_space<vmem>>
    %dma_start3A_96 = tpu.memref_squeeze %dma_start3A_95 : memref<1x32x128xf32, #tpu.memory_space<vmem>> -> memref<32x128xf32, #tpu.memory_space<vmem>>
    %dma_start3A_97 = arith.constant 0 : i32
    %dma_start3A_98 = tpu.memref_slice %arg5[%dma_start3A_97, %multiple_of3A_66] : memref<32x1000000xf32, #tpu.memory_space<hbm>> -> memref<32x128xf32, #tpu.memory_space<hbm>>
    tpu.enqueue_dma source(%dma_start3A_98 : memref<32x128xf32, #tpu.memory_space<hbm>>) target(%dma_start3A_96 : memref<32x128xf32, #tpu.memory_space<vmem>>) target_semaphore(%dma_start3A_92 : memref<!tpu.dma_semaphore, #tpu.memory_space<semaphore_mem>>)
    %slice3A_99 = vector.extract_strided_slice %get3A_9 {offsets = [2], sizes = [1], strides = [1]} : vector<16xi32> to vector<1xi32>
    %squeeze3A_100 = vector.extract %slice3A_99[0] : i32 from vector<1xi32>
    %slice3A_101 = vector.extract_strided_slice %get3A_11 {offsets = [2], sizes = [1], strides = [1]} : vector<16xi32> to vector<1xi32>
    %squeeze3A_102 = vector.extract %slice3A_101[0] : i32 from vector<1xi32>
    %shift_right_arithmetic3A_103 = arith.constant 7 : i32
    %shift_right_arithmetic3A_104 = arith.shrsi %squeeze3A_100, %shift_right_arithmetic3A_103 : i32
    %mul3A_105 = arith.constant 128 : i32
    %mul3A_106 = arith.muli %shift_right_arithmetic3A_104, %mul3A_105 : i32
    %multiple_of3A_107 = tpu.assume_multiple %mul3A_106, 128 : i32
    %shift_right_arithmetic3A_108 = arith.constant 7 : i32
    %shift_right_arithmetic3A_109 = arith.shrsi %squeeze3A_102, %shift_right_arithmetic3A_108 : i32
    %mul3A_110 = arith.constant 128 : i32
    %mul3A_111 = arith.muli %shift_right_arithmetic3A_109, %mul3A_110 : i32
    %multiple_of3A_112 = tpu.assume_multiple %mul3A_111, 128 : i32
    %dma_start3A_113 = arith.constant 2 : i32
    %dma_start3A_114 = arith.constant 2 : i32
    %dma_start3A_115 = arith.constant 0 : i32
    %dma_start3A_116 = arith.constant 0 : i32
    %dma_start3A_117 = tpu.memref_slice %arg11[%dma_start3A_113, %dma_start3A_115, %dma_start3A_116] : memref<8x32x128xf32, #tpu.memory_space<vmem>> -> memref<1x32x128xf32, #tpu.memory_space<vmem>>
    %dma_start3A_118 = tpu.memref_squeeze %dma_start3A_117 : memref<1x32x128xf32, #tpu.memory_space<vmem>> -> memref<32x128xf32, #tpu.memory_space<vmem>>
    %dma_start3A_119 = arith.constant 0 : i32
    %dma_start3A_120 = tpu.memref_slice %arg4[%dma_start3A_119, %multiple_of3A_107] : memref<32x1000000xf32, #tpu.memory_space<hbm>> -> memref<32x128xf32, #tpu.memory_space<hbm>>
    %dma_start3A_121 = tpu.memref_slice %arg16[%dma_start3A_114] : memref<8x!tpu.dma_semaphore, #tpu.memory_space<semaphore_mem>> -> memref<1x!tpu.dma_semaphore, #tpu.memory_space<semaphore_mem>>
    %dma_start3A_122 = tpu.memref_squeeze %dma_start3A_121 : memref<1x!tpu.dma_semaphore, #tpu.memory_space<semaphore_mem>> -> memref<!tpu.dma_semaphore, #tpu.memory_space<semaphore_mem>>
    %dma_start3A_123 = arith.constant 0 : i32
    %dma_start3A_124 = arith.constant 0 : i32
    %dma_start3A_125 = tpu.memref_slice %arg11[%dma_start3A_113, %dma_start3A_123, %dma_start3A_124] : memref<8x32x128xf32, #tpu.memory_space<vmem>> -> memref<1x32x128xf32, #tpu.memory_space<vmem>>
    %dma_start3A_126 = tpu.memref_squeeze %dma_start3A_125 : memref<1x32x128xf32, #tpu.memory_space<vmem>> -> memref<32x128xf32, #tpu.memory_space<vmem>>
    %dma_start3A_127 = arith.constant 0 : i32
    %dma_start3A_128 = tpu.memref_slice %arg4[%dma_start3A_127, %multiple_of3A_107] : memref<32x1000000xf32, #tpu.memory_space<hbm>> -> memref<32x128xf32, #tpu.memory_space<hbm>>
    tpu.enqueue_dma source(%dma_start3A_128 : memref<32x128xf32, #tpu.memory_space<hbm>>) target(%dma_start3A_126 : memref<32x128xf32, #tpu.memory_space<vmem>>) target_semaphore(%dma_start3A_122 : memref<!tpu.dma_semaphore, #tpu.memory_space<semaphore_mem>>)
    %dma_start3A_129 = arith.constant 2 : i32
    %dma_start3A_130 = arith.constant 2 : i32
    %dma_start3A_131 = arith.constant 0 : i32
    %dma_start3A_132 = arith.constant 0 : i32
    %dma_start3A_133 = tpu.memref_slice %arg12[%dma_start3A_129, %dma_start3A_131, %dma_start3A_132] : memref<8x32x128xf32, #tpu.memory_space<vmem>> -> memref<1x32x128xf32, #tpu.memory_space<vmem>>
    %dma_start3A_134 = tpu.memref_squeeze %dma_start3A_133 : memref<1x32x128xf32, #tpu.memory_space<vmem>> -> memref<32x128xf32, #tpu.memory_space<vmem>>
    %dma_start3A_135 = arith.constant 0 : i32
    %dma_start3A_136 = tpu.memref_slice %arg5[%dma_start3A_135, %multiple_of3A_112] : memref<32x1000000xf32, #tpu.memory_space<hbm>> -> memref<32x128xf32, #tpu.memory_space<hbm>>
    %dma_start3A_137 = tpu.memref_slice %arg17[%dma_start3A_130] : memref<8x!tpu.dma_semaphore, #tpu.memory_space<semaphore_mem>> -> memref<1x!tpu.dma_semaphore, #tpu.memory_space<semaphore_mem>>
    %dma_start3A_138 = tpu.memref_squeeze %dma_start3A_137 : memref<1x!tpu.dma_semaphore, #tpu.memory_space<semaphore_mem>> -> memref<!tpu.dma_semaphore, #tpu.memory_space<semaphore_mem>>
    %dma_start3A_139 = arith.constant 0 : i32
    %dma_start3A_140 = arith.constant 0 : i32
    %dma_start3A_141 = tpu.memref_slice %arg12[%dma_start3A_129, %dma_start3A_139, %dma_start3A_140] : memref<8x32x128xf32, #tpu.memory_space<vmem>> -> memref<1x32x128xf32, #tpu.memory_space<vmem>>
    %dma_start3A_142 = tpu.memref_squeeze %dma_start3A_141 : memref<1x32x128xf32, #tpu.memory_space<vmem>> -> memref<32x128xf32, #tpu.memory_space<vmem>>
    %dma_start3A_143 = arith.constant 0 : i32
    %dma_start3A_144 = tpu.memref_slice %arg5[%dma_start3A_143, %multiple_of3A_112] : memref<32x1000000xf32, #tpu.memory_space<hbm>> -> memref<32x128xf32, #tpu.memory_space<hbm>>
    tpu.enqueue_dma source(%dma_start3A_144 : memref<32x128xf32, #tpu.memory_space<hbm>>) target(%dma_start3A_142 : memref<32x128xf32, #tpu.memory_space<vmem>>) target_semaphore(%dma_start3A_138 : memref<!tpu.dma_semaphore, #tpu.memory_space<semaphore_mem>>)
    %slice3A_145 = vector.extract_strided_slice %get3A_9 {offsets = [3], sizes = [1], strides = [1]} : vector<16xi32> to vector<1xi32>
    %squeeze3A_146 = vector.extract %slice3A_145[0] : i32 from vector<1xi32>
    %slice3A_147 = vector.extract_strided_slice %get3A_11 {offsets = [3], sizes = [1], strides = [1]} : vector<16xi32> to vector<1xi32>
    %squeeze3A_148 = vector.extract %slice3A_147[0] : i32 from vector<1xi32>
    %shift_right_arithmetic3A_149 = arith.constant 7 : i32
    %shift_right_arithmetic3A_150 = arith.shrsi %squeeze3A_146, %shift_right_arithmetic3A_149 : i32
    %mul3A_151 = arith.constant 128 : i32
    %mul3A_152 = arith.muli %shift_right_arithmetic3A_150, %mul3A_151 : i32
    %multiple_of3A_153 = tpu.assume_multiple %mul3A_152, 128 : i32
    %shift_right_arithmetic3A_154 = arith.constant 7 : i32
    %shift_right_arithmetic3A_155 = arith.shrsi %squeeze3A_148, %shift_right_arithmetic3A_154 : i32
    %mul3A_156 = arith.constant 128 : i32
    %mul3A_157 = arith.muli %shift_right_arithmetic3A_155, %mul3A_156 : i32
    %multiple_of3A_158 = tpu.assume_multiple %mul3A_157, 128 : i32
    %dma_start3A_159 = arith.constant 3 : i32
    %dma_start3A_160 = arith.constant 3 : i32
    %dma_start3A_161 = arith.constant 0 : i32
    %dma_start3A_162 = arith.constant 0 : i32
    %dma_start3A_163 = tpu.memref_slice %arg11[%dma_start3A_159, %dma_start3A_161, %dma_start3A_162] : memref<8x32x128xf32, #tpu.memory_space<vmem>> -> memref<1x32x128xf32, #tpu.memory_space<vmem>>
    %dma_start3A_164 = tpu.memref_squeeze %dma_start3A_163 : memref<1x32x128xf32, #tpu.memory_space<vmem>> -> memref<32x128xf32, #tpu.memory_space<vmem>>
    %dma_start3A_165 = arith.constant 0 : i32
    %dma_start3A_166 = tpu.memref_slice %arg4[%dma_start3A_165, %multiple_of3A_153] : memref<32x1000000xf32, #tpu.memory_space<hbm>> -> memref<32x128xf32, #tpu.memory_space<hbm>>
    %dma_start3A_167 = tpu.memref_slice %arg16[%dma_start3A_160] : memref<8x!tpu.dma_semaphore, #tpu.memory_space<semaphore_mem>> -> memref<1x!tpu.dma_semaphore, #tpu.memory_space<semaphore_mem>>
    %dma_start3A_168 = tpu.memref_squeeze %dma_start3A_167 : memref<1x!tpu.dma_semaphore, #tpu.memory_space<semaphore_mem>> -> memref<!tpu.dma_semaphore, #tpu.memory_space<semaphore_mem>>
    %dma_start3A_169 = arith.constant 0 : i32
    %dma_start3A_170 = arith.constant 0 : i32
    %dma_start3A_171 = tpu.memref_slice %arg11[%dma_start3A_159, %dma_start3A_169, %dma_start3A_170] : memref<8x32x128xf32, #tpu.memory_space<vmem>> -> memref<1x32x128xf32, #tpu.memory_space<vmem>>
    %dma_start3A_172 = tpu.memref_squeeze %dma_start3A_171 : memref<1x32x128xf32, #tpu.memory_space<vmem>> -> memref<32x128xf32, #tpu.memory_space<vmem>>
    %dma_start3A_173 = arith.constant 0 : i32
    %dma_start3A_174 = tpu.memref_slice %arg4[%dma_start3A_173, %multiple_of3A_153] : memref<32x1000000xf32, #tpu.memory_space<hbm>> -> memref<32x128xf32, #tpu.memory_space<hbm>>
    tpu.enqueue_dma source(%dma_start3A_174 : memref<32x128xf32, #tpu.memory_space<hbm>>) target(%dma_start3A_172 : memref<32x128xf32, #tpu.memory_space<vmem>>) target_semaphore(%dma_start3A_168 : memref<!tpu.dma_semaphore, #tpu.memory_space<semaphore_mem>>)
    %dma_start3A_175 = arith.constant 3 : i32
    %dma_start3A_176 = arith.constant 3 : i32
    %dma_start3A_177 = arith.constant 0 : i32
    %dma_start3A_178 = arith.constant 0 : i32
    %dma_start3A_179 = tpu.memref_slice %arg12[%dma_start3A_175, %dma_start3A_177, %dma_start3A_178] : memref<8x32x128xf32, #tpu.memory_space<vmem>> -> memref<1x32x128xf32, #tpu.memory_space<vmem>>
    %dma_start3A_180 = tpu.memref_squeeze %dma_start3A_179 : memref<1x32x128xf32, #tpu.memory_space<vmem>> -> memref<32x128xf32, #tpu.memory_space<vmem>>
    %dma_start3A_181 = arith.constant 0 : i32
    %dma_start3A_182 = tpu.memref_slice %arg5[%dma_start3A_181, %multiple_of3A_158] : memref<32x1000000xf32, #tpu.memory_space<hbm>> -> memref<32x128xf32, #tpu.memory_space<hbm>>
    %dma_start3A_183 = tpu.memref_slice %arg17[%dma_start3A_176] : memref<8x!tpu.dma_semaphore, #tpu.memory_space<semaphore_mem>> -> memref<1x!tpu.dma_semaphore, #tpu.memory_space<semaphore_mem>>
    %dma_start3A_184 = tpu.memref_squeeze %dma_start3A_183 : memref<1x!tpu.dma_semaphore, #tpu.memory_space<semaphore_mem>> -> memref<!tpu.dma_semaphore, #tpu.memory_space<semaphore_mem>>
    %dma_start3A_185 = arith.constant 0 : i32
    %dma_start3A_186 = arith.constant 0 : i32
    %dma_start3A_187 = tpu.memref_slice %arg12[%dma_start3A_175, %dma_start3A_185, %dma_start3A_186] : memref<8x32x128xf32, #tpu.memory_space<vmem>> -> memref<1x32x128xf32, #tpu.memory_space<vmem>>
    %dma_start3A_188 = tpu.memref_squeeze %dma_start3A_187 : memref<1x32x128xf32, #tpu.memory_space<vmem>> -> memref<32x128xf32, #tpu.memory_space<vmem>>
    %dma_start3A_189 = arith.constant 0 : i32
    %dma_start3A_190 = tpu.memref_slice %arg5[%dma_start3A_189, %multiple_of3A_158] : memref<32x1000000xf32, #tpu.memory_space<hbm>> -> memref<32x128xf32, #tpu.memory_space<hbm>>
    tpu.enqueue_dma source(%dma_start3A_190 : memref<32x128xf32, #tpu.memory_space<hbm>>) target(%dma_start3A_188 : memref<32x128xf32, #tpu.memory_space<vmem>>) target_semaphore(%dma_start3A_184 : memref<!tpu.dma_semaphore, #tpu.memory_space<semaphore_mem>>)
    %slice3A_191 = vector.extract_strided_slice %get3A_9 {offsets = [4], sizes = [1], strides = [1]} : vector<16xi32> to vector<1xi32>
    %squeeze3A_192 = vector.extract %slice3A_191[0] : i32 from vector<1xi32>
    %slice3A_193 = vector.extract_strided_slice %get3A_11 {offsets = [4], sizes = [1], strides = [1]} : vector<16xi32> to vector<1xi32>
    %squeeze3A_194 = vector.extract %slice3A_193[0] : i32 from vector<1xi32>
    %shift_right_arithmetic3A_195 = arith.constant 7 : i32
    %shift_right_arithmetic3A_196 = arith.shrsi %squeeze3A_192, %shift_right_arithmetic3A_195 : i32
    %mul3A_197 = arith.constant 128 : i32
    %mul3A_198 = arith.muli %shift_right_arithmetic3A_196, %mul3A_197 : i32
    %multiple_of3A_199 = tpu.assume_multiple %mul3A_198, 128 : i32
    %shift_right_arithmetic3A_200 = arith.constant 7 : i32
    %shift_right_arithmetic3A_201 = arith.shrsi %squeeze3A_194, %shift_right_arithmetic3A_200 : i32
    %mul3A_202 = arith.constant 128 : i32
    %mul3A_203 = arith.muli %shift_right_arithmetic3A_201, %mul3A_202 : i32
    %multiple_of3A_204 = tpu.assume_multiple %mul3A_203, 128 : i32
    %dma_start3A_205 = arith.constant 4 : i32
    %dma_start3A_206 = arith.constant 4 : i32
    %dma_start3A_207 = arith.constant 0 : i32
    %dma_start3A_208 = arith.constant 0 : i32
    %dma_start3A_209 = tpu.memref_slice %arg11[%dma_start3A_205, %dma_start3A_207, %dma_start3A_208] : memref<8x32x128xf32, #tpu.memory_space<vmem>> -> memref<1x32x128xf32, #tpu.memory_space<vmem>>
    %dma_start3A_210 = tpu.memref_squeeze %dma_start3A_209 : memref<1x32x128xf32, #tpu.memory_space<vmem>> -> memref<32x128xf32, #tpu.memory_space<vmem>>
    %dma_start3A_211 = arith.constant 0 : i32
    %dma_start3A_212 = tpu.memref_slice %arg4[%dma_start3A_211, %multiple_of3A_199] : memref<32x1000000xf32, #tpu.memory_space<hbm>> -> memref<32x128xf32, #tpu.memory_space<hbm>>
    %dma_start3A_213 = tpu.memref_slice %arg16[%dma_start3A_206] : memref<8x!tpu.dma_semaphore, #tpu.memory_space<semaphore_mem>> -> memref<1x!tpu.dma_semaphore, #tpu.memory_space<semaphore_mem>>
    %dma_start3A_214 = tpu.memref_squeeze %dma_start3A_213 : memref<1x!tpu.dma_semaphore, #tpu.memory_space<semaphore_mem>> -> memref<!tpu.dma_semaphore, #tpu.memory_space<semaphore_mem>>
    %dma_start3A_215 = arith.constant 0 : i32
    %dma_start3A_216 = arith.constant 0 : i32
    %dma_start3A_217 = tpu.memref_slice %arg11[%dma_start3A_205, %dma_start3A_215, %dma_start3A_216] : memref<8x32x128xf32, #tpu.memory_space<vmem>> -> memref<1x32x128xf32, #tpu.memory_space<vmem>>
    %dma_start3A_218 = tpu.memref_squeeze %dma_start3A_217 : memref<1x32x128xf32, #tpu.memory_space<vmem>> -> memref<32x128xf32, #tpu.memory_space<vmem>>
    %dma_start3A_219 = arith.constant 0 : i32
    %dma_start3A_220 = tpu.memref_slice %arg4[%dma_start3A_219, %multiple_of3A_199] : memref<32x1000000xf32, #tpu.memory_space<hbm>> -> memref<32x128xf32, #tpu.memory_space<hbm>>
    tpu.enqueue_dma source(%dma_start3A_220 : memref<32x128xf32, #tpu.memory_space<hbm>>) target(%dma_start3A_218 : memref<32x128xf32, #tpu.memory_space<vmem>>) target_semaphore(%dma_start3A_214 : memref<!tpu.dma_semaphore, #tpu.memory_space<semaphore_mem>>)
    %dma_start3A_221 = arith.constant 4 : i32
    %dma_start3A_222 = arith.constant 4 : i32
    %dma_start3A_223 = arith.constant 0 : i32
    %dma_start3A_224 = arith.constant 0 : i32
    %dma_start3A_225 = tpu.memref_slice %arg12[%dma_start3A_221, %dma_start3A_223, %dma_start3A_224] : memref<8x32x128xf32, #tpu.memory_space<vmem>> -> memref<1x32x128xf32, #tpu.memory_space<vmem>>
    %dma_start3A_226 = tpu.memref_squeeze %dma_start3A_225 : memref<1x32x128xf32, #tpu.memory_space<vmem>> -> memref<32x128xf32, #tpu.memory_space<vmem>>
    %dma_start3A_227 = arith.constant 0 : i32
    %dma_start3A_228 = tpu.memref_slice %arg5[%dma_start3A_227, %multiple_of3A_204] : memref<32x1000000xf32, #tpu.memory_space<hbm>> -> memref<32x128xf32, #tpu.memory_space<hbm>>
    %dma_start3A_229 = tpu.memref_slice %arg17[%dma_start3A_222] : memref<8x!tpu.dma_semaphore, #tpu.memory_space<semaphore_mem>> -> memref<1x!tpu.dma_semaphore, #tpu.memory_space<semaphore_mem>>
    %dma_start3A_230 = tpu.memref_squeeze %dma_start3A_229 : memref<1x!tpu.dma_semaphore, #tpu.memory_space<semaphore_mem>> -> memref<!tpu.dma_semaphore, #tpu.memory_space<semaphore_mem>>
    %dma_start3A_231 = arith.constant 0 : i32
    %dma_start3A_232 = arith.constant 0 : i32
    %dma_start3A_233 = tpu.memref_slice %arg12[%dma_start3A_221, %dma_start3A_231, %dma_start3A_232] : memref<8x32x128xf32, #tpu.memory_space<vmem>> -> memref<1x32x128xf32, #tpu.memory_space<vmem>>
    %dma_start3A_234 = tpu.memref_squeeze %dma_start3A_233 : memref<1x32x128xf32, #tpu.memory_space<vmem>> -> memref<32x128xf32, #tpu.memory_space<vmem>>
    %dma_start3A_235 = arith.constant 0 : i32
    %dma_start3A_236 = tpu.memref_slice %arg5[%dma_start3A_235, %multiple_of3A_204] : memref<32x1000000xf32, #tpu.memory_space<hbm>> -> memref<32x128xf32, #tpu.memory_space<hbm>>
    tpu.enqueue_dma source(%dma_start3A_236 : memref<32x128xf32, #tpu.memory_space<hbm>>) target(%dma_start3A_234 : memref<32x128xf32, #tpu.memory_space<vmem>>) target_semaphore(%dma_start3A_230 : memref<!tpu.dma_semaphore, #tpu.memory_space<semaphore_mem>>)
    %slice3A_237 = vector.extract_strided_slice %get3A_9 {offsets = [5], sizes = [1], strides = [1]} : vector<16xi32> to vector<1xi32>
    %squeeze3A_238 = vector.extract %slice3A_237[0] : i32 from vector<1xi32>
    %slice3A_239 = vector.extract_strided_slice %get3A_11 {offsets = [5], sizes = [1], strides = [1]} : vector<16xi32> to vector<1xi32>
    %squeeze3A_240 = vector.extract %slice3A_239[0] : i32 from vector<1xi32>
    %shift_right_arithmetic3A_241 = arith.constant 7 : i32
    %shift_right_arithmetic3A_242 = arith.shrsi %squeeze3A_238, %shift_right_arithmetic3A_241 : i32
    %mul3A_243 = arith.constant 128 : i32
    %mul3A_244 = arith.muli %shift_right_arithmetic3A_242, %mul3A_243 : i32
    %multiple_of3A_245 = tpu.assume_multiple %mul3A_244, 128 : i32
    %shift_right_arithmetic3A_246 = arith.constant 7 : i32
    %shift_right_arithmetic3A_247 = arith.shrsi %squeeze3A_240, %shift_right_arithmetic3A_246 : i32
    %mul3A_248 = arith.constant 128 : i32
    %mul3A_249 = arith.muli %shift_right_arithmetic3A_247, %mul3A_248 : i32
    %multiple_of3A_250 = tpu.assume_multiple %mul3A_249, 128 : i32
    %dma_start3A_251 = arith.constant 5 : i32
    %dma_start3A_252 = arith.constant 5 : i32
    %dma_start3A_253 = arith.constant 0 : i32
    %dma_start3A_254 = arith.constant 0 : i32
    %dma_start3A_255 = tpu.memref_slice %arg11[%dma_start3A_251, %dma_start3A_253, %dma_start3A_254] : memref<8x32x128xf32, #tpu.memory_space<vmem>> -> memref<1x32x128xf32, #tpu.memory_space<vmem>>
    %dma_start3A_256 = tpu.memref_squeeze %dma_start3A_255 : memref<1x32x128xf32, #tpu.memory_space<vmem>> -> memref<32x128xf32, #tpu.memory_space<vmem>>
    %dma_start3A_257 = arith.constant 0 : i32
    %dma_start3A_258 = tpu.memref_slice %arg4[%dma_start3A_257, %multiple_of3A_245] : memref<32x1000000xf32, #tpu.memory_space<hbm>> -> memref<32x128xf32, #tpu.memory_space<hbm>>
    %dma_start3A_259 = tpu.memref_slice %arg16[%dma_start3A_252] : memref<8x!tpu.dma_semaphore, #tpu.memory_space<semaphore_mem>> -> memref<1x!tpu.dma_semaphore, #tpu.memory_space<semaphore_mem>>
    %dma_start3A_260 = tpu.memref_squeeze %dma_start3A_259 : memref<1x!tpu.dma_semaphore, #tpu.memory_space<semaphore_mem>> -> memref<!tpu.dma_semaphore, #tpu.memory_space<semaphore_mem>>
    %dma_start3A_261 = arith.constant 0 : i32
    %dma_start3A_262 = arith.constant 0 : i32
    %dma_start3A_263 = tpu.memref_slice %arg11[%dma_start3A_251, %dma_start3A_261, %dma_start3A_262] : memref<8x32x128xf32, #tpu.memory_space<vmem>> -> memref<1x32x128xf32, #tpu.memory_space<vmem>>
    %dma_start3A_264 = tpu.memref_squeeze %dma_start3A_263 : memref<1x32x128xf32, #tpu.memory_space<vmem>> -> memref<32x128xf32, #tpu.memory_space<vmem>>
    %dma_start3A_265 = arith.constant 0 : i32
    %dma_start3A_266 = tpu.memref_slice %arg4[%dma_start3A_265, %multiple_of3A_245] : memref<32x1000000xf32, #tpu.memory_space<hbm>> -> memref<32x128xf32, #tpu.memory_space<hbm>>
    tpu.enqueue_dma source(%dma_start3A_266 : memref<32x128xf32, #tpu.memory_space<hbm>>) target(%dma_start3A_264 : memref<32x128xf32, #tpu.memory_space<vmem>>) target_semaphore(%dma_start3A_260 : memref<!tpu.dma_semaphore, #tpu.memory_space<semaphore_mem>>)
    %dma_start3A_267 = arith.constant 5 : i32
    %dma_start3A_268 = arith.constant 5 : i32
    %dma_start3A_269 = arith.constant 0 : i32
    %dma_start3A_270 = arith.constant 0 : i32
    %dma_start3A_271 = tpu.memref_slice %arg12[%dma_start3A_267, %dma_start3A_269, %dma_start3A_270] : memref<8x32x128xf32, #tpu.memory_space<vmem>> -> memref<1x32x128xf32, #tpu.memory_space<vmem>>
    %dma_start3A_272 = tpu.memref_squeeze %dma_start3A_271 : memref<1x32x128xf32, #tpu.memory_space<vmem>> -> memref<32x128xf32, #tpu.memory_space<vmem>>
    %dma_start3A_273 = arith.constant 0 : i32
    %dma_start3A_274 = tpu.memref_slice %arg5[%dma_start3A_273, %multiple_of3A_250] : memref<32x1000000xf32, #tpu.memory_space<hbm>> -> memref<32x128xf32, #tpu.memory_space<hbm>>
    %dma_start3A_275 = tpu.memref_slice %arg17[%dma_start3A_268] : memref<8x!tpu.dma_semaphore, #tpu.memory_space<semaphore_mem>> -> memref<1x!tpu.dma_semaphore, #tpu.memory_space<semaphore_mem>>
    %dma_start3A_276 = tpu.memref_squeeze %dma_start3A_275 : memref<1x!tpu.dma_semaphore, #tpu.memory_space<semaphore_mem>> -> memref<!tpu.dma_semaphore, #tpu.memory_space<semaphore_mem>>
    %dma_start3A_277 = arith.constant 0 : i32
    %dma_start3A_278 = arith.constant 0 : i32
    %dma_start3A_279 = tpu.memref_slice %arg12[%dma_start3A_267, %dma_start3A_277, %dma_start3A_278] : memref<8x32x128xf32, #tpu.memory_space<vmem>> -> memref<1x32x128xf32, #tpu.memory_space<vmem>>
    %dma_start3A_280 = tpu.memref_squeeze %dma_start3A_279 : memref<1x32x128xf32, #tpu.memory_space<vmem>> -> memref<32x128xf32, #tpu.memory_space<vmem>>
    %dma_start3A_281 = arith.constant 0 : i32
    %dma_start3A_282 = tpu.memref_slice %arg5[%dma_start3A_281, %multiple_of3A_250] : memref<32x1000000xf32, #tpu.memory_space<hbm>> -> memref<32x128xf32, #tpu.memory_space<hbm>>
    tpu.enqueue_dma source(%dma_start3A_282 : memref<32x128xf32, #tpu.memory_space<hbm>>) target(%dma_start3A_280 : memref<32x128xf32, #tpu.memory_space<vmem>>) target_semaphore(%dma_start3A_276 : memref<!tpu.dma_semaphore, #tpu.memory_space<semaphore_mem>>)
    %slice3A_283 = vector.extract_strided_slice %get3A_9 {offsets = [6], sizes = [1], strides = [1]} : vector<16xi32> to vector<1xi32>
    %squeeze3A_284 = vector.extract %slice3A_283[0] : i32 from vector<1xi32>
    %slice3A_285 = vector.extract_strided_slice %get3A_11 {offsets = [6], sizes = [1], strides = [1]} : vector<16xi32> to vector<1xi32>
    %squeeze3A_286 = vector.extract %slice3A_285[0] : i32 from vector<1xi32>
    %shift_right_arithmetic3A_287 = arith.constant 7 : i32
    %shift_right_arithmetic3A_288 = arith.shrsi %squeeze3A_284, %shift_right_arithmetic3A_287 : i32
    %mul3A_289 = arith.constant 128 : i32
    %mul3A_290 = arith.muli %shift_right_arithmetic3A_288, %mul3A_289 : i32
    %multiple_of3A_291 = tpu.assume_multiple %mul3A_290, 128 : i32
    %shift_right_arithmetic3A_292 = arith.constant 7 : i32
    %shift_right_arithmetic3A_293 = arith.shrsi %squeeze3A_286, %shift_right_arithmetic3A_292 : i32
    %mul3A_294 = arith.constant 128 : i32
    %mul3A_295 = arith.muli %shift_right_arithmetic3A_293, %mul3A_294 : i32
    %multiple_of3A_296 = tpu.assume_multiple %mul3A_295, 128 : i32
    %dma_start3A_297 = arith.constant 6 : i32
    %dma_start3A_298 = arith.constant 6 : i32
    %dma_start3A_299 = arith.constant 0 : i32
    %dma_start3A_300 = arith.constant 0 : i32
    %dma_start3A_301 = tpu.memref_slice %arg11[%dma_start3A_297, %dma_start3A_299, %dma_start3A_300] : memref<8x32x128xf32, #tpu.memory_space<vmem>> -> memref<1x32x128xf32, #tpu.memory_space<vmem>>
    %dma_start3A_302 = tpu.memref_squeeze %dma_start3A_301 : memref<1x32x128xf32, #tpu.memory_space<vmem>> -> memref<32x128xf32, #tpu.memory_space<vmem>>
    %dma_start3A_303 = arith.constant 0 : i32
    %dma_start3A_304 = tpu.memref_slice %arg4[%dma_start3A_303, %multiple_of3A_291] : memref<32x1000000xf32, #tpu.memory_space<hbm>> -> memref<32x128xf32, #tpu.memory_space<hbm>>
    %dma_start3A_305 = tpu.memref_slice %arg16[%dma_start3A_298] : memref<8x!tpu.dma_semaphore, #tpu.memory_space<semaphore_mem>> -> memref<1x!tpu.dma_semaphore, #tpu.memory_space<semaphore_mem>>
    %dma_start3A_306 = tpu.memref_squeeze %dma_start3A_305 : memref<1x!tpu.dma_semaphore, #tpu.memory_space<semaphore_mem>> -> memref<!tpu.dma_semaphore, #tpu.memory_space<semaphore_mem>>
    %dma_start3A_307 = arith.constant 0 : i32
    %dma_start3A_308 = arith.constant 0 : i32
    %dma_start3A_309 = tpu.memref_slice %arg11[%dma_start3A_297, %dma_start3A_307, %dma_start3A_308] : memref<8x32x128xf32, #tpu.memory_space<vmem>> -> memref<1x32x128xf32, #tpu.memory_space<vmem>>
    %dma_start3A_310 = tpu.memref_squeeze %dma_start3A_309 : memref<1x32x128xf32, #tpu.memory_space<vmem>> -> memref<32x128xf32, #tpu.memory_space<vmem>>
    %dma_start3A_311 = arith.constant 0 : i32
    %dma_start3A_312 = tpu.memref_slice %arg4[%dma_start3A_311, %multiple_of3A_291] : memref<32x1000000xf32, #tpu.memory_space<hbm>> -> memref<32x128xf32, #tpu.memory_space<hbm>>
    tpu.enqueue_dma source(%dma_start3A_312 : memref<32x128xf32, #tpu.memory_space<hbm>>) target(%dma_start3A_310 : memref<32x128xf32, #tpu.memory_space<vmem>>) target_semaphore(%dma_start3A_306 : memref<!tpu.dma_semaphore, #tpu.memory_space<semaphore_mem>>)
    %dma_start3A_313 = arith.constant 6 : i32
    %dma_start3A_314 = arith.constant 6 : i32
    %dma_start3A_315 = arith.constant 0 : i32
    %dma_start3A_316 = arith.constant 0 : i32
    %dma_start3A_317 = tpu.memref_slice %arg12[%dma_start3A_313, %dma_start3A_315, %dma_start3A_316] : memref<8x32x128xf32, #tpu.memory_space<vmem>> -> memref<1x32x128xf32, #tpu.memory_space<vmem>>
    %dma_start3A_318 = tpu.memref_squeeze %dma_start3A_317 : memref<1x32x128xf32, #tpu.memory_space<vmem>> -> memref<32x128xf32, #tpu.memory_space<vmem>>
    %dma_start3A_319 = arith.constant 0 : i32
    %dma_start3A_320 = tpu.memref_slice %arg5[%dma_start3A_319, %multiple_of3A_296] : memref<32x1000000xf32, #tpu.memory_space<hbm>> -> memref<32x128xf32, #tpu.memory_space<hbm>>
    %dma_start3A_321 = tpu.memref_slice %arg17[%dma_start3A_314] : memref<8x!tpu.dma_semaphore, #tpu.memory_space<semaphore_mem>> -> memref<1x!tpu.dma_semaphore, #tpu.memory_space<semaphore_mem>>
    %dma_start3A_322 = tpu.memref_squeeze %dma_start3A_321 : memref<1x!tpu.dma_semaphore, #tpu.memory_space<semaphore_mem>> -> memref<!tpu.dma_semaphore, #tpu.memory_space<semaphore_mem>>
    %dma_start3A_323 = arith.constant 0 : i32
    %dma_start3A_324 = arith.constant 0 : i32
    %dma_start3A_325 = tpu.memref_slice %arg12[%dma_start3A_313, %dma_start3A_323, %dma_start3A_324] : memref<8x32x128xf32, #tpu.memory_space<vmem>> -> memref<1x32x128xf32, #tpu.memory_space<vmem>>
    %dma_start3A_326 = tpu.memref_squeeze %dma_start3A_325 : memref<1x32x128xf32, #tpu.memory_space<vmem>> -> memref<32x128xf32, #tpu.memory_space<vmem>>
    %dma_start3A_327 = arith.constant 0 : i32
    %dma_start3A_328 = tpu.memref_slice %arg5[%dma_start3A_327, %multiple_of3A_296] : memref<32x1000000xf32, #tpu.memory_space<hbm>> -> memref<32x128xf32, #tpu.memory_space<hbm>>
    tpu.enqueue_dma source(%dma_start3A_328 : memref<32x128xf32, #tpu.memory_space<hbm>>) target(%dma_start3A_326 : memref<32x128xf32, #tpu.memory_space<vmem>>) target_semaphore(%dma_start3A_322 : memref<!tpu.dma_semaphore, #tpu.memory_space<semaphore_mem>>)
    %slice3A_329 = vector.extract_strided_slice %get3A_9 {offsets = [7], sizes = [1], strides = [1]} : vector<16xi32> to vector<1xi32>
    %squeeze3A_330 = vector.extract %slice3A_329[0] : i32 from vector<1xi32>
    %slice3A_331 = vector.extract_strided_slice %get3A_11 {offsets = [7], sizes = [1], strides = [1]} : vector<16xi32> to vector<1xi32>
    %squeeze3A_332 = vector.extract %slice3A_331[0] : i32 from vector<1xi32>
    %shift_right_arithmetic3A_333 = arith.constant 7 : i32
    %shift_right_arithmetic3A_334 = arith.shrsi %squeeze3A_330, %shift_right_arithmetic3A_333 : i32
    %mul3A_335 = arith.constant 128 : i32
    %mul3A_336 = arith.muli %shift_right_arithmetic3A_334, %mul3A_335 : i32
    %multiple_of3A_337 = tpu.assume_multiple %mul3A_336, 128 : i32
    %shift_right_arithmetic3A_338 = arith.constant 7 : i32
    %shift_right_arithmetic3A_339 = arith.shrsi %squeeze3A_332, %shift_right_arithmetic3A_338 : i32
    %mul3A_340 = arith.constant 128 : i32
    %mul3A_341 = arith.muli %shift_right_arithmetic3A_339, %mul3A_340 : i32
    %multiple_of3A_342 = tpu.assume_multiple %mul3A_341, 128 : i32
    %dma_start3A_343 = arith.constant 7 : i32
    %dma_start3A_344 = arith.constant 7 : i32
    %dma_start3A_345 = arith.constant 0 : i32
    %dma_start3A_346 = arith.constant 0 : i32
    %dma_start3A_347 = tpu.memref_slice %arg11[%dma_start3A_343, %dma_start3A_345, %dma_start3A_346] : memref<8x32x128xf32, #tpu.memory_space<vmem>> -> memref<1x32x128xf32, #tpu.memory_space<vmem>>
    %dma_start3A_348 = tpu.memref_squeeze %dma_start3A_347 : memref<1x32x128xf32, #tpu.memory_space<vmem>> -> memref<32x128xf32, #tpu.memory_space<vmem>>
    %dma_start3A_349 = arith.constant 0 : i32
    %dma_start3A_350 = tpu.memref_slice %arg4[%dma_start3A_349, %multiple_of3A_337] : memref<32x1000000xf32, #tpu.memory_space<hbm>> -> memref<32x128xf32, #tpu.memory_space<hbm>>
    %dma_start3A_351 = tpu.memref_slice %arg16[%dma_start3A_344] : memref<8x!tpu.dma_semaphore, #tpu.memory_space<semaphore_mem>> -> memref<1x!tpu.dma_semaphore, #tpu.memory_space<semaphore_mem>>
    %dma_start3A_352 = tpu.memref_squeeze %dma_start3A_351 : memref<1x!tpu.dma_semaphore, #tpu.memory_space<semaphore_mem>> -> memref<!tpu.dma_semaphore, #tpu.memory_space<semaphore_mem>>
    %dma_start3A_353 = arith.constant 0 : i32
    %dma_start3A_354 = arith.constant 0 : i32
    %dma_start3A_355 = tpu.memref_slice %arg11[%dma_start3A_343, %dma_start3A_353, %dma_start3A_354] : memref<8x32x128xf32, #tpu.memory_space<vmem>> -> memref<1x32x128xf32, #tpu.memory_space<vmem>>
    %dma_start3A_356 = tpu.memref_squeeze %dma_start3A_355 : memref<1x32x128xf32, #tpu.memory_space<vmem>> -> memref<32x128xf32, #tpu.memory_space<vmem>>
    %dma_start3A_357 = arith.constant 0 : i32
    %dma_start3A_358 = tpu.memref_slice %arg4[%dma_start3A_357, %multiple_of3A_337] : memref<32x1000000xf32, #tpu.memory_space<hbm>> -> memref<32x128xf32, #tpu.memory_space<hbm>>
    tpu.enqueue_dma source(%dma_start3A_358 : memref<32x128xf32, #tpu.memory_space<hbm>>) target(%dma_start3A_356 : memref<32x128xf32, #tpu.memory_space<vmem>>) target_semaphore(%dma_start3A_352 : memref<!tpu.dma_semaphore, #tpu.memory_space<semaphore_mem>>)
    %dma_start3A_359 = arith.constant 7 : i32
    %dma_start3A_360 = arith.constant 7 : i32
    %dma_start3A_361 = arith.constant 0 : i32
    %dma_start3A_362 = arith.constant 0 : i32
    %dma_start3A_363 = tpu.memref_slice %arg12[%dma_start3A_359, %dma_start3A_361, %dma_start3A_362] : memref<8x32x128xf32, #tpu.memory_space<vmem>> -> memref<1x32x128xf32, #tpu.memory_space<vmem>>
    %dma_start3A_364 = tpu.memref_squeeze %dma_start3A_363 : memref<1x32x128xf32, #tpu.memory_space<vmem>> -> memref<32x128xf32, #tpu.memory_space<vmem>>
    %dma_start3A_365 = arith.constant 0 : i32
    %dma_start3A_366 = tpu.memref_slice %arg5[%dma_start3A_365, %multiple_of3A_342] : memref<32x1000000xf32, #tpu.memory_space<hbm>> -> memref<32x128xf32, #tpu.memory_space<hbm>>
    %dma_start3A_367 = tpu.memref_slice %arg17[%dma_start3A_360] : memref<8x!tpu.dma_semaphore, #tpu.memory_space<semaphore_mem>> -> memref<1x!tpu.dma_semaphore, #tpu.memory_space<semaphore_mem>>
    %dma_start3A_368 = tpu.memref_squeeze %dma_start3A_367 : memref<1x!tpu.dma_semaphore, #tpu.memory_space<semaphore_mem>> -> memref<!tpu.dma_semaphore, #tpu.memory_space<semaphore_mem>>
    %dma_start3A_369 = arith.constant 0 : i32
    %dma_start3A_370 = arith.constant 0 : i32
    %dma_start3A_371 = tpu.memref_slice %arg12[%dma_start3A_359, %dma_start3A_369, %dma_start3A_370] : memref<8x32x128xf32, #tpu.memory_space<vmem>> -> memref<1x32x128xf32, #tpu.memory_space<vmem>>
    %dma_start3A_372 = tpu.memref_squeeze %dma_start3A_371 : memref<1x32x128xf32, #tpu.memory_space<vmem>> -> memref<32x128xf32, #tpu.memory_space<vmem>>
    %dma_start3A_373 = arith.constant 0 : i32
    %dma_start3A_374 = tpu.memref_slice %arg5[%dma_start3A_373, %multiple_of3A_342] : memref<32x1000000xf32, #tpu.memory_space<hbm>> -> memref<32x128xf32, #tpu.memory_space<hbm>>
    tpu.enqueue_dma source(%dma_start3A_374 : memref<32x128xf32, #tpu.memory_space<hbm>>) target(%dma_start3A_372 : memref<32x128xf32, #tpu.memory_space<vmem>>) target_semaphore(%dma_start3A_368 : memref<!tpu.dma_semaphore, #tpu.memory_space<semaphore_mem>>)
    %scan3A = arith.constant 0 : i32
    %scan3A_375 = arith.constant 0 : i32
    %scan3A_376 = arith.constant 32 : i32
    %scan3A_377 = arith.addi %scan3A_375, %scan3A_376 : i32
    %scan3A_378 = arith.constant 1 : i32
    scf.for %scan3A_667 = %scan3A_375 to %scan3A_377 step %scan3A_378  : i32 {
      %mul3A_668 = arith.constant 16 : i32
      %mul3A_669 = arith.muli %scan3A_667, %mul3A_668 : i32
      %get3A_670 = arith.index_cast %mul3A_669 : i32 to index
      %get3A_671 = tpu.vector_load %arg9[%get3A_670] {strides = array<i32>} : memref<512xi32, #tpu.memory_space<vmem>>, vector<16xi32>,
      %mul3A_672 = arith.constant 16 : i32
      %mul3A_673 = arith.muli %scan3A_667, %mul3A_672 : i32
      %get3A_674 = arith.index_cast %mul3A_673 : i32 to index
      %get3A_675 = tpu.vector_load %arg10[%get3A_674] {strides = array<i32>} : memref<512xi32, #tpu.memory_space<vmem>>, vector<16xi32>,
      %mul3A_676 = arith.constant 16 : i32
      %mul3A_677 = arith.muli %scan3A_667, %mul3A_676 : i32
      %add3A_678 = arith.constant 16 : i32
      %add3A_679 = arith.addi %mul3A_677, %add3A_678 : i32
      %min3A = arith.constant 496 : i32
      %min3A_680 = arith.minsi %add3A_679, %min3A : i32
      %get3A_681 = arith.index_cast %min3A_680 : i32 to index
      %get3A_682 = tpu.vector_load %arg9[%get3A_681] {strides = array<i32>} : memref<512xi32, #tpu.memory_space<vmem>>, vector<16xi32>,
      %get3A_683 = arith.index_cast %min3A_680 : i32 to index
      %get3A_684 = tpu.vector_load %arg10[%get3A_683] {strides = array<i32>} : memref<512xi32, #tpu.memory_space<vmem>>, vector<16xi32>,
      %dma_wait3A_685 = arith.constant 0 : i32
      %dma_wait3A_686 = arith.constant 0 : i32
      %dma_wait3A_687 = arith.constant 0 : i32
      %dma_wait3A_688 = arith.constant 0 : i32
      %dma_wait3A_689 = tpu.memref_slice %arg11[%dma_wait3A_685, %dma_wait3A_687, %dma_wait3A_688] : memref<8x32x128xf32, #tpu.memory_space<vmem>> -> memref<1x32x128xf32, #tpu.memory_space<vmem>>
      %dma_wait3A_690 = tpu.memref_squeeze %dma_wait3A_689 : memref<1x32x128xf32, #tpu.memory_space<vmem>> -> memref<32x128xf32, #tpu.memory_space<vmem>>
      %dma_wait3A_691 = arith.constant 0 : i32
      %dma_wait3A_692 = arith.constant 0 : i32
      %dma_wait3A_693 = tpu.memref_slice %arg4[%dma_wait3A_691, %dma_wait3A_692] : memref<32x1000000xf32, #tpu.memory_space<hbm>> -> memref<32x128xf32, #tpu.memory_space<hbm>>
      %dma_wait3A_694 = tpu.memref_slice %arg16[%dma_wait3A_686] : memref<8x!tpu.dma_semaphore, #tpu.memory_space<semaphore_mem>> -> memref<1x!tpu.dma_semaphore, #tpu.memory_space<semaphore_mem>>
      %dma_wait3A_695 = tpu.memref_squeeze %dma_wait3A_694 : memref<1x!tpu.dma_semaphore, #tpu.memory_space<semaphore_mem>> -> memref<!tpu.dma_semaphore, #tpu.memory_space<semaphore_mem>>
      %dma_wait3A_696 = arith.constant 0 : i32
      %dma_wait3A_697 = arith.constant 0 : i32
      %dma_wait3A_698 = tpu.memref_slice %arg11[%dma_wait3A_685, %dma_wait3A_696, %dma_wait3A_697] : memref<8x32x128xf32, #tpu.memory_space<vmem>> -> memref<1x32x128xf32, #tpu.memory_space<vmem>>
      %dma_wait3A_699 = tpu.memref_squeeze %dma_wait3A_698 : memref<1x32x128xf32, #tpu.memory_space<vmem>> -> memref<32x128xf32, #tpu.memory_space<vmem>>
      %dma_wait3A_700 = arith.constant 0 : i32
      %dma_wait3A_701 = arith.constant 0 : i32
      %dma_wait3A_702 = tpu.memref_slice %arg4[%dma_wait3A_700, %dma_wait3A_701] : memref<32x1000000xf32, #tpu.memory_space<hbm>> -> memref<32x128xf32, #tpu.memory_space<hbm>>
      tpu.wait_dma2 semaphore(%dma_wait3A_695 : memref<!tpu.dma_semaphore, #tpu.memory_space<semaphore_mem>>) src(%dma_wait3A_702 : memref<32x128xf32, #tpu.memory_space<hbm>>) dst(%dma_wait3A_699 : memref<32x128xf32, #tpu.memory_space<vmem>>)
      %dma_wait3A_703 = arith.constant 0 : i32
      %dma_wait3A_704 = arith.constant 0 : i32
      %dma_wait3A_705 = arith.constant 0 : i32
      %dma_wait3A_706 = arith.constant 0 : i32
      %dma_wait3A_707 = tpu.memref_slice %arg12[%dma_wait3A_703, %dma_wait3A_705, %dma_wait3A_706] : memref<8x32x128xf32, #tpu.memory_space<vmem>> -> memref<1x32x128xf32, #tpu.memory_space<vmem>>
      %dma_wait3A_708 = tpu.memref_squeeze %dma_wait3A_707 : memref<1x32x128xf32, #tpu.memory_space<vmem>> -> memref<32x128xf32, #tpu.memory_space<vmem>>
      %dma_wait3A_709 = arith.constant 0 : i32
      %dma_wait3A_710 = arith.constant 0 : i32
      %dma_wait3A_711 = tpu.memref_slice %arg5[%dma_wait3A_709, %dma_wait3A_710] : memref<32x1000000xf32, #tpu.memory_space<hbm>> -> memref<32x128xf32, #tpu.memory_space<hbm>>
      %dma_wait3A_712 = tpu.memref_slice %arg17[%dma_wait3A_704] : memref<8x!tpu.dma_semaphore, #tpu.memory_space<semaphore_mem>> -> memref<1x!tpu.dma_semaphore, #tpu.memory_space<semaphore_mem>>
      %dma_wait3A_713 = tpu.memref_squeeze %dma_wait3A_712 : memref<1x!tpu.dma_semaphore, #tpu.memory_space<semaphore_mem>> -> memref<!tpu.dma_semaphore, #tpu.memory_space<semaphore_mem>>
      %dma_wait3A_714 = arith.constant 0 : i32
      %dma_wait3A_715 = arith.constant 0 : i32
      %dma_wait3A_716 = tpu.memref_slice %arg12[%dma_wait3A_703, %dma_wait3A_714, %dma_wait3A_715] : memref<8x32x128xf32, #tpu.memory_space<vmem>> -> memref<1x32x128xf32, #tpu.memory_space<vmem>>
      %dma_wait3A_717 = tpu.memref_squeeze %dma_wait3A_716 : memref<1x32x128xf32, #tpu.memory_space<vmem>> -> memref<32x128xf32, #tpu.memory_space<vmem>>
      %dma_wait3A_718 = arith.constant 0 : i32
      %dma_wait3A_719 = arith.constant 0 : i32
      %dma_wait3A_720 = tpu.memref_slice %arg5[%dma_wait3A_718, %dma_wait3A_719] : memref<32x1000000xf32, #tpu.memory_space<hbm>> -> memref<32x128xf32, #tpu.memory_space<hbm>>
      tpu.wait_dma2 semaphore(%dma_wait3A_713 : memref<!tpu.dma_semaphore, #tpu.memory_space<semaphore_mem>>) src(%dma_wait3A_720 : memref<32x128xf32, #tpu.memory_space<hbm>>) dst(%dma_wait3A_717 : memref<32x128xf32, #tpu.memory_space<vmem>>)
      %slice3A_721 = vector.extract_strided_slice %get3A_671 {offsets = [0], sizes = [1], strides = [1]} : vector<16xi32> to vector<1xi32>
      %squeeze3A_722 = vector.extract %slice3A_721[0] : i32 from vector<1xi32>
      %and3A = arith.constant 127 : i32
      %and3A_723 = arith.andi %squeeze3A_722, %and3A : i32
      %broadcast_in_dim3A = vector.broadcast %and3A_723 : i32 to vector<16xi32>
      %slice3A_724 = vector.extract_strided_slice %get3A_675 {offsets = [0], sizes = [1], strides = [1]} : vector<16xi32> to vector<1xi32>
      %squeeze3A_725 = vector.extract %slice3A_724[0] : i32 from vector<1xi32>
      %and3A_726 = arith.constant 127 : i32
      %and3A_727 = arith.andi %squeeze3A_725, %and3A_726 : i32
      %broadcast_in_dim3A_728 = vector.broadcast %and3A_727 : i32 to vector<16xi32>
      %gather3A = arith.constant 0 : i32
      %gather3A_729 = arith.constant 0 : i32
      %gather3A_730 = arith.constant 0 : i32
      %gather3A_731 = tpu.memref_slice %arg11[%gather3A, %gather3A_729, %gather3A_730] : memref<8x32x128xf32, #tpu.memory_space<vmem>> -> memref<1x32x128xf32, #tpu.memory_space<vmem>>
      %gather3A_732 = tpu.memref_squeeze %gather3A_731 : memref<1x32x128xf32, #tpu.memory_space<vmem>> -> memref<32x128xf32, #tpu.memory_space<vmem>>
      %gather3A_733 = tpu.vector_load_idx %gather3A_732[%iota3A, %broadcast_in_dim3A] : memref<32x128xf32, #tpu.memory_space<vmem>>[vector<16xi32>, vector<16xi32>], vector<16xf32>,
      %add3A_734 = arith.constant 16 : i32
      %add3A_735 = vector.broadcast %add3A_734 : i32 to vector<16xi32>
      %add3A_736 = arith.addi %iota3A, %add3A_735 : vector<16xi32>
      %gather3A_737 = arith.constant 0 : i32
      %gather3A_738 = arith.constant 0 : i32
      %gather3A_739 = arith.constant 0 : i32
      %gather3A_740 = tpu.memref_slice %arg11[%gather3A_737, %gather3A_738, %gather3A_739] : memref<8x32x128xf32, #tpu.memory_space<vmem>> -> memref<1x32x128xf32, #tpu.memory_space<vmem>>
      %gather3A_741 = tpu.memref_squeeze %gather3A_740 : memref<1x32x128xf32, #tpu.memory_space<vmem>> -> memref<32x128xf32, #tpu.memory_space<vmem>>
      %gather3A_742 = tpu.vector_load_idx %gather3A_741[%add3A_736, %broadcast_in_dim3A] : memref<32x128xf32, #tpu.memory_space<vmem>>[vector<16xi32>, vector<16xi32>], vector<16xf32>,
      %gather3A_743 = arith.constant 0 : i32
      %gather3A_744 = arith.constant 0 : i32
      %gather3A_745 = arith.constant 0 : i32
      %gather3A_746 = tpu.memref_slice %arg12[%gather3A_743, %gather3A_744, %gather3A_745] : memref<8x32x128xf32, #tpu.memory_space<vmem>> -> memref<1x32x128xf32, #tpu.memory_space<vmem>>
      %gather3A_747 = tpu.memref_squeeze %gather3A_746 : memref<1x32x128xf32, #tpu.memory_space<vmem>> -> memref<32x128xf32, #tpu.memory_space<vmem>>
      %gather3A_748 = tpu.vector_load_idx %gather3A_747[%iota3A, %broadcast_in_dim3A_728] : memref<32x128xf32, #tpu.memory_space<vmem>>[vector<16xi32>, vector<16xi32>], vector<16xf32>,
      %add3A_749 = arith.constant 16 : i32
      %add3A_750 = vector.broadcast %add3A_749 : i32 to vector<16xi32>
      %add3A_751 = arith.addi %iota3A, %add3A_750 : vector<16xi32>
      %gather3A_752 = arith.constant 0 : i32
      %gather3A_753 = arith.constant 0 : i32
      %gather3A_754 = arith.constant 0 : i32
      %gather3A_755 = tpu.memref_slice %arg12[%gather3A_752, %gather3A_753, %gather3A_754] : memref<8x32x128xf32, #tpu.memory_space<vmem>> -> memref<1x32x128xf32, #tpu.memory_space<vmem>>
      %gather3A_756 = tpu.memref_squeeze %gather3A_755 : memref<1x32x128xf32, #tpu.memory_space<vmem>> -> memref<32x128xf32, #tpu.memory_space<vmem>>
      %gather3A_757 = tpu.vector_load_idx %gather3A_756[%add3A_751, %broadcast_in_dim3A_728] : memref<32x128xf32, #tpu.memory_space<vmem>>[vector<16xi32>, vector<16xi32>], vector<16xf32>,
      %mul3A_758 = arith.mulf %gather3A_733, %gather3A_748 : vector<16xf32>
      %mul3A_759 = arith.mulf %mul3A_758, %get3A_3 : vector<16xf32>
      %mul3A_760 = arith.mulf %gather3A_742, %gather3A_757 : vector<16xf32>
      %mul3A_761 = arith.mulf %mul3A_760, %get3A_5 : vector<16xf32>
      %add3A_762 = arith.addf %mul3A_759, %mul3A_761 : vector<16xf32>
      %reduce_sum3A = arith.constant true
      %reduce_sum3A_763 = vector.broadcast %reduce_sum3A : i1 to vector<16xi1>
      %reduce_sum3A_764 = tpu.scan <sum>, %add3A_762 masked %reduce_sum3A_763 : vector<16xf32>, vector<16xi1> -> vector<16xf32>
      %reduce_sum3A_765 = vector.extract %reduce_sum3A_764[15] : f32 from vector<16xf32>
      %eq3A = arith.constant 0 : i32
      %eq3A_766 = vector.broadcast %eq3A : i32 to vector<16xi32>
      %eq3A_767 = arith.cmpi eq, %iota3A, %eq3A_766 : vector<16xi32>
      %jit3A = arith.constant 0.000000e+00 : f32
      %broadcast_in_dim3A_768 = vector.broadcast %reduce_sum3A_765 : f32 to vector<16xf32>
      %broadcast_in_dim3A_769 = vector.broadcast %jit3A : f32 to vector<16xf32>
      %select_n3A = arith.select %eq3A_767, %broadcast_in_dim3A_768, %broadcast_in_dim3A_769 : vector<16xi1>, vector<16xf32>
      %add3A_770 = arith.addf %get3A_7, %select_n3A : vector<16xf32>
      %slice3A_771 = vector.extract_strided_slice %get3A_671 {offsets = [8], sizes = [1], strides = [1]} : vector<16xi32> to vector<1xi32>
      %squeeze3A_772 = vector.extract %slice3A_771[0] : i32 from vector<1xi32>
      %slice3A_773 = vector.extract_strided_slice %get3A_675 {offsets = [8], sizes = [1], strides = [1]} : vector<16xi32> to vector<1xi32>
      %squeeze3A_774 = vector.extract %slice3A_773[0] : i32 from vector<1xi32>
      %shift_right_arithmetic3A_775 = arith.constant 7 : i32
      %shift_right_arithmetic3A_776 = arith.shrsi %squeeze3A_772, %shift_right_arithmetic3A_775 : i32
      %mul3A_777 = arith.constant 128 : i32
      %mul3A_778 = arith.muli %shift_right_arithmetic3A_776, %mul3A_777 : i32
      %multiple_of3A_779 = tpu.assume_multiple %mul3A_778, 128 : i32
      %shift_right_arithmetic3A_780 = arith.constant 7 : i32
      %shift_right_arithmetic3A_781 = arith.shrsi %squeeze3A_774, %shift_right_arithmetic3A_780 : i32
      %mul3A_782 = arith.constant 128 : i32
      %mul3A_783 = arith.muli %shift_right_arithmetic3A_781, %mul3A_782 : i32
      %multiple_of3A_784 = tpu.assume_multiple %mul3A_783, 128 : i32
      %dma_start3A_785 = arith.constant 0 : i32
      %dma_start3A_786 = arith.constant 0 : i32
      %dma_start3A_787 = arith.constant 0 : i32
      %dma_start3A_788 = arith.constant 0 : i32
      %dma_start3A_789 = tpu.memref_slice %arg11[%dma_start3A_785, %dma_start3A_787, %dma_start3A_788] : memref<8x32x128xf32, #tpu.memory_space<vmem>> -> memref<1x32x128xf32, #tpu.memory_space<vmem>>
      %dma_start3A_790 = tpu.memref_squeeze %dma_start3A_789 : memref<1x32x128xf32, #tpu.memory_space<vmem>> -> memref<32x128xf32, #tpu.memory_space<vmem>>
      %dma_start3A_791 = arith.constant 0 : i32
      %dma_start3A_792 = tpu.memref_slice %arg4[%dma_start3A_791, %multiple_of3A_779] : memref<32x1000000xf32, #tpu.memory_space<hbm>> -> memref<32x128xf32, #tpu.memory_space<hbm>>
      %dma_start3A_793 = tpu.memref_slice %arg16[%dma_start3A_786] : memref<8x!tpu.dma_semaphore, #tpu.memory_space<semaphore_mem>> -> memref<1x!tpu.dma_semaphore, #tpu.memory_space<semaphore_mem>>
      %dma_start3A_794 = tpu.memref_squeeze %dma_start3A_793 : memref<1x!tpu.dma_semaphore, #tpu.memory_space<semaphore_mem>> -> memref<!tpu.dma_semaphore, #tpu.memory_space<semaphore_mem>>
      %dma_start3A_795 = arith.constant 0 : i32
      %dma_start3A_796 = arith.constant 0 : i32
      %dma_start3A_797 = tpu.memref_slice %arg11[%dma_start3A_785, %dma_start3A_795, %dma_start3A_796] : memref<8x32x128xf32, #tpu.memory_space<vmem>> -> memref<1x32x128xf32, #tpu.memory_space<vmem>>
      %dma_start3A_798 = tpu.memref_squeeze %dma_start3A_797 : memref<1x32x128xf32, #tpu.memory_space<vmem>> -> memref<32x128xf32, #tpu.memory_space<vmem>>
      %dma_start3A_799 = arith.constant 0 : i32
      %dma_start3A_800 = tpu.memref_slice %arg4[%dma_start3A_799, %multiple_of3A_779] : memref<32x1000000xf32, #tpu.memory_space<hbm>> -> memref<32x128xf32, #tpu.memory_space<hbm>>
      tpu.enqueue_dma source(%dma_start3A_800 : memref<32x128xf32, #tpu.memory_space<hbm>>) target(%dma_start3A_798 : memref<32x128xf32, #tpu.memory_space<vmem>>) target_semaphore(%dma_start3A_794 : memref<!tpu.dma_semaphore, #tpu.memory_space<semaphore_mem>>)
      %dma_start3A_801 = arith.constant 0 : i32
      %dma_start3A_802 = arith.constant 0 : i32
      %dma_start3A_803 = arith.constant 0 : i32
      %dma_start3A_804 = arith.constant 0 : i32
      %dma_start3A_805 = tpu.memref_slice %arg12[%dma_start3A_801, %dma_start3A_803, %dma_start3A_804] : memref<8x32x128xf32, #tpu.memory_space<vmem>> -> memref<1x32x128xf32, #tpu.memory_space<vmem>>
      %dma_start3A_806 = tpu.memref_squeeze %dma_start3A_805 : memref<1x32x128xf32, #tpu.memory_space<vmem>> -> memref<32x128xf32, #tpu.memory_space<vmem>>
      %dma_start3A_807 = arith.constant 0 : i32
      %dma_start3A_808 = tpu.memref_slice %arg5[%dma_start3A_807, %multiple_of3A_784] : memref<32x1000000xf32, #tpu.memory_space<hbm>> -> memref<32x128xf32, #tpu.memory_space<hbm>>
      %dma_start3A_809 = tpu.memref_slice %arg17[%dma_start3A_802] : memref<8x!tpu.dma_semaphore, #tpu.memory_space<semaphore_mem>> -> memref<1x!tpu.dma_semaphore, #tpu.memory_space<semaphore_mem>>
      %dma_start3A_810 = tpu.memref_squeeze %dma_start3A_809 : memref<1x!tpu.dma_semaphore, #tpu.memory_space<semaphore_mem>> -> memref<!tpu.dma_semaphore, #tpu.memory_space<semaphore_mem>>
      %dma_start3A_811 = arith.constant 0 : i32
      %dma_start3A_812 = arith.constant 0 : i32
      %dma_start3A_813 = tpu.memref_slice %arg12[%dma_start3A_801, %dma_start3A_811, %dma_start3A_812] : memref<8x32x128xf32, #tpu.memory_space<vmem>> -> memref<1x32x128xf32, #tpu.memory_space<vmem>>
      %dma_start3A_814 = tpu.memref_squeeze %dma_start3A_813 : memref<1x32x128xf32, #tpu.memory_space<vmem>> -> memref<32x128xf32, #tpu.memory_space<vmem>>
      %dma_start3A_815 = arith.constant 0 : i32
      %dma_start3A_816 = tpu.memref_slice %arg5[%dma_start3A_815, %multiple_of3A_784] : memref<32x1000000xf32, #tpu.memory_space<hbm>> -> memref<32x128xf32, #tpu.memory_space<hbm>>
      tpu.enqueue_dma source(%dma_start3A_816 : memref<32x128xf32, #tpu.memory_space<hbm>>) target(%dma_start3A_814 : memref<32x128xf32, #tpu.memory_space<vmem>>) target_semaphore(%dma_start3A_810 : memref<!tpu.dma_semaphore, #tpu.memory_space<semaphore_mem>>)
      %dma_wait3A_817 = arith.constant 1 : i32
      %dma_wait3A_818 = arith.constant 1 : i32
      %dma_wait3A_819 = arith.constant 0 : i32
      %dma_wait3A_820 = arith.constant 0 : i32
      %dma_wait3A_821 = tpu.memref_slice %arg11[%dma_wait3A_817, %dma_wait3A_819, %dma_wait3A_820] : memref<8x32x128xf32, #tpu.memory_space<vmem>> -> memref<1x32x128xf32, #tpu.memory_space<vmem>>
      %dma_wait3A_822 = tpu.memref_squeeze %dma_wait3A_821 : memref<1x32x128xf32, #tpu.memory_space<vmem>> -> memref<32x128xf32, #tpu.memory_space<vmem>>
      %dma_wait3A_823 = arith.constant 0 : i32
      %dma_wait3A_824 = arith.constant 0 : i32
      %dma_wait3A_825 = tpu.memref_slice %arg4[%dma_wait3A_823, %dma_wait3A_824] : memref<32x1000000xf32, #tpu.memory_space<hbm>> -> memref<32x128xf32, #tpu.memory_space<hbm>>
      %dma_wait3A_826 = tpu.memref_slice %arg16[%dma_wait3A_818] : memref<8x!tpu.dma_semaphore, #tpu.memory_space<semaphore_mem>> -> memref<1x!tpu.dma_semaphore, #tpu.memory_space<semaphore_mem>>
      %dma_wait3A_827 = tpu.memref_squeeze %dma_wait3A_826 : memref<1x!tpu.dma_semaphore, #tpu.memory_space<semaphore_mem>> -> memref<!tpu.dma_semaphore, #tpu.memory_space<semaphore_mem>>
      %dma_wait3A_828 = arith.constant 0 : i32
      %dma_wait3A_829 = arith.constant 0 : i32
      %dma_wait3A_830 = tpu.memref_slice %arg11[%dma_wait3A_817, %dma_wait3A_828, %dma_wait3A_829] : memref<8x32x128xf32, #tpu.memory_space<vmem>> -> memref<1x32x128xf32, #tpu.memory_space<vmem>>
      %dma_wait3A_831 = tpu.memref_squeeze %dma_wait3A_830 : memref<1x32x128xf32, #tpu.memory_space<vmem>> -> memref<32x128xf32, #tpu.memory_space<vmem>>
      %dma_wait3A_832 = arith.constant 0 : i32
      %dma_wait3A_833 = arith.constant 0 : i32
      %dma_wait3A_834 = tpu.memref_slice %arg4[%dma_wait3A_832, %dma_wait3A_833] : memref<32x1000000xf32, #tpu.memory_space<hbm>> -> memref<32x128xf32, #tpu.memory_space<hbm>>
      tpu.wait_dma2 semaphore(%dma_wait3A_827 : memref<!tpu.dma_semaphore, #tpu.memory_space<semaphore_mem>>) src(%dma_wait3A_834 : memref<32x128xf32, #tpu.memory_space<hbm>>) dst(%dma_wait3A_831 : memref<32x128xf32, #tpu.memory_space<vmem>>)
      %dma_wait3A_835 = arith.constant 1 : i32
      %dma_wait3A_836 = arith.constant 1 : i32
      %dma_wait3A_837 = arith.constant 0 : i32
      %dma_wait3A_838 = arith.constant 0 : i32
      %dma_wait3A_839 = tpu.memref_slice %arg12[%dma_wait3A_835, %dma_wait3A_837, %dma_wait3A_838] : memref<8x32x128xf32, #tpu.memory_space<vmem>> -> memref<1x32x128xf32, #tpu.memory_space<vmem>>
      %dma_wait3A_840 = tpu.memref_squeeze %dma_wait3A_839 : memref<1x32x128xf32, #tpu.memory_space<vmem>> -> memref<32x128xf32, #tpu.memory_space<vmem>>
      %dma_wait3A_841 = arith.constant 0 : i32
      %dma_wait3A_842 = arith.constant 0 : i32
      %dma_wait3A_843 = tpu.memref_slice %arg5[%dma_wait3A_841, %dma_wait3A_842] : memref<32x1000000xf32, #tpu.memory_space<hbm>> -> memref<32x128xf32, #tpu.memory_space<hbm>>
      %dma_wait3A_844 = tpu.memref_slice %arg17[%dma_wait3A_836] : memref<8x!tpu.dma_semaphore, #tpu.memory_space<semaphore_mem>> -> memref<1x!tpu.dma_semaphore, #tpu.memory_space<semaphore_mem>>
      %dma_wait3A_845 = tpu.memref_squeeze %dma_wait3A_844 : memref<1x!tpu.dma_semaphore, #tpu.memory_space<semaphore_mem>> -> memref<!tpu.dma_semaphore, #tpu.memory_space<semaphore_mem>>
      %dma_wait3A_846 = arith.constant 0 : i32
      %dma_wait3A_847 = arith.constant 0 : i32
      %dma_wait3A_848 = tpu.memref_slice %arg12[%dma_wait3A_835, %dma_wait3A_846, %dma_wait3A_847] : memref<8x32x128xf32, #tpu.memory_space<vmem>> -> memref<1x32x128xf32, #tpu.memory_space<vmem>>
      %dma_wait3A_849 = tpu.memref_squeeze %dma_wait3A_848 : memref<1x32x128xf32, #tpu.memory_space<vmem>> -> memref<32x128xf32, #tpu.memory_space<vmem>>
      %dma_wait3A_850 = arith.constant 0 : i32
      %dma_wait3A_851 = arith.constant 0 : i32
      %dma_wait3A_852 = tpu.memref_slice %arg5[%dma_wait3A_850, %dma_wait3A_851] : memref<32x1000000xf32, #tpu.memory_space<hbm>> -> memref<32x128xf32, #tpu.memory_space<hbm>>
      tpu.wait_dma2 semaphore(%dma_wait3A_845 : memref<!tpu.dma_semaphore, #tpu.memory_space<semaphore_mem>>) src(%dma_wait3A_852 : memref<32x128xf32, #tpu.memory_space<hbm>>) dst(%dma_wait3A_849 : memref<32x128xf32, #tpu.memory_space<vmem>>)
      %slice3A_853 = vector.extract_strided_slice %get3A_671 {offsets = [1], sizes = [1], strides = [1]} : vector<16xi32> to vector<1xi32>
      %squeeze3A_854 = vector.extract %slice3A_853[0] : i32 from vector<1xi32>
      %and3A_855 = arith.constant 127 : i32
      %and3A_856 = arith.andi %squeeze3A_854, %and3A_855 : i32
      %broadcast_in_dim3A_857 = vector.broadcast %and3A_856 : i32 to vector<16xi32>
      %slice3A_858 = vector.extract_strided_slice %get3A_675 {offsets = [1], sizes = [1], strides = [1]} : vector<16xi32> to vector<1xi32>
      %squeeze3A_859 = vector.extract %slice3A_858[0] : i32 from vector<1xi32>
      %and3A_860 = arith.constant 127 : i32
      %and3A_861 = arith.andi %squeeze3A_859, %and3A_860 : i32
      %broadcast_in_dim3A_862 = vector.broadcast %and3A_861 : i32 to vector<16xi32>
      %gather3A_863 = arith.constant 1 : i32
      %gather3A_864 = arith.constant 0 : i32
      %gather3A_865 = arith.constant 0 : i32
      %gather3A_866 = tpu.memref_slice %arg11[%gather3A_863, %gather3A_864, %gather3A_865] : memref<8x32x128xf32, #tpu.memory_space<vmem>> -> memref<1x32x128xf32, #tpu.memory_space<vmem>>
      %gather3A_867 = tpu.memref_squeeze %gather3A_866 : memref<1x32x128xf32, #tpu.memory_space<vmem>> -> memref<32x128xf32, #tpu.memory_space<vmem>>
      %gather3A_868 = tpu.vector_load_idx %gather3A_867[%iota3A, %broadcast_in_dim3A_857] : memref<32x128xf32, #tpu.memory_space<vmem>>[vector<16xi32>, vector<16xi32>], vector<16xf32>,
      %add3A_869 = arith.constant 16 : i32
      %add3A_870 = vector.broadcast %add3A_869 : i32 to vector<16xi32>
      %add3A_871 = arith.addi %iota3A, %add3A_870 : vector<16xi32>
      %gather3A_872 = arith.constant 1 : i32
      %gather3A_873 = arith.constant 0 : i32
      %gather3A_874 = arith.constant 0 : i32
      %gather3A_875 = tpu.memref_slice %arg11[%gather3A_872, %gather3A_873, %gather3A_874] : memref<8x32x128xf32, #tpu.memory_space<vmem>> -> memref<1x32x128xf32, #tpu.memory_space<vmem>>
      %gather3A_876 = tpu.memref_squeeze %gather3A_875 : memref<1x32x128xf32, #tpu.memory_space<vmem>> -> memref<32x128xf32, #tpu.memory_space<vmem>>
      %gather3A_877 = tpu.vector_load_idx %gather3A_876[%add3A_871, %broadcast_in_dim3A_857] : memref<32x128xf32, #tpu.memory_space<vmem>>[vector<16xi32>, vector<16xi32>], vector<16xf32>,
      %gather3A_878 = arith.constant 1 : i32
      %gather3A_879 = arith.constant 0 : i32
      %gather3A_880 = arith.constant 0 : i32
      %gather3A_881 = tpu.memref_slice %arg12[%gather3A_878, %gather3A_879, %gather3A_880] : memref<8x32x128xf32, #tpu.memory_space<vmem>> -> memref<1x32x128xf32, #tpu.memory_space<vmem>>
      %gather3A_882 = tpu.memref_squeeze %gather3A_881 : memref<1x32x128xf32, #tpu.memory_space<vmem>> -> memref<32x128xf32, #tpu.memory_space<vmem>>
      %gather3A_883 = tpu.vector_load_idx %gather3A_882[%iota3A, %broadcast_in_dim3A_862] : memref<32x128xf32, #tpu.memory_space<vmem>>[vector<16xi32>, vector<16xi32>], vector<16xf32>,
      %add3A_884 = arith.constant 16 : i32
      %add3A_885 = vector.broadcast %add3A_884 : i32 to vector<16xi32>
      %add3A_886 = arith.addi %iota3A, %add3A_885 : vector<16xi32>
      %gather3A_887 = arith.constant 1 : i32
      %gather3A_888 = arith.constant 0 : i32
      %gather3A_889 = arith.constant 0 : i32
      %gather3A_890 = tpu.memref_slice %arg12[%gather3A_887, %gather3A_888, %gather3A_889] : memref<8x32x128xf32, #tpu.memory_space<vmem>> -> memref<1x32x128xf32, #tpu.memory_space<vmem>>
      %gather3A_891 = tpu.memref_squeeze %gather3A_890 : memref<1x32x128xf32, #tpu.memory_space<vmem>> -> memref<32x128xf32, #tpu.memory_space<vmem>>
      %gather3A_892 = tpu.vector_load_idx %gather3A_891[%add3A_886, %broadcast_in_dim3A_862] : memref<32x128xf32, #tpu.memory_space<vmem>>[vector<16xi32>, vector<16xi32>], vector<16xf32>,
      %mul3A_893 = arith.mulf %gather3A_868, %gather3A_883 : vector<16xf32>
      %mul3A_894 = arith.mulf %mul3A_893, %get3A_3 : vector<16xf32>
      %mul3A_895 = arith.mulf %gather3A_877, %gather3A_892 : vector<16xf32>
      %mul3A_896 = arith.mulf %mul3A_895, %get3A_5 : vector<16xf32>
      %add3A_897 = arith.addf %mul3A_894, %mul3A_896 : vector<16xf32>
      %reduce_sum3A_898 = arith.constant true
      %reduce_sum3A_899 = vector.broadcast %reduce_sum3A_898 : i1 to vector<16xi1>
      %reduce_sum3A_900 = tpu.scan <sum>, %add3A_897 masked %reduce_sum3A_899 : vector<16xf32>, vector<16xi1> -> vector<16xf32>
      %reduce_sum3A_901 = vector.extract %reduce_sum3A_900[15] : f32 from vector<16xf32>
      %eq3A_902 = arith.constant 1 : i32
      %eq3A_903 = vector.broadcast %eq3A_902 : i32 to vector<16xi32>
      %eq3A_904 = arith.cmpi eq, %iota3A, %eq3A_903 : vector<16xi32>
      %jit3A_905 = arith.constant 0.000000e+00 : f32
      %broadcast_in_dim3A_906 = vector.broadcast %reduce_sum3A_901 : f32 to vector<16xf32>
      %broadcast_in_dim3A_907 = vector.broadcast %jit3A_905 : f32 to vector<16xf32>
      %select_n3A_908 = arith.select %eq3A_904, %broadcast_in_dim3A_906, %broadcast_in_dim3A_907 : vector<16xi1>, vector<16xf32>
      %add3A_909 = arith.addf %add3A_770, %select_n3A_908 : vector<16xf32>
      %slice3A_910 = vector.extract_strided_slice %get3A_671 {offsets = [9], sizes = [1], strides = [1]} : vector<16xi32> to vector<1xi32>
      %squeeze3A_911 = vector.extract %slice3A_910[0] : i32 from vector<1xi32>
      %slice3A_912 = vector.extract_strided_slice %get3A_675 {offsets = [9], sizes = [1], strides = [1]} : vector<16xi32> to vector<1xi32>
      %squeeze3A_913 = vector.extract %slice3A_912[0] : i32 from vector<1xi32>
      %shift_right_arithmetic3A_914 = arith.constant 7 : i32
      %shift_right_arithmetic3A_915 = arith.shrsi %squeeze3A_911, %shift_right_arithmetic3A_914 : i32
      %mul3A_916 = arith.constant 128 : i32
      %mul3A_917 = arith.muli %shift_right_arithmetic3A_915, %mul3A_916 : i32
      %multiple_of3A_918 = tpu.assume_multiple %mul3A_917, 128 : i32
      %shift_right_arithmetic3A_919 = arith.constant 7 : i32
      %shift_right_arithmetic3A_920 = arith.shrsi %squeeze3A_913, %shift_right_arithmetic3A_919 : i32
      %mul3A_921 = arith.constant 128 : i32
      %mul3A_922 = arith.muli %shift_right_arithmetic3A_920, %mul3A_921 : i32
      %multiple_of3A_923 = tpu.assume_multiple %mul3A_922, 128 : i32
      %dma_start3A_924 = arith.constant 1 : i32
      %dma_start3A_925 = arith.constant 1 : i32
      %dma_start3A_926 = arith.constant 0 : i32
      %dma_start3A_927 = arith.constant 0 : i32
      %dma_start3A_928 = tpu.memref_slice %arg11[%dma_start3A_924, %dma_start3A_926, %dma_start3A_927] : memref<8x32x128xf32, #tpu.memory_space<vmem>> -> memref<1x32x128xf32, #tpu.memory_space<vmem>>
      %dma_start3A_929 = tpu.memref_squeeze %dma_start3A_928 : memref<1x32x128xf32, #tpu.memory_space<vmem>> -> memref<32x128xf32, #tpu.memory_space<vmem>>
      %dma_start3A_930 = arith.constant 0 : i32
      %dma_start3A_931 = tpu.memref_slice %arg4[%dma_start3A_930, %multiple_of3A_918] : memref<32x1000000xf32, #tpu.memory_space<hbm>> -> memref<32x128xf32, #tpu.memory_space<hbm>>
      %dma_start3A_932 = tpu.memref_slice %arg16[%dma_start3A_925] : memref<8x!tpu.dma_semaphore, #tpu.memory_space<semaphore_mem>> -> memref<1x!tpu.dma_semaphore, #tpu.memory_space<semaphore_mem>>
      %dma_start3A_933 = tpu.memref_squeeze %dma_start3A_932 : memref<1x!tpu.dma_semaphore, #tpu.memory_space<semaphore_mem>> -> memref<!tpu.dma_semaphore, #tpu.memory_space<semaphore_mem>>
      %dma_start3A_934 = arith.constant 0 : i32
      %dma_start3A_935 = arith.constant 0 : i32
      %dma_start3A_936 = tpu.memref_slice %arg11[%dma_start3A_924, %dma_start3A_934, %dma_start3A_935] : memref<8x32x128xf32, #tpu.memory_space<vmem>> -> memref<1x32x128xf32, #tpu.memory_space<vmem>>
      %dma_start3A_937 = tpu.memref_squeeze %dma_start3A_936 : memref<1x32x128xf32, #tpu.memory_space<vmem>> -> memref<32x128xf32, #tpu.memory_space<vmem>>
      %dma_start3A_938 = arith.constant 0 : i32
      %dma_start3A_939 = tpu.memref_slice %arg4[%dma_start3A_938, %multiple_of3A_918] : memref<32x1000000xf32, #tpu.memory_space<hbm>> -> memref<32x128xf32, #tpu.memory_space<hbm>>
      tpu.enqueue_dma source(%dma_start3A_939 : memref<32x128xf32, #tpu.memory_space<hbm>>) target(%dma_start3A_937 : memref<32x128xf32, #tpu.memory_space<vmem>>) target_semaphore(%dma_start3A_933 : memref<!tpu.dma_semaphore, #tpu.memory_space<semaphore_mem>>)
      %dma_start3A_940 = arith.constant 1 : i32
      %dma_start3A_941 = arith.constant 1 : i32
      %dma_start3A_942 = arith.constant 0 : i32
      %dma_start3A_943 = arith.constant 0 : i32
      %dma_start3A_944 = tpu.memref_slice %arg12[%dma_start3A_940, %dma_start3A_942, %dma_start3A_943] : memref<8x32x128xf32, #tpu.memory_space<vmem>> -> memref<1x32x128xf32, #tpu.memory_space<vmem>>
      %dma_start3A_945 = tpu.memref_squeeze %dma_start3A_944 : memref<1x32x128xf32, #tpu.memory_space<vmem>> -> memref<32x128xf32, #tpu.memory_space<vmem>>
      %dma_start3A_946 = arith.constant 0 : i32
      %dma_start3A_947 = tpu.memref_slice %arg5[%dma_start3A_946, %multiple_of3A_923] : memref<32x1000000xf32, #tpu.memory_space<hbm>> -> memref<32x128xf32, #tpu.memory_space<hbm>>
      %dma_start3A_948 = tpu.memref_slice %arg17[%dma_start3A_941] : memref<8x!tpu.dma_semaphore, #tpu.memory_space<semaphore_mem>> -> memref<1x!tpu.dma_semaphore, #tpu.memory_space<semaphore_mem>>
      %dma_start3A_949 = tpu.memref_squeeze %dma_start3A_948 : memref<1x!tpu.dma_semaphore, #tpu.memory_space<semaphore_mem>> -> memref<!tpu.dma_semaphore, #tpu.memory_space<semaphore_mem>>
      %dma_start3A_950 = arith.constant 0 : i32
      %dma_start3A_951 = arith.constant 0 : i32
      %dma_start3A_952 = tpu.memref_slice %arg12[%dma_start3A_940, %dma_start3A_950, %dma_start3A_951] : memref<8x32x128xf32, #tpu.memory_space<vmem>> -> memref<1x32x128xf32, #tpu.memory_space<vmem>>
      %dma_start3A_953 = tpu.memref_squeeze %dma_start3A_952 : memref<1x32x128xf32, #tpu.memory_space<vmem>> -> memref<32x128xf32, #tpu.memory_space<vmem>>
      %dma_start3A_954 = arith.constant 0 : i32
      %dma_start3A_955 = tpu.memref_slice %arg5[%dma_start3A_954, %multiple_of3A_923] : memref<32x1000000xf32, #tpu.memory_space<hbm>> -> memref<32x128xf32, #tpu.memory_space<hbm>>
      tpu.enqueue_dma source(%dma_start3A_955 : memref<32x128xf32, #tpu.memory_space<hbm>>) target(%dma_start3A_953 : memref<32x128xf32, #tpu.memory_space<vmem>>) target_semaphore(%dma_start3A_949 : memref<!tpu.dma_semaphore, #tpu.memory_space<semaphore_mem>>)
      %dma_wait3A_956 = arith.constant 2 : i32
      %dma_wait3A_957 = arith.constant 2 : i32
      %dma_wait3A_958 = arith.constant 0 : i32
      %dma_wait3A_959 = arith.constant 0 : i32
      %dma_wait3A_960 = tpu.memref_slice %arg11[%dma_wait3A_956, %dma_wait3A_958, %dma_wait3A_959] : memref<8x32x128xf32, #tpu.memory_space<vmem>> -> memref<1x32x128xf32, #tpu.memory_space<vmem>>
      %dma_wait3A_961 = tpu.memref_squeeze %dma_wait3A_960 : memref<1x32x128xf32, #tpu.memory_space<vmem>> -> memref<32x128xf32, #tpu.memory_space<vmem>>
      %dma_wait3A_962 = arith.constant 0 : i32
      %dma_wait3A_963 = arith.constant 0 : i32
      %dma_wait3A_964 = tpu.memref_slice %arg4[%dma_wait3A_962, %dma_wait3A_963] : memref<32x1000000xf32, #tpu.memory_space<hbm>> -> memref<32x128xf32, #tpu.memory_space<hbm>>
      %dma_wait3A_965 = tpu.memref_slice %arg16[%dma_wait3A_957] : memref<8x!tpu.dma_semaphore, #tpu.memory_space<semaphore_mem>> -> memref<1x!tpu.dma_semaphore, #tpu.memory_space<semaphore_mem>>
      %dma_wait3A_966 = tpu.memref_squeeze %dma_wait3A_965 : memref<1x!tpu.dma_semaphore, #tpu.memory_space<semaphore_mem>> -> memref<!tpu.dma_semaphore, #tpu.memory_space<semaphore_mem>>
      %dma_wait3A_967 = arith.constant 0 : i32
      %dma_wait3A_968 = arith.constant 0 : i32
      %dma_wait3A_969 = tpu.memref_slice %arg11[%dma_wait3A_956, %dma_wait3A_967, %dma_wait3A_968] : memref<8x32x128xf32, #tpu.memory_space<vmem>> -> memref<1x32x128xf32, #tpu.memory_space<vmem>>
      %dma_wait3A_970 = tpu.memref_squeeze %dma_wait3A_969 : memref<1x32x128xf32, #tpu.memory_space<vmem>> -> memref<32x128xf32, #tpu.memory_space<vmem>>
      %dma_wait3A_971 = arith.constant 0 : i32
      %dma_wait3A_972 = arith.constant 0 : i32
      %dma_wait3A_973 = tpu.memref_slice %arg4[%dma_wait3A_971, %dma_wait3A_972] : memref<32x1000000xf32, #tpu.memory_space<hbm>> -> memref<32x128xf32, #tpu.memory_space<hbm>>
      tpu.wait_dma2 semaphore(%dma_wait3A_966 : memref<!tpu.dma_semaphore, #tpu.memory_space<semaphore_mem>>) src(%dma_wait3A_973 : memref<32x128xf32, #tpu.memory_space<hbm>>) dst(%dma_wait3A_970 : memref<32x128xf32, #tpu.memory_space<vmem>>)
      %dma_wait3A_974 = arith.constant 2 : i32
      %dma_wait3A_975 = arith.constant 2 : i32
      %dma_wait3A_976 = arith.constant 0 : i32
      %dma_wait3A_977 = arith.constant 0 : i32
      %dma_wait3A_978 = tpu.memref_slice %arg12[%dma_wait3A_974, %dma_wait3A_976, %dma_wait3A_977] : memref<8x32x128xf32, #tpu.memory_space<vmem>> -> memref<1x32x128xf32, #tpu.memory_space<vmem>>
      %dma_wait3A_979 = tpu.memref_squeeze %dma_wait3A_978 : memref<1x32x128xf32, #tpu.memory_space<vmem>> -> memref<32x128xf32, #tpu.memory_space<vmem>>
      %dma_wait3A_980 = arith.constant 0 : i32
      %dma_wait3A_981 = arith.constant 0 : i32
      %dma_wait3A_982 = tpu.memref_slice %arg5[%dma_wait3A_980, %dma_wait3A_981] : memref<32x1000000xf32, #tpu.memory_space<hbm>> -> memref<32x128xf32, #tpu.memory_space<hbm>>
      %dma_wait3A_983 = tpu.memref_slice %arg17[%dma_wait3A_975] : memref<8x!tpu.dma_semaphore, #tpu.memory_space<semaphore_mem>> -> memref<1x!tpu.dma_semaphore, #tpu.memory_space<semaphore_mem>>
      %dma_wait3A_984 = tpu.memref_squeeze %dma_wait3A_983 : memref<1x!tpu.dma_semaphore, #tpu.memory_space<semaphore_mem>> -> memref<!tpu.dma_semaphore, #tpu.memory_space<semaphore_mem>>
      %dma_wait3A_985 = arith.constant 0 : i32
      %dma_wait3A_986 = arith.constant 0 : i32
      %dma_wait3A_987 = tpu.memref_slice %arg12[%dma_wait3A_974, %dma_wait3A_985, %dma_wait3A_986] : memref<8x32x128xf32, #tpu.memory_space<vmem>> -> memref<1x32x128xf32, #tpu.memory_space<vmem>>
      %dma_wait3A_988 = tpu.memref_squeeze %dma_wait3A_987 : memref<1x32x128xf32, #tpu.memory_space<vmem>> -> memref<32x128xf32, #tpu.memory_space<vmem>>
      %dma_wait3A_989 = arith.constant 0 : i32
      %dma_wait3A_990 = arith.constant 0 : i32
      %dma_wait3A_991 = tpu.memref_slice %arg5[%dma_wait3A_989, %dma_wait3A_990] : memref<32x1000000xf32, #tpu.memory_space<hbm>> -> memref<32x128xf32, #tpu.memory_space<hbm>>
      tpu.wait_dma2 semaphore(%dma_wait3A_984 : memref<!tpu.dma_semaphore, #tpu.memory_space<semaphore_mem>>) src(%dma_wait3A_991 : memref<32x128xf32, #tpu.memory_space<hbm>>) dst(%dma_wait3A_988 : memref<32x128xf32, #tpu.memory_space<vmem>>)
      %slice3A_992 = vector.extract_strided_slice %get3A_671 {offsets = [2], sizes = [1], strides = [1]} : vector<16xi32> to vector<1xi32>
      %squeeze3A_993 = vector.extract %slice3A_992[0] : i32 from vector<1xi32>
      %and3A_994 = arith.constant 127 : i32
      %and3A_995 = arith.andi %squeeze3A_993, %and3A_994 : i32
      %broadcast_in_dim3A_996 = vector.broadcast %and3A_995 : i32 to vector<16xi32>
      %slice3A_997 = vector.extract_strided_slice %get3A_675 {offsets = [2], sizes = [1], strides = [1]} : vector<16xi32> to vector<1xi32>
      %squeeze3A_998 = vector.extract %slice3A_997[0] : i32 from vector<1xi32>
      %and3A_999 = arith.constant 127 : i32
      %and3A_1000 = arith.andi %squeeze3A_998, %and3A_999 : i32
      %broadcast_in_dim3A_1001 = vector.broadcast %and3A_1000 : i32 to vector<16xi32>
      %gather3A_1002 = arith.constant 2 : i32
      %gather3A_1003 = arith.constant 0 : i32
      %gather3A_1004 = arith.constant 0 : i32
      %gather3A_1005 = tpu.memref_slice %arg11[%gather3A_1002, %gather3A_1003, %gather3A_1004] : memref<8x32x128xf32, #tpu.memory_space<vmem>> -> memref<1x32x128xf32, #tpu.memory_space<vmem>>
      %gather3A_1006 = tpu.memref_squeeze %gather3A_1005 : memref<1x32x128xf32, #tpu.memory_space<vmem>> -> memref<32x128xf32, #tpu.memory_space<vmem>>
      %gather3A_1007 = tpu.vector_load_idx %gather3A_1006[%iota3A, %broadcast_in_dim3A_996] : memref<32x128xf32, #tpu.memory_space<vmem>>[vector<16xi32>, vector<16xi32>], vector<16xf32>,
      %add3A_1008 = arith.constant 16 : i32
      %add3A_1009 = vector.broadcast %add3A_1008 : i32 to vector<16xi32>
      %add3A_1010 = arith.addi %iota3A, %add3A_1009 : vector<16xi32>
      %gather3A_1011 = arith.constant 2 : i32
      %gather3A_1012 = arith.constant 0 : i32
      %gather3A_1013 = arith.constant 0 : i32
      %gather3A_1014 = tpu.memref_slice %arg11[%gather3A_1011, %gather3A_1012, %gather3A_1013] : memref<8x32x128xf32, #tpu.memory_space<vmem>> -> memref<1x32x128xf32, #tpu.memory_space<vmem>>
      %gather3A_1015 = tpu.memref_squeeze %gather3A_1014 : memref<1x32x128xf32, #tpu.memory_space<vmem>> -> memref<32x128xf32, #tpu.memory_space<vmem>>
      %gather3A_1016 = tpu.vector_load_idx %gather3A_1015[%add3A_1010, %broadcast_in_dim3A_996] : memref<32x128xf32, #tpu.memory_space<vmem>>[vector<16xi32>, vector<16xi32>], vector<16xf32>,
      %gather3A_1017 = arith.constant 2 : i32
      %gather3A_1018 = arith.constant 0 : i32
      %gather3A_1019 = arith.constant 0 : i32
      %gather3A_1020 = tpu.memref_slice %arg12[%gather3A_1017, %gather3A_1018, %gather3A_1019] : memref<8x32x128xf32, #tpu.memory_space<vmem>> -> memref<1x32x128xf32, #tpu.memory_space<vmem>>
      %gather3A_1021 = tpu.memref_squeeze %gather3A_1020 : memref<1x32x128xf32, #tpu.memory_space<vmem>> -> memref<32x128xf32, #tpu.memory_space<vmem>>
      %gather3A_1022 = tpu.vector_load_idx %gather3A_1021[%iota3A, %broadcast_in_dim3A_1001] : memref<32x128xf32, #tpu.memory_space<vmem>>[vector<16xi32>, vector<16xi32>], vector<16xf32>,
      %add3A_1023 = arith.constant 16 : i32
      %add3A_1024 = vector.broadcast %add3A_1023 : i32 to vector<16xi32>
      %add3A_1025 = arith.addi %iota3A, %add3A_1024 : vector<16xi32>
      %gather3A_1026 = arith.constant 2 : i32
      %gather3A_1027 = arith.constant 0 : i32
      %gather3A_1028 = arith.constant 0 : i32
      %gather3A_1029 = tpu.memref_slice %arg12[%gather3A_1026, %gather3A_1027, %gather3A_1028] : memref<8x32x128xf32, #tpu.memory_space<vmem>> -> memref<1x32x128xf32, #tpu.memory_space<vmem>>
      %gather3A_1030 = tpu.memref_squeeze %gather3A_1029 : memref<1x32x128xf32, #tpu.memory_space<vmem>> -> memref<32x128xf32, #tpu.memory_space<vmem>>
      %gather3A_1031 = tpu.vector_load_idx %gather3A_1030[%add3A_1025, %broadcast_in_dim3A_1001] : memref<32x128xf32, #tpu.memory_space<vmem>>[vector<16xi32>, vector<16xi32>], vector<16xf32>,
      %mul3A_1032 = arith.mulf %gather3A_1007, %gather3A_1022 : vector<16xf32>
      %mul3A_1033 = arith.mulf %mul3A_1032, %get3A_3 : vector<16xf32>
      %mul3A_1034 = arith.mulf %gather3A_1016, %gather3A_1031 : vector<16xf32>
      %mul3A_1035 = arith.mulf %mul3A_1034, %get3A_5 : vector<16xf32>
      %add3A_1036 = arith.addf %mul3A_1033, %mul3A_1035 : vector<16xf32>
      %reduce_sum3A_1037 = arith.constant true
      %reduce_sum3A_1038 = vector.broadcast %reduce_sum3A_1037 : i1 to vector<16xi1>
      %reduce_sum3A_1039 = tpu.scan <sum>, %add3A_1036 masked %reduce_sum3A_1038 : vector<16xf32>, vector<16xi1> -> vector<16xf32>
      %reduce_sum3A_1040 = vector.extract %reduce_sum3A_1039[15] : f32 from vector<16xf32>
      %eq3A_1041 = arith.constant 2 : i32
      %eq3A_1042 = vector.broadcast %eq3A_1041 : i32 to vector<16xi32>
      %eq3A_1043 = arith.cmpi eq, %iota3A, %eq3A_1042 : vector<16xi32>
      %jit3A_1044 = arith.constant 0.000000e+00 : f32
      %broadcast_in_dim3A_1045 = vector.broadcast %reduce_sum3A_1040 : f32 to vector<16xf32>
      %broadcast_in_dim3A_1046 = vector.broadcast %jit3A_1044 : f32 to vector<16xf32>
      %select_n3A_1047 = arith.select %eq3A_1043, %broadcast_in_dim3A_1045, %broadcast_in_dim3A_1046 : vector<16xi1>, vector<16xf32>
      %add3A_1048 = arith.addf %add3A_909, %select_n3A_1047 : vector<16xf32>
      %slice3A_1049 = vector.extract_strided_slice %get3A_671 {offsets = [10], sizes = [1], strides = [1]} : vector<16xi32> to vector<1xi32>
      %squeeze3A_1050 = vector.extract %slice3A_1049[0] : i32 from vector<1xi32>
      %slice3A_1051 = vector.extract_strided_slice %get3A_675 {offsets = [10], sizes = [1], strides = [1]} : vector<16xi32> to vector<1xi32>
      %squeeze3A_1052 = vector.extract %slice3A_1051[0] : i32 from vector<1xi32>
      %shift_right_arithmetic3A_1053 = arith.constant 7 : i32
      %shift_right_arithmetic3A_1054 = arith.shrsi %squeeze3A_1050, %shift_right_arithmetic3A_1053 : i32
      %mul3A_1055 = arith.constant 128 : i32
      %mul3A_1056 = arith.muli %shift_right_arithmetic3A_1054, %mul3A_1055 : i32
      %multiple_of3A_1057 = tpu.assume_multiple %mul3A_1056, 128 : i32
      %shift_right_arithmetic3A_1058 = arith.constant 7 : i32
      %shift_right_arithmetic3A_1059 = arith.shrsi %squeeze3A_1052, %shift_right_arithmetic3A_1058 : i32
      %mul3A_1060 = arith.constant 128 : i32
      %mul3A_1061 = arith.muli %shift_right_arithmetic3A_1059, %mul3A_1060 : i32
      %multiple_of3A_1062 = tpu.assume_multiple %mul3A_1061, 128 : i32
      %dma_start3A_1063 = arith.constant 2 : i32
      %dma_start3A_1064 = arith.constant 2 : i32
      %dma_start3A_1065 = arith.constant 0 : i32
      %dma_start3A_1066 = arith.constant 0 : i32
      %dma_start3A_1067 = tpu.memref_slice %arg11[%dma_start3A_1063, %dma_start3A_1065, %dma_start3A_1066] : memref<8x32x128xf32, #tpu.memory_space<vmem>> -> memref<1x32x128xf32, #tpu.memory_space<vmem>>
      %dma_start3A_1068 = tpu.memref_squeeze %dma_start3A_1067 : memref<1x32x128xf32, #tpu.memory_space<vmem>> -> memref<32x128xf32, #tpu.memory_space<vmem>>
      %dma_start3A_1069 = arith.constant 0 : i32
      %dma_start3A_1070 = tpu.memref_slice %arg4[%dma_start3A_1069, %multiple_of3A_1057] : memref<32x1000000xf32, #tpu.memory_space<hbm>> -> memref<32x128xf32, #tpu.memory_space<hbm>>
      %dma_start3A_1071 = tpu.memref_slice %arg16[%dma_start3A_1064] : memref<8x!tpu.dma_semaphore, #tpu.memory_space<semaphore_mem>> -> memref<1x!tpu.dma_semaphore, #tpu.memory_space<semaphore_mem>>
      %dma_start3A_1072 = tpu.memref_squeeze %dma_start3A_1071 : memref<1x!tpu.dma_semaphore, #tpu.memory_space<semaphore_mem>> -> memref<!tpu.dma_semaphore, #tpu.memory_space<semaphore_mem>>
      %dma_start3A_1073 = arith.constant 0 : i32
      %dma_start3A_1074 = arith.constant 0 : i32
      %dma_start3A_1075 = tpu.memref_slice %arg11[%dma_start3A_1063, %dma_start3A_1073, %dma_start3A_1074] : memref<8x32x128xf32, #tpu.memory_space<vmem>> -> memref<1x32x128xf32, #tpu.memory_space<vmem>>
      %dma_start3A_1076 = tpu.memref_squeeze %dma_start3A_1075 : memref<1x32x128xf32, #tpu.memory_space<vmem>> -> memref<32x128xf32, #tpu.memory_space<vmem>>
      %dma_start3A_1077 = arith.constant 0 : i32
      %dma_start3A_1078 = tpu.memref_slice %arg4[%dma_start3A_1077, %multiple_of3A_1057] : memref<32x1000000xf32, #tpu.memory_space<hbm>> -> memref<32x128xf32, #tpu.memory_space<hbm>>
      tpu.enqueue_dma source(%dma_start3A_1078 : memref<32x128xf32, #tpu.memory_space<hbm>>) target(%dma_start3A_1076 : memref<32x128xf32, #tpu.memory_space<vmem>>) target_semaphore(%dma_start3A_1072 : memref<!tpu.dma_semaphore, #tpu.memory_space<semaphore_mem>>)
      %dma_start3A_1079 = arith.constant 2 : i32
      %dma_start3A_1080 = arith.constant 2 : i32
      %dma_start3A_1081 = arith.constant 0 : i32
      %dma_start3A_1082 = arith.constant 0 : i32
      %dma_start3A_1083 = tpu.memref_slice %arg12[%dma_start3A_1079, %dma_start3A_1081, %dma_start3A_1082] : memref<8x32x128xf32, #tpu.memory_space<vmem>> -> memref<1x32x128xf32, #tpu.memory_space<vmem>>
      %dma_start3A_1084 = tpu.memref_squeeze %dma_start3A_1083 : memref<1x32x128xf32, #tpu.memory_space<vmem>> -> memref<32x128xf32, #tpu.memory_space<vmem>>
      %dma_start3A_1085 = arith.constant 0 : i32
      %dma_start3A_1086 = tpu.memref_slice %arg5[%dma_start3A_1085, %multiple_of3A_1062] : memref<32x1000000xf32, #tpu.memory_space<hbm>> -> memref<32x128xf32, #tpu.memory_space<hbm>>
      %dma_start3A_1087 = tpu.memref_slice %arg17[%dma_start3A_1080] : memref<8x!tpu.dma_semaphore, #tpu.memory_space<semaphore_mem>> -> memref<1x!tpu.dma_semaphore, #tpu.memory_space<semaphore_mem>>
      %dma_start3A_1088 = tpu.memref_squeeze %dma_start3A_1087 : memref<1x!tpu.dma_semaphore, #tpu.memory_space<semaphore_mem>> -> memref<!tpu.dma_semaphore, #tpu.memory_space<semaphore_mem>>
      %dma_start3A_1089 = arith.constant 0 : i32
      %dma_start3A_1090 = arith.constant 0 : i32
      %dma_start3A_1091 = tpu.memref_slice %arg12[%dma_start3A_1079, %dma_start3A_1089, %dma_start3A_1090] : memref<8x32x128xf32, #tpu.memory_space<vmem>> -> memref<1x32x128xf32, #tpu.memory_space<vmem>>
      %dma_start3A_1092 = tpu.memref_squeeze %dma_start3A_1091 : memref<1x32x128xf32, #tpu.memory_space<vmem>> -> memref<32x128xf32, #tpu.memory_space<vmem>>
      %dma_start3A_1093 = arith.constant 0 : i32
      %dma_start3A_1094 = tpu.memref_slice %arg5[%dma_start3A_1093, %multiple_of3A_1062] : memref<32x1000000xf32, #tpu.memory_space<hbm>> -> memref<32x128xf32, #tpu.memory_space<hbm>>
      tpu.enqueue_dma source(%dma_start3A_1094 : memref<32x128xf32, #tpu.memory_space<hbm>>) target(%dma_start3A_1092 : memref<32x128xf32, #tpu.memory_space<vmem>>) target_semaphore(%dma_start3A_1088 : memref<!tpu.dma_semaphore, #tpu.memory_space<semaphore_mem>>)
      %dma_wait3A_1095 = arith.constant 3 : i32
      %dma_wait3A_1096 = arith.constant 3 : i32
      %dma_wait3A_1097 = arith.constant 0 : i32
      %dma_wait3A_1098 = arith.constant 0 : i32
      %dma_wait3A_1099 = tpu.memref_slice %arg11[%dma_wait3A_1095, %dma_wait3A_1097, %dma_wait3A_1098] : memref<8x32x128xf32, #tpu.memory_space<vmem>> -> memref<1x32x128xf32, #tpu.memory_space<vmem>>
      %dma_wait3A_1100 = tpu.memref_squeeze %dma_wait3A_1099 : memref<1x32x128xf32, #tpu.memory_space<vmem>> -> memref<32x128xf32, #tpu.memory_space<vmem>>
      %dma_wait3A_1101 = arith.constant 0 : i32
      %dma_wait3A_1102 = arith.constant 0 : i32
      %dma_wait3A_1103 = tpu.memref_slice %arg4[%dma_wait3A_1101, %dma_wait3A_1102] : memref<32x1000000xf32, #tpu.memory_space<hbm>> -> memref<32x128xf32, #tpu.memory_space<hbm>>
      %dma_wait3A_1104 = tpu.memref_slice %arg16[%dma_wait3A_1096] : memref<8x!tpu.dma_semaphore, #tpu.memory_space<semaphore_mem>> -> memref<1x!tpu.dma_semaphore, #tpu.memory_space<semaphore_mem>>
      %dma_wait3A_1105 = tpu.memref_squeeze %dma_wait3A_1104 : memref<1x!tpu.dma_semaphore, #tpu.memory_space<semaphore_mem>> -> memref<!tpu.dma_semaphore, #tpu.memory_space<semaphore_mem>>
      %dma_wait3A_1106 = arith.constant 0 : i32
      %dma_wait3A_1107 = arith.constant 0 : i32
      %dma_wait3A_1108 = tpu.memref_slice %arg11[%dma_wait3A_1095, %dma_wait3A_1106, %dma_wait3A_1107] : memref<8x32x128xf32, #tpu.memory_space<vmem>> -> memref<1x32x128xf32, #tpu.memory_space<vmem>>
      %dma_wait3A_1109 = tpu.memref_squeeze %dma_wait3A_1108 : memref<1x32x128xf32, #tpu.memory_space<vmem>> -> memref<32x128xf32, #tpu.memory_space<vmem>>
      %dma_wait3A_1110 = arith.constant 0 : i32
      %dma_wait3A_1111 = arith.constant 0 : i32
      %dma_wait3A_1112 = tpu.memref_slice %arg4[%dma_wait3A_1110, %dma_wait3A_1111] : memref<32x1000000xf32, #tpu.memory_space<hbm>> -> memref<32x128xf32, #tpu.memory_space<hbm>>
      tpu.wait_dma2 semaphore(%dma_wait3A_1105 : memref<!tpu.dma_semaphore, #tpu.memory_space<semaphore_mem>>) src(%dma_wait3A_1112 : memref<32x128xf32, #tpu.memory_space<hbm>>) dst(%dma_wait3A_1109 : memref<32x128xf32, #tpu.memory_space<vmem>>)
      %dma_wait3A_1113 = arith.constant 3 : i32
      %dma_wait3A_1114 = arith.constant 3 : i32
      %dma_wait3A_1115 = arith.constant 0 : i32
      %dma_wait3A_1116 = arith.constant 0 : i32
      %dma_wait3A_1117 = tpu.memref_slice %arg12[%dma_wait3A_1113, %dma_wait3A_1115, %dma_wait3A_1116] : memref<8x32x128xf32, #tpu.memory_space<vmem>> -> memref<1x32x128xf32, #tpu.memory_space<vmem>>
      %dma_wait3A_1118 = tpu.memref_squeeze %dma_wait3A_1117 : memref<1x32x128xf32, #tpu.memory_space<vmem>> -> memref<32x128xf32, #tpu.memory_space<vmem>>
      %dma_wait3A_1119 = arith.constant 0 : i32
      %dma_wait3A_1120 = arith.constant 0 : i32
      %dma_wait3A_1121 = tpu.memref_slice %arg5[%dma_wait3A_1119, %dma_wait3A_1120] : memref<32x1000000xf32, #tpu.memory_space<hbm>> -> memref<32x128xf32, #tpu.memory_space<hbm>>
      %dma_wait3A_1122 = tpu.memref_slice %arg17[%dma_wait3A_1114] : memref<8x!tpu.dma_semaphore, #tpu.memory_space<semaphore_mem>> -> memref<1x!tpu.dma_semaphore, #tpu.memory_space<semaphore_mem>>
      %dma_wait3A_1123 = tpu.memref_squeeze %dma_wait3A_1122 : memref<1x!tpu.dma_semaphore, #tpu.memory_space<semaphore_mem>> -> memref<!tpu.dma_semaphore, #tpu.memory_space<semaphore_mem>>
      %dma_wait3A_1124 = arith.constant 0 : i32
      %dma_wait3A_1125 = arith.constant 0 : i32
      %dma_wait3A_1126 = tpu.memref_slice %arg12[%dma_wait3A_1113, %dma_wait3A_1124, %dma_wait3A_1125] : memref<8x32x128xf32, #tpu.memory_space<vmem>> -> memref<1x32x128xf32, #tpu.memory_space<vmem>>
      %dma_wait3A_1127 = tpu.memref_squeeze %dma_wait3A_1126 : memref<1x32x128xf32, #tpu.memory_space<vmem>> -> memref<32x128xf32, #tpu.memory_space<vmem>>
      %dma_wait3A_1128 = arith.constant 0 : i32
      %dma_wait3A_1129 = arith.constant 0 : i32
      %dma_wait3A_1130 = tpu.memref_slice %arg5[%dma_wait3A_1128, %dma_wait3A_1129] : memref<32x1000000xf32, #tpu.memory_space<hbm>> -> memref<32x128xf32, #tpu.memory_space<hbm>>
      tpu.wait_dma2 semaphore(%dma_wait3A_1123 : memref<!tpu.dma_semaphore, #tpu.memory_space<semaphore_mem>>) src(%dma_wait3A_1130 : memref<32x128xf32, #tpu.memory_space<hbm>>) dst(%dma_wait3A_1127 : memref<32x128xf32, #tpu.memory_space<vmem>>)
      %slice3A_1131 = vector.extract_strided_slice %get3A_671 {offsets = [3], sizes = [1], strides = [1]} : vector<16xi32> to vector<1xi32>
      %squeeze3A_1132 = vector.extract %slice3A_1131[0] : i32 from vector<1xi32>
      %and3A_1133 = arith.constant 127 : i32
      %and3A_1134 = arith.andi %squeeze3A_1132, %and3A_1133 : i32
      %broadcast_in_dim3A_1135 = vector.broadcast %and3A_1134 : i32 to vector<16xi32>
      %slice3A_1136 = vector.extract_strided_slice %get3A_675 {offsets = [3], sizes = [1], strides = [1]} : vector<16xi32> to vector<1xi32>
      %squeeze3A_1137 = vector.extract %slice3A_1136[0] : i32 from vector<1xi32>
      %and3A_1138 = arith.constant 127 : i32
      %and3A_1139 = arith.andi %squeeze3A_1137, %and3A_1138 : i32
      %broadcast_in_dim3A_1140 = vector.broadcast %and3A_1139 : i32 to vector<16xi32>
      %gather3A_1141 = arith.constant 3 : i32
      %gather3A_1142 = arith.constant 0 : i32
      %gather3A_1143 = arith.constant 0 : i32
      %gather3A_1144 = tpu.memref_slice %arg11[%gather3A_1141, %gather3A_1142, %gather3A_1143] : memref<8x32x128xf32, #tpu.memory_space<vmem>> -> memref<1x32x128xf32, #tpu.memory_space<vmem>>
      %gather3A_1145 = tpu.memref_squeeze %gather3A_1144 : memref<1x32x128xf32, #tpu.memory_space<vmem>> -> memref<32x128xf32, #tpu.memory_space<vmem>>
      %gather3A_1146 = tpu.vector_load_idx %gather3A_1145[%iota3A, %broadcast_in_dim3A_1135] : memref<32x128xf32, #tpu.memory_space<vmem>>[vector<16xi32>, vector<16xi32>], vector<16xf32>,
      %add3A_1147 = arith.constant 16 : i32
      %add3A_1148 = vector.broadcast %add3A_1147 : i32 to vector<16xi32>
      %add3A_1149 = arith.addi %iota3A, %add3A_1148 : vector<16xi32>
      %gather3A_1150 = arith.constant 3 : i32
      %gather3A_1151 = arith.constant 0 : i32
      %gather3A_1152 = arith.constant 0 : i32
      %gather3A_1153 = tpu.memref_slice %arg11[%gather3A_1150, %gather3A_1151, %gather3A_1152] : memref<8x32x128xf32, #tpu.memory_space<vmem>> -> memref<1x32x128xf32, #tpu.memory_space<vmem>>
      %gather3A_1154 = tpu.memref_squeeze %gather3A_1153 : memref<1x32x128xf32, #tpu.memory_space<vmem>> -> memref<32x128xf32, #tpu.memory_space<vmem>>
      %gather3A_1155 = tpu.vector_load_idx %gather3A_1154[%add3A_1149, %broadcast_in_dim3A_1135] : memref<32x128xf32, #tpu.memory_space<vmem>>[vector<16xi32>, vector<16xi32>], vector<16xf32>,
      %gather3A_1156 = arith.constant 3 : i32
      %gather3A_1157 = arith.constant 0 : i32
      %gather3A_1158 = arith.constant 0 : i32
      %gather3A_1159 = tpu.memref_slice %arg12[%gather3A_1156, %gather3A_1157, %gather3A_1158] : memref<8x32x128xf32, #tpu.memory_space<vmem>> -> memref<1x32x128xf32, #tpu.memory_space<vmem>>
      %gather3A_1160 = tpu.memref_squeeze %gather3A_1159 : memref<1x32x128xf32, #tpu.memory_space<vmem>> -> memref<32x128xf32, #tpu.memory_space<vmem>>
      %gather3A_1161 = tpu.vector_load_idx %gather3A_1160[%iota3A, %broadcast_in_dim3A_1140] : memref<32x128xf32, #tpu.memory_space<vmem>>[vector<16xi32>, vector<16xi32>], vector<16xf32>,
      %add3A_1162 = arith.constant 16 : i32
      %add3A_1163 = vector.broadcast %add3A_1162 : i32 to vector<16xi32>
      %add3A_1164 = arith.addi %iota3A, %add3A_1163 : vector<16xi32>
      %gather3A_1165 = arith.constant 3 : i32
      %gather3A_1166 = arith.constant 0 : i32
      %gather3A_1167 = arith.constant 0 : i32
      %gather3A_1168 = tpu.memref_slice %arg12[%gather3A_1165, %gather3A_1166, %gather3A_1167] : memref<8x32x128xf32, #tpu.memory_space<vmem>> -> memref<1x32x128xf32, #tpu.memory_space<vmem>>
      %gather3A_1169 = tpu.memref_squeeze %gather3A_1168 : memref<1x32x128xf32, #tpu.memory_space<vmem>> -> memref<32x128xf32, #tpu.memory_space<vmem>>
      %gather3A_1170 = tpu.vector_load_idx %gather3A_1169[%add3A_1164, %broadcast_in_dim3A_1140] : memref<32x128xf32, #tpu.memory_space<vmem>>[vector<16xi32>, vector<16xi32>], vector<16xf32>,
      %mul3A_1171 = arith.mulf %gather3A_1146, %gather3A_1161 : vector<16xf32>
      %mul3A_1172 = arith.mulf %mul3A_1171, %get3A_3 : vector<16xf32>
      %mul3A_1173 = arith.mulf %gather3A_1155, %gather3A_1170 : vector<16xf32>
      %mul3A_1174 = arith.mulf %mul3A_1173, %get3A_5 : vector<16xf32>
      %add3A_1175 = arith.addf %mul3A_1172, %mul3A_1174 : vector<16xf32>
      %reduce_sum3A_1176 = arith.constant true
      %reduce_sum3A_1177 = vector.broadcast %reduce_sum3A_1176 : i1 to vector<16xi1>
      %reduce_sum3A_1178 = tpu.scan <sum>, %add3A_1175 masked %reduce_sum3A_1177 : vector<16xf32>, vector<16xi1> -> vector<16xf32>
      %reduce_sum3A_1179 = vector.extract %reduce_sum3A_1178[15] : f32 from vector<16xf32>
      %eq3A_1180 = arith.constant 3 : i32
      %eq3A_1181 = vector.broadcast %eq3A_1180 : i32 to vector<16xi32>
      %eq3A_1182 = arith.cmpi eq, %iota3A, %eq3A_1181 : vector<16xi32>
      %jit3A_1183 = arith.constant 0.000000e+00 : f32
      %broadcast_in_dim3A_1184 = vector.broadcast %reduce_sum3A_1179 : f32 to vector<16xf32>
      %broadcast_in_dim3A_1185 = vector.broadcast %jit3A_1183 : f32 to vector<16xf32>
      %select_n3A_1186 = arith.select %eq3A_1182, %broadcast_in_dim3A_1184, %broadcast_in_dim3A_1185 : vector<16xi1>, vector<16xf32>
      %add3A_1187 = arith.addf %add3A_1048, %select_n3A_1186 : vector<16xf32>
      %slice3A_1188 = vector.extract_strided_slice %get3A_671 {offsets = [11], sizes = [1], strides = [1]} : vector<16xi32> to vector<1xi32>
      %squeeze3A_1189 = vector.extract %slice3A_1188[0] : i32 from vector<1xi32>
      %slice3A_1190 = vector.extract_strided_slice %get3A_675 {offsets = [11], sizes = [1], strides = [1]} : vector<16xi32> to vector<1xi32>
      %squeeze3A_1191 = vector.extract %slice3A_1190[0] : i32 from vector<1xi32>
      %shift_right_arithmetic3A_1192 = arith.constant 7 : i32
      %shift_right_arithmetic3A_1193 = arith.shrsi %squeeze3A_1189, %shift_right_arithmetic3A_1192 : i32
      %mul3A_1194 = arith.constant 128 : i32
      %mul3A_1195 = arith.muli %shift_right_arithmetic3A_1193, %mul3A_1194 : i32
      %multiple_of3A_1196 = tpu.assume_multiple %mul3A_1195, 128 : i32
      %shift_right_arithmetic3A_1197 = arith.constant 7 : i32
      %shift_right_arithmetic3A_1198 = arith.shrsi %squeeze3A_1191, %shift_right_arithmetic3A_1197 : i32
      %mul3A_1199 = arith.constant 128 : i32
      %mul3A_1200 = arith.muli %shift_right_arithmetic3A_1198, %mul3A_1199 : i32
      %multiple_of3A_1201 = tpu.assume_multiple %mul3A_1200, 128 : i32
      %dma_start3A_1202 = arith.constant 3 : i32
      %dma_start3A_1203 = arith.constant 3 : i32
      %dma_start3A_1204 = arith.constant 0 : i32
      %dma_start3A_1205 = arith.constant 0 : i32
      %dma_start3A_1206 = tpu.memref_slice %arg11[%dma_start3A_1202, %dma_start3A_1204, %dma_start3A_1205] : memref<8x32x128xf32, #tpu.memory_space<vmem>> -> memref<1x32x128xf32, #tpu.memory_space<vmem>>
      %dma_start3A_1207 = tpu.memref_squeeze %dma_start3A_1206 : memref<1x32x128xf32, #tpu.memory_space<vmem>> -> memref<32x128xf32, #tpu.memory_space<vmem>>
      %dma_start3A_1208 = arith.constant 0 : i32
      %dma_start3A_1209 = tpu.memref_slice %arg4[%dma_start3A_1208, %multiple_of3A_1196] : memref<32x1000000xf32, #tpu.memory_space<hbm>> -> memref<32x128xf32, #tpu.memory_space<hbm>>
      %dma_start3A_1210 = tpu.memref_slice %arg16[%dma_start3A_1203] : memref<8x!tpu.dma_semaphore, #tpu.memory_space<semaphore_mem>> -> memref<1x!tpu.dma_semaphore, #tpu.memory_space<semaphore_mem>>
      %dma_start3A_1211 = tpu.memref_squeeze %dma_start3A_1210 : memref<1x!tpu.dma_semaphore, #tpu.memory_space<semaphore_mem>> -> memref<!tpu.dma_semaphore, #tpu.memory_space<semaphore_mem>>
      %dma_start3A_1212 = arith.constant 0 : i32
      %dma_start3A_1213 = arith.constant 0 : i32
      %dma_start3A_1214 = tpu.memref_slice %arg11[%dma_start3A_1202, %dma_start3A_1212, %dma_start3A_1213] : memref<8x32x128xf32, #tpu.memory_space<vmem>> -> memref<1x32x128xf32, #tpu.memory_space<vmem>>
      %dma_start3A_1215 = tpu.memref_squeeze %dma_start3A_1214 : memref<1x32x128xf32, #tpu.memory_space<vmem>> -> memref<32x128xf32, #tpu.memory_space<vmem>>
      %dma_start3A_1216 = arith.constant 0 : i32
      %dma_start3A_1217 = tpu.memref_slice %arg4[%dma_start3A_1216, %multiple_of3A_1196] : memref<32x1000000xf32, #tpu.memory_space<hbm>> -> memref<32x128xf32, #tpu.memory_space<hbm>>
      tpu.enqueue_dma source(%dma_start3A_1217 : memref<32x128xf32, #tpu.memory_space<hbm>>) target(%dma_start3A_1215 : memref<32x128xf32, #tpu.memory_space<vmem>>) target_semaphore(%dma_start3A_1211 : memref<!tpu.dma_semaphore, #tpu.memory_space<semaphore_mem>>)
      %dma_start3A_1218 = arith.constant 3 : i32
      %dma_start3A_1219 = arith.constant 3 : i32
      %dma_start3A_1220 = arith.constant 0 : i32
      %dma_start3A_1221 = arith.constant 0 : i32
      %dma_start3A_1222 = tpu.memref_slice %arg12[%dma_start3A_1218, %dma_start3A_1220, %dma_start3A_1221] : memref<8x32x128xf32, #tpu.memory_space<vmem>> -> memref<1x32x128xf32, #tpu.memory_space<vmem>>
      %dma_start3A_1223 = tpu.memref_squeeze %dma_start3A_1222 : memref<1x32x128xf32, #tpu.memory_space<vmem>> -> memref<32x128xf32, #tpu.memory_space<vmem>>
      %dma_start3A_1224 = arith.constant 0 : i32
      %dma_start3A_1225 = tpu.memref_slice %arg5[%dma_start3A_1224, %multiple_of3A_1201] : memref<32x1000000xf32, #tpu.memory_space<hbm>> -> memref<32x128xf32, #tpu.memory_space<hbm>>
      %dma_start3A_1226 = tpu.memref_slice %arg17[%dma_start3A_1219] : memref<8x!tpu.dma_semaphore, #tpu.memory_space<semaphore_mem>> -> memref<1x!tpu.dma_semaphore, #tpu.memory_space<semaphore_mem>>
      %dma_start3A_1227 = tpu.memref_squeeze %dma_start3A_1226 : memref<1x!tpu.dma_semaphore, #tpu.memory_space<semaphore_mem>> -> memref<!tpu.dma_semaphore, #tpu.memory_space<semaphore_mem>>
      %dma_start3A_1228 = arith.constant 0 : i32
      %dma_start3A_1229 = arith.constant 0 : i32
      %dma_start3A_1230 = tpu.memref_slice %arg12[%dma_start3A_1218, %dma_start3A_1228, %dma_start3A_1229] : memref<8x32x128xf32, #tpu.memory_space<vmem>> -> memref<1x32x128xf32, #tpu.memory_space<vmem>>
      %dma_start3A_1231 = tpu.memref_squeeze %dma_start3A_1230 : memref<1x32x128xf32, #tpu.memory_space<vmem>> -> memref<32x128xf32, #tpu.memory_space<vmem>>
      %dma_start3A_1232 = arith.constant 0 : i32
      %dma_start3A_1233 = tpu.memref_slice %arg5[%dma_start3A_1232, %multiple_of3A_1201] : memref<32x1000000xf32, #tpu.memory_space<hbm>> -> memref<32x128xf32, #tpu.memory_space<hbm>>
      tpu.enqueue_dma source(%dma_start3A_1233 : memref<32x128xf32, #tpu.memory_space<hbm>>) target(%dma_start3A_1231 : memref<32x128xf32, #tpu.memory_space<vmem>>) target_semaphore(%dma_start3A_1227 : memref<!tpu.dma_semaphore, #tpu.memory_space<semaphore_mem>>)
      %dma_wait3A_1234 = arith.constant 4 : i32
      %dma_wait3A_1235 = arith.constant 4 : i32
      %dma_wait3A_1236 = arith.constant 0 : i32
      %dma_wait3A_1237 = arith.constant 0 : i32
      %dma_wait3A_1238 = tpu.memref_slice %arg11[%dma_wait3A_1234, %dma_wait3A_1236, %dma_wait3A_1237] : memref<8x32x128xf32, #tpu.memory_space<vmem>> -> memref<1x32x128xf32, #tpu.memory_space<vmem>>
      %dma_wait3A_1239 = tpu.memref_squeeze %dma_wait3A_1238 : memref<1x32x128xf32, #tpu.memory_space<vmem>> -> memref<32x128xf32, #tpu.memory_space<vmem>>
      %dma_wait3A_1240 = arith.constant 0 : i32
      %dma_wait3A_1241 = arith.constant 0 : i32
      %dma_wait3A_1242 = tpu.memref_slice %arg4[%dma_wait3A_1240, %dma_wait3A_1241] : memref<32x1000000xf32, #tpu.memory_space<hbm>> -> memref<32x128xf32, #tpu.memory_space<hbm>>
      %dma_wait3A_1243 = tpu.memref_slice %arg16[%dma_wait3A_1235] : memref<8x!tpu.dma_semaphore, #tpu.memory_space<semaphore_mem>> -> memref<1x!tpu.dma_semaphore, #tpu.memory_space<semaphore_mem>>
      %dma_wait3A_1244 = tpu.memref_squeeze %dma_wait3A_1243 : memref<1x!tpu.dma_semaphore, #tpu.memory_space<semaphore_mem>> -> memref<!tpu.dma_semaphore, #tpu.memory_space<semaphore_mem>>
      %dma_wait3A_1245 = arith.constant 0 : i32
      %dma_wait3A_1246 = arith.constant 0 : i32
      %dma_wait3A_1247 = tpu.memref_slice %arg11[%dma_wait3A_1234, %dma_wait3A_1245, %dma_wait3A_1246] : memref<8x32x128xf32, #tpu.memory_space<vmem>> -> memref<1x32x128xf32, #tpu.memory_space<vmem>>
      %dma_wait3A_1248 = tpu.memref_squeeze %dma_wait3A_1247 : memref<1x32x128xf32, #tpu.memory_space<vmem>> -> memref<32x128xf32, #tpu.memory_space<vmem>>
      %dma_wait3A_1249 = arith.constant 0 : i32
      %dma_wait3A_1250 = arith.constant 0 : i32
      %dma_wait3A_1251 = tpu.memref_slice %arg4[%dma_wait3A_1249, %dma_wait3A_1250] : memref<32x1000000xf32, #tpu.memory_space<hbm>> -> memref<32x128xf32, #tpu.memory_space<hbm>>
      tpu.wait_dma2 semaphore(%dma_wait3A_1244 : memref<!tpu.dma_semaphore, #tpu.memory_space<semaphore_mem>>) src(%dma_wait3A_1251 : memref<32x128xf32, #tpu.memory_space<hbm>>) dst(%dma_wait3A_1248 : memref<32x128xf32, #tpu.memory_space<vmem>>)
      %dma_wait3A_1252 = arith.constant 4 : i32
      %dma_wait3A_1253 = arith.constant 4 : i32
      %dma_wait3A_1254 = arith.constant 0 : i32
      %dma_wait3A_1255 = arith.constant 0 : i32
      %dma_wait3A_1256 = tpu.memref_slice %arg12[%dma_wait3A_1252, %dma_wait3A_1254, %dma_wait3A_1255] : memref<8x32x128xf32, #tpu.memory_space<vmem>> -> memref<1x32x128xf32, #tpu.memory_space<vmem>>
      %dma_wait3A_1257 = tpu.memref_squeeze %dma_wait3A_1256 : memref<1x32x128xf32, #tpu.memory_space<vmem>> -> memref<32x128xf32, #tpu.memory_space<vmem>>
      %dma_wait3A_1258 = arith.constant 0 : i32
      %dma_wait3A_1259 = arith.constant 0 : i32
      %dma_wait3A_1260 = tpu.memref_slice %arg5[%dma_wait3A_1258, %dma_wait3A_1259] : memref<32x1000000xf32, #tpu.memory_space<hbm>> -> memref<32x128xf32, #tpu.memory_space<hbm>>
      %dma_wait3A_1261 = tpu.memref_slice %arg17[%dma_wait3A_1253] : memref<8x!tpu.dma_semaphore, #tpu.memory_space<semaphore_mem>> -> memref<1x!tpu.dma_semaphore, #tpu.memory_space<semaphore_mem>>
      %dma_wait3A_1262 = tpu.memref_squeeze %dma_wait3A_1261 : memref<1x!tpu.dma_semaphore, #tpu.memory_space<semaphore_mem>> -> memref<!tpu.dma_semaphore, #tpu.memory_space<semaphore_mem>>
      %dma_wait3A_1263 = arith.constant 0 : i32
      %dma_wait3A_1264 = arith.constant 0 : i32
      %dma_wait3A_1265 = tpu.memref_slice %arg12[%dma_wait3A_1252, %dma_wait3A_1263, %dma_wait3A_1264] : memref<8x32x128xf32, #tpu.memory_space<vmem>> -> memref<1x32x128xf32, #tpu.memory_space<vmem>>
      %dma_wait3A_1266 = tpu.memref_squeeze %dma_wait3A_1265 : memref<1x32x128xf32, #tpu.memory_space<vmem>> -> memref<32x128xf32, #tpu.memory_space<vmem>>
      %dma_wait3A_1267 = arith.constant 0 : i32
      %dma_wait3A_1268 = arith.constant 0 : i32
      %dma_wait3A_1269 = tpu.memref_slice %arg5[%dma_wait3A_1267, %dma_wait3A_1268] : memref<32x1000000xf32, #tpu.memory_space<hbm>> -> memref<32x128xf32, #tpu.memory_space<hbm>>
      tpu.wait_dma2 semaphore(%dma_wait3A_1262 : memref<!tpu.dma_semaphore, #tpu.memory_space<semaphore_mem>>) src(%dma_wait3A_1269 : memref<32x128xf32, #tpu.memory_space<hbm>>) dst(%dma_wait3A_1266 : memref<32x128xf32, #tpu.memory_space<vmem>>)
      %slice3A_1270 = vector.extract_strided_slice %get3A_671 {offsets = [4], sizes = [1], strides = [1]} : vector<16xi32> to vector<1xi32>
      %squeeze3A_1271 = vector.extract %slice3A_1270[0] : i32 from vector<1xi32>
      %and3A_1272 = arith.constant 127 : i32
      %and3A_1273 = arith.andi %squeeze3A_1271, %and3A_1272 : i32
      %broadcast_in_dim3A_1274 = vector.broadcast %and3A_1273 : i32 to vector<16xi32>
      %slice3A_1275 = vector.extract_strided_slice %get3A_675 {offsets = [4], sizes = [1], strides = [1]} : vector<16xi32> to vector<1xi32>
      %squeeze3A_1276 = vector.extract %slice3A_1275[0] : i32 from vector<1xi32>
      %and3A_1277 = arith.constant 127 : i32
      %and3A_1278 = arith.andi %squeeze3A_1276, %and3A_1277 : i32
      %broadcast_in_dim3A_1279 = vector.broadcast %and3A_1278 : i32 to vector<16xi32>
      %gather3A_1280 = arith.constant 4 : i32
      %gather3A_1281 = arith.constant 0 : i32
      %gather3A_1282 = arith.constant 0 : i32
      %gather3A_1283 = tpu.memref_slice %arg11[%gather3A_1280, %gather3A_1281, %gather3A_1282] : memref<8x32x128xf32, #tpu.memory_space<vmem>> -> memref<1x32x128xf32, #tpu.memory_space<vmem>>
      %gather3A_1284 = tpu.memref_squeeze %gather3A_1283 : memref<1x32x128xf32, #tpu.memory_space<vmem>> -> memref<32x128xf32, #tpu.memory_space<vmem>>
      %gather3A_1285 = tpu.vector_load_idx %gather3A_1284[%iota3A, %broadcast_in_dim3A_1274] : memref<32x128xf32, #tpu.memory_space<vmem>>[vector<16xi32>, vector<16xi32>], vector<16xf32>,
      %add3A_1286 = arith.constant 16 : i32
      %add3A_1287 = vector.broadcast %add3A_1286 : i32 to vector<16xi32>
      %add3A_1288 = arith.addi %iota3A, %add3A_1287 : vector<16xi32>
      %gather3A_1289 = arith.constant 4 : i32
      %gather3A_1290 = arith.constant 0 : i32
      %gather3A_1291 = arith.constant 0 : i32
      %gather3A_1292 = tpu.memref_slice %arg11[%gather3A_1289, %gather3A_1290, %gather3A_1291] : memref<8x32x128xf32, #tpu.memory_space<vmem>> -> memref<1x32x128xf32, #tpu.memory_space<vmem>>
      %gather3A_1293 = tpu.memref_squeeze %gather3A_1292 : memref<1x32x128xf32, #tpu.memory_space<vmem>> -> memref<32x128xf32, #tpu.memory_space<vmem>>
      %gather3A_1294 = tpu.vector_load_idx %gather3A_1293[%add3A_1288, %broadcast_in_dim3A_1274] : memref<32x128xf32, #tpu.memory_space<vmem>>[vector<16xi32>, vector<16xi32>], vector<16xf32>,
      %gather3A_1295 = arith.constant 4 : i32
      %gather3A_1296 = arith.constant 0 : i32
      %gather3A_1297 = arith.constant 0 : i32
      %gather3A_1298 = tpu.memref_slice %arg12[%gather3A_1295, %gather3A_1296, %gather3A_1297] : memref<8x32x128xf32, #tpu.memory_space<vmem>> -> memref<1x32x128xf32, #tpu.memory_space<vmem>>
      %gather3A_1299 = tpu.memref_squeeze %gather3A_1298 : memref<1x32x128xf32, #tpu.memory_space<vmem>> -> memref<32x128xf32, #tpu.memory_space<vmem>>
      %gather3A_1300 = tpu.vector_load_idx %gather3A_1299[%iota3A, %broadcast_in_dim3A_1279] : memref<32x128xf32, #tpu.memory_space<vmem>>[vector<16xi32>, vector<16xi32>], vector<16xf32>,
      %add3A_1301 = arith.constant 16 : i32
      %add3A_1302 = vector.broadcast %add3A_1301 : i32 to vector<16xi32>
      %add3A_1303 = arith.addi %iota3A, %add3A_1302 : vector<16xi32>
      %gather3A_1304 = arith.constant 4 : i32
      %gather3A_1305 = arith.constant 0 : i32
      %gather3A_1306 = arith.constant 0 : i32
      %gather3A_1307 = tpu.memref_slice %arg12[%gather3A_1304, %gather3A_1305, %gather3A_1306] : memref<8x32x128xf32, #tpu.memory_space<vmem>> -> memref<1x32x128xf32, #tpu.memory_space<vmem>>
      %gather3A_1308 = tpu.memref_squeeze %gather3A_1307 : memref<1x32x128xf32, #tpu.memory_space<vmem>> -> memref<32x128xf32, #tpu.memory_space<vmem>>
      %gather3A_1309 = tpu.vector_load_idx %gather3A_1308[%add3A_1303, %broadcast_in_dim3A_1279] : memref<32x128xf32, #tpu.memory_space<vmem>>[vector<16xi32>, vector<16xi32>], vector<16xf32>,
      %mul3A_1310 = arith.mulf %gather3A_1285, %gather3A_1300 : vector<16xf32>
      %mul3A_1311 = arith.mulf %mul3A_1310, %get3A_3 : vector<16xf32>
      %mul3A_1312 = arith.mulf %gather3A_1294, %gather3A_1309 : vector<16xf32>
      %mul3A_1313 = arith.mulf %mul3A_1312, %get3A_5 : vector<16xf32>
      %add3A_1314 = arith.addf %mul3A_1311, %mul3A_1313 : vector<16xf32>
      %reduce_sum3A_1315 = arith.constant true
      %reduce_sum3A_1316 = vector.broadcast %reduce_sum3A_1315 : i1 to vector<16xi1>
      %reduce_sum3A_1317 = tpu.scan <sum>, %add3A_1314 masked %reduce_sum3A_1316 : vector<16xf32>, vector<16xi1> -> vector<16xf32>
      %reduce_sum3A_1318 = vector.extract %reduce_sum3A_1317[15] : f32 from vector<16xf32>
      %eq3A_1319 = arith.constant 4 : i32
      %eq3A_1320 = vector.broadcast %eq3A_1319 : i32 to vector<16xi32>
      %eq3A_1321 = arith.cmpi eq, %iota3A, %eq3A_1320 : vector<16xi32>
      %jit3A_1322 = arith.constant 0.000000e+00 : f32
      %broadcast_in_dim3A_1323 = vector.broadcast %reduce_sum3A_1318 : f32 to vector<16xf32>
      %broadcast_in_dim3A_1324 = vector.broadcast %jit3A_1322 : f32 to vector<16xf32>
      %select_n3A_1325 = arith.select %eq3A_1321, %broadcast_in_dim3A_1323, %broadcast_in_dim3A_1324 : vector<16xi1>, vector<16xf32>
      %add3A_1326 = arith.addf %add3A_1187, %select_n3A_1325 : vector<16xf32>
      %slice3A_1327 = vector.extract_strided_slice %get3A_671 {offsets = [12], sizes = [1], strides = [1]} : vector<16xi32> to vector<1xi32>
      %squeeze3A_1328 = vector.extract %slice3A_1327[0] : i32 from vector<1xi32>
      %slice3A_1329 = vector.extract_strided_slice %get3A_675 {offsets = [12], sizes = [1], strides = [1]} : vector<16xi32> to vector<1xi32>
      %squeeze3A_1330 = vector.extract %slice3A_1329[0] : i32 from vector<1xi32>
      %shift_right_arithmetic3A_1331 = arith.constant 7 : i32
      %shift_right_arithmetic3A_1332 = arith.shrsi %squeeze3A_1328, %shift_right_arithmetic3A_1331 : i32
      %mul3A_1333 = arith.constant 128 : i32
      %mul3A_1334 = arith.muli %shift_right_arithmetic3A_1332, %mul3A_1333 : i32
      %multiple_of3A_1335 = tpu.assume_multiple %mul3A_1334, 128 : i32
      %shift_right_arithmetic3A_1336 = arith.constant 7 : i32
      %shift_right_arithmetic3A_1337 = arith.shrsi %squeeze3A_1330, %shift_right_arithmetic3A_1336 : i32
      %mul3A_1338 = arith.constant 128 : i32
      %mul3A_1339 = arith.muli %shift_right_arithmetic3A_1337, %mul3A_1338 : i32
      %multiple_of3A_1340 = tpu.assume_multiple %mul3A_1339, 128 : i32
      %dma_start3A_1341 = arith.constant 4 : i32
      %dma_start3A_1342 = arith.constant 4 : i32
      %dma_start3A_1343 = arith.constant 0 : i32
      %dma_start3A_1344 = arith.constant 0 : i32
      %dma_start3A_1345 = tpu.memref_slice %arg11[%dma_start3A_1341, %dma_start3A_1343, %dma_start3A_1344] : memref<8x32x128xf32, #tpu.memory_space<vmem>> -> memref<1x32x128xf32, #tpu.memory_space<vmem>>
      %dma_start3A_1346 = tpu.memref_squeeze %dma_start3A_1345 : memref<1x32x128xf32, #tpu.memory_space<vmem>> -> memref<32x128xf32, #tpu.memory_space<vmem>>
      %dma_start3A_1347 = arith.constant 0 : i32
      %dma_start3A_1348 = tpu.memref_slice %arg4[%dma_start3A_1347, %multiple_of3A_1335] : memref<32x1000000xf32, #tpu.memory_space<hbm>> -> memref<32x128xf32, #tpu.memory_space<hbm>>
      %dma_start3A_1349 = tpu.memref_slice %arg16[%dma_start3A_1342] : memref<8x!tpu.dma_semaphore, #tpu.memory_space<semaphore_mem>> -> memref<1x!tpu.dma_semaphore, #tpu.memory_space<semaphore_mem>>
      %dma_start3A_1350 = tpu.memref_squeeze %dma_start3A_1349 : memref<1x!tpu.dma_semaphore, #tpu.memory_space<semaphore_mem>> -> memref<!tpu.dma_semaphore, #tpu.memory_space<semaphore_mem>>
      %dma_start3A_1351 = arith.constant 0 : i32
      %dma_start3A_1352 = arith.constant 0 : i32
      %dma_start3A_1353 = tpu.memref_slice %arg11[%dma_start3A_1341, %dma_start3A_1351, %dma_start3A_1352] : memref<8x32x128xf32, #tpu.memory_space<vmem>> -> memref<1x32x128xf32, #tpu.memory_space<vmem>>
      %dma_start3A_1354 = tpu.memref_squeeze %dma_start3A_1353 : memref<1x32x128xf32, #tpu.memory_space<vmem>> -> memref<32x128xf32, #tpu.memory_space<vmem>>
      %dma_start3A_1355 = arith.constant 0 : i32
      %dma_start3A_1356 = tpu.memref_slice %arg4[%dma_start3A_1355, %multiple_of3A_1335] : memref<32x1000000xf32, #tpu.memory_space<hbm>> -> memref<32x128xf32, #tpu.memory_space<hbm>>
      tpu.enqueue_dma source(%dma_start3A_1356 : memref<32x128xf32, #tpu.memory_space<hbm>>) target(%dma_start3A_1354 : memref<32x128xf32, #tpu.memory_space<vmem>>) target_semaphore(%dma_start3A_1350 : memref<!tpu.dma_semaphore, #tpu.memory_space<semaphore_mem>>)
      %dma_start3A_1357 = arith.constant 4 : i32
      %dma_start3A_1358 = arith.constant 4 : i32
      %dma_start3A_1359 = arith.constant 0 : i32
      %dma_start3A_1360 = arith.constant 0 : i32
      %dma_start3A_1361 = tpu.memref_slice %arg12[%dma_start3A_1357, %dma_start3A_1359, %dma_start3A_1360] : memref<8x32x128xf32, #tpu.memory_space<vmem>> -> memref<1x32x128xf32, #tpu.memory_space<vmem>>
      %dma_start3A_1362 = tpu.memref_squeeze %dma_start3A_1361 : memref<1x32x128xf32, #tpu.memory_space<vmem>> -> memref<32x128xf32, #tpu.memory_space<vmem>>
      %dma_start3A_1363 = arith.constant 0 : i32
      %dma_start3A_1364 = tpu.memref_slice %arg5[%dma_start3A_1363, %multiple_of3A_1340] : memref<32x1000000xf32, #tpu.memory_space<hbm>> -> memref<32x128xf32, #tpu.memory_space<hbm>>
      %dma_start3A_1365 = tpu.memref_slice %arg17[%dma_start3A_1358] : memref<8x!tpu.dma_semaphore, #tpu.memory_space<semaphore_mem>> -> memref<1x!tpu.dma_semaphore, #tpu.memory_space<semaphore_mem>>
      %dma_start3A_1366 = tpu.memref_squeeze %dma_start3A_1365 : memref<1x!tpu.dma_semaphore, #tpu.memory_space<semaphore_mem>> -> memref<!tpu.dma_semaphore, #tpu.memory_space<semaphore_mem>>
      %dma_start3A_1367 = arith.constant 0 : i32
      %dma_start3A_1368 = arith.constant 0 : i32
      %dma_start3A_1369 = tpu.memref_slice %arg12[%dma_start3A_1357, %dma_start3A_1367, %dma_start3A_1368] : memref<8x32x128xf32, #tpu.memory_space<vmem>> -> memref<1x32x128xf32, #tpu.memory_space<vmem>>
      %dma_start3A_1370 = tpu.memref_squeeze %dma_start3A_1369 : memref<1x32x128xf32, #tpu.memory_space<vmem>> -> memref<32x128xf32, #tpu.memory_space<vmem>>
      %dma_start3A_1371 = arith.constant 0 : i32
      %dma_start3A_1372 = tpu.memref_slice %arg5[%dma_start3A_1371, %multiple_of3A_1340] : memref<32x1000000xf32, #tpu.memory_space<hbm>> -> memref<32x128xf32, #tpu.memory_space<hbm>>
      tpu.enqueue_dma source(%dma_start3A_1372 : memref<32x128xf32, #tpu.memory_space<hbm>>) target(%dma_start3A_1370 : memref<32x128xf32, #tpu.memory_space<vmem>>) target_semaphore(%dma_start3A_1366 : memref<!tpu.dma_semaphore, #tpu.memory_space<semaphore_mem>>)
      %dma_wait3A_1373 = arith.constant 5 : i32
      %dma_wait3A_1374 = arith.constant 5 : i32
      %dma_wait3A_1375 = arith.constant 0 : i32
      %dma_wait3A_1376 = arith.constant 0 : i32
      %dma_wait3A_1377 = tpu.memref_slice %arg11[%dma_wait3A_1373, %dma_wait3A_1375, %dma_wait3A_1376] : memref<8x32x128xf32, #tpu.memory_space<vmem>> -> memref<1x32x128xf32, #tpu.memory_space<vmem>>
      %dma_wait3A_1378 = tpu.memref_squeeze %dma_wait3A_1377 : memref<1x32x128xf32, #tpu.memory_space<vmem>> -> memref<32x128xf32, #tpu.memory_space<vmem>>
      %dma_wait3A_1379 = arith.constant 0 : i32
      %dma_wait3A_1380 = arith.constant 0 : i32
      %dma_wait3A_1381 = tpu.memref_slice %arg4[%dma_wait3A_1379, %dma_wait3A_1380] : memref<32x1000000xf32, #tpu.memory_space<hbm>> -> memref<32x128xf32, #tpu.memory_space<hbm>>
      %dma_wait3A_1382 = tpu.memref_slice %arg16[%dma_wait3A_1374] : memref<8x!tpu.dma_semaphore, #tpu.memory_space<semaphore_mem>> -> memref<1x!tpu.dma_semaphore, #tpu.memory_space<semaphore_mem>>
      %dma_wait3A_1383 = tpu.memref_squeeze %dma_wait3A_1382 : memref<1x!tpu.dma_semaphore, #tpu.memory_space<semaphore_mem>> -> memref<!tpu.dma_semaphore, #tpu.memory_space<semaphore_mem>>
      %dma_wait3A_1384 = arith.constant 0 : i32
      %dma_wait3A_1385 = arith.constant 0 : i32
      %dma_wait3A_1386 = tpu.memref_slice %arg11[%dma_wait3A_1373, %dma_wait3A_1384, %dma_wait3A_1385] : memref<8x32x128xf32, #tpu.memory_space<vmem>> -> memref<1x32x128xf32, #tpu.memory_space<vmem>>
      %dma_wait3A_1387 = tpu.memref_squeeze %dma_wait3A_1386 : memref<1x32x128xf32, #tpu.memory_space<vmem>> -> memref<32x128xf32, #tpu.memory_space<vmem>>
      %dma_wait3A_1388 = arith.constant 0 : i32
      %dma_wait3A_1389 = arith.constant 0 : i32
      %dma_wait3A_1390 = tpu.memref_slice %arg4[%dma_wait3A_1388, %dma_wait3A_1389] : memref<32x1000000xf32, #tpu.memory_space<hbm>> -> memref<32x128xf32, #tpu.memory_space<hbm>>
      tpu.wait_dma2 semaphore(%dma_wait3A_1383 : memref<!tpu.dma_semaphore, #tpu.memory_space<semaphore_mem>>) src(%dma_wait3A_1390 : memref<32x128xf32, #tpu.memory_space<hbm>>) dst(%dma_wait3A_1387 : memref<32x128xf32, #tpu.memory_space<vmem>>)
      %dma_wait3A_1391 = arith.constant 5 : i32
      %dma_wait3A_1392 = arith.constant 5 : i32
      %dma_wait3A_1393 = arith.constant 0 : i32
      %dma_wait3A_1394 = arith.constant 0 : i32
      %dma_wait3A_1395 = tpu.memref_slice %arg12[%dma_wait3A_1391, %dma_wait3A_1393, %dma_wait3A_1394] : memref<8x32x128xf32, #tpu.memory_space<vmem>> -> memref<1x32x128xf32, #tpu.memory_space<vmem>>
      %dma_wait3A_1396 = tpu.memref_squeeze %dma_wait3A_1395 : memref<1x32x128xf32, #tpu.memory_space<vmem>> -> memref<32x128xf32, #tpu.memory_space<vmem>>
      %dma_wait3A_1397 = arith.constant 0 : i32
      %dma_wait3A_1398 = arith.constant 0 : i32
      %dma_wait3A_1399 = tpu.memref_slice %arg5[%dma_wait3A_1397, %dma_wait3A_1398] : memref<32x1000000xf32, #tpu.memory_space<hbm>> -> memref<32x128xf32, #tpu.memory_space<hbm>>
      %dma_wait3A_1400 = tpu.memref_slice %arg17[%dma_wait3A_1392] : memref<8x!tpu.dma_semaphore, #tpu.memory_space<semaphore_mem>> -> memref<1x!tpu.dma_semaphore, #tpu.memory_space<semaphore_mem>>
      %dma_wait3A_1401 = tpu.memref_squeeze %dma_wait3A_1400 : memref<1x!tpu.dma_semaphore, #tpu.memory_space<semaphore_mem>> -> memref<!tpu.dma_semaphore, #tpu.memory_space<semaphore_mem>>
      %dma_wait3A_1402 = arith.constant 0 : i32
      %dma_wait3A_1403 = arith.constant 0 : i32
      %dma_wait3A_1404 = tpu.memref_slice %arg12[%dma_wait3A_1391, %dma_wait3A_1402, %dma_wait3A_1403] : memref<8x32x128xf32, #tpu.memory_space<vmem>> -> memref<1x32x128xf32, #tpu.memory_space<vmem>>
      %dma_wait3A_1405 = tpu.memref_squeeze %dma_wait3A_1404 : memref<1x32x128xf32, #tpu.memory_space<vmem>> -> memref<32x128xf32, #tpu.memory_space<vmem>>
      %dma_wait3A_1406 = arith.constant 0 : i32
      %dma_wait3A_1407 = arith.constant 0 : i32
      %dma_wait3A_1408 = tpu.memref_slice %arg5[%dma_wait3A_1406, %dma_wait3A_1407] : memref<32x1000000xf32, #tpu.memory_space<hbm>> -> memref<32x128xf32, #tpu.memory_space<hbm>>
      tpu.wait_dma2 semaphore(%dma_wait3A_1401 : memref<!tpu.dma_semaphore, #tpu.memory_space<semaphore_mem>>) src(%dma_wait3A_1408 : memref<32x128xf32, #tpu.memory_space<hbm>>) dst(%dma_wait3A_1405 : memref<32x128xf32, #tpu.memory_space<vmem>>)
      %slice3A_1409 = vector.extract_strided_slice %get3A_671 {offsets = [5], sizes = [1], strides = [1]} : vector<16xi32> to vector<1xi32>
      %squeeze3A_1410 = vector.extract %slice3A_1409[0] : i32 from vector<1xi32>
      %and3A_1411 = arith.constant 127 : i32
      %and3A_1412 = arith.andi %squeeze3A_1410, %and3A_1411 : i32
      %broadcast_in_dim3A_1413 = vector.broadcast %and3A_1412 : i32 to vector<16xi32>
      %slice3A_1414 = vector.extract_strided_slice %get3A_675 {offsets = [5], sizes = [1], strides = [1]} : vector<16xi32> to vector<1xi32>
      %squeeze3A_1415 = vector.extract %slice3A_1414[0] : i32 from vector<1xi32>
      %and3A_1416 = arith.constant 127 : i32
      %and3A_1417 = arith.andi %squeeze3A_1415, %and3A_1416 : i32
      %broadcast_in_dim3A_1418 = vector.broadcast %and3A_1417 : i32 to vector<16xi32>
      %gather3A_1419 = arith.constant 5 : i32
      %gather3A_1420 = arith.constant 0 : i32
      %gather3A_1421 = arith.constant 0 : i32
      %gather3A_1422 = tpu.memref_slice %arg11[%gather3A_1419, %gather3A_1420, %gather3A_1421] : memref<8x32x128xf32, #tpu.memory_space<vmem>> -> memref<1x32x128xf32, #tpu.memory_space<vmem>>
      %gather3A_1423 = tpu.memref_squeeze %gather3A_1422 : memref<1x32x128xf32, #tpu.memory_space<vmem>> -> memref<32x128xf32, #tpu.memory_space<vmem>>
      %gather3A_1424 = tpu.vector_load_idx %gather3A_1423[%iota3A, %broadcast_in_dim3A_1413] : memref<32x128xf32, #tpu.memory_space<vmem>>[vector<16xi32>, vector<16xi32>], vector<16xf32>,
      %add3A_1425 = arith.constant 16 : i32
      %add3A_1426 = vector.broadcast %add3A_1425 : i32 to vector<16xi32>
      %add3A_1427 = arith.addi %iota3A, %add3A_1426 : vector<16xi32>
      %gather3A_1428 = arith.constant 5 : i32
      %gather3A_1429 = arith.constant 0 : i32
      %gather3A_1430 = arith.constant 0 : i32
      %gather3A_1431 = tpu.memref_slice %arg11[%gather3A_1428, %gather3A_1429, %gather3A_1430] : memref<8x32x128xf32, #tpu.memory_space<vmem>> -> memref<1x32x128xf32, #tpu.memory_space<vmem>>
      %gather3A_1432 = tpu.memref_squeeze %gather3A_1431 : memref<1x32x128xf32, #tpu.memory_space<vmem>> -> memref<32x128xf32, #tpu.memory_space<vmem>>
      %gather3A_1433 = tpu.vector_load_idx %gather3A_1432[%add3A_1427, %broadcast_in_dim3A_1413] : memref<32x128xf32, #tpu.memory_space<vmem>>[vector<16xi32>, vector<16xi32>], vector<16xf32>,
      %gather3A_1434 = arith.constant 5 : i32
      %gather3A_1435 = arith.constant 0 : i32
      %gather3A_1436 = arith.constant 0 : i32
      %gather3A_1437 = tpu.memref_slice %arg12[%gather3A_1434, %gather3A_1435, %gather3A_1436] : memref<8x32x128xf32, #tpu.memory_space<vmem>> -> memref<1x32x128xf32, #tpu.memory_space<vmem>>
      %gather3A_1438 = tpu.memref_squeeze %gather3A_1437 : memref<1x32x128xf32, #tpu.memory_space<vmem>> -> memref<32x128xf32, #tpu.memory_space<vmem>>
      %gather3A_1439 = tpu.vector_load_idx %gather3A_1438[%iota3A, %broadcast_in_dim3A_1418] : memref<32x128xf32, #tpu.memory_space<vmem>>[vector<16xi32>, vector<16xi32>], vector<16xf32>,
      %add3A_1440 = arith.constant 16 : i32
      %add3A_1441 = vector.broadcast %add3A_1440 : i32 to vector<16xi32>
      %add3A_1442 = arith.addi %iota3A, %add3A_1441 : vector<16xi32>
      %gather3A_1443 = arith.constant 5 : i32
      %gather3A_1444 = arith.constant 0 : i32
      %gather3A_1445 = arith.constant 0 : i32
      %gather3A_1446 = tpu.memref_slice %arg12[%gather3A_1443, %gather3A_1444, %gather3A_1445] : memref<8x32x128xf32, #tpu.memory_space<vmem>> -> memref<1x32x128xf32, #tpu.memory_space<vmem>>
      %gather3A_1447 = tpu.memref_squeeze %gather3A_1446 : memref<1x32x128xf32, #tpu.memory_space<vmem>> -> memref<32x128xf32, #tpu.memory_space<vmem>>
      %gather3A_1448 = tpu.vector_load_idx %gather3A_1447[%add3A_1442, %broadcast_in_dim3A_1418] : memref<32x128xf32, #tpu.memory_space<vmem>>[vector<16xi32>, vector<16xi32>], vector<16xf32>,
      %mul3A_1449 = arith.mulf %gather3A_1424, %gather3A_1439 : vector<16xf32>
      %mul3A_1450 = arith.mulf %mul3A_1449, %get3A_3 : vector<16xf32>
      %mul3A_1451 = arith.mulf %gather3A_1433, %gather3A_1448 : vector<16xf32>
      %mul3A_1452 = arith.mulf %mul3A_1451, %get3A_5 : vector<16xf32>
      %add3A_1453 = arith.addf %mul3A_1450, %mul3A_1452 : vector<16xf32>
      %reduce_sum3A_1454 = arith.constant true
      %reduce_sum3A_1455 = vector.broadcast %reduce_sum3A_1454 : i1 to vector<16xi1>
      %reduce_sum3A_1456 = tpu.scan <sum>, %add3A_1453 masked %reduce_sum3A_1455 : vector<16xf32>, vector<16xi1> -> vector<16xf32>
      %reduce_sum3A_1457 = vector.extract %reduce_sum3A_1456[15] : f32 from vector<16xf32>
      %eq3A_1458 = arith.constant 5 : i32
      %eq3A_1459 = vector.broadcast %eq3A_1458 : i32 to vector<16xi32>
      %eq3A_1460 = arith.cmpi eq, %iota3A, %eq3A_1459 : vector<16xi32>
      %jit3A_1461 = arith.constant 0.000000e+00 : f32
      %broadcast_in_dim3A_1462 = vector.broadcast %reduce_sum3A_1457 : f32 to vector<16xf32>
      %broadcast_in_dim3A_1463 = vector.broadcast %jit3A_1461 : f32 to vector<16xf32>
      %select_n3A_1464 = arith.select %eq3A_1460, %broadcast_in_dim3A_1462, %broadcast_in_dim3A_1463 : vector<16xi1>, vector<16xf32>
      %add3A_1465 = arith.addf %add3A_1326, %select_n3A_1464 : vector<16xf32>
      %slice3A_1466 = vector.extract_strided_slice %get3A_671 {offsets = [13], sizes = [1], strides = [1]} : vector<16xi32> to vector<1xi32>
      %squeeze3A_1467 = vector.extract %slice3A_1466[0] : i32 from vector<1xi32>
      %slice3A_1468 = vector.extract_strided_slice %get3A_675 {offsets = [13], sizes = [1], strides = [1]} : vector<16xi32> to vector<1xi32>
      %squeeze3A_1469 = vector.extract %slice3A_1468[0] : i32 from vector<1xi32>
      %shift_right_arithmetic3A_1470 = arith.constant 7 : i32
      %shift_right_arithmetic3A_1471 = arith.shrsi %squeeze3A_1467, %shift_right_arithmetic3A_1470 : i32
      %mul3A_1472 = arith.constant 128 : i32
      %mul3A_1473 = arith.muli %shift_right_arithmetic3A_1471, %mul3A_1472 : i32
      %multiple_of3A_1474 = tpu.assume_multiple %mul3A_1473, 128 : i32
      %shift_right_arithmetic3A_1475 = arith.constant 7 : i32
      %shift_right_arithmetic3A_1476 = arith.shrsi %squeeze3A_1469, %shift_right_arithmetic3A_1475 : i32
      %mul3A_1477 = arith.constant 128 : i32
      %mul3A_1478 = arith.muli %shift_right_arithmetic3A_1476, %mul3A_1477 : i32
      %multiple_of3A_1479 = tpu.assume_multiple %mul3A_1478, 128 : i32
      %dma_start3A_1480 = arith.constant 5 : i32
      %dma_start3A_1481 = arith.constant 5 : i32
      %dma_start3A_1482 = arith.constant 0 : i32
      %dma_start3A_1483 = arith.constant 0 : i32
      %dma_start3A_1484 = tpu.memref_slice %arg11[%dma_start3A_1480, %dma_start3A_1482, %dma_start3A_1483] : memref<8x32x128xf32, #tpu.memory_space<vmem>> -> memref<1x32x128xf32, #tpu.memory_space<vmem>>
      %dma_start3A_1485 = tpu.memref_squeeze %dma_start3A_1484 : memref<1x32x128xf32, #tpu.memory_space<vmem>> -> memref<32x128xf32, #tpu.memory_space<vmem>>
      %dma_start3A_1486 = arith.constant 0 : i32
      %dma_start3A_1487 = tpu.memref_slice %arg4[%dma_start3A_1486, %multiple_of3A_1474] : memref<32x1000000xf32, #tpu.memory_space<hbm>> -> memref<32x128xf32, #tpu.memory_space<hbm>>
      %dma_start3A_1488 = tpu.memref_slice %arg16[%dma_start3A_1481] : memref<8x!tpu.dma_semaphore, #tpu.memory_space<semaphore_mem>> -> memref<1x!tpu.dma_semaphore, #tpu.memory_space<semaphore_mem>>
      %dma_start3A_1489 = tpu.memref_squeeze %dma_start3A_1488 : memref<1x!tpu.dma_semaphore, #tpu.memory_space<semaphore_mem>> -> memref<!tpu.dma_semaphore, #tpu.memory_space<semaphore_mem>>
      %dma_start3A_1490 = arith.constant 0 : i32
      %dma_start3A_1491 = arith.constant 0 : i32
      %dma_start3A_1492 = tpu.memref_slice %arg11[%dma_start3A_1480, %dma_start3A_1490, %dma_start3A_1491] : memref<8x32x128xf32, #tpu.memory_space<vmem>> -> memref<1x32x128xf32, #tpu.memory_space<vmem>>
      %dma_start3A_1493 = tpu.memref_squeeze %dma_start3A_1492 : memref<1x32x128xf32, #tpu.memory_space<vmem>> -> memref<32x128xf32, #tpu.memory_space<vmem>>
      %dma_start3A_1494 = arith.constant 0 : i32
      %dma_start3A_1495 = tpu.memref_slice %arg4[%dma_start3A_1494, %multiple_of3A_1474] : memref<32x1000000xf32, #tpu.memory_space<hbm>> -> memref<32x128xf32, #tpu.memory_space<hbm>>
      tpu.enqueue_dma source(%dma_start3A_1495 : memref<32x128xf32, #tpu.memory_space<hbm>>) target(%dma_start3A_1493 : memref<32x128xf32, #tpu.memory_space<vmem>>) target_semaphore(%dma_start3A_1489 : memref<!tpu.dma_semaphore, #tpu.memory_space<semaphore_mem>>)
      %dma_start3A_1496 = arith.constant 5 : i32
      %dma_start3A_1497 = arith.constant 5 : i32
      %dma_start3A_1498 = arith.constant 0 : i32
      %dma_start3A_1499 = arith.constant 0 : i32
      %dma_start3A_1500 = tpu.memref_slice %arg12[%dma_start3A_1496, %dma_start3A_1498, %dma_start3A_1499] : memref<8x32x128xf32, #tpu.memory_space<vmem>> -> memref<1x32x128xf32, #tpu.memory_space<vmem>>
      %dma_start3A_1501 = tpu.memref_squeeze %dma_start3A_1500 : memref<1x32x128xf32, #tpu.memory_space<vmem>> -> memref<32x128xf32, #tpu.memory_space<vmem>>
      %dma_start3A_1502 = arith.constant 0 : i32
      %dma_start3A_1503 = tpu.memref_slice %arg5[%dma_start3A_1502, %multiple_of3A_1479] : memref<32x1000000xf32, #tpu.memory_space<hbm>> -> memref<32x128xf32, #tpu.memory_space<hbm>>
      %dma_start3A_1504 = tpu.memref_slice %arg17[%dma_start3A_1497] : memref<8x!tpu.dma_semaphore, #tpu.memory_space<semaphore_mem>> -> memref<1x!tpu.dma_semaphore, #tpu.memory_space<semaphore_mem>>
      %dma_start3A_1505 = tpu.memref_squeeze %dma_start3A_1504 : memref<1x!tpu.dma_semaphore, #tpu.memory_space<semaphore_mem>> -> memref<!tpu.dma_semaphore, #tpu.memory_space<semaphore_mem>>
      %dma_start3A_1506 = arith.constant 0 : i32
      %dma_start3A_1507 = arith.constant 0 : i32
      %dma_start3A_1508 = tpu.memref_slice %arg12[%dma_start3A_1496, %dma_start3A_1506, %dma_start3A_1507] : memref<8x32x128xf32, #tpu.memory_space<vmem>> -> memref<1x32x128xf32, #tpu.memory_space<vmem>>
      %dma_start3A_1509 = tpu.memref_squeeze %dma_start3A_1508 : memref<1x32x128xf32, #tpu.memory_space<vmem>> -> memref<32x128xf32, #tpu.memory_space<vmem>>
      %dma_start3A_1510 = arith.constant 0 : i32
      %dma_start3A_1511 = tpu.memref_slice %arg5[%dma_start3A_1510, %multiple_of3A_1479] : memref<32x1000000xf32, #tpu.memory_space<hbm>> -> memref<32x128xf32, #tpu.memory_space<hbm>>
      tpu.enqueue_dma source(%dma_start3A_1511 : memref<32x128xf32, #tpu.memory_space<hbm>>) target(%dma_start3A_1509 : memref<32x128xf32, #tpu.memory_space<vmem>>) target_semaphore(%dma_start3A_1505 : memref<!tpu.dma_semaphore, #tpu.memory_space<semaphore_mem>>)
      %dma_wait3A_1512 = arith.constant 6 : i32
      %dma_wait3A_1513 = arith.constant 6 : i32
      %dma_wait3A_1514 = arith.constant 0 : i32
      %dma_wait3A_1515 = arith.constant 0 : i32
      %dma_wait3A_1516 = tpu.memref_slice %arg11[%dma_wait3A_1512, %dma_wait3A_1514, %dma_wait3A_1515] : memref<8x32x128xf32, #tpu.memory_space<vmem>> -> memref<1x32x128xf32, #tpu.memory_space<vmem>>
      %dma_wait3A_1517 = tpu.memref_squeeze %dma_wait3A_1516 : memref<1x32x128xf32, #tpu.memory_space<vmem>> -> memref<32x128xf32, #tpu.memory_space<vmem>>
      %dma_wait3A_1518 = arith.constant 0 : i32
      %dma_wait3A_1519 = arith.constant 0 : i32
      %dma_wait3A_1520 = tpu.memref_slice %arg4[%dma_wait3A_1518, %dma_wait3A_1519] : memref<32x1000000xf32, #tpu.memory_space<hbm>> -> memref<32x128xf32, #tpu.memory_space<hbm>>
      %dma_wait3A_1521 = tpu.memref_slice %arg16[%dma_wait3A_1513] : memref<8x!tpu.dma_semaphore, #tpu.memory_space<semaphore_mem>> -> memref<1x!tpu.dma_semaphore, #tpu.memory_space<semaphore_mem>>
      %dma_wait3A_1522 = tpu.memref_squeeze %dma_wait3A_1521 : memref<1x!tpu.dma_semaphore, #tpu.memory_space<semaphore_mem>> -> memref<!tpu.dma_semaphore, #tpu.memory_space<semaphore_mem>>
      %dma_wait3A_1523 = arith.constant 0 : i32
      %dma_wait3A_1524 = arith.constant 0 : i32
      %dma_wait3A_1525 = tpu.memref_slice %arg11[%dma_wait3A_1512, %dma_wait3A_1523, %dma_wait3A_1524] : memref<8x32x128xf32, #tpu.memory_space<vmem>> -> memref<1x32x128xf32, #tpu.memory_space<vmem>>
      %dma_wait3A_1526 = tpu.memref_squeeze %dma_wait3A_1525 : memref<1x32x128xf32, #tpu.memory_space<vmem>> -> memref<32x128xf32, #tpu.memory_space<vmem>>
      %dma_wait3A_1527 = arith.constant 0 : i32
      %dma_wait3A_1528 = arith.constant 0 : i32
      %dma_wait3A_1529 = tpu.memref_slice %arg4[%dma_wait3A_1527, %dma_wait3A_1528] : memref<32x1000000xf32, #tpu.memory_space<hbm>> -> memref<32x128xf32, #tpu.memory_space<hbm>>
      tpu.wait_dma2 semaphore(%dma_wait3A_1522 : memref<!tpu.dma_semaphore, #tpu.memory_space<semaphore_mem>>) src(%dma_wait3A_1529 : memref<32x128xf32, #tpu.memory_space<hbm>>) dst(%dma_wait3A_1526 : memref<32x128xf32, #tpu.memory_space<vmem>>)
      %dma_wait3A_1530 = arith.constant 6 : i32
      %dma_wait3A_1531 = arith.constant 6 : i32
      %dma_wait3A_1532 = arith.constant 0 : i32
      %dma_wait3A_1533 = arith.constant 0 : i32
      %dma_wait3A_1534 = tpu.memref_slice %arg12[%dma_wait3A_1530, %dma_wait3A_1532, %dma_wait3A_1533] : memref<8x32x128xf32, #tpu.memory_space<vmem>> -> memref<1x32x128xf32, #tpu.memory_space<vmem>>
      %dma_wait3A_1535 = tpu.memref_squeeze %dma_wait3A_1534 : memref<1x32x128xf32, #tpu.memory_space<vmem>> -> memref<32x128xf32, #tpu.memory_space<vmem>>
      %dma_wait3A_1536 = arith.constant 0 : i32
      %dma_wait3A_1537 = arith.constant 0 : i32
      %dma_wait3A_1538 = tpu.memref_slice %arg5[%dma_wait3A_1536, %dma_wait3A_1537] : memref<32x1000000xf32, #tpu.memory_space<hbm>> -> memref<32x128xf32, #tpu.memory_space<hbm>>
      %dma_wait3A_1539 = tpu.memref_slice %arg17[%dma_wait3A_1531] : memref<8x!tpu.dma_semaphore, #tpu.memory_space<semaphore_mem>> -> memref<1x!tpu.dma_semaphore, #tpu.memory_space<semaphore_mem>>
      %dma_wait3A_1540 = tpu.memref_squeeze %dma_wait3A_1539 : memref<1x!tpu.dma_semaphore, #tpu.memory_space<semaphore_mem>> -> memref<!tpu.dma_semaphore, #tpu.memory_space<semaphore_mem>>
      %dma_wait3A_1541 = arith.constant 0 : i32
      %dma_wait3A_1542 = arith.constant 0 : i32
      %dma_wait3A_1543 = tpu.memref_slice %arg12[%dma_wait3A_1530, %dma_wait3A_1541, %dma_wait3A_1542] : memref<8x32x128xf32, #tpu.memory_space<vmem>> -> memref<1x32x128xf32, #tpu.memory_space<vmem>>
      %dma_wait3A_1544 = tpu.memref_squeeze %dma_wait3A_1543 : memref<1x32x128xf32, #tpu.memory_space<vmem>> -> memref<32x128xf32, #tpu.memory_space<vmem>>
      %dma_wait3A_1545 = arith.constant 0 : i32
      %dma_wait3A_1546 = arith.constant 0 : i32
      %dma_wait3A_1547 = tpu.memref_slice %arg5[%dma_wait3A_1545, %dma_wait3A_1546] : memref<32x1000000xf32, #tpu.memory_space<hbm>> -> memref<32x128xf32, #tpu.memory_space<hbm>>
      tpu.wait_dma2 semaphore(%dma_wait3A_1540 : memref<!tpu.dma_semaphore, #tpu.memory_space<semaphore_mem>>) src(%dma_wait3A_1547 : memref<32x128xf32, #tpu.memory_space<hbm>>) dst(%dma_wait3A_1544 : memref<32x128xf32, #tpu.memory_space<vmem>>)
      %slice3A_1548 = vector.extract_strided_slice %get3A_671 {offsets = [6], sizes = [1], strides = [1]} : vector<16xi32> to vector<1xi32>
      %squeeze3A_1549 = vector.extract %slice3A_1548[0] : i32 from vector<1xi32>
      %and3A_1550 = arith.constant 127 : i32
      %and3A_1551 = arith.andi %squeeze3A_1549, %and3A_1550 : i32
      %broadcast_in_dim3A_1552 = vector.broadcast %and3A_1551 : i32 to vector<16xi32>
      %slice3A_1553 = vector.extract_strided_slice %get3A_675 {offsets = [6], sizes = [1], strides = [1]} : vector<16xi32> to vector<1xi32>
      %squeeze3A_1554 = vector.extract %slice3A_1553[0] : i32 from vector<1xi32>
      %and3A_1555 = arith.constant 127 : i32
      %and3A_1556 = arith.andi %squeeze3A_1554, %and3A_1555 : i32
      %broadcast_in_dim3A_1557 = vector.broadcast %and3A_1556 : i32 to vector<16xi32>
      %gather3A_1558 = arith.constant 6 : i32
      %gather3A_1559 = arith.constant 0 : i32
      %gather3A_1560 = arith.constant 0 : i32
      %gather3A_1561 = tpu.memref_slice %arg11[%gather3A_1558, %gather3A_1559, %gather3A_1560] : memref<8x32x128xf32, #tpu.memory_space<vmem>> -> memref<1x32x128xf32, #tpu.memory_space<vmem>>
      %gather3A_1562 = tpu.memref_squeeze %gather3A_1561 : memref<1x32x128xf32, #tpu.memory_space<vmem>> -> memref<32x128xf32, #tpu.memory_space<vmem>>
      %gather3A_1563 = tpu.vector_load_idx %gather3A_1562[%iota3A, %broadcast_in_dim3A_1552] : memref<32x128xf32, #tpu.memory_space<vmem>>[vector<16xi32>, vector<16xi32>], vector<16xf32>,
      %add3A_1564 = arith.constant 16 : i32
      %add3A_1565 = vector.broadcast %add3A_1564 : i32 to vector<16xi32>
      %add3A_1566 = arith.addi %iota3A, %add3A_1565 : vector<16xi32>
      %gather3A_1567 = arith.constant 6 : i32
      %gather3A_1568 = arith.constant 0 : i32
      %gather3A_1569 = arith.constant 0 : i32
      %gather3A_1570 = tpu.memref_slice %arg11[%gather3A_1567, %gather3A_1568, %gather3A_1569] : memref<8x32x128xf32, #tpu.memory_space<vmem>> -> memref<1x32x128xf32, #tpu.memory_space<vmem>>
      %gather3A_1571 = tpu.memref_squeeze %gather3A_1570 : memref<1x32x128xf32, #tpu.memory_space<vmem>> -> memref<32x128xf32, #tpu.memory_space<vmem>>
      %gather3A_1572 = tpu.vector_load_idx %gather3A_1571[%add3A_1566, %broadcast_in_dim3A_1552] : memref<32x128xf32, #tpu.memory_space<vmem>>[vector<16xi32>, vector<16xi32>], vector<16xf32>,
      %gather3A_1573 = arith.constant 6 : i32
      %gather3A_1574 = arith.constant 0 : i32
      %gather3A_1575 = arith.constant 0 : i32
      %gather3A_1576 = tpu.memref_slice %arg12[%gather3A_1573, %gather3A_1574, %gather3A_1575] : memref<8x32x128xf32, #tpu.memory_space<vmem>> -> memref<1x32x128xf32, #tpu.memory_space<vmem>>
      %gather3A_1577 = tpu.memref_squeeze %gather3A_1576 : memref<1x32x128xf32, #tpu.memory_space<vmem>> -> memref<32x128xf32, #tpu.memory_space<vmem>>
      %gather3A_1578 = tpu.vector_load_idx %gather3A_1577[%iota3A, %broadcast_in_dim3A_1557] : memref<32x128xf32, #tpu.memory_space<vmem>>[vector<16xi32>, vector<16xi32>], vector<16xf32>,
      %add3A_1579 = arith.constant 16 : i32
      %add3A_1580 = vector.broadcast %add3A_1579 : i32 to vector<16xi32>
      %add3A_1581 = arith.addi %iota3A, %add3A_1580 : vector<16xi32>
      %gather3A_1582 = arith.constant 6 : i32
      %gather3A_1583 = arith.constant 0 : i32
      %gather3A_1584 = arith.constant 0 : i32
      %gather3A_1585 = tpu.memref_slice %arg12[%gather3A_1582, %gather3A_1583, %gather3A_1584] : memref<8x32x128xf32, #tpu.memory_space<vmem>> -> memref<1x32x128xf32, #tpu.memory_space<vmem>>
      %gather3A_1586 = tpu.memref_squeeze %gather3A_1585 : memref<1x32x128xf32, #tpu.memory_space<vmem>> -> memref<32x128xf32, #tpu.memory_space<vmem>>
      %gather3A_1587 = tpu.vector_load_idx %gather3A_1586[%add3A_1581, %broadcast_in_dim3A_1557] : memref<32x128xf32, #tpu.memory_space<vmem>>[vector<16xi32>, vector<16xi32>], vector<16xf32>,
      %mul3A_1588 = arith.mulf %gather3A_1563, %gather3A_1578 : vector<16xf32>
      %mul3A_1589 = arith.mulf %mul3A_1588, %get3A_3 : vector<16xf32>
      %mul3A_1590 = arith.mulf %gather3A_1572, %gather3A_1587 : vector<16xf32>
      %mul3A_1591 = arith.mulf %mul3A_1590, %get3A_5 : vector<16xf32>
      %add3A_1592 = arith.addf %mul3A_1589, %mul3A_1591 : vector<16xf32>
      %reduce_sum3A_1593 = arith.constant true
      %reduce_sum3A_1594 = vector.broadcast %reduce_sum3A_1593 : i1 to vector<16xi1>
      %reduce_sum3A_1595 = tpu.scan <sum>, %add3A_1592 masked %reduce_sum3A_1594 : vector<16xf32>, vector<16xi1> -> vector<16xf32>
      %reduce_sum3A_1596 = vector.extract %reduce_sum3A_1595[15] : f32 from vector<16xf32>
      %eq3A_1597 = arith.constant 6 : i32
      %eq3A_1598 = vector.broadcast %eq3A_1597 : i32 to vector<16xi32>
      %eq3A_1599 = arith.cmpi eq, %iota3A, %eq3A_1598 : vector<16xi32>
      %jit3A_1600 = arith.constant 0.000000e+00 : f32
      %broadcast_in_dim3A_1601 = vector.broadcast %reduce_sum3A_1596 : f32 to vector<16xf32>
      %broadcast_in_dim3A_1602 = vector.broadcast %jit3A_1600 : f32 to vector<16xf32>
      %select_n3A_1603 = arith.select %eq3A_1599, %broadcast_in_dim3A_1601, %broadcast_in_dim3A_1602 : vector<16xi1>, vector<16xf32>
      %add3A_1604 = arith.addf %add3A_1465, %select_n3A_1603 : vector<16xf32>
      %slice3A_1605 = vector.extract_strided_slice %get3A_671 {offsets = [14], sizes = [1], strides = [1]} : vector<16xi32> to vector<1xi32>
      %squeeze3A_1606 = vector.extract %slice3A_1605[0] : i32 from vector<1xi32>
      %slice3A_1607 = vector.extract_strided_slice %get3A_675 {offsets = [14], sizes = [1], strides = [1]} : vector<16xi32> to vector<1xi32>
      %squeeze3A_1608 = vector.extract %slice3A_1607[0] : i32 from vector<1xi32>
      %shift_right_arithmetic3A_1609 = arith.constant 7 : i32
      %shift_right_arithmetic3A_1610 = arith.shrsi %squeeze3A_1606, %shift_right_arithmetic3A_1609 : i32
      %mul3A_1611 = arith.constant 128 : i32
      %mul3A_1612 = arith.muli %shift_right_arithmetic3A_1610, %mul3A_1611 : i32
      %multiple_of3A_1613 = tpu.assume_multiple %mul3A_1612, 128 : i32
      %shift_right_arithmetic3A_1614 = arith.constant 7 : i32
      %shift_right_arithmetic3A_1615 = arith.shrsi %squeeze3A_1608, %shift_right_arithmetic3A_1614 : i32
      %mul3A_1616 = arith.constant 128 : i32
      %mul3A_1617 = arith.muli %shift_right_arithmetic3A_1615, %mul3A_1616 : i32
      %multiple_of3A_1618 = tpu.assume_multiple %mul3A_1617, 128 : i32
      %dma_start3A_1619 = arith.constant 6 : i32
      %dma_start3A_1620 = arith.constant 6 : i32
      %dma_start3A_1621 = arith.constant 0 : i32
      %dma_start3A_1622 = arith.constant 0 : i32
      %dma_start3A_1623 = tpu.memref_slice %arg11[%dma_start3A_1619, %dma_start3A_1621, %dma_start3A_1622] : memref<8x32x128xf32, #tpu.memory_space<vmem>> -> memref<1x32x128xf32, #tpu.memory_space<vmem>>
      %dma_start3A_1624 = tpu.memref_squeeze %dma_start3A_1623 : memref<1x32x128xf32, #tpu.memory_space<vmem>> -> memref<32x128xf32, #tpu.memory_space<vmem>>
      %dma_start3A_1625 = arith.constant 0 : i32
      %dma_start3A_1626 = tpu.memref_slice %arg4[%dma_start3A_1625, %multiple_of3A_1613] : memref<32x1000000xf32, #tpu.memory_space<hbm>> -> memref<32x128xf32, #tpu.memory_space<hbm>>
      %dma_start3A_1627 = tpu.memref_slice %arg16[%dma_start3A_1620] : memref<8x!tpu.dma_semaphore, #tpu.memory_space<semaphore_mem>> -> memref<1x!tpu.dma_semaphore, #tpu.memory_space<semaphore_mem>>
      %dma_start3A_1628 = tpu.memref_squeeze %dma_start3A_1627 : memref<1x!tpu.dma_semaphore, #tpu.memory_space<semaphore_mem>> -> memref<!tpu.dma_semaphore, #tpu.memory_space<semaphore_mem>>
      %dma_start3A_1629 = arith.constant 0 : i32
      %dma_start3A_1630 = arith.constant 0 : i32
      %dma_start3A_1631 = tpu.memref_slice %arg11[%dma_start3A_1619, %dma_start3A_1629, %dma_start3A_1630] : memref<8x32x128xf32, #tpu.memory_space<vmem>> -> memref<1x32x128xf32, #tpu.memory_space<vmem>>
      %dma_start3A_1632 = tpu.memref_squeeze %dma_start3A_1631 : memref<1x32x128xf32, #tpu.memory_space<vmem>> -> memref<32x128xf32, #tpu.memory_space<vmem>>
      %dma_start3A_1633 = arith.constant 0 : i32
      %dma_start3A_1634 = tpu.memref_slice %arg4[%dma_start3A_1633, %multiple_of3A_1613] : memref<32x1000000xf32, #tpu.memory_space<hbm>> -> memref<32x128xf32, #tpu.memory_space<hbm>>
      tpu.enqueue_dma source(%dma_start3A_1634 : memref<32x128xf32, #tpu.memory_space<hbm>>) target(%dma_start3A_1632 : memref<32x128xf32, #tpu.memory_space<vmem>>) target_semaphore(%dma_start3A_1628 : memref<!tpu.dma_semaphore, #tpu.memory_space<semaphore_mem>>)
      %dma_start3A_1635 = arith.constant 6 : i32
      %dma_start3A_1636 = arith.constant 6 : i32
      %dma_start3A_1637 = arith.constant 0 : i32
      %dma_start3A_1638 = arith.constant 0 : i32
      %dma_start3A_1639 = tpu.memref_slice %arg12[%dma_start3A_1635, %dma_start3A_1637, %dma_start3A_1638] : memref<8x32x128xf32, #tpu.memory_space<vmem>> -> memref<1x32x128xf32, #tpu.memory_space<vmem>>
      %dma_start3A_1640 = tpu.memref_squeeze %dma_start3A_1639 : memref<1x32x128xf32, #tpu.memory_space<vmem>> -> memref<32x128xf32, #tpu.memory_space<vmem>>
      %dma_start3A_1641 = arith.constant 0 : i32
      %dma_start3A_1642 = tpu.memref_slice %arg5[%dma_start3A_1641, %multiple_of3A_1618] : memref<32x1000000xf32, #tpu.memory_space<hbm>> -> memref<32x128xf32, #tpu.memory_space<hbm>>
      %dma_start3A_1643 = tpu.memref_slice %arg17[%dma_start3A_1636] : memref<8x!tpu.dma_semaphore, #tpu.memory_space<semaphore_mem>> -> memref<1x!tpu.dma_semaphore, #tpu.memory_space<semaphore_mem>>
      %dma_start3A_1644 = tpu.memref_squeeze %dma_start3A_1643 : memref<1x!tpu.dma_semaphore, #tpu.memory_space<semaphore_mem>> -> memref<!tpu.dma_semaphore, #tpu.memory_space<semaphore_mem>>
      %dma_start3A_1645 = arith.constant 0 : i32
      %dma_start3A_1646 = arith.constant 0 : i32
      %dma_start3A_1647 = tpu.memref_slice %arg12[%dma_start3A_1635, %dma_start3A_1645, %dma_start3A_1646] : memref<8x32x128xf32, #tpu.memory_space<vmem>> -> memref<1x32x128xf32, #tpu.memory_space<vmem>>
      %dma_start3A_1648 = tpu.memref_squeeze %dma_start3A_1647 : memref<1x32x128xf32, #tpu.memory_space<vmem>> -> memref<32x128xf32, #tpu.memory_space<vmem>>
      %dma_start3A_1649 = arith.constant 0 : i32
      %dma_start3A_1650 = tpu.memref_slice %arg5[%dma_start3A_1649, %multiple_of3A_1618] : memref<32x1000000xf32, #tpu.memory_space<hbm>> -> memref<32x128xf32, #tpu.memory_space<hbm>>
      tpu.enqueue_dma source(%dma_start3A_1650 : memref<32x128xf32, #tpu.memory_space<hbm>>) target(%dma_start3A_1648 : memref<32x128xf32, #tpu.memory_space<vmem>>) target_semaphore(%dma_start3A_1644 : memref<!tpu.dma_semaphore, #tpu.memory_space<semaphore_mem>>)
      %dma_wait3A_1651 = arith.constant 7 : i32
      %dma_wait3A_1652 = arith.constant 7 : i32
      %dma_wait3A_1653 = arith.constant 0 : i32
      %dma_wait3A_1654 = arith.constant 0 : i32
      %dma_wait3A_1655 = tpu.memref_slice %arg11[%dma_wait3A_1651, %dma_wait3A_1653, %dma_wait3A_1654] : memref<8x32x128xf32, #tpu.memory_space<vmem>> -> memref<1x32x128xf32, #tpu.memory_space<vmem>>
      %dma_wait3A_1656 = tpu.memref_squeeze %dma_wait3A_1655 : memref<1x32x128xf32, #tpu.memory_space<vmem>> -> memref<32x128xf32, #tpu.memory_space<vmem>>
      %dma_wait3A_1657 = arith.constant 0 : i32
      %dma_wait3A_1658 = arith.constant 0 : i32
      %dma_wait3A_1659 = tpu.memref_slice %arg4[%dma_wait3A_1657, %dma_wait3A_1658] : memref<32x1000000xf32, #tpu.memory_space<hbm>> -> memref<32x128xf32, #tpu.memory_space<hbm>>
      %dma_wait3A_1660 = tpu.memref_slice %arg16[%dma_wait3A_1652] : memref<8x!tpu.dma_semaphore, #tpu.memory_space<semaphore_mem>> -> memref<1x!tpu.dma_semaphore, #tpu.memory_space<semaphore_mem>>
      %dma_wait3A_1661 = tpu.memref_squeeze %dma_wait3A_1660 : memref<1x!tpu.dma_semaphore, #tpu.memory_space<semaphore_mem>> -> memref<!tpu.dma_semaphore, #tpu.memory_space<semaphore_mem>>
      %dma_wait3A_1662 = arith.constant 0 : i32
      %dma_wait3A_1663 = arith.constant 0 : i32
      %dma_wait3A_1664 = tpu.memref_slice %arg11[%dma_wait3A_1651, %dma_wait3A_1662, %dma_wait3A_1663] : memref<8x32x128xf32, #tpu.memory_space<vmem>> -> memref<1x32x128xf32, #tpu.memory_space<vmem>>
      %dma_wait3A_1665 = tpu.memref_squeeze %dma_wait3A_1664 : memref<1x32x128xf32, #tpu.memory_space<vmem>> -> memref<32x128xf32, #tpu.memory_space<vmem>>
      %dma_wait3A_1666 = arith.constant 0 : i32
      %dma_wait3A_1667 = arith.constant 0 : i32
      %dma_wait3A_1668 = tpu.memref_slice %arg4[%dma_wait3A_1666, %dma_wait3A_1667] : memref<32x1000000xf32, #tpu.memory_space<hbm>> -> memref<32x128xf32, #tpu.memory_space<hbm>>
      tpu.wait_dma2 semaphore(%dma_wait3A_1661 : memref<!tpu.dma_semaphore, #tpu.memory_space<semaphore_mem>>) src(%dma_wait3A_1668 : memref<32x128xf32, #tpu.memory_space<hbm>>) dst(%dma_wait3A_1665 : memref<32x128xf32, #tpu.memory_space<vmem>>)
      %dma_wait3A_1669 = arith.constant 7 : i32
      %dma_wait3A_1670 = arith.constant 7 : i32
      %dma_wait3A_1671 = arith.constant 0 : i32
      %dma_wait3A_1672 = arith.constant 0 : i32
      %dma_wait3A_1673 = tpu.memref_slice %arg12[%dma_wait3A_1669, %dma_wait3A_1671, %dma_wait3A_1672] : memref<8x32x128xf32, #tpu.memory_space<vmem>> -> memref<1x32x128xf32, #tpu.memory_space<vmem>>
      %dma_wait3A_1674 = tpu.memref_squeeze %dma_wait3A_1673 : memref<1x32x128xf32, #tpu.memory_space<vmem>> -> memref<32x128xf32, #tpu.memory_space<vmem>>
      %dma_wait3A_1675 = arith.constant 0 : i32
      %dma_wait3A_1676 = arith.constant 0 : i32
      %dma_wait3A_1677 = tpu.memref_slice %arg5[%dma_wait3A_1675, %dma_wait3A_1676] : memref<32x1000000xf32, #tpu.memory_space<hbm>> -> memref<32x128xf32, #tpu.memory_space<hbm>>
      %dma_wait3A_1678 = tpu.memref_slice %arg17[%dma_wait3A_1670] : memref<8x!tpu.dma_semaphore, #tpu.memory_space<semaphore_mem>> -> memref<1x!tpu.dma_semaphore, #tpu.memory_space<semaphore_mem>>
      %dma_wait3A_1679 = tpu.memref_squeeze %dma_wait3A_1678 : memref<1x!tpu.dma_semaphore, #tpu.memory_space<semaphore_mem>> -> memref<!tpu.dma_semaphore, #tpu.memory_space<semaphore_mem>>
      %dma_wait3A_1680 = arith.constant 0 : i32
      %dma_wait3A_1681 = arith.constant 0 : i32
      %dma_wait3A_1682 = tpu.memref_slice %arg12[%dma_wait3A_1669, %dma_wait3A_1680, %dma_wait3A_1681] : memref<8x32x128xf32, #tpu.memory_space<vmem>> -> memref<1x32x128xf32, #tpu.memory_space<vmem>>
      %dma_wait3A_1683 = tpu.memref_squeeze %dma_wait3A_1682 : memref<1x32x128xf32, #tpu.memory_space<vmem>> -> memref<32x128xf32, #tpu.memory_space<vmem>>
      %dma_wait3A_1684 = arith.constant 0 : i32
      %dma_wait3A_1685 = arith.constant 0 : i32
      %dma_wait3A_1686 = tpu.memref_slice %arg5[%dma_wait3A_1684, %dma_wait3A_1685] : memref<32x1000000xf32, #tpu.memory_space<hbm>> -> memref<32x128xf32, #tpu.memory_space<hbm>>
      tpu.wait_dma2 semaphore(%dma_wait3A_1679 : memref<!tpu.dma_semaphore, #tpu.memory_space<semaphore_mem>>) src(%dma_wait3A_1686 : memref<32x128xf32, #tpu.memory_space<hbm>>) dst(%dma_wait3A_1683 : memref<32x128xf32, #tpu.memory_space<vmem>>)
      %slice3A_1687 = vector.extract_strided_slice %get3A_671 {offsets = [7], sizes = [1], strides = [1]} : vector<16xi32> to vector<1xi32>
      %squeeze3A_1688 = vector.extract %slice3A_1687[0] : i32 from vector<1xi32>
      %and3A_1689 = arith.constant 127 : i32
      %and3A_1690 = arith.andi %squeeze3A_1688, %and3A_1689 : i32
      %broadcast_in_dim3A_1691 = vector.broadcast %and3A_1690 : i32 to vector<16xi32>
      %slice3A_1692 = vector.extract_strided_slice %get3A_675 {offsets = [7], sizes = [1], strides = [1]} : vector<16xi32> to vector<1xi32>
      %squeeze3A_1693 = vector.extract %slice3A_1692[0] : i32 from vector<1xi32>
      %and3A_1694 = arith.constant 127 : i32
      %and3A_1695 = arith.andi %squeeze3A_1693, %and3A_1694 : i32
      %broadcast_in_dim3A_1696 = vector.broadcast %and3A_1695 : i32 to vector<16xi32>
      %gather3A_1697 = arith.constant 7 : i32
      %gather3A_1698 = arith.constant 0 : i32
      %gather3A_1699 = arith.constant 0 : i32
      %gather3A_1700 = tpu.memref_slice %arg11[%gather3A_1697, %gather3A_1698, %gather3A_1699] : memref<8x32x128xf32, #tpu.memory_space<vmem>> -> memref<1x32x128xf32, #tpu.memory_space<vmem>>
      %gather3A_1701 = tpu.memref_squeeze %gather3A_1700 : memref<1x32x128xf32, #tpu.memory_space<vmem>> -> memref<32x128xf32, #tpu.memory_space<vmem>>
      %gather3A_1702 = tpu.vector_load_idx %gather3A_1701[%iota3A, %broadcast_in_dim3A_1691] : memref<32x128xf32, #tpu.memory_space<vmem>>[vector<16xi32>, vector<16xi32>], vector<16xf32>,
      %add3A_1703 = arith.constant 16 : i32
      %add3A_1704 = vector.broadcast %add3A_1703 : i32 to vector<16xi32>
      %add3A_1705 = arith.addi %iota3A, %add3A_1704 : vector<16xi32>
      %gather3A_1706 = arith.constant 7 : i32
      %gather3A_1707 = arith.constant 0 : i32
      %gather3A_1708 = arith.constant 0 : i32
      %gather3A_1709 = tpu.memref_slice %arg11[%gather3A_1706, %gather3A_1707, %gather3A_1708] : memref<8x32x128xf32, #tpu.memory_space<vmem>> -> memref<1x32x128xf32, #tpu.memory_space<vmem>>
      %gather3A_1710 = tpu.memref_squeeze %gather3A_1709 : memref<1x32x128xf32, #tpu.memory_space<vmem>> -> memref<32x128xf32, #tpu.memory_space<vmem>>
      %gather3A_1711 = tpu.vector_load_idx %gather3A_1710[%add3A_1705, %broadcast_in_dim3A_1691] : memref<32x128xf32, #tpu.memory_space<vmem>>[vector<16xi32>, vector<16xi32>], vector<16xf32>,
      %gather3A_1712 = arith.constant 7 : i32
      %gather3A_1713 = arith.constant 0 : i32
      %gather3A_1714 = arith.constant 0 : i32
      %gather3A_1715 = tpu.memref_slice %arg12[%gather3A_1712, %gather3A_1713, %gather3A_1714] : memref<8x32x128xf32, #tpu.memory_space<vmem>> -> memref<1x32x128xf32, #tpu.memory_space<vmem>>
      %gather3A_1716 = tpu.memref_squeeze %gather3A_1715 : memref<1x32x128xf32, #tpu.memory_space<vmem>> -> memref<32x128xf32, #tpu.memory_space<vmem>>
      %gather3A_1717 = tpu.vector_load_idx %gather3A_1716[%iota3A, %broadcast_in_dim3A_1696] : memref<32x128xf32, #tpu.memory_space<vmem>>[vector<16xi32>, vector<16xi32>], vector<16xf32>,
      %add3A_1718 = arith.constant 16 : i32
      %add3A_1719 = vector.broadcast %add3A_1718 : i32 to vector<16xi32>
      %add3A_1720 = arith.addi %iota3A, %add3A_1719 : vector<16xi32>
      %gather3A_1721 = arith.constant 7 : i32
      %gather3A_1722 = arith.constant 0 : i32
      %gather3A_1723 = arith.constant 0 : i32
      %gather3A_1724 = tpu.memref_slice %arg12[%gather3A_1721, %gather3A_1722, %gather3A_1723] : memref<8x32x128xf32, #tpu.memory_space<vmem>> -> memref<1x32x128xf32, #tpu.memory_space<vmem>>
      %gather3A_1725 = tpu.memref_squeeze %gather3A_1724 : memref<1x32x128xf32, #tpu.memory_space<vmem>> -> memref<32x128xf32, #tpu.memory_space<vmem>>
      %gather3A_1726 = tpu.vector_load_idx %gather3A_1725[%add3A_1720, %broadcast_in_dim3A_1696] : memref<32x128xf32, #tpu.memory_space<vmem>>[vector<16xi32>, vector<16xi32>], vector<16xf32>,
      %mul3A_1727 = arith.mulf %gather3A_1702, %gather3A_1717 : vector<16xf32>
      %mul3A_1728 = arith.mulf %mul3A_1727, %get3A_3 : vector<16xf32>
      %mul3A_1729 = arith.mulf %gather3A_1711, %gather3A_1726 : vector<16xf32>
      %mul3A_1730 = arith.mulf %mul3A_1729, %get3A_5 : vector<16xf32>
      %add3A_1731 = arith.addf %mul3A_1728, %mul3A_1730 : vector<16xf32>
      %reduce_sum3A_1732 = arith.constant true
      %reduce_sum3A_1733 = vector.broadcast %reduce_sum3A_1732 : i1 to vector<16xi1>
      %reduce_sum3A_1734 = tpu.scan <sum>, %add3A_1731 masked %reduce_sum3A_1733 : vector<16xf32>, vector<16xi1> -> vector<16xf32>
      %reduce_sum3A_1735 = vector.extract %reduce_sum3A_1734[15] : f32 from vector<16xf32>
      %eq3A_1736 = arith.constant 7 : i32
      %eq3A_1737 = vector.broadcast %eq3A_1736 : i32 to vector<16xi32>
      %eq3A_1738 = arith.cmpi eq, %iota3A, %eq3A_1737 : vector<16xi32>
      %jit3A_1739 = arith.constant 0.000000e+00 : f32
      %broadcast_in_dim3A_1740 = vector.broadcast %reduce_sum3A_1735 : f32 to vector<16xf32>
      %broadcast_in_dim3A_1741 = vector.broadcast %jit3A_1739 : f32 to vector<16xf32>
      %select_n3A_1742 = arith.select %eq3A_1738, %broadcast_in_dim3A_1740, %broadcast_in_dim3A_1741 : vector<16xi1>, vector<16xf32>
      %add3A_1743 = arith.addf %add3A_1604, %select_n3A_1742 : vector<16xf32>
      %slice3A_1744 = vector.extract_strided_slice %get3A_671 {offsets = [15], sizes = [1], strides = [1]} : vector<16xi32> to vector<1xi32>
      %squeeze3A_1745 = vector.extract %slice3A_1744[0] : i32 from vector<1xi32>
      %slice3A_1746 = vector.extract_strided_slice %get3A_675 {offsets = [15], sizes = [1], strides = [1]} : vector<16xi32> to vector<1xi32>
      %squeeze3A_1747 = vector.extract %slice3A_1746[0] : i32 from vector<1xi32>
      %shift_right_arithmetic3A_1748 = arith.constant 7 : i32
      %shift_right_arithmetic3A_1749 = arith.shrsi %squeeze3A_1745, %shift_right_arithmetic3A_1748 : i32
      %mul3A_1750 = arith.constant 128 : i32
      %mul3A_1751 = arith.muli %shift_right_arithmetic3A_1749, %mul3A_1750 : i32
      %multiple_of3A_1752 = tpu.assume_multiple %mul3A_1751, 128 : i32
      %shift_right_arithmetic3A_1753 = arith.constant 7 : i32
      %shift_right_arithmetic3A_1754 = arith.shrsi %squeeze3A_1747, %shift_right_arithmetic3A_1753 : i32
      %mul3A_1755 = arith.constant 128 : i32
      %mul3A_1756 = arith.muli %shift_right_arithmetic3A_1754, %mul3A_1755 : i32
      %multiple_of3A_1757 = tpu.assume_multiple %mul3A_1756, 128 : i32
      %dma_start3A_1758 = arith.constant 7 : i32
      %dma_start3A_1759 = arith.constant 7 : i32
      %dma_start3A_1760 = arith.constant 0 : i32
      %dma_start3A_1761 = arith.constant 0 : i32
      %dma_start3A_1762 = tpu.memref_slice %arg11[%dma_start3A_1758, %dma_start3A_1760, %dma_start3A_1761] : memref<8x32x128xf32, #tpu.memory_space<vmem>> -> memref<1x32x128xf32, #tpu.memory_space<vmem>>
      %dma_start3A_1763 = tpu.memref_squeeze %dma_start3A_1762 : memref<1x32x128xf32, #tpu.memory_space<vmem>> -> memref<32x128xf32, #tpu.memory_space<vmem>>
      %dma_start3A_1764 = arith.constant 0 : i32
      %dma_start3A_1765 = tpu.memref_slice %arg4[%dma_start3A_1764, %multiple_of3A_1752] : memref<32x1000000xf32, #tpu.memory_space<hbm>> -> memref<32x128xf32, #tpu.memory_space<hbm>>
      %dma_start3A_1766 = tpu.memref_slice %arg16[%dma_start3A_1759] : memref<8x!tpu.dma_semaphore, #tpu.memory_space<semaphore_mem>> -> memref<1x!tpu.dma_semaphore, #tpu.memory_space<semaphore_mem>>
      %dma_start3A_1767 = tpu.memref_squeeze %dma_start3A_1766 : memref<1x!tpu.dma_semaphore, #tpu.memory_space<semaphore_mem>> -> memref<!tpu.dma_semaphore, #tpu.memory_space<semaphore_mem>>
      %dma_start3A_1768 = arith.constant 0 : i32
      %dma_start3A_1769 = arith.constant 0 : i32
      %dma_start3A_1770 = tpu.memref_slice %arg11[%dma_start3A_1758, %dma_start3A_1768, %dma_start3A_1769] : memref<8x32x128xf32, #tpu.memory_space<vmem>> -> memref<1x32x128xf32, #tpu.memory_space<vmem>>
      %dma_start3A_1771 = tpu.memref_squeeze %dma_start3A_1770 : memref<1x32x128xf32, #tpu.memory_space<vmem>> -> memref<32x128xf32, #tpu.memory_space<vmem>>
      %dma_start3A_1772 = arith.constant 0 : i32
      %dma_start3A_1773 = tpu.memref_slice %arg4[%dma_start3A_1772, %multiple_of3A_1752] : memref<32x1000000xf32, #tpu.memory_space<hbm>> -> memref<32x128xf32, #tpu.memory_space<hbm>>
      tpu.enqueue_dma source(%dma_start3A_1773 : memref<32x128xf32, #tpu.memory_space<hbm>>) target(%dma_start3A_1771 : memref<32x128xf32, #tpu.memory_space<vmem>>) target_semaphore(%dma_start3A_1767 : memref<!tpu.dma_semaphore, #tpu.memory_space<semaphore_mem>>)
      %dma_start3A_1774 = arith.constant 7 : i32
      %dma_start3A_1775 = arith.constant 7 : i32
      %dma_start3A_1776 = arith.constant 0 : i32
      %dma_start3A_1777 = arith.constant 0 : i32
      %dma_start3A_1778 = tpu.memref_slice %arg12[%dma_start3A_1774, %dma_start3A_1776, %dma_start3A_1777] : memref<8x32x128xf32, #tpu.memory_space<vmem>> -> memref<1x32x128xf32, #tpu.memory_space<vmem>>
      %dma_start3A_1779 = tpu.memref_squeeze %dma_start3A_1778 : memref<1x32x128xf32, #tpu.memory_space<vmem>> -> memref<32x128xf32, #tpu.memory_space<vmem>>
      %dma_start3A_1780 = arith.constant 0 : i32
      %dma_start3A_1781 = tpu.memref_slice %arg5[%dma_start3A_1780, %multiple_of3A_1757] : memref<32x1000000xf32, #tpu.memory_space<hbm>> -> memref<32x128xf32, #tpu.memory_space<hbm>>
      %dma_start3A_1782 = tpu.memref_slice %arg17[%dma_start3A_1775] : memref<8x!tpu.dma_semaphore, #tpu.memory_space<semaphore_mem>> -> memref<1x!tpu.dma_semaphore, #tpu.memory_space<semaphore_mem>>
      %dma_start3A_1783 = tpu.memref_squeeze %dma_start3A_1782 : memref<1x!tpu.dma_semaphore, #tpu.memory_space<semaphore_mem>> -> memref<!tpu.dma_semaphore, #tpu.memory_space<semaphore_mem>>
      %dma_start3A_1784 = arith.constant 0 : i32
      %dma_start3A_1785 = arith.constant 0 : i32
      %dma_start3A_1786 = tpu.memref_slice %arg12[%dma_start3A_1774, %dma_start3A_1784, %dma_start3A_1785] : memref<8x32x128xf32, #tpu.memory_space<vmem>> -> memref<1x32x128xf32, #tpu.memory_space<vmem>>
      %dma_start3A_1787 = tpu.memref_squeeze %dma_start3A_1786 : memref<1x32x128xf32, #tpu.memory_space<vmem>> -> memref<32x128xf32, #tpu.memory_space<vmem>>
      %dma_start3A_1788 = arith.constant 0 : i32
      %dma_start3A_1789 = tpu.memref_slice %arg5[%dma_start3A_1788, %multiple_of3A_1757] : memref<32x1000000xf32, #tpu.memory_space<hbm>> -> memref<32x128xf32, #tpu.memory_space<hbm>>
      tpu.enqueue_dma source(%dma_start3A_1789 : memref<32x128xf32, #tpu.memory_space<hbm>>) target(%dma_start3A_1787 : memref<32x128xf32, #tpu.memory_space<vmem>>) target_semaphore(%dma_start3A_1783 : memref<!tpu.dma_semaphore, #tpu.memory_space<semaphore_mem>>)
      %dma_wait3A_1790 = arith.constant 0 : i32
      %dma_wait3A_1791 = arith.constant 0 : i32
      %dma_wait3A_1792 = arith.constant 0 : i32
      %dma_wait3A_1793 = arith.constant 0 : i32
      %dma_wait3A_1794 = tpu.memref_slice %arg11[%dma_wait3A_1790, %dma_wait3A_1792, %dma_wait3A_1793] : memref<8x32x128xf32, #tpu.memory_space<vmem>> -> memref<1x32x128xf32, #tpu.memory_space<vmem>>
      %dma_wait3A_1795 = tpu.memref_squeeze %dma_wait3A_1794 : memref<1x32x128xf32, #tpu.memory_space<vmem>> -> memref<32x128xf32, #tpu.memory_space<vmem>>
      %dma_wait3A_1796 = arith.constant 0 : i32
      %dma_wait3A_1797 = arith.constant 0 : i32
      %dma_wait3A_1798 = tpu.memref_slice %arg4[%dma_wait3A_1796, %dma_wait3A_1797] : memref<32x1000000xf32, #tpu.memory_space<hbm>> -> memref<32x128xf32, #tpu.memory_space<hbm>>
      %dma_wait3A_1799 = tpu.memref_slice %arg16[%dma_wait3A_1791] : memref<8x!tpu.dma_semaphore, #tpu.memory_space<semaphore_mem>> -> memref<1x!tpu.dma_semaphore, #tpu.memory_space<semaphore_mem>>
      %dma_wait3A_1800 = tpu.memref_squeeze %dma_wait3A_1799 : memref<1x!tpu.dma_semaphore, #tpu.memory_space<semaphore_mem>> -> memref<!tpu.dma_semaphore, #tpu.memory_space<semaphore_mem>>
      %dma_wait3A_1801 = arith.constant 0 : i32
      %dma_wait3A_1802 = arith.constant 0 : i32
      %dma_wait3A_1803 = tpu.memref_slice %arg11[%dma_wait3A_1790, %dma_wait3A_1801, %dma_wait3A_1802] : memref<8x32x128xf32, #tpu.memory_space<vmem>> -> memref<1x32x128xf32, #tpu.memory_space<vmem>>
      %dma_wait3A_1804 = tpu.memref_squeeze %dma_wait3A_1803 : memref<1x32x128xf32, #tpu.memory_space<vmem>> -> memref<32x128xf32, #tpu.memory_space<vmem>>
      %dma_wait3A_1805 = arith.constant 0 : i32
      %dma_wait3A_1806 = arith.constant 0 : i32
      %dma_wait3A_1807 = tpu.memref_slice %arg4[%dma_wait3A_1805, %dma_wait3A_1806] : memref<32x1000000xf32, #tpu.memory_space<hbm>> -> memref<32x128xf32, #tpu.memory_space<hbm>>
      tpu.wait_dma2 semaphore(%dma_wait3A_1800 : memref<!tpu.dma_semaphore, #tpu.memory_space<semaphore_mem>>) src(%dma_wait3A_1807 : memref<32x128xf32, #tpu.memory_space<hbm>>) dst(%dma_wait3A_1804 : memref<32x128xf32, #tpu.memory_space<vmem>>)
      %dma_wait3A_1808 = arith.constant 0 : i32
      %dma_wait3A_1809 = arith.constant 0 : i32
      %dma_wait3A_1810 = arith.constant 0 : i32
      %dma_wait3A_1811 = arith.constant 0 : i32
      %dma_wait3A_1812 = tpu.memref_slice %arg12[%dma_wait3A_1808, %dma_wait3A_1810, %dma_wait3A_1811] : memref<8x32x128xf32, #tpu.memory_space<vmem>> -> memref<1x32x128xf32, #tpu.memory_space<vmem>>
      %dma_wait3A_1813 = tpu.memref_squeeze %dma_wait3A_1812 : memref<1x32x128xf32, #tpu.memory_space<vmem>> -> memref<32x128xf32, #tpu.memory_space<vmem>>
      %dma_wait3A_1814 = arith.constant 0 : i32
      %dma_wait3A_1815 = arith.constant 0 : i32
      %dma_wait3A_1816 = tpu.memref_slice %arg5[%dma_wait3A_1814, %dma_wait3A_1815] : memref<32x1000000xf32, #tpu.memory_space<hbm>> -> memref<32x128xf32, #tpu.memory_space<hbm>>
      %dma_wait3A_1817 = tpu.memref_slice %arg17[%dma_wait3A_1809] : memref<8x!tpu.dma_semaphore, #tpu.memory_space<semaphore_mem>> -> memref<1x!tpu.dma_semaphore, #tpu.memory_space<semaphore_mem>>
      %dma_wait3A_1818 = tpu.memref_squeeze %dma_wait3A_1817 : memref<1x!tpu.dma_semaphore, #tpu.memory_space<semaphore_mem>> -> memref<!tpu.dma_semaphore, #tpu.memory_space<semaphore_mem>>
      %dma_wait3A_1819 = arith.constant 0 : i32
      %dma_wait3A_1820 = arith.constant 0 : i32
      %dma_wait3A_1821 = tpu.memref_slice %arg12[%dma_wait3A_1808, %dma_wait3A_1819, %dma_wait3A_1820] : memref<8x32x128xf32, #tpu.memory_space<vmem>> -> memref<1x32x128xf32, #tpu.memory_space<vmem>>
      %dma_wait3A_1822 = tpu.memref_squeeze %dma_wait3A_1821 : memref<1x32x128xf32, #tpu.memory_space<vmem>> -> memref<32x128xf32, #tpu.memory_space<vmem>>
      %dma_wait3A_1823 = arith.constant 0 : i32
      %dma_wait3A_1824 = arith.constant 0 : i32
      %dma_wait3A_1825 = tpu.memref_slice %arg5[%dma_wait3A_1823, %dma_wait3A_1824] : memref<32x1000000xf32, #tpu.memory_space<hbm>> -> memref<32x128xf32, #tpu.memory_space<hbm>>
      tpu.wait_dma2 semaphore(%dma_wait3A_1818 : memref<!tpu.dma_semaphore, #tpu.memory_space<semaphore_mem>>) src(%dma_wait3A_1825 : memref<32x128xf32, #tpu.memory_space<hbm>>) dst(%dma_wait3A_1822 : memref<32x128xf32, #tpu.memory_space<vmem>>)
      %slice3A_1826 = vector.extract_strided_slice %get3A_671 {offsets = [8], sizes = [1], strides = [1]} : vector<16xi32> to vector<1xi32>
      %squeeze3A_1827 = vector.extract %slice3A_1826[0] : i32 from vector<1xi32>
      %and3A_1828 = arith.constant 127 : i32
      %and3A_1829 = arith.andi %squeeze3A_1827, %and3A_1828 : i32
      %broadcast_in_dim3A_1830 = vector.broadcast %and3A_1829 : i32 to vector<16xi32>
      %slice3A_1831 = vector.extract_strided_slice %get3A_675 {offsets = [8], sizes = [1], strides = [1]} : vector<16xi32> to vector<1xi32>
      %squeeze3A_1832 = vector.extract %slice3A_1831[0] : i32 from vector<1xi32>
      %and3A_1833 = arith.constant 127 : i32
      %and3A_1834 = arith.andi %squeeze3A_1832, %and3A_1833 : i32
      %broadcast_in_dim3A_1835 = vector.broadcast %and3A_1834 : i32 to vector<16xi32>
      %gather3A_1836 = arith.constant 0 : i32
      %gather3A_1837 = arith.constant 0 : i32
      %gather3A_1838 = arith.constant 0 : i32
      %gather3A_1839 = tpu.memref_slice %arg11[%gather3A_1836, %gather3A_1837, %gather3A_1838] : memref<8x32x128xf32, #tpu.memory_space<vmem>> -> memref<1x32x128xf32, #tpu.memory_space<vmem>>
      %gather3A_1840 = tpu.memref_squeeze %gather3A_1839 : memref<1x32x128xf32, #tpu.memory_space<vmem>> -> memref<32x128xf32, #tpu.memory_space<vmem>>
      %gather3A_1841 = tpu.vector_load_idx %gather3A_1840[%iota3A, %broadcast_in_dim3A_1830] : memref<32x128xf32, #tpu.memory_space<vmem>>[vector<16xi32>, vector<16xi32>], vector<16xf32>,
      %add3A_1842 = arith.constant 16 : i32
      %add3A_1843 = vector.broadcast %add3A_1842 : i32 to vector<16xi32>
      %add3A_1844 = arith.addi %iota3A, %add3A_1843 : vector<16xi32>
      %gather3A_1845 = arith.constant 0 : i32
      %gather3A_1846 = arith.constant 0 : i32
      %gather3A_1847 = arith.constant 0 : i32
      %gather3A_1848 = tpu.memref_slice %arg11[%gather3A_1845, %gather3A_1846, %gather3A_1847] : memref<8x32x128xf32, #tpu.memory_space<vmem>> -> memref<1x32x128xf32, #tpu.memory_space<vmem>>
      %gather3A_1849 = tpu.memref_squeeze %gather3A_1848 : memref<1x32x128xf32, #tpu.memory_space<vmem>> -> memref<32x128xf32, #tpu.memory_space<vmem>>
      %gather3A_1850 = tpu.vector_load_idx %gather3A_1849[%add3A_1844, %broadcast_in_dim3A_1830] : memref<32x128xf32, #tpu.memory_space<vmem>>[vector<16xi32>, vector<16xi32>], vector<16xf32>,
      %gather3A_1851 = arith.constant 0 : i32
      %gather3A_1852 = arith.constant 0 : i32
      %gather3A_1853 = arith.constant 0 : i32
      %gather3A_1854 = tpu.memref_slice %arg12[%gather3A_1851, %gather3A_1852, %gather3A_1853] : memref<8x32x128xf32, #tpu.memory_space<vmem>> -> memref<1x32x128xf32, #tpu.memory_space<vmem>>
      %gather3A_1855 = tpu.memref_squeeze %gather3A_1854 : memref<1x32x128xf32, #tpu.memory_space<vmem>> -> memref<32x128xf32, #tpu.memory_space<vmem>>
      %gather3A_1856 = tpu.vector_load_idx %gather3A_1855[%iota3A, %broadcast_in_dim3A_1835] : memref<32x128xf32, #tpu.memory_space<vmem>>[vector<16xi32>, vector<16xi32>], vector<16xf32>,
      %add3A_1857 = arith.constant 16 : i32
      %add3A_1858 = vector.broadcast %add3A_1857 : i32 to vector<16xi32>
      %add3A_1859 = arith.addi %iota3A, %add3A_1858 : vector<16xi32>
      %gather3A_1860 = arith.constant 0 : i32
      %gather3A_1861 = arith.constant 0 : i32
      %gather3A_1862 = arith.constant 0 : i32
      %gather3A_1863 = tpu.memref_slice %arg12[%gather3A_1860, %gather3A_1861, %gather3A_1862] : memref<8x32x128xf32, #tpu.memory_space<vmem>> -> memref<1x32x128xf32, #tpu.memory_space<vmem>>
      %gather3A_1864 = tpu.memref_squeeze %gather3A_1863 : memref<1x32x128xf32, #tpu.memory_space<vmem>> -> memref<32x128xf32, #tpu.memory_space<vmem>>
      %gather3A_1865 = tpu.vector_load_idx %gather3A_1864[%add3A_1859, %broadcast_in_dim3A_1835] : memref<32x128xf32, #tpu.memory_space<vmem>>[vector<16xi32>, vector<16xi32>], vector<16xf32>,
      %mul3A_1866 = arith.mulf %gather3A_1841, %gather3A_1856 : vector<16xf32>
      %mul3A_1867 = arith.mulf %mul3A_1866, %get3A_3 : vector<16xf32>
      %mul3A_1868 = arith.mulf %gather3A_1850, %gather3A_1865 : vector<16xf32>
      %mul3A_1869 = arith.mulf %mul3A_1868, %get3A_5 : vector<16xf32>
      %add3A_1870 = arith.addf %mul3A_1867, %mul3A_1869 : vector<16xf32>
      %reduce_sum3A_1871 = arith.constant true
      %reduce_sum3A_1872 = vector.broadcast %reduce_sum3A_1871 : i1 to vector<16xi1>
      %reduce_sum3A_1873 = tpu.scan <sum>, %add3A_1870 masked %reduce_sum3A_1872 : vector<16xf32>, vector<16xi1> -> vector<16xf32>
      %reduce_sum3A_1874 = vector.extract %reduce_sum3A_1873[15] : f32 from vector<16xf32>
      %eq3A_1875 = arith.constant 8 : i32
      %eq3A_1876 = vector.broadcast %eq3A_1875 : i32 to vector<16xi32>
      %eq3A_1877 = arith.cmpi eq, %iota3A, %eq3A_1876 : vector<16xi32>
      %jit3A_1878 = arith.constant 0.000000e+00 : f32
      %broadcast_in_dim3A_1879 = vector.broadcast %reduce_sum3A_1874 : f32 to vector<16xf32>
      %broadcast_in_dim3A_1880 = vector.broadcast %jit3A_1878 : f32 to vector<16xf32>
      %select_n3A_1881 = arith.select %eq3A_1877, %broadcast_in_dim3A_1879, %broadcast_in_dim3A_1880 : vector<16xi1>, vector<16xf32>
      %add3A_1882 = arith.addf %add3A_1743, %select_n3A_1881 : vector<16xf32>
      %slice3A_1883 = vector.extract_strided_slice %get3A_682 {offsets = [0], sizes = [1], strides = [1]} : vector<16xi32> to vector<1xi32>
      %squeeze3A_1884 = vector.extract %slice3A_1883[0] : i32 from vector<1xi32>
      %slice3A_1885 = vector.extract_strided_slice %get3A_684 {offsets = [0], sizes = [1], strides = [1]} : vector<16xi32> to vector<1xi32>
      %squeeze3A_1886 = vector.extract %slice3A_1885[0] : i32 from vector<1xi32>
      %shift_right_arithmetic3A_1887 = arith.constant 7 : i32
      %shift_right_arithmetic3A_1888 = arith.shrsi %squeeze3A_1884, %shift_right_arithmetic3A_1887 : i32
      %mul3A_1889 = arith.constant 128 : i32
      %mul3A_1890 = arith.muli %shift_right_arithmetic3A_1888, %mul3A_1889 : i32
      %multiple_of3A_1891 = tpu.assume_multiple %mul3A_1890, 128 : i32
      %shift_right_arithmetic3A_1892 = arith.constant 7 : i32
      %shift_right_arithmetic3A_1893 = arith.shrsi %squeeze3A_1886, %shift_right_arithmetic3A_1892 : i32
      %mul3A_1894 = arith.constant 128 : i32
      %mul3A_1895 = arith.muli %shift_right_arithmetic3A_1893, %mul3A_1894 : i32
      %multiple_of3A_1896 = tpu.assume_multiple %mul3A_1895, 128 : i32
      %dma_start3A_1897 = arith.constant 0 : i32
      %dma_start3A_1898 = arith.constant 0 : i32
      %dma_start3A_1899 = arith.constant 0 : i32
      %dma_start3A_1900 = arith.constant 0 : i32
      %dma_start3A_1901 = tpu.memref_slice %arg11[%dma_start3A_1897, %dma_start3A_1899, %dma_start3A_1900] : memref<8x32x128xf32, #tpu.memory_space<vmem>> -> memref<1x32x128xf32, #tpu.memory_space<vmem>>
      %dma_start3A_1902 = tpu.memref_squeeze %dma_start3A_1901 : memref<1x32x128xf32, #tpu.memory_space<vmem>> -> memref<32x128xf32, #tpu.memory_space<vmem>>
      %dma_start3A_1903 = arith.constant 0 : i32
      %dma_start3A_1904 = tpu.memref_slice %arg4[%dma_start3A_1903, %multiple_of3A_1891] : memref<32x1000000xf32, #tpu.memory_space<hbm>> -> memref<32x128xf32, #tpu.memory_space<hbm>>
      %dma_start3A_1905 = tpu.memref_slice %arg16[%dma_start3A_1898] : memref<8x!tpu.dma_semaphore, #tpu.memory_space<semaphore_mem>> -> memref<1x!tpu.dma_semaphore, #tpu.memory_space<semaphore_mem>>
      %dma_start3A_1906 = tpu.memref_squeeze %dma_start3A_1905 : memref<1x!tpu.dma_semaphore, #tpu.memory_space<semaphore_mem>> -> memref<!tpu.dma_semaphore, #tpu.memory_space<semaphore_mem>>
      %dma_start3A_1907 = arith.constant 0 : i32
      %dma_start3A_1908 = arith.constant 0 : i32
      %dma_start3A_1909 = tpu.memref_slice %arg11[%dma_start3A_1897, %dma_start3A_1907, %dma_start3A_1908] : memref<8x32x128xf32, #tpu.memory_space<vmem>> -> memref<1x32x128xf32, #tpu.memory_space<vmem>>
      %dma_start3A_1910 = tpu.memref_squeeze %dma_start3A_1909 : memref<1x32x128xf32, #tpu.memory_space<vmem>> -> memref<32x128xf32, #tpu.memory_space<vmem>>
      %dma_start3A_1911 = arith.constant 0 : i32
      %dma_start3A_1912 = tpu.memref_slice %arg4[%dma_start3A_1911, %multiple_of3A_1891] : memref<32x1000000xf32, #tpu.memory_space<hbm>> -> memref<32x128xf32, #tpu.memory_space<hbm>>
      tpu.enqueue_dma source(%dma_start3A_1912 : memref<32x128xf32, #tpu.memory_space<hbm>>) target(%dma_start3A_1910 : memref<32x128xf32, #tpu.memory_space<vmem>>) target_semaphore(%dma_start3A_1906 : memref<!tpu.dma_semaphore, #tpu.memory_space<semaphore_mem>>)
      %dma_start3A_1913 = arith.constant 0 : i32
      %dma_start3A_1914 = arith.constant 0 : i32
      %dma_start3A_1915 = arith.constant 0 : i32
      %dma_start3A_1916 = arith.constant 0 : i32
      %dma_start3A_1917 = tpu.memref_slice %arg12[%dma_start3A_1913, %dma_start3A_1915, %dma_start3A_1916] : memref<8x32x128xf32, #tpu.memory_space<vmem>> -> memref<1x32x128xf32, #tpu.memory_space<vmem>>
      %dma_start3A_1918 = tpu.memref_squeeze %dma_start3A_1917 : memref<1x32x128xf32, #tpu.memory_space<vmem>> -> memref<32x128xf32, #tpu.memory_space<vmem>>
      %dma_start3A_1919 = arith.constant 0 : i32
      %dma_start3A_1920 = tpu.memref_slice %arg5[%dma_start3A_1919, %multiple_of3A_1896] : memref<32x1000000xf32, #tpu.memory_space<hbm>> -> memref<32x128xf32, #tpu.memory_space<hbm>>
      %dma_start3A_1921 = tpu.memref_slice %arg17[%dma_start3A_1914] : memref<8x!tpu.dma_semaphore, #tpu.memory_space<semaphore_mem>> -> memref<1x!tpu.dma_semaphore, #tpu.memory_space<semaphore_mem>>
      %dma_start3A_1922 = tpu.memref_squeeze %dma_start3A_1921 : memref<1x!tpu.dma_semaphore, #tpu.memory_space<semaphore_mem>> -> memref<!tpu.dma_semaphore, #tpu.memory_space<semaphore_mem>>
      %dma_start3A_1923 = arith.constant 0 : i32
      %dma_start3A_1924 = arith.constant 0 : i32
      %dma_start3A_1925 = tpu.memref_slice %arg12[%dma_start3A_1913, %dma_start3A_1923, %dma_start3A_1924] : memref<8x32x128xf32, #tpu.memory_space<vmem>> -> memref<1x32x128xf32, #tpu.memory_space<vmem>>
      %dma_start3A_1926 = tpu.memref_squeeze %dma_start3A_1925 : memref<1x32x128xf32, #tpu.memory_space<vmem>> -> memref<32x128xf32, #tpu.memory_space<vmem>>
      %dma_start3A_1927 = arith.constant 0 : i32
      %dma_start3A_1928 = tpu.memref_slice %arg5[%dma_start3A_1927, %multiple_of3A_1896] : memref<32x1000000xf32, #tpu.memory_space<hbm>> -> memref<32x128xf32, #tpu.memory_space<hbm>>
      tpu.enqueue_dma source(%dma_start3A_1928 : memref<32x128xf32, #tpu.memory_space<hbm>>) target(%dma_start3A_1926 : memref<32x128xf32, #tpu.memory_space<vmem>>) target_semaphore(%dma_start3A_1922 : memref<!tpu.dma_semaphore, #tpu.memory_space<semaphore_mem>>)
      %dma_wait3A_1929 = arith.constant 1 : i32
      %dma_wait3A_1930 = arith.constant 1 : i32
      %dma_wait3A_1931 = arith.constant 0 : i32
      %dma_wait3A_1932 = arith.constant 0 : i32
      %dma_wait3A_1933 = tpu.memref_slice %arg11[%dma_wait3A_1929, %dma_wait3A_1931, %dma_wait3A_1932] : memref<8x32x128xf32, #tpu.memory_space<vmem>> -> memref<1x32x128xf32, #tpu.memory_space<vmem>>
      %dma_wait3A_1934 = tpu.memref_squeeze %dma_wait3A_1933 : memref<1x32x128xf32, #tpu.memory_space<vmem>> -> memref<32x128xf32, #tpu.memory_space<vmem>>
      %dma_wait3A_1935 = arith.constant 0 : i32
      %dma_wait3A_1936 = arith.constant 0 : i32
      %dma_wait3A_1937 = tpu.memref_slice %arg4[%dma_wait3A_1935, %dma_wait3A_1936] : memref<32x1000000xf32, #tpu.memory_space<hbm>> -> memref<32x128xf32, #tpu.memory_space<hbm>>
      %dma_wait3A_1938 = tpu.memref_slice %arg16[%dma_wait3A_1930] : memref<8x!tpu.dma_semaphore, #tpu.memory_space<semaphore_mem>> -> memref<1x!tpu.dma_semaphore, #tpu.memory_space<semaphore_mem>>
      %dma_wait3A_1939 = tpu.memref_squeeze %dma_wait3A_1938 : memref<1x!tpu.dma_semaphore, #tpu.memory_space<semaphore_mem>> -> memref<!tpu.dma_semaphore, #tpu.memory_space<semaphore_mem>>
      %dma_wait3A_1940 = arith.constant 0 : i32
      %dma_wait3A_1941 = arith.constant 0 : i32
      %dma_wait3A_1942 = tpu.memref_slice %arg11[%dma_wait3A_1929, %dma_wait3A_1940, %dma_wait3A_1941] : memref<8x32x128xf32, #tpu.memory_space<vmem>> -> memref<1x32x128xf32, #tpu.memory_space<vmem>>
      %dma_wait3A_1943 = tpu.memref_squeeze %dma_wait3A_1942 : memref<1x32x128xf32, #tpu.memory_space<vmem>> -> memref<32x128xf32, #tpu.memory_space<vmem>>
      %dma_wait3A_1944 = arith.constant 0 : i32
      %dma_wait3A_1945 = arith.constant 0 : i32
      %dma_wait3A_1946 = tpu.memref_slice %arg4[%dma_wait3A_1944, %dma_wait3A_1945] : memref<32x1000000xf32, #tpu.memory_space<hbm>> -> memref<32x128xf32, #tpu.memory_space<hbm>>
      tpu.wait_dma2 semaphore(%dma_wait3A_1939 : memref<!tpu.dma_semaphore, #tpu.memory_space<semaphore_mem>>) src(%dma_wait3A_1946 : memref<32x128xf32, #tpu.memory_space<hbm>>) dst(%dma_wait3A_1943 : memref<32x128xf32, #tpu.memory_space<vmem>>)
      %dma_wait3A_1947 = arith.constant 1 : i32
      %dma_wait3A_1948 = arith.constant 1 : i32
      %dma_wait3A_1949 = arith.constant 0 : i32
      %dma_wait3A_1950 = arith.constant 0 : i32
      %dma_wait3A_1951 = tpu.memref_slice %arg12[%dma_wait3A_1947, %dma_wait3A_1949, %dma_wait3A_1950] : memref<8x32x128xf32, #tpu.memory_space<vmem>> -> memref<1x32x128xf32, #tpu.memory_space<vmem>>
      %dma_wait3A_1952 = tpu.memref_squeeze %dma_wait3A_1951 : memref<1x32x128xf32, #tpu.memory_space<vmem>> -> memref<32x128xf32, #tpu.memory_space<vmem>>
      %dma_wait3A_1953 = arith.constant 0 : i32
      %dma_wait3A_1954 = arith.constant 0 : i32
      %dma_wait3A_1955 = tpu.memref_slice %arg5[%dma_wait3A_1953, %dma_wait3A_1954] : memref<32x1000000xf32, #tpu.memory_space<hbm>> -> memref<32x128xf32, #tpu.memory_space<hbm>>
      %dma_wait3A_1956 = tpu.memref_slice %arg17[%dma_wait3A_1948] : memref<8x!tpu.dma_semaphore, #tpu.memory_space<semaphore_mem>> -> memref<1x!tpu.dma_semaphore, #tpu.memory_space<semaphore_mem>>
      %dma_wait3A_1957 = tpu.memref_squeeze %dma_wait3A_1956 : memref<1x!tpu.dma_semaphore, #tpu.memory_space<semaphore_mem>> -> memref<!tpu.dma_semaphore, #tpu.memory_space<semaphore_mem>>
      %dma_wait3A_1958 = arith.constant 0 : i32
      %dma_wait3A_1959 = arith.constant 0 : i32
      %dma_wait3A_1960 = tpu.memref_slice %arg12[%dma_wait3A_1947, %dma_wait3A_1958, %dma_wait3A_1959] : memref<8x32x128xf32, #tpu.memory_space<vmem>> -> memref<1x32x128xf32, #tpu.memory_space<vmem>>
      %dma_wait3A_1961 = tpu.memref_squeeze %dma_wait3A_1960 : memref<1x32x128xf32, #tpu.memory_space<vmem>> -> memref<32x128xf32, #tpu.memory_space<vmem>>
      %dma_wait3A_1962 = arith.constant 0 : i32
      %dma_wait3A_1963 = arith.constant 0 : i32
      %dma_wait3A_1964 = tpu.memref_slice %arg5[%dma_wait3A_1962, %dma_wait3A_1963] : memref<32x1000000xf32, #tpu.memory_space<hbm>> -> memref<32x128xf32, #tpu.memory_space<hbm>>
      tpu.wait_dma2 semaphore(%dma_wait3A_1957 : memref<!tpu.dma_semaphore, #tpu.memory_space<semaphore_mem>>) src(%dma_wait3A_1964 : memref<32x128xf32, #tpu.memory_space<hbm>>) dst(%dma_wait3A_1961 : memref<32x128xf32, #tpu.memory_space<vmem>>)
      %slice3A_1965 = vector.extract_strided_slice %get3A_671 {offsets = [9], sizes = [1], strides = [1]} : vector<16xi32> to vector<1xi32>
      %squeeze3A_1966 = vector.extract %slice3A_1965[0] : i32 from vector<1xi32>
      %and3A_1967 = arith.constant 127 : i32
      %and3A_1968 = arith.andi %squeeze3A_1966, %and3A_1967 : i32
      %broadcast_in_dim3A_1969 = vector.broadcast %and3A_1968 : i32 to vector<16xi32>
      %slice3A_1970 = vector.extract_strided_slice %get3A_675 {offsets = [9], sizes = [1], strides = [1]} : vector<16xi32> to vector<1xi32>
      %squeeze3A_1971 = vector.extract %slice3A_1970[0] : i32 from vector<1xi32>
      %and3A_1972 = arith.constant 127 : i32
      %and3A_1973 = arith.andi %squeeze3A_1971, %and3A_1972 : i32
      %broadcast_in_dim3A_1974 = vector.broadcast %and3A_1973 : i32 to vector<16xi32>
      %gather3A_1975 = arith.constant 1 : i32
      %gather3A_1976 = arith.constant 0 : i32
      %gather3A_1977 = arith.constant 0 : i32
      %gather3A_1978 = tpu.memref_slice %arg11[%gather3A_1975, %gather3A_1976, %gather3A_1977] : memref<8x32x128xf32, #tpu.memory_space<vmem>> -> memref<1x32x128xf32, #tpu.memory_space<vmem>>
      %gather3A_1979 = tpu.memref_squeeze %gather3A_1978 : memref<1x32x128xf32, #tpu.memory_space<vmem>> -> memref<32x128xf32, #tpu.memory_space<vmem>>
      %gather3A_1980 = tpu.vector_load_idx %gather3A_1979[%iota3A, %broadcast_in_dim3A_1969] : memref<32x128xf32, #tpu.memory_space<vmem>>[vector<16xi32>, vector<16xi32>], vector<16xf32>,
      %add3A_1981 = arith.constant 16 : i32
      %add3A_1982 = vector.broadcast %add3A_1981 : i32 to vector<16xi32>
      %add3A_1983 = arith.addi %iota3A, %add3A_1982 : vector<16xi32>
      %gather3A_1984 = arith.constant 1 : i32
      %gather3A_1985 = arith.constant 0 : i32
      %gather3A_1986 = arith.constant 0 : i32
      %gather3A_1987 = tpu.memref_slice %arg11[%gather3A_1984, %gather3A_1985, %gather3A_1986] : memref<8x32x128xf32, #tpu.memory_space<vmem>> -> memref<1x32x128xf32, #tpu.memory_space<vmem>>
      %gather3A_1988 = tpu.memref_squeeze %gather3A_1987 : memref<1x32x128xf32, #tpu.memory_space<vmem>> -> memref<32x128xf32, #tpu.memory_space<vmem>>
      %gather3A_1989 = tpu.vector_load_idx %gather3A_1988[%add3A_1983, %broadcast_in_dim3A_1969] : memref<32x128xf32, #tpu.memory_space<vmem>>[vector<16xi32>, vector<16xi32>], vector<16xf32>,
      %gather3A_1990 = arith.constant 1 : i32
      %gather3A_1991 = arith.constant 0 : i32
      %gather3A_1992 = arith.constant 0 : i32
      %gather3A_1993 = tpu.memref_slice %arg12[%gather3A_1990, %gather3A_1991, %gather3A_1992] : memref<8x32x128xf32, #tpu.memory_space<vmem>> -> memref<1x32x128xf32, #tpu.memory_space<vmem>>
      %gather3A_1994 = tpu.memref_squeeze %gather3A_1993 : memref<1x32x128xf32, #tpu.memory_space<vmem>> -> memref<32x128xf32, #tpu.memory_space<vmem>>
      %gather3A_1995 = tpu.vector_load_idx %gather3A_1994[%iota3A, %broadcast_in_dim3A_1974] : memref<32x128xf32, #tpu.memory_space<vmem>>[vector<16xi32>, vector<16xi32>], vector<16xf32>,
      %add3A_1996 = arith.constant 16 : i32
      %add3A_1997 = vector.broadcast %add3A_1996 : i32 to vector<16xi32>
      %add3A_1998 = arith.addi %iota3A, %add3A_1997 : vector<16xi32>
      %gather3A_1999 = arith.constant 1 : i32
      %gather3A_2000 = arith.constant 0 : i32
      %gather3A_2001 = arith.constant 0 : i32
      %gather3A_2002 = tpu.memref_slice %arg12[%gather3A_1999, %gather3A_2000, %gather3A_2001] : memref<8x32x128xf32, #tpu.memory_space<vmem>> -> memref<1x32x128xf32, #tpu.memory_space<vmem>>
      %gather3A_2003 = tpu.memref_squeeze %gather3A_2002 : memref<1x32x128xf32, #tpu.memory_space<vmem>> -> memref<32x128xf32, #tpu.memory_space<vmem>>
      %gather3A_2004 = tpu.vector_load_idx %gather3A_2003[%add3A_1998, %broadcast_in_dim3A_1974] : memref<32x128xf32, #tpu.memory_space<vmem>>[vector<16xi32>, vector<16xi32>], vector<16xf32>,
      %mul3A_2005 = arith.mulf %gather3A_1980, %gather3A_1995 : vector<16xf32>
      %mul3A_2006 = arith.mulf %mul3A_2005, %get3A_3 : vector<16xf32>
      %mul3A_2007 = arith.mulf %gather3A_1989, %gather3A_2004 : vector<16xf32>
      %mul3A_2008 = arith.mulf %mul3A_2007, %get3A_5 : vector<16xf32>
      %add3A_2009 = arith.addf %mul3A_2006, %mul3A_2008 : vector<16xf32>
      %reduce_sum3A_2010 = arith.constant true
      %reduce_sum3A_2011 = vector.broadcast %reduce_sum3A_2010 : i1 to vector<16xi1>
      %reduce_sum3A_2012 = tpu.scan <sum>, %add3A_2009 masked %reduce_sum3A_2011 : vector<16xf32>, vector<16xi1> -> vector<16xf32>
      %reduce_sum3A_2013 = vector.extract %reduce_sum3A_2012[15] : f32 from vector<16xf32>
      %eq3A_2014 = arith.constant 9 : i32
      %eq3A_2015 = vector.broadcast %eq3A_2014 : i32 to vector<16xi32>
      %eq3A_2016 = arith.cmpi eq, %iota3A, %eq3A_2015 : vector<16xi32>
      %jit3A_2017 = arith.constant 0.000000e+00 : f32
      %broadcast_in_dim3A_2018 = vector.broadcast %reduce_sum3A_2013 : f32 to vector<16xf32>
      %broadcast_in_dim3A_2019 = vector.broadcast %jit3A_2017 : f32 to vector<16xf32>
      %select_n3A_2020 = arith.select %eq3A_2016, %broadcast_in_dim3A_2018, %broadcast_in_dim3A_2019 : vector<16xi1>, vector<16xf32>
      %add3A_2021 = arith.addf %add3A_1882, %select_n3A_2020 : vector<16xf32>
      %slice3A_2022 = vector.extract_strided_slice %get3A_682 {offsets = [1], sizes = [1], strides = [1]} : vector<16xi32> to vector<1xi32>
      %squeeze3A_2023 = vector.extract %slice3A_2022[0] : i32 from vector<1xi32>
      %slice3A_2024 = vector.extract_strided_slice %get3A_684 {offsets = [1], sizes = [1], strides = [1]} : vector<16xi32> to vector<1xi32>
      %squeeze3A_2025 = vector.extract %slice3A_2024[0] : i32 from vector<1xi32>
      %shift_right_arithmetic3A_2026 = arith.constant 7 : i32
      %shift_right_arithmetic3A_2027 = arith.shrsi %squeeze3A_2023, %shift_right_arithmetic3A_2026 : i32
      %mul3A_2028 = arith.constant 128 : i32
      %mul3A_2029 = arith.muli %shift_right_arithmetic3A_2027, %mul3A_2028 : i32
      %multiple_of3A_2030 = tpu.assume_multiple %mul3A_2029, 128 : i32
      %shift_right_arithmetic3A_2031 = arith.constant 7 : i32
      %shift_right_arithmetic3A_2032 = arith.shrsi %squeeze3A_2025, %shift_right_arithmetic3A_2031 : i32
      %mul3A_2033 = arith.constant 128 : i32
      %mul3A_2034 = arith.muli %shift_right_arithmetic3A_2032, %mul3A_2033 : i32
      %multiple_of3A_2035 = tpu.assume_multiple %mul3A_2034, 128 : i32
      %dma_start3A_2036 = arith.constant 1 : i32
      %dma_start3A_2037 = arith.constant 1 : i32
      %dma_start3A_2038 = arith.constant 0 : i32
      %dma_start3A_2039 = arith.constant 0 : i32
      %dma_start3A_2040 = tpu.memref_slice %arg11[%dma_start3A_2036, %dma_start3A_2038, %dma_start3A_2039] : memref<8x32x128xf32, #tpu.memory_space<vmem>> -> memref<1x32x128xf32, #tpu.memory_space<vmem>>
      %dma_start3A_2041 = tpu.memref_squeeze %dma_start3A_2040 : memref<1x32x128xf32, #tpu.memory_space<vmem>> -> memref<32x128xf32, #tpu.memory_space<vmem>>
      %dma_start3A_2042 = arith.constant 0 : i32
      %dma_start3A_2043 = tpu.memref_slice %arg4[%dma_start3A_2042, %multiple_of3A_2030] : memref<32x1000000xf32, #tpu.memory_space<hbm>> -> memref<32x128xf32, #tpu.memory_space<hbm>>
      %dma_start3A_2044 = tpu.memref_slice %arg16[%dma_start3A_2037] : memref<8x!tpu.dma_semaphore, #tpu.memory_space<semaphore_mem>> -> memref<1x!tpu.dma_semaphore, #tpu.memory_space<semaphore_mem>>
      %dma_start3A_2045 = tpu.memref_squeeze %dma_start3A_2044 : memref<1x!tpu.dma_semaphore, #tpu.memory_space<semaphore_mem>> -> memref<!tpu.dma_semaphore, #tpu.memory_space<semaphore_mem>>
      %dma_start3A_2046 = arith.constant 0 : i32
      %dma_start3A_2047 = arith.constant 0 : i32
      %dma_start3A_2048 = tpu.memref_slice %arg11[%dma_start3A_2036, %dma_start3A_2046, %dma_start3A_2047] : memref<8x32x128xf32, #tpu.memory_space<vmem>> -> memref<1x32x128xf32, #tpu.memory_space<vmem>>
      %dma_start3A_2049 = tpu.memref_squeeze %dma_start3A_2048 : memref<1x32x128xf32, #tpu.memory_space<vmem>> -> memref<32x128xf32, #tpu.memory_space<vmem>>
      %dma_start3A_2050 = arith.constant 0 : i32
      %dma_start3A_2051 = tpu.memref_slice %arg4[%dma_start3A_2050, %multiple_of3A_2030] : memref<32x1000000xf32, #tpu.memory_space<hbm>> -> memref<32x128xf32, #tpu.memory_space<hbm>>
      tpu.enqueue_dma source(%dma_start3A_2051 : memref<32x128xf32, #tpu.memory_space<hbm>>) target(%dma_start3A_2049 : memref<32x128xf32, #tpu.memory_space<vmem>>) target_semaphore(%dma_start3A_2045 : memref<!tpu.dma_semaphore, #tpu.memory_space<semaphore_mem>>)
      %dma_start3A_2052 = arith.constant 1 : i32
      %dma_start3A_2053 = arith.constant 1 : i32
      %dma_start3A_2054 = arith.constant 0 : i32
      %dma_start3A_2055 = arith.constant 0 : i32
      %dma_start3A_2056 = tpu.memref_slice %arg12[%dma_start3A_2052, %dma_start3A_2054, %dma_start3A_2055] : memref<8x32x128xf32, #tpu.memory_space<vmem>> -> memref<1x32x128xf32, #tpu.memory_space<vmem>>
      %dma_start3A_2057 = tpu.memref_squeeze %dma_start3A_2056 : memref<1x32x128xf32, #tpu.memory_space<vmem>> -> memref<32x128xf32, #tpu.memory_space<vmem>>
      %dma_start3A_2058 = arith.constant 0 : i32
      %dma_start3A_2059 = tpu.memref_slice %arg5[%dma_start3A_2058, %multiple_of3A_2035] : memref<32x1000000xf32, #tpu.memory_space<hbm>> -> memref<32x128xf32, #tpu.memory_space<hbm>>
      %dma_start3A_2060 = tpu.memref_slice %arg17[%dma_start3A_2053] : memref<8x!tpu.dma_semaphore, #tpu.memory_space<semaphore_mem>> -> memref<1x!tpu.dma_semaphore, #tpu.memory_space<semaphore_mem>>
      %dma_start3A_2061 = tpu.memref_squeeze %dma_start3A_2060 : memref<1x!tpu.dma_semaphore, #tpu.memory_space<semaphore_mem>> -> memref<!tpu.dma_semaphore, #tpu.memory_space<semaphore_mem>>
      %dma_start3A_2062 = arith.constant 0 : i32
      %dma_start3A_2063 = arith.constant 0 : i32
      %dma_start3A_2064 = tpu.memref_slice %arg12[%dma_start3A_2052, %dma_start3A_2062, %dma_start3A_2063] : memref<8x32x128xf32, #tpu.memory_space<vmem>> -> memref<1x32x128xf32, #tpu.memory_space<vmem>>
      %dma_start3A_2065 = tpu.memref_squeeze %dma_start3A_2064 : memref<1x32x128xf32, #tpu.memory_space<vmem>> -> memref<32x128xf32, #tpu.memory_space<vmem>>
      %dma_start3A_2066 = arith.constant 0 : i32
      %dma_start3A_2067 = tpu.memref_slice %arg5[%dma_start3A_2066, %multiple_of3A_2035] : memref<32x1000000xf32, #tpu.memory_space<hbm>> -> memref<32x128xf32, #tpu.memory_space<hbm>>
      tpu.enqueue_dma source(%dma_start3A_2067 : memref<32x128xf32, #tpu.memory_space<hbm>>) target(%dma_start3A_2065 : memref<32x128xf32, #tpu.memory_space<vmem>>) target_semaphore(%dma_start3A_2061 : memref<!tpu.dma_semaphore, #tpu.memory_space<semaphore_mem>>)
      %dma_wait3A_2068 = arith.constant 2 : i32
      %dma_wait3A_2069 = arith.constant 2 : i32
      %dma_wait3A_2070 = arith.constant 0 : i32
      %dma_wait3A_2071 = arith.constant 0 : i32
      %dma_wait3A_2072 = tpu.memref_slice %arg11[%dma_wait3A_2068, %dma_wait3A_2070, %dma_wait3A_2071] : memref<8x32x128xf32, #tpu.memory_space<vmem>> -> memref<1x32x128xf32, #tpu.memory_space<vmem>>
      %dma_wait3A_2073 = tpu.memref_squeeze %dma_wait3A_2072 : memref<1x32x128xf32, #tpu.memory_space<vmem>> -> memref<32x128xf32, #tpu.memory_space<vmem>>
      %dma_wait3A_2074 = arith.constant 0 : i32
      %dma_wait3A_2075 = arith.constant 0 : i32
      %dma_wait3A_2076 = tpu.memref_slice %arg4[%dma_wait3A_2074, %dma_wait3A_2075] : memref<32x1000000xf32, #tpu.memory_space<hbm>> -> memref<32x128xf32, #tpu.memory_space<hbm>>
      %dma_wait3A_2077 = tpu.memref_slice %arg16[%dma_wait3A_2069] : memref<8x!tpu.dma_semaphore, #tpu.memory_space<semaphore_mem>> -> memref<1x!tpu.dma_semaphore, #tpu.memory_space<semaphore_mem>>
      %dma_wait3A_2078 = tpu.memref_squeeze %dma_wait3A_2077 : memref<1x!tpu.dma_semaphore, #tpu.memory_space<semaphore_mem>> -> memref<!tpu.dma_semaphore, #tpu.memory_space<semaphore_mem>>
      %dma_wait3A_2079 = arith.constant 0 : i32
      %dma_wait3A_2080 = arith.constant 0 : i32
      %dma_wait3A_2081 = tpu.memref_slice %arg11[%dma_wait3A_2068, %dma_wait3A_2079, %dma_wait3A_2080] : memref<8x32x128xf32, #tpu.memory_space<vmem>> -> memref<1x32x128xf32, #tpu.memory_space<vmem>>
      %dma_wait3A_2082 = tpu.memref_squeeze %dma_wait3A_2081 : memref<1x32x128xf32, #tpu.memory_space<vmem>> -> memref<32x128xf32, #tpu.memory_space<vmem>>
      %dma_wait3A_2083 = arith.constant 0 : i32
      %dma_wait3A_2084 = arith.constant 0 : i32
      %dma_wait3A_2085 = tpu.memref_slice %arg4[%dma_wait3A_2083, %dma_wait3A_2084] : memref<32x1000000xf32, #tpu.memory_space<hbm>> -> memref<32x128xf32, #tpu.memory_space<hbm>>
      tpu.wait_dma2 semaphore(%dma_wait3A_2078 : memref<!tpu.dma_semaphore, #tpu.memory_space<semaphore_mem>>) src(%dma_wait3A_2085 : memref<32x128xf32, #tpu.memory_space<hbm>>) dst(%dma_wait3A_2082 : memref<32x128xf32, #tpu.memory_space<vmem>>)
      %dma_wait3A_2086 = arith.constant 2 : i32
      %dma_wait3A_2087 = arith.constant 2 : i32
      %dma_wait3A_2088 = arith.constant 0 : i32
      %dma_wait3A_2089 = arith.constant 0 : i32
      %dma_wait3A_2090 = tpu.memref_slice %arg12[%dma_wait3A_2086, %dma_wait3A_2088, %dma_wait3A_2089] : memref<8x32x128xf32, #tpu.memory_space<vmem>> -> memref<1x32x128xf32, #tpu.memory_space<vmem>>
      %dma_wait3A_2091 = tpu.memref_squeeze %dma_wait3A_2090 : memref<1x32x128xf32, #tpu.memory_space<vmem>> -> memref<32x128xf32, #tpu.memory_space<vmem>>
      %dma_wait3A_2092 = arith.constant 0 : i32
      %dma_wait3A_2093 = arith.constant 0 : i32
      %dma_wait3A_2094 = tpu.memref_slice %arg5[%dma_wait3A_2092, %dma_wait3A_2093] : memref<32x1000000xf32, #tpu.memory_space<hbm>> -> memref<32x128xf32, #tpu.memory_space<hbm>>
      %dma_wait3A_2095 = tpu.memref_slice %arg17[%dma_wait3A_2087] : memref<8x!tpu.dma_semaphore, #tpu.memory_space<semaphore_mem>> -> memref<1x!tpu.dma_semaphore, #tpu.memory_space<semaphore_mem>>
      %dma_wait3A_2096 = tpu.memref_squeeze %dma_wait3A_2095 : memref<1x!tpu.dma_semaphore, #tpu.memory_space<semaphore_mem>> -> memref<!tpu.dma_semaphore, #tpu.memory_space<semaphore_mem>>
      %dma_wait3A_2097 = arith.constant 0 : i32
      %dma_wait3A_2098 = arith.constant 0 : i32
      %dma_wait3A_2099 = tpu.memref_slice %arg12[%dma_wait3A_2086, %dma_wait3A_2097, %dma_wait3A_2098] : memref<8x32x128xf32, #tpu.memory_space<vmem>> -> memref<1x32x128xf32, #tpu.memory_space<vmem>>
      %dma_wait3A_2100 = tpu.memref_squeeze %dma_wait3A_2099 : memref<1x32x128xf32, #tpu.memory_space<vmem>> -> memref<32x128xf32, #tpu.memory_space<vmem>>
      %dma_wait3A_2101 = arith.constant 0 : i32
      %dma_wait3A_2102 = arith.constant 0 : i32
      %dma_wait3A_2103 = tpu.memref_slice %arg5[%dma_wait3A_2101, %dma_wait3A_2102] : memref<32x1000000xf32, #tpu.memory_space<hbm>> -> memref<32x128xf32, #tpu.memory_space<hbm>>
      tpu.wait_dma2 semaphore(%dma_wait3A_2096 : memref<!tpu.dma_semaphore, #tpu.memory_space<semaphore_mem>>) src(%dma_wait3A_2103 : memref<32x128xf32, #tpu.memory_space<hbm>>) dst(%dma_wait3A_2100 : memref<32x128xf32, #tpu.memory_space<vmem>>)
      %slice3A_2104 = vector.extract_strided_slice %get3A_671 {offsets = [10], sizes = [1], strides = [1]} : vector<16xi32> to vector<1xi32>
      %squeeze3A_2105 = vector.extract %slice3A_2104[0] : i32 from vector<1xi32>
      %and3A_2106 = arith.constant 127 : i32
      %and3A_2107 = arith.andi %squeeze3A_2105, %and3A_2106 : i32
      %broadcast_in_dim3A_2108 = vector.broadcast %and3A_2107 : i32 to vector<16xi32>
      %slice3A_2109 = vector.extract_strided_slice %get3A_675 {offsets = [10], sizes = [1], strides = [1]} : vector<16xi32> to vector<1xi32>
      %squeeze3A_2110 = vector.extract %slice3A_2109[0] : i32 from vector<1xi32>
      %and3A_2111 = arith.constant 127 : i32
      %and3A_2112 = arith.andi %squeeze3A_2110, %and3A_2111 : i32
      %broadcast_in_dim3A_2113 = vector.broadcast %and3A_2112 : i32 to vector<16xi32>
      %gather3A_2114 = arith.constant 2 : i32
      %gather3A_2115 = arith.constant 0 : i32
      %gather3A_2116 = arith.constant 0 : i32
      %gather3A_2117 = tpu.memref_slice %arg11[%gather3A_2114, %gather3A_2115, %gather3A_2116] : memref<8x32x128xf32, #tpu.memory_space<vmem>> -> memref<1x32x128xf32, #tpu.memory_space<vmem>>
      %gather3A_2118 = tpu.memref_squeeze %gather3A_2117 : memref<1x32x128xf32, #tpu.memory_space<vmem>> -> memref<32x128xf32, #tpu.memory_space<vmem>>
      %gather3A_2119 = tpu.vector_load_idx %gather3A_2118[%iota3A, %broadcast_in_dim3A_2108] : memref<32x128xf32, #tpu.memory_space<vmem>>[vector<16xi32>, vector<16xi32>], vector<16xf32>,
      %add3A_2120 = arith.constant 16 : i32
      %add3A_2121 = vector.broadcast %add3A_2120 : i32 to vector<16xi32>
      %add3A_2122 = arith.addi %iota3A, %add3A_2121 : vector<16xi32>
      %gather3A_2123 = arith.constant 2 : i32
      %gather3A_2124 = arith.constant 0 : i32
      %gather3A_2125 = arith.constant 0 : i32
      %gather3A_2126 = tpu.memref_slice %arg11[%gather3A_2123, %gather3A_2124, %gather3A_2125] : memref<8x32x128xf32, #tpu.memory_space<vmem>> -> memref<1x32x128xf32, #tpu.memory_space<vmem>>
      %gather3A_2127 = tpu.memref_squeeze %gather3A_2126 : memref<1x32x128xf32, #tpu.memory_space<vmem>> -> memref<32x128xf32, #tpu.memory_space<vmem>>
      %gather3A_2128 = tpu.vector_load_idx %gather3A_2127[%add3A_2122, %broadcast_in_dim3A_2108] : memref<32x128xf32, #tpu.memory_space<vmem>>[vector<16xi32>, vector<16xi32>], vector<16xf32>,
      %gather3A_2129 = arith.constant 2 : i32
      %gather3A_2130 = arith.constant 0 : i32
      %gather3A_2131 = arith.constant 0 : i32
      %gather3A_2132 = tpu.memref_slice %arg12[%gather3A_2129, %gather3A_2130, %gather3A_2131] : memref<8x32x128xf32, #tpu.memory_space<vmem>> -> memref<1x32x128xf32, #tpu.memory_space<vmem>>
      %gather3A_2133 = tpu.memref_squeeze %gather3A_2132 : memref<1x32x128xf32, #tpu.memory_space<vmem>> -> memref<32x128xf32, #tpu.memory_space<vmem>>
      %gather3A_2134 = tpu.vector_load_idx %gather3A_2133[%iota3A, %broadcast_in_dim3A_2113] : memref<32x128xf32, #tpu.memory_space<vmem>>[vector<16xi32>, vector<16xi32>], vector<16xf32>,
      %add3A_2135 = arith.constant 16 : i32
      %add3A_2136 = vector.broadcast %add3A_2135 : i32 to vector<16xi32>
      %add3A_2137 = arith.addi %iota3A, %add3A_2136 : vector<16xi32>
      %gather3A_2138 = arith.constant 2 : i32
      %gather3A_2139 = arith.constant 0 : i32
      %gather3A_2140 = arith.constant 0 : i32
      %gather3A_2141 = tpu.memref_slice %arg12[%gather3A_2138, %gather3A_2139, %gather3A_2140] : memref<8x32x128xf32, #tpu.memory_space<vmem>> -> memref<1x32x128xf32, #tpu.memory_space<vmem>>
      %gather3A_2142 = tpu.memref_squeeze %gather3A_2141 : memref<1x32x128xf32, #tpu.memory_space<vmem>> -> memref<32x128xf32, #tpu.memory_space<vmem>>
      %gather3A_2143 = tpu.vector_load_idx %gather3A_2142[%add3A_2137, %broadcast_in_dim3A_2113] : memref<32x128xf32, #tpu.memory_space<vmem>>[vector<16xi32>, vector<16xi32>], vector<16xf32>,
      %mul3A_2144 = arith.mulf %gather3A_2119, %gather3A_2134 : vector<16xf32>
      %mul3A_2145 = arith.mulf %mul3A_2144, %get3A_3 : vector<16xf32>
      %mul3A_2146 = arith.mulf %gather3A_2128, %gather3A_2143 : vector<16xf32>
      %mul3A_2147 = arith.mulf %mul3A_2146, %get3A_5 : vector<16xf32>
      %add3A_2148 = arith.addf %mul3A_2145, %mul3A_2147 : vector<16xf32>
      %reduce_sum3A_2149 = arith.constant true
      %reduce_sum3A_2150 = vector.broadcast %reduce_sum3A_2149 : i1 to vector<16xi1>
      %reduce_sum3A_2151 = tpu.scan <sum>, %add3A_2148 masked %reduce_sum3A_2150 : vector<16xf32>, vector<16xi1> -> vector<16xf32>
      %reduce_sum3A_2152 = vector.extract %reduce_sum3A_2151[15] : f32 from vector<16xf32>
      %eq3A_2153 = arith.constant 10 : i32
      %eq3A_2154 = vector.broadcast %eq3A_2153 : i32 to vector<16xi32>
      %eq3A_2155 = arith.cmpi eq, %iota3A, %eq3A_2154 : vector<16xi32>
      %jit3A_2156 = arith.constant 0.000000e+00 : f32
      %broadcast_in_dim3A_2157 = vector.broadcast %reduce_sum3A_2152 : f32 to vector<16xf32>
      %broadcast_in_dim3A_2158 = vector.broadcast %jit3A_2156 : f32 to vector<16xf32>
      %select_n3A_2159 = arith.select %eq3A_2155, %broadcast_in_dim3A_2157, %broadcast_in_dim3A_2158 : vector<16xi1>, vector<16xf32>
      %add3A_2160 = arith.addf %add3A_2021, %select_n3A_2159 : vector<16xf32>
      %slice3A_2161 = vector.extract_strided_slice %get3A_682 {offsets = [2], sizes = [1], strides = [1]} : vector<16xi32> to vector<1xi32>
      %squeeze3A_2162 = vector.extract %slice3A_2161[0] : i32 from vector<1xi32>
      %slice3A_2163 = vector.extract_strided_slice %get3A_684 {offsets = [2], sizes = [1], strides = [1]} : vector<16xi32> to vector<1xi32>
      %squeeze3A_2164 = vector.extract %slice3A_2163[0] : i32 from vector<1xi32>
      %shift_right_arithmetic3A_2165 = arith.constant 7 : i32
      %shift_right_arithmetic3A_2166 = arith.shrsi %squeeze3A_2162, %shift_right_arithmetic3A_2165 : i32
      %mul3A_2167 = arith.constant 128 : i32
      %mul3A_2168 = arith.muli %shift_right_arithmetic3A_2166, %mul3A_2167 : i32
      %multiple_of3A_2169 = tpu.assume_multiple %mul3A_2168, 128 : i32
      %shift_right_arithmetic3A_2170 = arith.constant 7 : i32
      %shift_right_arithmetic3A_2171 = arith.shrsi %squeeze3A_2164, %shift_right_arithmetic3A_2170 : i32
      %mul3A_2172 = arith.constant 128 : i32
      %mul3A_2173 = arith.muli %shift_right_arithmetic3A_2171, %mul3A_2172 : i32
      %multiple_of3A_2174 = tpu.assume_multiple %mul3A_2173, 128 : i32
      %dma_start3A_2175 = arith.constant 2 : i32
      %dma_start3A_2176 = arith.constant 2 : i32
      %dma_start3A_2177 = arith.constant 0 : i32
      %dma_start3A_2178 = arith.constant 0 : i32
      %dma_start3A_2179 = tpu.memref_slice %arg11[%dma_start3A_2175, %dma_start3A_2177, %dma_start3A_2178] : memref<8x32x128xf32, #tpu.memory_space<vmem>> -> memref<1x32x128xf32, #tpu.memory_space<vmem>>
      %dma_start3A_2180 = tpu.memref_squeeze %dma_start3A_2179 : memref<1x32x128xf32, #tpu.memory_space<vmem>> -> memref<32x128xf32, #tpu.memory_space<vmem>>
      %dma_start3A_2181 = arith.constant 0 : i32
      %dma_start3A_2182 = tpu.memref_slice %arg4[%dma_start3A_2181, %multiple_of3A_2169] : memref<32x1000000xf32, #tpu.memory_space<hbm>> -> memref<32x128xf32, #tpu.memory_space<hbm>>
      %dma_start3A_2183 = tpu.memref_slice %arg16[%dma_start3A_2176] : memref<8x!tpu.dma_semaphore, #tpu.memory_space<semaphore_mem>> -> memref<1x!tpu.dma_semaphore, #tpu.memory_space<semaphore_mem>>
      %dma_start3A_2184 = tpu.memref_squeeze %dma_start3A_2183 : memref<1x!tpu.dma_semaphore, #tpu.memory_space<semaphore_mem>> -> memref<!tpu.dma_semaphore, #tpu.memory_space<semaphore_mem>>
      %dma_start3A_2185 = arith.constant 0 : i32
      %dma_start3A_2186 = arith.constant 0 : i32
      %dma_start3A_2187 = tpu.memref_slice %arg11[%dma_start3A_2175, %dma_start3A_2185, %dma_start3A_2186] : memref<8x32x128xf32, #tpu.memory_space<vmem>> -> memref<1x32x128xf32, #tpu.memory_space<vmem>>
      %dma_start3A_2188 = tpu.memref_squeeze %dma_start3A_2187 : memref<1x32x128xf32, #tpu.memory_space<vmem>> -> memref<32x128xf32, #tpu.memory_space<vmem>>
      %dma_start3A_2189 = arith.constant 0 : i32
      %dma_start3A_2190 = tpu.memref_slice %arg4[%dma_start3A_2189, %multiple_of3A_2169] : memref<32x1000000xf32, #tpu.memory_space<hbm>> -> memref<32x128xf32, #tpu.memory_space<hbm>>
      tpu.enqueue_dma source(%dma_start3A_2190 : memref<32x128xf32, #tpu.memory_space<hbm>>) target(%dma_start3A_2188 : memref<32x128xf32, #tpu.memory_space<vmem>>) target_semaphore(%dma_start3A_2184 : memref<!tpu.dma_semaphore, #tpu.memory_space<semaphore_mem>>)
      %dma_start3A_2191 = arith.constant 2 : i32
      %dma_start3A_2192 = arith.constant 2 : i32
      %dma_start3A_2193 = arith.constant 0 : i32
      %dma_start3A_2194 = arith.constant 0 : i32
      %dma_start3A_2195 = tpu.memref_slice %arg12[%dma_start3A_2191, %dma_start3A_2193, %dma_start3A_2194] : memref<8x32x128xf32, #tpu.memory_space<vmem>> -> memref<1x32x128xf32, #tpu.memory_space<vmem>>
      %dma_start3A_2196 = tpu.memref_squeeze %dma_start3A_2195 : memref<1x32x128xf32, #tpu.memory_space<vmem>> -> memref<32x128xf32, #tpu.memory_space<vmem>>
      %dma_start3A_2197 = arith.constant 0 : i32
      %dma_start3A_2198 = tpu.memref_slice %arg5[%dma_start3A_2197, %multiple_of3A_2174] : memref<32x1000000xf32, #tpu.memory_space<hbm>> -> memref<32x128xf32, #tpu.memory_space<hbm>>
      %dma_start3A_2199 = tpu.memref_slice %arg17[%dma_start3A_2192] : memref<8x!tpu.dma_semaphore, #tpu.memory_space<semaphore_mem>> -> memref<1x!tpu.dma_semaphore, #tpu.memory_space<semaphore_mem>>
      %dma_start3A_2200 = tpu.memref_squeeze %dma_start3A_2199 : memref<1x!tpu.dma_semaphore, #tpu.memory_space<semaphore_mem>> -> memref<!tpu.dma_semaphore, #tpu.memory_space<semaphore_mem>>
      %dma_start3A_2201 = arith.constant 0 : i32
      %dma_start3A_2202 = arith.constant 0 : i32
      %dma_start3A_2203 = tpu.memref_slice %arg12[%dma_start3A_2191, %dma_start3A_2201, %dma_start3A_2202] : memref<8x32x128xf32, #tpu.memory_space<vmem>> -> memref<1x32x128xf32, #tpu.memory_space<vmem>>
      %dma_start3A_2204 = tpu.memref_squeeze %dma_start3A_2203 : memref<1x32x128xf32, #tpu.memory_space<vmem>> -> memref<32x128xf32, #tpu.memory_space<vmem>>
      %dma_start3A_2205 = arith.constant 0 : i32
      %dma_start3A_2206 = tpu.memref_slice %arg5[%dma_start3A_2205, %multiple_of3A_2174] : memref<32x1000000xf32, #tpu.memory_space<hbm>> -> memref<32x128xf32, #tpu.memory_space<hbm>>
      tpu.enqueue_dma source(%dma_start3A_2206 : memref<32x128xf32, #tpu.memory_space<hbm>>) target(%dma_start3A_2204 : memref<32x128xf32, #tpu.memory_space<vmem>>) target_semaphore(%dma_start3A_2200 : memref<!tpu.dma_semaphore, #tpu.memory_space<semaphore_mem>>)
      %dma_wait3A_2207 = arith.constant 3 : i32
      %dma_wait3A_2208 = arith.constant 3 : i32
      %dma_wait3A_2209 = arith.constant 0 : i32
      %dma_wait3A_2210 = arith.constant 0 : i32
      %dma_wait3A_2211 = tpu.memref_slice %arg11[%dma_wait3A_2207, %dma_wait3A_2209, %dma_wait3A_2210] : memref<8x32x128xf32, #tpu.memory_space<vmem>> -> memref<1x32x128xf32, #tpu.memory_space<vmem>>
      %dma_wait3A_2212 = tpu.memref_squeeze %dma_wait3A_2211 : memref<1x32x128xf32, #tpu.memory_space<vmem>> -> memref<32x128xf32, #tpu.memory_space<vmem>>
      %dma_wait3A_2213 = arith.constant 0 : i32
      %dma_wait3A_2214 = arith.constant 0 : i32
      %dma_wait3A_2215 = tpu.memref_slice %arg4[%dma_wait3A_2213, %dma_wait3A_2214] : memref<32x1000000xf32, #tpu.memory_space<hbm>> -> memref<32x128xf32, #tpu.memory_space<hbm>>
      %dma_wait3A_2216 = tpu.memref_slice %arg16[%dma_wait3A_2208] : memref<8x!tpu.dma_semaphore, #tpu.memory_space<semaphore_mem>> -> memref<1x!tpu.dma_semaphore, #tpu.memory_space<semaphore_mem>>
      %dma_wait3A_2217 = tpu.memref_squeeze %dma_wait3A_2216 : memref<1x!tpu.dma_semaphore, #tpu.memory_space<semaphore_mem>> -> memref<!tpu.dma_semaphore, #tpu.memory_space<semaphore_mem>>
      %dma_wait3A_2218 = arith.constant 0 : i32
      %dma_wait3A_2219 = arith.constant 0 : i32
      %dma_wait3A_2220 = tpu.memref_slice %arg11[%dma_wait3A_2207, %dma_wait3A_2218, %dma_wait3A_2219] : memref<8x32x128xf32, #tpu.memory_space<vmem>> -> memref<1x32x128xf32, #tpu.memory_space<vmem>>
      %dma_wait3A_2221 = tpu.memref_squeeze %dma_wait3A_2220 : memref<1x32x128xf32, #tpu.memory_space<vmem>> -> memref<32x128xf32, #tpu.memory_space<vmem>>
      %dma_wait3A_2222 = arith.constant 0 : i32
      %dma_wait3A_2223 = arith.constant 0 : i32
      %dma_wait3A_2224 = tpu.memref_slice %arg4[%dma_wait3A_2222, %dma_wait3A_2223] : memref<32x1000000xf32, #tpu.memory_space<hbm>> -> memref<32x128xf32, #tpu.memory_space<hbm>>
      tpu.wait_dma2 semaphore(%dma_wait3A_2217 : memref<!tpu.dma_semaphore, #tpu.memory_space<semaphore_mem>>) src(%dma_wait3A_2224 : memref<32x128xf32, #tpu.memory_space<hbm>>) dst(%dma_wait3A_2221 : memref<32x128xf32, #tpu.memory_space<vmem>>)
      %dma_wait3A_2225 = arith.constant 3 : i32
      %dma_wait3A_2226 = arith.constant 3 : i32
      %dma_wait3A_2227 = arith.constant 0 : i32
      %dma_wait3A_2228 = arith.constant 0 : i32
      %dma_wait3A_2229 = tpu.memref_slice %arg12[%dma_wait3A_2225, %dma_wait3A_2227, %dma_wait3A_2228] : memref<8x32x128xf32, #tpu.memory_space<vmem>> -> memref<1x32x128xf32, #tpu.memory_space<vmem>>
      %dma_wait3A_2230 = tpu.memref_squeeze %dma_wait3A_2229 : memref<1x32x128xf32, #tpu.memory_space<vmem>> -> memref<32x128xf32, #tpu.memory_space<vmem>>
      %dma_wait3A_2231 = arith.constant 0 : i32
      %dma_wait3A_2232 = arith.constant 0 : i32
      %dma_wait3A_2233 = tpu.memref_slice %arg5[%dma_wait3A_2231, %dma_wait3A_2232] : memref<32x1000000xf32, #tpu.memory_space<hbm>> -> memref<32x128xf32, #tpu.memory_space<hbm>>
      %dma_wait3A_2234 = tpu.memref_slice %arg17[%dma_wait3A_2226] : memref<8x!tpu.dma_semaphore, #tpu.memory_space<semaphore_mem>> -> memref<1x!tpu.dma_semaphore, #tpu.memory_space<semaphore_mem>>
      %dma_wait3A_2235 = tpu.memref_squeeze %dma_wait3A_2234 : memref<1x!tpu.dma_semaphore, #tpu.memory_space<semaphore_mem>> -> memref<!tpu.dma_semaphore, #tpu.memory_space<semaphore_mem>>
      %dma_wait3A_2236 = arith.constant 0 : i32
      %dma_wait3A_2237 = arith.constant 0 : i32
      %dma_wait3A_2238 = tpu.memref_slice %arg12[%dma_wait3A_2225, %dma_wait3A_2236, %dma_wait3A_2237] : memref<8x32x128xf32, #tpu.memory_space<vmem>> -> memref<1x32x128xf32, #tpu.memory_space<vmem>>
      %dma_wait3A_2239 = tpu.memref_squeeze %dma_wait3A_2238 : memref<1x32x128xf32, #tpu.memory_space<vmem>> -> memref<32x128xf32, #tpu.memory_space<vmem>>
      %dma_wait3A_2240 = arith.constant 0 : i32
      %dma_wait3A_2241 = arith.constant 0 : i32
      %dma_wait3A_2242 = tpu.memref_slice %arg5[%dma_wait3A_2240, %dma_wait3A_2241] : memref<32x1000000xf32, #tpu.memory_space<hbm>> -> memref<32x128xf32, #tpu.memory_space<hbm>>
      tpu.wait_dma2 semaphore(%dma_wait3A_2235 : memref<!tpu.dma_semaphore, #tpu.memory_space<semaphore_mem>>) src(%dma_wait3A_2242 : memref<32x128xf32, #tpu.memory_space<hbm>>) dst(%dma_wait3A_2239 : memref<32x128xf32, #tpu.memory_space<vmem>>)
      %slice3A_2243 = vector.extract_strided_slice %get3A_671 {offsets = [11], sizes = [1], strides = [1]} : vector<16xi32> to vector<1xi32>
      %squeeze3A_2244 = vector.extract %slice3A_2243[0] : i32 from vector<1xi32>
      %and3A_2245 = arith.constant 127 : i32
      %and3A_2246 = arith.andi %squeeze3A_2244, %and3A_2245 : i32
      %broadcast_in_dim3A_2247 = vector.broadcast %and3A_2246 : i32 to vector<16xi32>
      %slice3A_2248 = vector.extract_strided_slice %get3A_675 {offsets = [11], sizes = [1], strides = [1]} : vector<16xi32> to vector<1xi32>
      %squeeze3A_2249 = vector.extract %slice3A_2248[0] : i32 from vector<1xi32>
      %and3A_2250 = arith.constant 127 : i32
      %and3A_2251 = arith.andi %squeeze3A_2249, %and3A_2250 : i32
      %broadcast_in_dim3A_2252 = vector.broadcast %and3A_2251 : i32 to vector<16xi32>
      %gather3A_2253 = arith.constant 3 : i32
      %gather3A_2254 = arith.constant 0 : i32
      %gather3A_2255 = arith.constant 0 : i32
      %gather3A_2256 = tpu.memref_slice %arg11[%gather3A_2253, %gather3A_2254, %gather3A_2255] : memref<8x32x128xf32, #tpu.memory_space<vmem>> -> memref<1x32x128xf32, #tpu.memory_space<vmem>>
      %gather3A_2257 = tpu.memref_squeeze %gather3A_2256 : memref<1x32x128xf32, #tpu.memory_space<vmem>> -> memref<32x128xf32, #tpu.memory_space<vmem>>
      %gather3A_2258 = tpu.vector_load_idx %gather3A_2257[%iota3A, %broadcast_in_dim3A_2247] : memref<32x128xf32, #tpu.memory_space<vmem>>[vector<16xi32>, vector<16xi32>], vector<16xf32>,
      %add3A_2259 = arith.constant 16 : i32
      %add3A_2260 = vector.broadcast %add3A_2259 : i32 to vector<16xi32>
      %add3A_2261 = arith.addi %iota3A, %add3A_2260 : vector<16xi32>
      %gather3A_2262 = arith.constant 3 : i32
      %gather3A_2263 = arith.constant 0 : i32
      %gather3A_2264 = arith.constant 0 : i32
      %gather3A_2265 = tpu.memref_slice %arg11[%gather3A_2262, %gather3A_2263, %gather3A_2264] : memref<8x32x128xf32, #tpu.memory_space<vmem>> -> memref<1x32x128xf32, #tpu.memory_space<vmem>>
      %gather3A_2266 = tpu.memref_squeeze %gather3A_2265 : memref<1x32x128xf32, #tpu.memory_space<vmem>> -> memref<32x128xf32, #tpu.memory_space<vmem>>
      %gather3A_2267 = tpu.vector_load_idx %gather3A_2266[%add3A_2261, %broadcast_in_dim3A_2247] : memref<32x128xf32, #tpu.memory_space<vmem>>[vector<16xi32>, vector<16xi32>], vector<16xf32>,
      %gather3A_2268 = arith.constant 3 : i32
      %gather3A_2269 = arith.constant 0 : i32
      %gather3A_2270 = arith.constant 0 : i32
      %gather3A_2271 = tpu.memref_slice %arg12[%gather3A_2268, %gather3A_2269, %gather3A_2270] : memref<8x32x128xf32, #tpu.memory_space<vmem>> -> memref<1x32x128xf32, #tpu.memory_space<vmem>>
      %gather3A_2272 = tpu.memref_squeeze %gather3A_2271 : memref<1x32x128xf32, #tpu.memory_space<vmem>> -> memref<32x128xf32, #tpu.memory_space<vmem>>
      %gather3A_2273 = tpu.vector_load_idx %gather3A_2272[%iota3A, %broadcast_in_dim3A_2252] : memref<32x128xf32, #tpu.memory_space<vmem>>[vector<16xi32>, vector<16xi32>], vector<16xf32>,
      %add3A_2274 = arith.constant 16 : i32
      %add3A_2275 = vector.broadcast %add3A_2274 : i32 to vector<16xi32>
      %add3A_2276 = arith.addi %iota3A, %add3A_2275 : vector<16xi32>
      %gather3A_2277 = arith.constant 3 : i32
      %gather3A_2278 = arith.constant 0 : i32
      %gather3A_2279 = arith.constant 0 : i32
      %gather3A_2280 = tpu.memref_slice %arg12[%gather3A_2277, %gather3A_2278, %gather3A_2279] : memref<8x32x128xf32, #tpu.memory_space<vmem>> -> memref<1x32x128xf32, #tpu.memory_space<vmem>>
      %gather3A_2281 = tpu.memref_squeeze %gather3A_2280 : memref<1x32x128xf32, #tpu.memory_space<vmem>> -> memref<32x128xf32, #tpu.memory_space<vmem>>
      %gather3A_2282 = tpu.vector_load_idx %gather3A_2281[%add3A_2276, %broadcast_in_dim3A_2252] : memref<32x128xf32, #tpu.memory_space<vmem>>[vector<16xi32>, vector<16xi32>], vector<16xf32>,
      %mul3A_2283 = arith.mulf %gather3A_2258, %gather3A_2273 : vector<16xf32>
      %mul3A_2284 = arith.mulf %mul3A_2283, %get3A_3 : vector<16xf32>
      %mul3A_2285 = arith.mulf %gather3A_2267, %gather3A_2282 : vector<16xf32>
      %mul3A_2286 = arith.mulf %mul3A_2285, %get3A_5 : vector<16xf32>
      %add3A_2287 = arith.addf %mul3A_2284, %mul3A_2286 : vector<16xf32>
      %reduce_sum3A_2288 = arith.constant true
      %reduce_sum3A_2289 = vector.broadcast %reduce_sum3A_2288 : i1 to vector<16xi1>
      %reduce_sum3A_2290 = tpu.scan <sum>, %add3A_2287 masked %reduce_sum3A_2289 : vector<16xf32>, vector<16xi1> -> vector<16xf32>
      %reduce_sum3A_2291 = vector.extract %reduce_sum3A_2290[15] : f32 from vector<16xf32>
      %eq3A_2292 = arith.constant 11 : i32
      %eq3A_2293 = vector.broadcast %eq3A_2292 : i32 to vector<16xi32>
      %eq3A_2294 = arith.cmpi eq, %iota3A, %eq3A_2293 : vector<16xi32>
      %jit3A_2295 = arith.constant 0.000000e+00 : f32
      %broadcast_in_dim3A_2296 = vector.broadcast %reduce_sum3A_2291 : f32 to vector<16xf32>
      %broadcast_in_dim3A_2297 = vector.broadcast %jit3A_2295 : f32 to vector<16xf32>
      %select_n3A_2298 = arith.select %eq3A_2294, %broadcast_in_dim3A_2296, %broadcast_in_dim3A_2297 : vector<16xi1>, vector<16xf32>
      %add3A_2299 = arith.addf %add3A_2160, %select_n3A_2298 : vector<16xf32>
      %slice3A_2300 = vector.extract_strided_slice %get3A_682 {offsets = [3], sizes = [1], strides = [1]} : vector<16xi32> to vector<1xi32>
      %squeeze3A_2301 = vector.extract %slice3A_2300[0] : i32 from vector<1xi32>
      %slice3A_2302 = vector.extract_strided_slice %get3A_684 {offsets = [3], sizes = [1], strides = [1]} : vector<16xi32> to vector<1xi32>
      %squeeze3A_2303 = vector.extract %slice3A_2302[0] : i32 from vector<1xi32>
      %shift_right_arithmetic3A_2304 = arith.constant 7 : i32
      %shift_right_arithmetic3A_2305 = arith.shrsi %squeeze3A_2301, %shift_right_arithmetic3A_2304 : i32
      %mul3A_2306 = arith.constant 128 : i32
      %mul3A_2307 = arith.muli %shift_right_arithmetic3A_2305, %mul3A_2306 : i32
      %multiple_of3A_2308 = tpu.assume_multiple %mul3A_2307, 128 : i32
      %shift_right_arithmetic3A_2309 = arith.constant 7 : i32
      %shift_right_arithmetic3A_2310 = arith.shrsi %squeeze3A_2303, %shift_right_arithmetic3A_2309 : i32
      %mul3A_2311 = arith.constant 128 : i32
      %mul3A_2312 = arith.muli %shift_right_arithmetic3A_2310, %mul3A_2311 : i32
      %multiple_of3A_2313 = tpu.assume_multiple %mul3A_2312, 128 : i32
      %dma_start3A_2314 = arith.constant 3 : i32
      %dma_start3A_2315 = arith.constant 3 : i32
      %dma_start3A_2316 = arith.constant 0 : i32
      %dma_start3A_2317 = arith.constant 0 : i32
      %dma_start3A_2318 = tpu.memref_slice %arg11[%dma_start3A_2314, %dma_start3A_2316, %dma_start3A_2317] : memref<8x32x128xf32, #tpu.memory_space<vmem>> -> memref<1x32x128xf32, #tpu.memory_space<vmem>>
      %dma_start3A_2319 = tpu.memref_squeeze %dma_start3A_2318 : memref<1x32x128xf32, #tpu.memory_space<vmem>> -> memref<32x128xf32, #tpu.memory_space<vmem>>
      %dma_start3A_2320 = arith.constant 0 : i32
      %dma_start3A_2321 = tpu.memref_slice %arg4[%dma_start3A_2320, %multiple_of3A_2308] : memref<32x1000000xf32, #tpu.memory_space<hbm>> -> memref<32x128xf32, #tpu.memory_space<hbm>>
      %dma_start3A_2322 = tpu.memref_slice %arg16[%dma_start3A_2315] : memref<8x!tpu.dma_semaphore, #tpu.memory_space<semaphore_mem>> -> memref<1x!tpu.dma_semaphore, #tpu.memory_space<semaphore_mem>>
      %dma_start3A_2323 = tpu.memref_squeeze %dma_start3A_2322 : memref<1x!tpu.dma_semaphore, #tpu.memory_space<semaphore_mem>> -> memref<!tpu.dma_semaphore, #tpu.memory_space<semaphore_mem>>
      %dma_start3A_2324 = arith.constant 0 : i32
      %dma_start3A_2325 = arith.constant 0 : i32
      %dma_start3A_2326 = tpu.memref_slice %arg11[%dma_start3A_2314, %dma_start3A_2324, %dma_start3A_2325] : memref<8x32x128xf32, #tpu.memory_space<vmem>> -> memref<1x32x128xf32, #tpu.memory_space<vmem>>
      %dma_start3A_2327 = tpu.memref_squeeze %dma_start3A_2326 : memref<1x32x128xf32, #tpu.memory_space<vmem>> -> memref<32x128xf32, #tpu.memory_space<vmem>>
      %dma_start3A_2328 = arith.constant 0 : i32
      %dma_start3A_2329 = tpu.memref_slice %arg4[%dma_start3A_2328, %multiple_of3A_2308] : memref<32x1000000xf32, #tpu.memory_space<hbm>> -> memref<32x128xf32, #tpu.memory_space<hbm>>
      tpu.enqueue_dma source(%dma_start3A_2329 : memref<32x128xf32, #tpu.memory_space<hbm>>) target(%dma_start3A_2327 : memref<32x128xf32, #tpu.memory_space<vmem>>) target_semaphore(%dma_start3A_2323 : memref<!tpu.dma_semaphore, #tpu.memory_space<semaphore_mem>>)
      %dma_start3A_2330 = arith.constant 3 : i32
      %dma_start3A_2331 = arith.constant 3 : i32
      %dma_start3A_2332 = arith.constant 0 : i32
      %dma_start3A_2333 = arith.constant 0 : i32
      %dma_start3A_2334 = tpu.memref_slice %arg12[%dma_start3A_2330, %dma_start3A_2332, %dma_start3A_2333] : memref<8x32x128xf32, #tpu.memory_space<vmem>> -> memref<1x32x128xf32, #tpu.memory_space<vmem>>
      %dma_start3A_2335 = tpu.memref_squeeze %dma_start3A_2334 : memref<1x32x128xf32, #tpu.memory_space<vmem>> -> memref<32x128xf32, #tpu.memory_space<vmem>>
      %dma_start3A_2336 = arith.constant 0 : i32
      %dma_start3A_2337 = tpu.memref_slice %arg5[%dma_start3A_2336, %multiple_of3A_2313] : memref<32x1000000xf32, #tpu.memory_space<hbm>> -> memref<32x128xf32, #tpu.memory_space<hbm>>
      %dma_start3A_2338 = tpu.memref_slice %arg17[%dma_start3A_2331] : memref<8x!tpu.dma_semaphore, #tpu.memory_space<semaphore_mem>> -> memref<1x!tpu.dma_semaphore, #tpu.memory_space<semaphore_mem>>
      %dma_start3A_2339 = tpu.memref_squeeze %dma_start3A_2338 : memref<1x!tpu.dma_semaphore, #tpu.memory_space<semaphore_mem>> -> memref<!tpu.dma_semaphore, #tpu.memory_space<semaphore_mem>>
      %dma_start3A_2340 = arith.constant 0 : i32
      %dma_start3A_2341 = arith.constant 0 : i32
      %dma_start3A_2342 = tpu.memref_slice %arg12[%dma_start3A_2330, %dma_start3A_2340, %dma_start3A_2341] : memref<8x32x128xf32, #tpu.memory_space<vmem>> -> memref<1x32x128xf32, #tpu.memory_space<vmem>>
      %dma_start3A_2343 = tpu.memref_squeeze %dma_start3A_2342 : memref<1x32x128xf32, #tpu.memory_space<vmem>> -> memref<32x128xf32, #tpu.memory_space<vmem>>
      %dma_start3A_2344 = arith.constant 0 : i32
      %dma_start3A_2345 = tpu.memref_slice %arg5[%dma_start3A_2344, %multiple_of3A_2313] : memref<32x1000000xf32, #tpu.memory_space<hbm>> -> memref<32x128xf32, #tpu.memory_space<hbm>>
      tpu.enqueue_dma source(%dma_start3A_2345 : memref<32x128xf32, #tpu.memory_space<hbm>>) target(%dma_start3A_2343 : memref<32x128xf32, #tpu.memory_space<vmem>>) target_semaphore(%dma_start3A_2339 : memref<!tpu.dma_semaphore, #tpu.memory_space<semaphore_mem>>)
      %dma_wait3A_2346 = arith.constant 4 : i32
      %dma_wait3A_2347 = arith.constant 4 : i32
      %dma_wait3A_2348 = arith.constant 0 : i32
      %dma_wait3A_2349 = arith.constant 0 : i32
      %dma_wait3A_2350 = tpu.memref_slice %arg11[%dma_wait3A_2346, %dma_wait3A_2348, %dma_wait3A_2349] : memref<8x32x128xf32, #tpu.memory_space<vmem>> -> memref<1x32x128xf32, #tpu.memory_space<vmem>>
      %dma_wait3A_2351 = tpu.memref_squeeze %dma_wait3A_2350 : memref<1x32x128xf32, #tpu.memory_space<vmem>> -> memref<32x128xf32, #tpu.memory_space<vmem>>
      %dma_wait3A_2352 = arith.constant 0 : i32
      %dma_wait3A_2353 = arith.constant 0 : i32
      %dma_wait3A_2354 = tpu.memref_slice %arg4[%dma_wait3A_2352, %dma_wait3A_2353] : memref<32x1000000xf32, #tpu.memory_space<hbm>> -> memref<32x128xf32, #tpu.memory_space<hbm>>
      %dma_wait3A_2355 = tpu.memref_slice %arg16[%dma_wait3A_2347] : memref<8x!tpu.dma_semaphore, #tpu.memory_space<semaphore_mem>> -> memref<1x!tpu.dma_semaphore, #tpu.memory_space<semaphore_mem>>
      %dma_wait3A_2356 = tpu.memref_squeeze %dma_wait3A_2355 : memref<1x!tpu.dma_semaphore, #tpu.memory_space<semaphore_mem>> -> memref<!tpu.dma_semaphore, #tpu.memory_space<semaphore_mem>>
      %dma_wait3A_2357 = arith.constant 0 : i32
      %dma_wait3A_2358 = arith.constant 0 : i32
      %dma_wait3A_2359 = tpu.memref_slice %arg11[%dma_wait3A_2346, %dma_wait3A_2357, %dma_wait3A_2358] : memref<8x32x128xf32, #tpu.memory_space<vmem>> -> memref<1x32x128xf32, #tpu.memory_space<vmem>>
      %dma_wait3A_2360 = tpu.memref_squeeze %dma_wait3A_2359 : memref<1x32x128xf32, #tpu.memory_space<vmem>> -> memref<32x128xf32, #tpu.memory_space<vmem>>
      %dma_wait3A_2361 = arith.constant 0 : i32
      %dma_wait3A_2362 = arith.constant 0 : i32
      %dma_wait3A_2363 = tpu.memref_slice %arg4[%dma_wait3A_2361, %dma_wait3A_2362] : memref<32x1000000xf32, #tpu.memory_space<hbm>> -> memref<32x128xf32, #tpu.memory_space<hbm>>
      tpu.wait_dma2 semaphore(%dma_wait3A_2356 : memref<!tpu.dma_semaphore, #tpu.memory_space<semaphore_mem>>) src(%dma_wait3A_2363 : memref<32x128xf32, #tpu.memory_space<hbm>>) dst(%dma_wait3A_2360 : memref<32x128xf32, #tpu.memory_space<vmem>>)
      %dma_wait3A_2364 = arith.constant 4 : i32
      %dma_wait3A_2365 = arith.constant 4 : i32
      %dma_wait3A_2366 = arith.constant 0 : i32
      %dma_wait3A_2367 = arith.constant 0 : i32
      %dma_wait3A_2368 = tpu.memref_slice %arg12[%dma_wait3A_2364, %dma_wait3A_2366, %dma_wait3A_2367] : memref<8x32x128xf32, #tpu.memory_space<vmem>> -> memref<1x32x128xf32, #tpu.memory_space<vmem>>
      %dma_wait3A_2369 = tpu.memref_squeeze %dma_wait3A_2368 : memref<1x32x128xf32, #tpu.memory_space<vmem>> -> memref<32x128xf32, #tpu.memory_space<vmem>>
      %dma_wait3A_2370 = arith.constant 0 : i32
      %dma_wait3A_2371 = arith.constant 0 : i32
      %dma_wait3A_2372 = tpu.memref_slice %arg5[%dma_wait3A_2370, %dma_wait3A_2371] : memref<32x1000000xf32, #tpu.memory_space<hbm>> -> memref<32x128xf32, #tpu.memory_space<hbm>>
      %dma_wait3A_2373 = tpu.memref_slice %arg17[%dma_wait3A_2365] : memref<8x!tpu.dma_semaphore, #tpu.memory_space<semaphore_mem>> -> memref<1x!tpu.dma_semaphore, #tpu.memory_space<semaphore_mem>>
      %dma_wait3A_2374 = tpu.memref_squeeze %dma_wait3A_2373 : memref<1x!tpu.dma_semaphore, #tpu.memory_space<semaphore_mem>> -> memref<!tpu.dma_semaphore, #tpu.memory_space<semaphore_mem>>
      %dma_wait3A_2375 = arith.constant 0 : i32
      %dma_wait3A_2376 = arith.constant 0 : i32
      %dma_wait3A_2377 = tpu.memref_slice %arg12[%dma_wait3A_2364, %dma_wait3A_2375, %dma_wait3A_2376] : memref<8x32x128xf32, #tpu.memory_space<vmem>> -> memref<1x32x128xf32, #tpu.memory_space<vmem>>
      %dma_wait3A_2378 = tpu.memref_squeeze %dma_wait3A_2377 : memref<1x32x128xf32, #tpu.memory_space<vmem>> -> memref<32x128xf32, #tpu.memory_space<vmem>>
      %dma_wait3A_2379 = arith.constant 0 : i32
      %dma_wait3A_2380 = arith.constant 0 : i32
      %dma_wait3A_2381 = tpu.memref_slice %arg5[%dma_wait3A_2379, %dma_wait3A_2380] : memref<32x1000000xf32, #tpu.memory_space<hbm>> -> memref<32x128xf32, #tpu.memory_space<hbm>>
      tpu.wait_dma2 semaphore(%dma_wait3A_2374 : memref<!tpu.dma_semaphore, #tpu.memory_space<semaphore_mem>>) src(%dma_wait3A_2381 : memref<32x128xf32, #tpu.memory_space<hbm>>) dst(%dma_wait3A_2378 : memref<32x128xf32, #tpu.memory_space<vmem>>)
      %slice3A_2382 = vector.extract_strided_slice %get3A_671 {offsets = [12], sizes = [1], strides = [1]} : vector<16xi32> to vector<1xi32>
      %squeeze3A_2383 = vector.extract %slice3A_2382[0] : i32 from vector<1xi32>
      %and3A_2384 = arith.constant 127 : i32
      %and3A_2385 = arith.andi %squeeze3A_2383, %and3A_2384 : i32
      %broadcast_in_dim3A_2386 = vector.broadcast %and3A_2385 : i32 to vector<16xi32>
      %slice3A_2387 = vector.extract_strided_slice %get3A_675 {offsets = [12], sizes = [1], strides = [1]} : vector<16xi32> to vector<1xi32>
      %squeeze3A_2388 = vector.extract %slice3A_2387[0] : i32 from vector<1xi32>
      %and3A_2389 = arith.constant 127 : i32
      %and3A_2390 = arith.andi %squeeze3A_2388, %and3A_2389 : i32
      %broadcast_in_dim3A_2391 = vector.broadcast %and3A_2390 : i32 to vector<16xi32>
      %gather3A_2392 = arith.constant 4 : i32
      %gather3A_2393 = arith.constant 0 : i32
      %gather3A_2394 = arith.constant 0 : i32
      %gather3A_2395 = tpu.memref_slice %arg11[%gather3A_2392, %gather3A_2393, %gather3A_2394] : memref<8x32x128xf32, #tpu.memory_space<vmem>> -> memref<1x32x128xf32, #tpu.memory_space<vmem>>
      %gather3A_2396 = tpu.memref_squeeze %gather3A_2395 : memref<1x32x128xf32, #tpu.memory_space<vmem>> -> memref<32x128xf32, #tpu.memory_space<vmem>>
      %gather3A_2397 = tpu.vector_load_idx %gather3A_2396[%iota3A, %broadcast_in_dim3A_2386] : memref<32x128xf32, #tpu.memory_space<vmem>>[vector<16xi32>, vector<16xi32>], vector<16xf32>,
      %add3A_2398 = arith.constant 16 : i32
      %add3A_2399 = vector.broadcast %add3A_2398 : i32 to vector<16xi32>
      %add3A_2400 = arith.addi %iota3A, %add3A_2399 : vector<16xi32>
      %gather3A_2401 = arith.constant 4 : i32
      %gather3A_2402 = arith.constant 0 : i32
      %gather3A_2403 = arith.constant 0 : i32
      %gather3A_2404 = tpu.memref_slice %arg11[%gather3A_2401, %gather3A_2402, %gather3A_2403] : memref<8x32x128xf32, #tpu.memory_space<vmem>> -> memref<1x32x128xf32, #tpu.memory_space<vmem>>
      %gather3A_2405 = tpu.memref_squeeze %gather3A_2404 : memref<1x32x128xf32, #tpu.memory_space<vmem>> -> memref<32x128xf32, #tpu.memory_space<vmem>>
      %gather3A_2406 = tpu.vector_load_idx %gather3A_2405[%add3A_2400, %broadcast_in_dim3A_2386] : memref<32x128xf32, #tpu.memory_space<vmem>>[vector<16xi32>, vector<16xi32>], vector<16xf32>,
      %gather3A_2407 = arith.constant 4 : i32
      %gather3A_2408 = arith.constant 0 : i32
      %gather3A_2409 = arith.constant 0 : i32
      %gather3A_2410 = tpu.memref_slice %arg12[%gather3A_2407, %gather3A_2408, %gather3A_2409] : memref<8x32x128xf32, #tpu.memory_space<vmem>> -> memref<1x32x128xf32, #tpu.memory_space<vmem>>
      %gather3A_2411 = tpu.memref_squeeze %gather3A_2410 : memref<1x32x128xf32, #tpu.memory_space<vmem>> -> memref<32x128xf32, #tpu.memory_space<vmem>>
      %gather3A_2412 = tpu.vector_load_idx %gather3A_2411[%iota3A, %broadcast_in_dim3A_2391] : memref<32x128xf32, #tpu.memory_space<vmem>>[vector<16xi32>, vector<16xi32>], vector<16xf32>,
      %add3A_2413 = arith.constant 16 : i32
      %add3A_2414 = vector.broadcast %add3A_2413 : i32 to vector<16xi32>
      %add3A_2415 = arith.addi %iota3A, %add3A_2414 : vector<16xi32>
      %gather3A_2416 = arith.constant 4 : i32
      %gather3A_2417 = arith.constant 0 : i32
      %gather3A_2418 = arith.constant 0 : i32
      %gather3A_2419 = tpu.memref_slice %arg12[%gather3A_2416, %gather3A_2417, %gather3A_2418] : memref<8x32x128xf32, #tpu.memory_space<vmem>> -> memref<1x32x128xf32, #tpu.memory_space<vmem>>
      %gather3A_2420 = tpu.memref_squeeze %gather3A_2419 : memref<1x32x128xf32, #tpu.memory_space<vmem>> -> memref<32x128xf32, #tpu.memory_space<vmem>>
      %gather3A_2421 = tpu.vector_load_idx %gather3A_2420[%add3A_2415, %broadcast_in_dim3A_2391] : memref<32x128xf32, #tpu.memory_space<vmem>>[vector<16xi32>, vector<16xi32>], vector<16xf32>,
      %mul3A_2422 = arith.mulf %gather3A_2397, %gather3A_2412 : vector<16xf32>
      %mul3A_2423 = arith.mulf %mul3A_2422, %get3A_3 : vector<16xf32>
      %mul3A_2424 = arith.mulf %gather3A_2406, %gather3A_2421 : vector<16xf32>
      %mul3A_2425 = arith.mulf %mul3A_2424, %get3A_5 : vector<16xf32>
      %add3A_2426 = arith.addf %mul3A_2423, %mul3A_2425 : vector<16xf32>
      %reduce_sum3A_2427 = arith.constant true
      %reduce_sum3A_2428 = vector.broadcast %reduce_sum3A_2427 : i1 to vector<16xi1>
      %reduce_sum3A_2429 = tpu.scan <sum>, %add3A_2426 masked %reduce_sum3A_2428 : vector<16xf32>, vector<16xi1> -> vector<16xf32>
      %reduce_sum3A_2430 = vector.extract %reduce_sum3A_2429[15] : f32 from vector<16xf32>
      %eq3A_2431 = arith.constant 12 : i32
      %eq3A_2432 = vector.broadcast %eq3A_2431 : i32 to vector<16xi32>
      %eq3A_2433 = arith.cmpi eq, %iota3A, %eq3A_2432 : vector<16xi32>
      %jit3A_2434 = arith.constant 0.000000e+00 : f32
      %broadcast_in_dim3A_2435 = vector.broadcast %reduce_sum3A_2430 : f32 to vector<16xf32>
      %broadcast_in_dim3A_2436 = vector.broadcast %jit3A_2434 : f32 to vector<16xf32>
      %select_n3A_2437 = arith.select %eq3A_2433, %broadcast_in_dim3A_2435, %broadcast_in_dim3A_2436 : vector<16xi1>, vector<16xf32>
      %add3A_2438 = arith.addf %add3A_2299, %select_n3A_2437 : vector<16xf32>
      %slice3A_2439 = vector.extract_strided_slice %get3A_682 {offsets = [4], sizes = [1], strides = [1]} : vector<16xi32> to vector<1xi32>
      %squeeze3A_2440 = vector.extract %slice3A_2439[0] : i32 from vector<1xi32>
      %slice3A_2441 = vector.extract_strided_slice %get3A_684 {offsets = [4], sizes = [1], strides = [1]} : vector<16xi32> to vector<1xi32>
      %squeeze3A_2442 = vector.extract %slice3A_2441[0] : i32 from vector<1xi32>
      %shift_right_arithmetic3A_2443 = arith.constant 7 : i32
      %shift_right_arithmetic3A_2444 = arith.shrsi %squeeze3A_2440, %shift_right_arithmetic3A_2443 : i32
      %mul3A_2445 = arith.constant 128 : i32
      %mul3A_2446 = arith.muli %shift_right_arithmetic3A_2444, %mul3A_2445 : i32
      %multiple_of3A_2447 = tpu.assume_multiple %mul3A_2446, 128 : i32
      %shift_right_arithmetic3A_2448 = arith.constant 7 : i32
      %shift_right_arithmetic3A_2449 = arith.shrsi %squeeze3A_2442, %shift_right_arithmetic3A_2448 : i32
      %mul3A_2450 = arith.constant 128 : i32
      %mul3A_2451 = arith.muli %shift_right_arithmetic3A_2449, %mul3A_2450 : i32
      %multiple_of3A_2452 = tpu.assume_multiple %mul3A_2451, 128 : i32
      %dma_start3A_2453 = arith.constant 4 : i32
      %dma_start3A_2454 = arith.constant 4 : i32
      %dma_start3A_2455 = arith.constant 0 : i32
      %dma_start3A_2456 = arith.constant 0 : i32
      %dma_start3A_2457 = tpu.memref_slice %arg11[%dma_start3A_2453, %dma_start3A_2455, %dma_start3A_2456] : memref<8x32x128xf32, #tpu.memory_space<vmem>> -> memref<1x32x128xf32, #tpu.memory_space<vmem>>
      %dma_start3A_2458 = tpu.memref_squeeze %dma_start3A_2457 : memref<1x32x128xf32, #tpu.memory_space<vmem>> -> memref<32x128xf32, #tpu.memory_space<vmem>>
      %dma_start3A_2459 = arith.constant 0 : i32
      %dma_start3A_2460 = tpu.memref_slice %arg4[%dma_start3A_2459, %multiple_of3A_2447] : memref<32x1000000xf32, #tpu.memory_space<hbm>> -> memref<32x128xf32, #tpu.memory_space<hbm>>
      %dma_start3A_2461 = tpu.memref_slice %arg16[%dma_start3A_2454] : memref<8x!tpu.dma_semaphore, #tpu.memory_space<semaphore_mem>> -> memref<1x!tpu.dma_semaphore, #tpu.memory_space<semaphore_mem>>
      %dma_start3A_2462 = tpu.memref_squeeze %dma_start3A_2461 : memref<1x!tpu.dma_semaphore, #tpu.memory_space<semaphore_mem>> -> memref<!tpu.dma_semaphore, #tpu.memory_space<semaphore_mem>>
      %dma_start3A_2463 = arith.constant 0 : i32
      %dma_start3A_2464 = arith.constant 0 : i32
      %dma_start3A_2465 = tpu.memref_slice %arg11[%dma_start3A_2453, %dma_start3A_2463, %dma_start3A_2464] : memref<8x32x128xf32, #tpu.memory_space<vmem>> -> memref<1x32x128xf32, #tpu.memory_space<vmem>>
      %dma_start3A_2466 = tpu.memref_squeeze %dma_start3A_2465 : memref<1x32x128xf32, #tpu.memory_space<vmem>> -> memref<32x128xf32, #tpu.memory_space<vmem>>
      %dma_start3A_2467 = arith.constant 0 : i32
      %dma_start3A_2468 = tpu.memref_slice %arg4[%dma_start3A_2467, %multiple_of3A_2447] : memref<32x1000000xf32, #tpu.memory_space<hbm>> -> memref<32x128xf32, #tpu.memory_space<hbm>>
      tpu.enqueue_dma source(%dma_start3A_2468 : memref<32x128xf32, #tpu.memory_space<hbm>>) target(%dma_start3A_2466 : memref<32x128xf32, #tpu.memory_space<vmem>>) target_semaphore(%dma_start3A_2462 : memref<!tpu.dma_semaphore, #tpu.memory_space<semaphore_mem>>)
      %dma_start3A_2469 = arith.constant 4 : i32
      %dma_start3A_2470 = arith.constant 4 : i32
      %dma_start3A_2471 = arith.constant 0 : i32
      %dma_start3A_2472 = arith.constant 0 : i32
      %dma_start3A_2473 = tpu.memref_slice %arg12[%dma_start3A_2469, %dma_start3A_2471, %dma_start3A_2472] : memref<8x32x128xf32, #tpu.memory_space<vmem>> -> memref<1x32x128xf32, #tpu.memory_space<vmem>>
      %dma_start3A_2474 = tpu.memref_squeeze %dma_start3A_2473 : memref<1x32x128xf32, #tpu.memory_space<vmem>> -> memref<32x128xf32, #tpu.memory_space<vmem>>
      %dma_start3A_2475 = arith.constant 0 : i32
      %dma_start3A_2476 = tpu.memref_slice %arg5[%dma_start3A_2475, %multiple_of3A_2452] : memref<32x1000000xf32, #tpu.memory_space<hbm>> -> memref<32x128xf32, #tpu.memory_space<hbm>>
      %dma_start3A_2477 = tpu.memref_slice %arg17[%dma_start3A_2470] : memref<8x!tpu.dma_semaphore, #tpu.memory_space<semaphore_mem>> -> memref<1x!tpu.dma_semaphore, #tpu.memory_space<semaphore_mem>>
      %dma_start3A_2478 = tpu.memref_squeeze %dma_start3A_2477 : memref<1x!tpu.dma_semaphore, #tpu.memory_space<semaphore_mem>> -> memref<!tpu.dma_semaphore, #tpu.memory_space<semaphore_mem>>
      %dma_start3A_2479 = arith.constant 0 : i32
      %dma_start3A_2480 = arith.constant 0 : i32
      %dma_start3A_2481 = tpu.memref_slice %arg12[%dma_start3A_2469, %dma_start3A_2479, %dma_start3A_2480] : memref<8x32x128xf32, #tpu.memory_space<vmem>> -> memref<1x32x128xf32, #tpu.memory_space<vmem>>
      %dma_start3A_2482 = tpu.memref_squeeze %dma_start3A_2481 : memref<1x32x128xf32, #tpu.memory_space<vmem>> -> memref<32x128xf32, #tpu.memory_space<vmem>>
      %dma_start3A_2483 = arith.constant 0 : i32
      %dma_start3A_2484 = tpu.memref_slice %arg5[%dma_start3A_2483, %multiple_of3A_2452] : memref<32x1000000xf32, #tpu.memory_space<hbm>> -> memref<32x128xf32, #tpu.memory_space<hbm>>
      tpu.enqueue_dma source(%dma_start3A_2484 : memref<32x128xf32, #tpu.memory_space<hbm>>) target(%dma_start3A_2482 : memref<32x128xf32, #tpu.memory_space<vmem>>) target_semaphore(%dma_start3A_2478 : memref<!tpu.dma_semaphore, #tpu.memory_space<semaphore_mem>>)
      %dma_wait3A_2485 = arith.constant 5 : i32
      %dma_wait3A_2486 = arith.constant 5 : i32
      %dma_wait3A_2487 = arith.constant 0 : i32
      %dma_wait3A_2488 = arith.constant 0 : i32
      %dma_wait3A_2489 = tpu.memref_slice %arg11[%dma_wait3A_2485, %dma_wait3A_2487, %dma_wait3A_2488] : memref<8x32x128xf32, #tpu.memory_space<vmem>> -> memref<1x32x128xf32, #tpu.memory_space<vmem>>
      %dma_wait3A_2490 = tpu.memref_squeeze %dma_wait3A_2489 : memref<1x32x128xf32, #tpu.memory_space<vmem>> -> memref<32x128xf32, #tpu.memory_space<vmem>>
      %dma_wait3A_2491 = arith.constant 0 : i32
      %dma_wait3A_2492 = arith.constant 0 : i32
      %dma_wait3A_2493 = tpu.memref_slice %arg4[%dma_wait3A_2491, %dma_wait3A_2492] : memref<32x1000000xf32, #tpu.memory_space<hbm>> -> memref<32x128xf32, #tpu.memory_space<hbm>>
      %dma_wait3A_2494 = tpu.memref_slice %arg16[%dma_wait3A_2486] : memref<8x!tpu.dma_semaphore, #tpu.memory_space<semaphore_mem>> -> memref<1x!tpu.dma_semaphore, #tpu.memory_space<semaphore_mem>>
      %dma_wait3A_2495 = tpu.memref_squeeze %dma_wait3A_2494 : memref<1x!tpu.dma_semaphore, #tpu.memory_space<semaphore_mem>> -> memref<!tpu.dma_semaphore, #tpu.memory_space<semaphore_mem>>
      %dma_wait3A_2496 = arith.constant 0 : i32
      %dma_wait3A_2497 = arith.constant 0 : i32
      %dma_wait3A_2498 = tpu.memref_slice %arg11[%dma_wait3A_2485, %dma_wait3A_2496, %dma_wait3A_2497] : memref<8x32x128xf32, #tpu.memory_space<vmem>> -> memref<1x32x128xf32, #tpu.memory_space<vmem>>
      %dma_wait3A_2499 = tpu.memref_squeeze %dma_wait3A_2498 : memref<1x32x128xf32, #tpu.memory_space<vmem>> -> memref<32x128xf32, #tpu.memory_space<vmem>>
      %dma_wait3A_2500 = arith.constant 0 : i32
      %dma_wait3A_2501 = arith.constant 0 : i32
      %dma_wait3A_2502 = tpu.memref_slice %arg4[%dma_wait3A_2500, %dma_wait3A_2501] : memref<32x1000000xf32, #tpu.memory_space<hbm>> -> memref<32x128xf32, #tpu.memory_space<hbm>>
      tpu.wait_dma2 semaphore(%dma_wait3A_2495 : memref<!tpu.dma_semaphore, #tpu.memory_space<semaphore_mem>>) src(%dma_wait3A_2502 : memref<32x128xf32, #tpu.memory_space<hbm>>) dst(%dma_wait3A_2499 : memref<32x128xf32, #tpu.memory_space<vmem>>)
      %dma_wait3A_2503 = arith.constant 5 : i32
      %dma_wait3A_2504 = arith.constant 5 : i32
      %dma_wait3A_2505 = arith.constant 0 : i32
      %dma_wait3A_2506 = arith.constant 0 : i32
      %dma_wait3A_2507 = tpu.memref_slice %arg12[%dma_wait3A_2503, %dma_wait3A_2505, %dma_wait3A_2506] : memref<8x32x128xf32, #tpu.memory_space<vmem>> -> memref<1x32x128xf32, #tpu.memory_space<vmem>>
      %dma_wait3A_2508 = tpu.memref_squeeze %dma_wait3A_2507 : memref<1x32x128xf32, #tpu.memory_space<vmem>> -> memref<32x128xf32, #tpu.memory_space<vmem>>
      %dma_wait3A_2509 = arith.constant 0 : i32
      %dma_wait3A_2510 = arith.constant 0 : i32
      %dma_wait3A_2511 = tpu.memref_slice %arg5[%dma_wait3A_2509, %dma_wait3A_2510] : memref<32x1000000xf32, #tpu.memory_space<hbm>> -> memref<32x128xf32, #tpu.memory_space<hbm>>
      %dma_wait3A_2512 = tpu.memref_slice %arg17[%dma_wait3A_2504] : memref<8x!tpu.dma_semaphore, #tpu.memory_space<semaphore_mem>> -> memref<1x!tpu.dma_semaphore, #tpu.memory_space<semaphore_mem>>
      %dma_wait3A_2513 = tpu.memref_squeeze %dma_wait3A_2512 : memref<1x!tpu.dma_semaphore, #tpu.memory_space<semaphore_mem>> -> memref<!tpu.dma_semaphore, #tpu.memory_space<semaphore_mem>>
      %dma_wait3A_2514 = arith.constant 0 : i32
      %dma_wait3A_2515 = arith.constant 0 : i32
      %dma_wait3A_2516 = tpu.memref_slice %arg12[%dma_wait3A_2503, %dma_wait3A_2514, %dma_wait3A_2515] : memref<8x32x128xf32, #tpu.memory_space<vmem>> -> memref<1x32x128xf32, #tpu.memory_space<vmem>>
      %dma_wait3A_2517 = tpu.memref_squeeze %dma_wait3A_2516 : memref<1x32x128xf32, #tpu.memory_space<vmem>> -> memref<32x128xf32, #tpu.memory_space<vmem>>
      %dma_wait3A_2518 = arith.constant 0 : i32
      %dma_wait3A_2519 = arith.constant 0 : i32
      %dma_wait3A_2520 = tpu.memref_slice %arg5[%dma_wait3A_2518, %dma_wait3A_2519] : memref<32x1000000xf32, #tpu.memory_space<hbm>> -> memref<32x128xf32, #tpu.memory_space<hbm>>
      tpu.wait_dma2 semaphore(%dma_wait3A_2513 : memref<!tpu.dma_semaphore, #tpu.memory_space<semaphore_mem>>) src(%dma_wait3A_2520 : memref<32x128xf32, #tpu.memory_space<hbm>>) dst(%dma_wait3A_2517 : memref<32x128xf32, #tpu.memory_space<vmem>>)
      %slice3A_2521 = vector.extract_strided_slice %get3A_671 {offsets = [13], sizes = [1], strides = [1]} : vector<16xi32> to vector<1xi32>
      %squeeze3A_2522 = vector.extract %slice3A_2521[0] : i32 from vector<1xi32>
      %and3A_2523 = arith.constant 127 : i32
      %and3A_2524 = arith.andi %squeeze3A_2522, %and3A_2523 : i32
      %broadcast_in_dim3A_2525 = vector.broadcast %and3A_2524 : i32 to vector<16xi32>
      %slice3A_2526 = vector.extract_strided_slice %get3A_675 {offsets = [13], sizes = [1], strides = [1]} : vector<16xi32> to vector<1xi32>
      %squeeze3A_2527 = vector.extract %slice3A_2526[0] : i32 from vector<1xi32>
      %and3A_2528 = arith.constant 127 : i32
      %and3A_2529 = arith.andi %squeeze3A_2527, %and3A_2528 : i32
      %broadcast_in_dim3A_2530 = vector.broadcast %and3A_2529 : i32 to vector<16xi32>
      %gather3A_2531 = arith.constant 5 : i32
      %gather3A_2532 = arith.constant 0 : i32
      %gather3A_2533 = arith.constant 0 : i32
      %gather3A_2534 = tpu.memref_slice %arg11[%gather3A_2531, %gather3A_2532, %gather3A_2533] : memref<8x32x128xf32, #tpu.memory_space<vmem>> -> memref<1x32x128xf32, #tpu.memory_space<vmem>>
      %gather3A_2535 = tpu.memref_squeeze %gather3A_2534 : memref<1x32x128xf32, #tpu.memory_space<vmem>> -> memref<32x128xf32, #tpu.memory_space<vmem>>
      %gather3A_2536 = tpu.vector_load_idx %gather3A_2535[%iota3A, %broadcast_in_dim3A_2525] : memref<32x128xf32, #tpu.memory_space<vmem>>[vector<16xi32>, vector<16xi32>], vector<16xf32>,
      %add3A_2537 = arith.constant 16 : i32
      %add3A_2538 = vector.broadcast %add3A_2537 : i32 to vector<16xi32>
      %add3A_2539 = arith.addi %iota3A, %add3A_2538 : vector<16xi32>
      %gather3A_2540 = arith.constant 5 : i32
      %gather3A_2541 = arith.constant 0 : i32
      %gather3A_2542 = arith.constant 0 : i32
      %gather3A_2543 = tpu.memref_slice %arg11[%gather3A_2540, %gather3A_2541, %gather3A_2542] : memref<8x32x128xf32, #tpu.memory_space<vmem>> -> memref<1x32x128xf32, #tpu.memory_space<vmem>>
      %gather3A_2544 = tpu.memref_squeeze %gather3A_2543 : memref<1x32x128xf32, #tpu.memory_space<vmem>> -> memref<32x128xf32, #tpu.memory_space<vmem>>
      %gather3A_2545 = tpu.vector_load_idx %gather3A_2544[%add3A_2539, %broadcast_in_dim3A_2525] : memref<32x128xf32, #tpu.memory_space<vmem>>[vector<16xi32>, vector<16xi32>], vector<16xf32>,
      %gather3A_2546 = arith.constant 5 : i32
      %gather3A_2547 = arith.constant 0 : i32
      %gather3A_2548 = arith.constant 0 : i32
      %gather3A_2549 = tpu.memref_slice %arg12[%gather3A_2546, %gather3A_2547, %gather3A_2548] : memref<8x32x128xf32, #tpu.memory_space<vmem>> -> memref<1x32x128xf32, #tpu.memory_space<vmem>>
      %gather3A_2550 = tpu.memref_squeeze %gather3A_2549 : memref<1x32x128xf32, #tpu.memory_space<vmem>> -> memref<32x128xf32, #tpu.memory_space<vmem>>
      %gather3A_2551 = tpu.vector_load_idx %gather3A_2550[%iota3A, %broadcast_in_dim3A_2530] : memref<32x128xf32, #tpu.memory_space<vmem>>[vector<16xi32>, vector<16xi32>], vector<16xf32>,
      %add3A_2552 = arith.constant 16 : i32
      %add3A_2553 = vector.broadcast %add3A_2552 : i32 to vector<16xi32>
      %add3A_2554 = arith.addi %iota3A, %add3A_2553 : vector<16xi32>
      %gather3A_2555 = arith.constant 5 : i32
      %gather3A_2556 = arith.constant 0 : i32
      %gather3A_2557 = arith.constant 0 : i32
      %gather3A_2558 = tpu.memref_slice %arg12[%gather3A_2555, %gather3A_2556, %gather3A_2557] : memref<8x32x128xf32, #tpu.memory_space<vmem>> -> memref<1x32x128xf32, #tpu.memory_space<vmem>>
      %gather3A_2559 = tpu.memref_squeeze %gather3A_2558 : memref<1x32x128xf32, #tpu.memory_space<vmem>> -> memref<32x128xf32, #tpu.memory_space<vmem>>
      %gather3A_2560 = tpu.vector_load_idx %gather3A_2559[%add3A_2554, %broadcast_in_dim3A_2530] : memref<32x128xf32, #tpu.memory_space<vmem>>[vector<16xi32>, vector<16xi32>], vector<16xf32>,
      %mul3A_2561 = arith.mulf %gather3A_2536, %gather3A_2551 : vector<16xf32>
      %mul3A_2562 = arith.mulf %mul3A_2561, %get3A_3 : vector<16xf32>
      %mul3A_2563 = arith.mulf %gather3A_2545, %gather3A_2560 : vector<16xf32>
      %mul3A_2564 = arith.mulf %mul3A_2563, %get3A_5 : vector<16xf32>
      %add3A_2565 = arith.addf %mul3A_2562, %mul3A_2564 : vector<16xf32>
      %reduce_sum3A_2566 = arith.constant true
      %reduce_sum3A_2567 = vector.broadcast %reduce_sum3A_2566 : i1 to vector<16xi1>
      %reduce_sum3A_2568 = tpu.scan <sum>, %add3A_2565 masked %reduce_sum3A_2567 : vector<16xf32>, vector<16xi1> -> vector<16xf32>
      %reduce_sum3A_2569 = vector.extract %reduce_sum3A_2568[15] : f32 from vector<16xf32>
      %eq3A_2570 = arith.constant 13 : i32
      %eq3A_2571 = vector.broadcast %eq3A_2570 : i32 to vector<16xi32>
      %eq3A_2572 = arith.cmpi eq, %iota3A, %eq3A_2571 : vector<16xi32>
      %jit3A_2573 = arith.constant 0.000000e+00 : f32
      %broadcast_in_dim3A_2574 = vector.broadcast %reduce_sum3A_2569 : f32 to vector<16xf32>
      %broadcast_in_dim3A_2575 = vector.broadcast %jit3A_2573 : f32 to vector<16xf32>
      %select_n3A_2576 = arith.select %eq3A_2572, %broadcast_in_dim3A_2574, %broadcast_in_dim3A_2575 : vector<16xi1>, vector<16xf32>
      %add3A_2577 = arith.addf %add3A_2438, %select_n3A_2576 : vector<16xf32>
      %slice3A_2578 = vector.extract_strided_slice %get3A_682 {offsets = [5], sizes = [1], strides = [1]} : vector<16xi32> to vector<1xi32>
      %squeeze3A_2579 = vector.extract %slice3A_2578[0] : i32 from vector<1xi32>
      %slice3A_2580 = vector.extract_strided_slice %get3A_684 {offsets = [5], sizes = [1], strides = [1]} : vector<16xi32> to vector<1xi32>
      %squeeze3A_2581 = vector.extract %slice3A_2580[0] : i32 from vector<1xi32>
      %shift_right_arithmetic3A_2582 = arith.constant 7 : i32
      %shift_right_arithmetic3A_2583 = arith.shrsi %squeeze3A_2579, %shift_right_arithmetic3A_2582 : i32
      %mul3A_2584 = arith.constant 128 : i32
      %mul3A_2585 = arith.muli %shift_right_arithmetic3A_2583, %mul3A_2584 : i32
      %multiple_of3A_2586 = tpu.assume_multiple %mul3A_2585, 128 : i32
      %shift_right_arithmetic3A_2587 = arith.constant 7 : i32
      %shift_right_arithmetic3A_2588 = arith.shrsi %squeeze3A_2581, %shift_right_arithmetic3A_2587 : i32
      %mul3A_2589 = arith.constant 128 : i32
      %mul3A_2590 = arith.muli %shift_right_arithmetic3A_2588, %mul3A_2589 : i32
      %multiple_of3A_2591 = tpu.assume_multiple %mul3A_2590, 128 : i32
      %dma_start3A_2592 = arith.constant 5 : i32
      %dma_start3A_2593 = arith.constant 5 : i32
      %dma_start3A_2594 = arith.constant 0 : i32
      %dma_start3A_2595 = arith.constant 0 : i32
      %dma_start3A_2596 = tpu.memref_slice %arg11[%dma_start3A_2592, %dma_start3A_2594, %dma_start3A_2595] : memref<8x32x128xf32, #tpu.memory_space<vmem>> -> memref<1x32x128xf32, #tpu.memory_space<vmem>>
      %dma_start3A_2597 = tpu.memref_squeeze %dma_start3A_2596 : memref<1x32x128xf32, #tpu.memory_space<vmem>> -> memref<32x128xf32, #tpu.memory_space<vmem>>
      %dma_start3A_2598 = arith.constant 0 : i32
      %dma_start3A_2599 = tpu.memref_slice %arg4[%dma_start3A_2598, %multiple_of3A_2586] : memref<32x1000000xf32, #tpu.memory_space<hbm>> -> memref<32x128xf32, #tpu.memory_space<hbm>>
      %dma_start3A_2600 = tpu.memref_slice %arg16[%dma_start3A_2593] : memref<8x!tpu.dma_semaphore, #tpu.memory_space<semaphore_mem>> -> memref<1x!tpu.dma_semaphore, #tpu.memory_space<semaphore_mem>>
      %dma_start3A_2601 = tpu.memref_squeeze %dma_start3A_2600 : memref<1x!tpu.dma_semaphore, #tpu.memory_space<semaphore_mem>> -> memref<!tpu.dma_semaphore, #tpu.memory_space<semaphore_mem>>
      %dma_start3A_2602 = arith.constant 0 : i32
      %dma_start3A_2603 = arith.constant 0 : i32
      %dma_start3A_2604 = tpu.memref_slice %arg11[%dma_start3A_2592, %dma_start3A_2602, %dma_start3A_2603] : memref<8x32x128xf32, #tpu.memory_space<vmem>> -> memref<1x32x128xf32, #tpu.memory_space<vmem>>
      %dma_start3A_2605 = tpu.memref_squeeze %dma_start3A_2604 : memref<1x32x128xf32, #tpu.memory_space<vmem>> -> memref<32x128xf32, #tpu.memory_space<vmem>>
      %dma_start3A_2606 = arith.constant 0 : i32
      %dma_start3A_2607 = tpu.memref_slice %arg4[%dma_start3A_2606, %multiple_of3A_2586] : memref<32x1000000xf32, #tpu.memory_space<hbm>> -> memref<32x128xf32, #tpu.memory_space<hbm>>
      tpu.enqueue_dma source(%dma_start3A_2607 : memref<32x128xf32, #tpu.memory_space<hbm>>) target(%dma_start3A_2605 : memref<32x128xf32, #tpu.memory_space<vmem>>) target_semaphore(%dma_start3A_2601 : memref<!tpu.dma_semaphore, #tpu.memory_space<semaphore_mem>>)
      %dma_start3A_2608 = arith.constant 5 : i32
      %dma_start3A_2609 = arith.constant 5 : i32
      %dma_start3A_2610 = arith.constant 0 : i32
      %dma_start3A_2611 = arith.constant 0 : i32
      %dma_start3A_2612 = tpu.memref_slice %arg12[%dma_start3A_2608, %dma_start3A_2610, %dma_start3A_2611] : memref<8x32x128xf32, #tpu.memory_space<vmem>> -> memref<1x32x128xf32, #tpu.memory_space<vmem>>
      %dma_start3A_2613 = tpu.memref_squeeze %dma_start3A_2612 : memref<1x32x128xf32, #tpu.memory_space<vmem>> -> memref<32x128xf32, #tpu.memory_space<vmem>>
      %dma_start3A_2614 = arith.constant 0 : i32
      %dma_start3A_2615 = tpu.memref_slice %arg5[%dma_start3A_2614, %multiple_of3A_2591] : memref<32x1000000xf32, #tpu.memory_space<hbm>> -> memref<32x128xf32, #tpu.memory_space<hbm>>
      %dma_start3A_2616 = tpu.memref_slice %arg17[%dma_start3A_2609] : memref<8x!tpu.dma_semaphore, #tpu.memory_space<semaphore_mem>> -> memref<1x!tpu.dma_semaphore, #tpu.memory_space<semaphore_mem>>
      %dma_start3A_2617 = tpu.memref_squeeze %dma_start3A_2616 : memref<1x!tpu.dma_semaphore, #tpu.memory_space<semaphore_mem>> -> memref<!tpu.dma_semaphore, #tpu.memory_space<semaphore_mem>>
      %dma_start3A_2618 = arith.constant 0 : i32
      %dma_start3A_2619 = arith.constant 0 : i32
      %dma_start3A_2620 = tpu.memref_slice %arg12[%dma_start3A_2608, %dma_start3A_2618, %dma_start3A_2619] : memref<8x32x128xf32, #tpu.memory_space<vmem>> -> memref<1x32x128xf32, #tpu.memory_space<vmem>>
      %dma_start3A_2621 = tpu.memref_squeeze %dma_start3A_2620 : memref<1x32x128xf32, #tpu.memory_space<vmem>> -> memref<32x128xf32, #tpu.memory_space<vmem>>
      %dma_start3A_2622 = arith.constant 0 : i32
      %dma_start3A_2623 = tpu.memref_slice %arg5[%dma_start3A_2622, %multiple_of3A_2591] : memref<32x1000000xf32, #tpu.memory_space<hbm>> -> memref<32x128xf32, #tpu.memory_space<hbm>>
      tpu.enqueue_dma source(%dma_start3A_2623 : memref<32x128xf32, #tpu.memory_space<hbm>>) target(%dma_start3A_2621 : memref<32x128xf32, #tpu.memory_space<vmem>>) target_semaphore(%dma_start3A_2617 : memref<!tpu.dma_semaphore, #tpu.memory_space<semaphore_mem>>)
      %dma_wait3A_2624 = arith.constant 6 : i32
      %dma_wait3A_2625 = arith.constant 6 : i32
      %dma_wait3A_2626 = arith.constant 0 : i32
      %dma_wait3A_2627 = arith.constant 0 : i32
      %dma_wait3A_2628 = tpu.memref_slice %arg11[%dma_wait3A_2624, %dma_wait3A_2626, %dma_wait3A_2627] : memref<8x32x128xf32, #tpu.memory_space<vmem>> -> memref<1x32x128xf32, #tpu.memory_space<vmem>>
      %dma_wait3A_2629 = tpu.memref_squeeze %dma_wait3A_2628 : memref<1x32x128xf32, #tpu.memory_space<vmem>> -> memref<32x128xf32, #tpu.memory_space<vmem>>
      %dma_wait3A_2630 = arith.constant 0 : i32
      %dma_wait3A_2631 = arith.constant 0 : i32
      %dma_wait3A_2632 = tpu.memref_slice %arg4[%dma_wait3A_2630, %dma_wait3A_2631] : memref<32x1000000xf32, #tpu.memory_space<hbm>> -> memref<32x128xf32, #tpu.memory_space<hbm>>
      %dma_wait3A_2633 = tpu.memref_slice %arg16[%dma_wait3A_2625] : memref<8x!tpu.dma_semaphore, #tpu.memory_space<semaphore_mem>> -> memref<1x!tpu.dma_semaphore, #tpu.memory_space<semaphore_mem>>
      %dma_wait3A_2634 = tpu.memref_squeeze %dma_wait3A_2633 : memref<1x!tpu.dma_semaphore, #tpu.memory_space<semaphore_mem>> -> memref<!tpu.dma_semaphore, #tpu.memory_space<semaphore_mem>>
      %dma_wait3A_2635 = arith.constant 0 : i32
      %dma_wait3A_2636 = arith.constant 0 : i32
      %dma_wait3A_2637 = tpu.memref_slice %arg11[%dma_wait3A_2624, %dma_wait3A_2635, %dma_wait3A_2636] : memref<8x32x128xf32, #tpu.memory_space<vmem>> -> memref<1x32x128xf32, #tpu.memory_space<vmem>>
      %dma_wait3A_2638 = tpu.memref_squeeze %dma_wait3A_2637 : memref<1x32x128xf32, #tpu.memory_space<vmem>> -> memref<32x128xf32, #tpu.memory_space<vmem>>
      %dma_wait3A_2639 = arith.constant 0 : i32
      %dma_wait3A_2640 = arith.constant 0 : i32
      %dma_wait3A_2641 = tpu.memref_slice %arg4[%dma_wait3A_2639, %dma_wait3A_2640] : memref<32x1000000xf32, #tpu.memory_space<hbm>> -> memref<32x128xf32, #tpu.memory_space<hbm>>
      tpu.wait_dma2 semaphore(%dma_wait3A_2634 : memref<!tpu.dma_semaphore, #tpu.memory_space<semaphore_mem>>) src(%dma_wait3A_2641 : memref<32x128xf32, #tpu.memory_space<hbm>>) dst(%dma_wait3A_2638 : memref<32x128xf32, #tpu.memory_space<vmem>>)
      %dma_wait3A_2642 = arith.constant 6 : i32
      %dma_wait3A_2643 = arith.constant 6 : i32
      %dma_wait3A_2644 = arith.constant 0 : i32
      %dma_wait3A_2645 = arith.constant 0 : i32
      %dma_wait3A_2646 = tpu.memref_slice %arg12[%dma_wait3A_2642, %dma_wait3A_2644, %dma_wait3A_2645] : memref<8x32x128xf32, #tpu.memory_space<vmem>> -> memref<1x32x128xf32, #tpu.memory_space<vmem>>
      %dma_wait3A_2647 = tpu.memref_squeeze %dma_wait3A_2646 : memref<1x32x128xf32, #tpu.memory_space<vmem>> -> memref<32x128xf32, #tpu.memory_space<vmem>>
      %dma_wait3A_2648 = arith.constant 0 : i32
      %dma_wait3A_2649 = arith.constant 0 : i32
      %dma_wait3A_2650 = tpu.memref_slice %arg5[%dma_wait3A_2648, %dma_wait3A_2649] : memref<32x1000000xf32, #tpu.memory_space<hbm>> -> memref<32x128xf32, #tpu.memory_space<hbm>>
      %dma_wait3A_2651 = tpu.memref_slice %arg17[%dma_wait3A_2643] : memref<8x!tpu.dma_semaphore, #tpu.memory_space<semaphore_mem>> -> memref<1x!tpu.dma_semaphore, #tpu.memory_space<semaphore_mem>>
      %dma_wait3A_2652 = tpu.memref_squeeze %dma_wait3A_2651 : memref<1x!tpu.dma_semaphore, #tpu.memory_space<semaphore_mem>> -> memref<!tpu.dma_semaphore, #tpu.memory_space<semaphore_mem>>
      %dma_wait3A_2653 = arith.constant 0 : i32
      %dma_wait3A_2654 = arith.constant 0 : i32
      %dma_wait3A_2655 = tpu.memref_slice %arg12[%dma_wait3A_2642, %dma_wait3A_2653, %dma_wait3A_2654] : memref<8x32x128xf32, #tpu.memory_space<vmem>> -> memref<1x32x128xf32, #tpu.memory_space<vmem>>
      %dma_wait3A_2656 = tpu.memref_squeeze %dma_wait3A_2655 : memref<1x32x128xf32, #tpu.memory_space<vmem>> -> memref<32x128xf32, #tpu.memory_space<vmem>>
      %dma_wait3A_2657 = arith.constant 0 : i32
      %dma_wait3A_2658 = arith.constant 0 : i32
      %dma_wait3A_2659 = tpu.memref_slice %arg5[%dma_wait3A_2657, %dma_wait3A_2658] : memref<32x1000000xf32, #tpu.memory_space<hbm>> -> memref<32x128xf32, #tpu.memory_space<hbm>>
      tpu.wait_dma2 semaphore(%dma_wait3A_2652 : memref<!tpu.dma_semaphore, #tpu.memory_space<semaphore_mem>>) src(%dma_wait3A_2659 : memref<32x128xf32, #tpu.memory_space<hbm>>) dst(%dma_wait3A_2656 : memref<32x128xf32, #tpu.memory_space<vmem>>)
      %slice3A_2660 = vector.extract_strided_slice %get3A_671 {offsets = [14], sizes = [1], strides = [1]} : vector<16xi32> to vector<1xi32>
      %squeeze3A_2661 = vector.extract %slice3A_2660[0] : i32 from vector<1xi32>
      %and3A_2662 = arith.constant 127 : i32
      %and3A_2663 = arith.andi %squeeze3A_2661, %and3A_2662 : i32
      %broadcast_in_dim3A_2664 = vector.broadcast %and3A_2663 : i32 to vector<16xi32>
      %slice3A_2665 = vector.extract_strided_slice %get3A_675 {offsets = [14], sizes = [1], strides = [1]} : vector<16xi32> to vector<1xi32>
      %squeeze3A_2666 = vector.extract %slice3A_2665[0] : i32 from vector<1xi32>
      %and3A_2667 = arith.constant 127 : i32
      %and3A_2668 = arith.andi %squeeze3A_2666, %and3A_2667 : i32
      %broadcast_in_dim3A_2669 = vector.broadcast %and3A_2668 : i32 to vector<16xi32>
      %gather3A_2670 = arith.constant 6 : i32
      %gather3A_2671 = arith.constant 0 : i32
      %gather3A_2672 = arith.constant 0 : i32
      %gather3A_2673 = tpu.memref_slice %arg11[%gather3A_2670, %gather3A_2671, %gather3A_2672] : memref<8x32x128xf32, #tpu.memory_space<vmem>> -> memref<1x32x128xf32, #tpu.memory_space<vmem>>
      %gather3A_2674 = tpu.memref_squeeze %gather3A_2673 : memref<1x32x128xf32, #tpu.memory_space<vmem>> -> memref<32x128xf32, #tpu.memory_space<vmem>>
      %gather3A_2675 = tpu.vector_load_idx %gather3A_2674[%iota3A, %broadcast_in_dim3A_2664] : memref<32x128xf32, #tpu.memory_space<vmem>>[vector<16xi32>, vector<16xi32>], vector<16xf32>,
      %add3A_2676 = arith.constant 16 : i32
      %add3A_2677 = vector.broadcast %add3A_2676 : i32 to vector<16xi32>
      %add3A_2678 = arith.addi %iota3A, %add3A_2677 : vector<16xi32>
      %gather3A_2679 = arith.constant 6 : i32
      %gather3A_2680 = arith.constant 0 : i32
      %gather3A_2681 = arith.constant 0 : i32
      %gather3A_2682 = tpu.memref_slice %arg11[%gather3A_2679, %gather3A_2680, %gather3A_2681] : memref<8x32x128xf32, #tpu.memory_space<vmem>> -> memref<1x32x128xf32, #tpu.memory_space<vmem>>
      %gather3A_2683 = tpu.memref_squeeze %gather3A_2682 : memref<1x32x128xf32, #tpu.memory_space<vmem>> -> memref<32x128xf32, #tpu.memory_space<vmem>>
      %gather3A_2684 = tpu.vector_load_idx %gather3A_2683[%add3A_2678, %broadcast_in_dim3A_2664] : memref<32x128xf32, #tpu.memory_space<vmem>>[vector<16xi32>, vector<16xi32>], vector<16xf32>,
      %gather3A_2685 = arith.constant 6 : i32
      %gather3A_2686 = arith.constant 0 : i32
      %gather3A_2687 = arith.constant 0 : i32
      %gather3A_2688 = tpu.memref_slice %arg12[%gather3A_2685, %gather3A_2686, %gather3A_2687] : memref<8x32x128xf32, #tpu.memory_space<vmem>> -> memref<1x32x128xf32, #tpu.memory_space<vmem>>
      %gather3A_2689 = tpu.memref_squeeze %gather3A_2688 : memref<1x32x128xf32, #tpu.memory_space<vmem>> -> memref<32x128xf32, #tpu.memory_space<vmem>>
      %gather3A_2690 = tpu.vector_load_idx %gather3A_2689[%iota3A, %broadcast_in_dim3A_2669] : memref<32x128xf32, #tpu.memory_space<vmem>>[vector<16xi32>, vector<16xi32>], vector<16xf32>,
      %add3A_2691 = arith.constant 16 : i32
      %add3A_2692 = vector.broadcast %add3A_2691 : i32 to vector<16xi32>
      %add3A_2693 = arith.addi %iota3A, %add3A_2692 : vector<16xi32>
      %gather3A_2694 = arith.constant 6 : i32
      %gather3A_2695 = arith.constant 0 : i32
      %gather3A_2696 = arith.constant 0 : i32
      %gather3A_2697 = tpu.memref_slice %arg12[%gather3A_2694, %gather3A_2695, %gather3A_2696] : memref<8x32x128xf32, #tpu.memory_space<vmem>> -> memref<1x32x128xf32, #tpu.memory_space<vmem>>
      %gather3A_2698 = tpu.memref_squeeze %gather3A_2697 : memref<1x32x128xf32, #tpu.memory_space<vmem>> -> memref<32x128xf32, #tpu.memory_space<vmem>>
      %gather3A_2699 = tpu.vector_load_idx %gather3A_2698[%add3A_2693, %broadcast_in_dim3A_2669] : memref<32x128xf32, #tpu.memory_space<vmem>>[vector<16xi32>, vector<16xi32>], vector<16xf32>,
      %mul3A_2700 = arith.mulf %gather3A_2675, %gather3A_2690 : vector<16xf32>
      %mul3A_2701 = arith.mulf %mul3A_2700, %get3A_3 : vector<16xf32>
      %mul3A_2702 = arith.mulf %gather3A_2684, %gather3A_2699 : vector<16xf32>
      %mul3A_2703 = arith.mulf %mul3A_2702, %get3A_5 : vector<16xf32>
      %add3A_2704 = arith.addf %mul3A_2701, %mul3A_2703 : vector<16xf32>
      %reduce_sum3A_2705 = arith.constant true
      %reduce_sum3A_2706 = vector.broadcast %reduce_sum3A_2705 : i1 to vector<16xi1>
      %reduce_sum3A_2707 = tpu.scan <sum>, %add3A_2704 masked %reduce_sum3A_2706 : vector<16xf32>, vector<16xi1> -> vector<16xf32>
      %reduce_sum3A_2708 = vector.extract %reduce_sum3A_2707[15] : f32 from vector<16xf32>
      %eq3A_2709 = arith.constant 14 : i32
      %eq3A_2710 = vector.broadcast %eq3A_2709 : i32 to vector<16xi32>
      %eq3A_2711 = arith.cmpi eq, %iota3A, %eq3A_2710 : vector<16xi32>
      %jit3A_2712 = arith.constant 0.000000e+00 : f32
      %broadcast_in_dim3A_2713 = vector.broadcast %reduce_sum3A_2708 : f32 to vector<16xf32>
      %broadcast_in_dim3A_2714 = vector.broadcast %jit3A_2712 : f32 to vector<16xf32>
      %select_n3A_2715 = arith.select %eq3A_2711, %broadcast_in_dim3A_2713, %broadcast_in_dim3A_2714 : vector<16xi1>, vector<16xf32>
      %add3A_2716 = arith.addf %add3A_2577, %select_n3A_2715 : vector<16xf32>
      %slice3A_2717 = vector.extract_strided_slice %get3A_682 {offsets = [6], sizes = [1], strides = [1]} : vector<16xi32> to vector<1xi32>
      %squeeze3A_2718 = vector.extract %slice3A_2717[0] : i32 from vector<1xi32>
      %slice3A_2719 = vector.extract_strided_slice %get3A_684 {offsets = [6], sizes = [1], strides = [1]} : vector<16xi32> to vector<1xi32>
      %squeeze3A_2720 = vector.extract %slice3A_2719[0] : i32 from vector<1xi32>
      %shift_right_arithmetic3A_2721 = arith.constant 7 : i32
      %shift_right_arithmetic3A_2722 = arith.shrsi %squeeze3A_2718, %shift_right_arithmetic3A_2721 : i32
      %mul3A_2723 = arith.constant 128 : i32
      %mul3A_2724 = arith.muli %shift_right_arithmetic3A_2722, %mul3A_2723 : i32
      %multiple_of3A_2725 = tpu.assume_multiple %mul3A_2724, 128 : i32
      %shift_right_arithmetic3A_2726 = arith.constant 7 : i32
      %shift_right_arithmetic3A_2727 = arith.shrsi %squeeze3A_2720, %shift_right_arithmetic3A_2726 : i32
      %mul3A_2728 = arith.constant 128 : i32
      %mul3A_2729 = arith.muli %shift_right_arithmetic3A_2727, %mul3A_2728 : i32
      %multiple_of3A_2730 = tpu.assume_multiple %mul3A_2729, 128 : i32
      %dma_start3A_2731 = arith.constant 6 : i32
      %dma_start3A_2732 = arith.constant 6 : i32
      %dma_start3A_2733 = arith.constant 0 : i32
      %dma_start3A_2734 = arith.constant 0 : i32
      %dma_start3A_2735 = tpu.memref_slice %arg11[%dma_start3A_2731, %dma_start3A_2733, %dma_start3A_2734] : memref<8x32x128xf32, #tpu.memory_space<vmem>> -> memref<1x32x128xf32, #tpu.memory_space<vmem>>
      %dma_start3A_2736 = tpu.memref_squeeze %dma_start3A_2735 : memref<1x32x128xf32, #tpu.memory_space<vmem>> -> memref<32x128xf32, #tpu.memory_space<vmem>>
      %dma_start3A_2737 = arith.constant 0 : i32
      %dma_start3A_2738 = tpu.memref_slice %arg4[%dma_start3A_2737, %multiple_of3A_2725] : memref<32x1000000xf32, #tpu.memory_space<hbm>> -> memref<32x128xf32, #tpu.memory_space<hbm>>
      %dma_start3A_2739 = tpu.memref_slice %arg16[%dma_start3A_2732] : memref<8x!tpu.dma_semaphore, #tpu.memory_space<semaphore_mem>> -> memref<1x!tpu.dma_semaphore, #tpu.memory_space<semaphore_mem>>
      %dma_start3A_2740 = tpu.memref_squeeze %dma_start3A_2739 : memref<1x!tpu.dma_semaphore, #tpu.memory_space<semaphore_mem>> -> memref<!tpu.dma_semaphore, #tpu.memory_space<semaphore_mem>>
      %dma_start3A_2741 = arith.constant 0 : i32
      %dma_start3A_2742 = arith.constant 0 : i32
      %dma_start3A_2743 = tpu.memref_slice %arg11[%dma_start3A_2731, %dma_start3A_2741, %dma_start3A_2742] : memref<8x32x128xf32, #tpu.memory_space<vmem>> -> memref<1x32x128xf32, #tpu.memory_space<vmem>>
      %dma_start3A_2744 = tpu.memref_squeeze %dma_start3A_2743 : memref<1x32x128xf32, #tpu.memory_space<vmem>> -> memref<32x128xf32, #tpu.memory_space<vmem>>
      %dma_start3A_2745 = arith.constant 0 : i32
      %dma_start3A_2746 = tpu.memref_slice %arg4[%dma_start3A_2745, %multiple_of3A_2725] : memref<32x1000000xf32, #tpu.memory_space<hbm>> -> memref<32x128xf32, #tpu.memory_space<hbm>>
      tpu.enqueue_dma source(%dma_start3A_2746 : memref<32x128xf32, #tpu.memory_space<hbm>>) target(%dma_start3A_2744 : memref<32x128xf32, #tpu.memory_space<vmem>>) target_semaphore(%dma_start3A_2740 : memref<!tpu.dma_semaphore, #tpu.memory_space<semaphore_mem>>)
      %dma_start3A_2747 = arith.constant 6 : i32
      %dma_start3A_2748 = arith.constant 6 : i32
      %dma_start3A_2749 = arith.constant 0 : i32
      %dma_start3A_2750 = arith.constant 0 : i32
      %dma_start3A_2751 = tpu.memref_slice %arg12[%dma_start3A_2747, %dma_start3A_2749, %dma_start3A_2750] : memref<8x32x128xf32, #tpu.memory_space<vmem>> -> memref<1x32x128xf32, #tpu.memory_space<vmem>>
      %dma_start3A_2752 = tpu.memref_squeeze %dma_start3A_2751 : memref<1x32x128xf32, #tpu.memory_space<vmem>> -> memref<32x128xf32, #tpu.memory_space<vmem>>
      %dma_start3A_2753 = arith.constant 0 : i32
      %dma_start3A_2754 = tpu.memref_slice %arg5[%dma_start3A_2753, %multiple_of3A_2730] : memref<32x1000000xf32, #tpu.memory_space<hbm>> -> memref<32x128xf32, #tpu.memory_space<hbm>>
      %dma_start3A_2755 = tpu.memref_slice %arg17[%dma_start3A_2748] : memref<8x!tpu.dma_semaphore, #tpu.memory_space<semaphore_mem>> -> memref<1x!tpu.dma_semaphore, #tpu.memory_space<semaphore_mem>>
      %dma_start3A_2756 = tpu.memref_squeeze %dma_start3A_2755 : memref<1x!tpu.dma_semaphore, #tpu.memory_space<semaphore_mem>> -> memref<!tpu.dma_semaphore, #tpu.memory_space<semaphore_mem>>
      %dma_start3A_2757 = arith.constant 0 : i32
      %dma_start3A_2758 = arith.constant 0 : i32
      %dma_start3A_2759 = tpu.memref_slice %arg12[%dma_start3A_2747, %dma_start3A_2757, %dma_start3A_2758] : memref<8x32x128xf32, #tpu.memory_space<vmem>> -> memref<1x32x128xf32, #tpu.memory_space<vmem>>
      %dma_start3A_2760 = tpu.memref_squeeze %dma_start3A_2759 : memref<1x32x128xf32, #tpu.memory_space<vmem>> -> memref<32x128xf32, #tpu.memory_space<vmem>>
      %dma_start3A_2761 = arith.constant 0 : i32
      %dma_start3A_2762 = tpu.memref_slice %arg5[%dma_start3A_2761, %multiple_of3A_2730] : memref<32x1000000xf32, #tpu.memory_space<hbm>> -> memref<32x128xf32, #tpu.memory_space<hbm>>
      tpu.enqueue_dma source(%dma_start3A_2762 : memref<32x128xf32, #tpu.memory_space<hbm>>) target(%dma_start3A_2760 : memref<32x128xf32, #tpu.memory_space<vmem>>) target_semaphore(%dma_start3A_2756 : memref<!tpu.dma_semaphore, #tpu.memory_space<semaphore_mem>>)
      %dma_wait3A_2763 = arith.constant 7 : i32
      %dma_wait3A_2764 = arith.constant 7 : i32
      %dma_wait3A_2765 = arith.constant 0 : i32
      %dma_wait3A_2766 = arith.constant 0 : i32
      %dma_wait3A_2767 = tpu.memref_slice %arg11[%dma_wait3A_2763, %dma_wait3A_2765, %dma_wait3A_2766] : memref<8x32x128xf32, #tpu.memory_space<vmem>> -> memref<1x32x128xf32, #tpu.memory_space<vmem>>
      %dma_wait3A_2768 = tpu.memref_squeeze %dma_wait3A_2767 : memref<1x32x128xf32, #tpu.memory_space<vmem>> -> memref<32x128xf32, #tpu.memory_space<vmem>>
      %dma_wait3A_2769 = arith.constant 0 : i32
      %dma_wait3A_2770 = arith.constant 0 : i32
      %dma_wait3A_2771 = tpu.memref_slice %arg4[%dma_wait3A_2769, %dma_wait3A_2770] : memref<32x1000000xf32, #tpu.memory_space<hbm>> -> memref<32x128xf32, #tpu.memory_space<hbm>>
      %dma_wait3A_2772 = tpu.memref_slice %arg16[%dma_wait3A_2764] : memref<8x!tpu.dma_semaphore, #tpu.memory_space<semaphore_mem>> -> memref<1x!tpu.dma_semaphore, #tpu.memory_space<semaphore_mem>>
      %dma_wait3A_2773 = tpu.memref_squeeze %dma_wait3A_2772 : memref<1x!tpu.dma_semaphore, #tpu.memory_space<semaphore_mem>> -> memref<!tpu.dma_semaphore, #tpu.memory_space<semaphore_mem>>
      %dma_wait3A_2774 = arith.constant 0 : i32
      %dma_wait3A_2775 = arith.constant 0 : i32
      %dma_wait3A_2776 = tpu.memref_slice %arg11[%dma_wait3A_2763, %dma_wait3A_2774, %dma_wait3A_2775] : memref<8x32x128xf32, #tpu.memory_space<vmem>> -> memref<1x32x128xf32, #tpu.memory_space<vmem>>
      %dma_wait3A_2777 = tpu.memref_squeeze %dma_wait3A_2776 : memref<1x32x128xf32, #tpu.memory_space<vmem>> -> memref<32x128xf32, #tpu.memory_space<vmem>>
      %dma_wait3A_2778 = arith.constant 0 : i32
      %dma_wait3A_2779 = arith.constant 0 : i32
      %dma_wait3A_2780 = tpu.memref_slice %arg4[%dma_wait3A_2778, %dma_wait3A_2779] : memref<32x1000000xf32, #tpu.memory_space<hbm>> -> memref<32x128xf32, #tpu.memory_space<hbm>>
      tpu.wait_dma2 semaphore(%dma_wait3A_2773 : memref<!tpu.dma_semaphore, #tpu.memory_space<semaphore_mem>>) src(%dma_wait3A_2780 : memref<32x128xf32, #tpu.memory_space<hbm>>) dst(%dma_wait3A_2777 : memref<32x128xf32, #tpu.memory_space<vmem>>)
      %dma_wait3A_2781 = arith.constant 7 : i32
      %dma_wait3A_2782 = arith.constant 7 : i32
      %dma_wait3A_2783 = arith.constant 0 : i32
      %dma_wait3A_2784 = arith.constant 0 : i32
      %dma_wait3A_2785 = tpu.memref_slice %arg12[%dma_wait3A_2781, %dma_wait3A_2783, %dma_wait3A_2784] : memref<8x32x128xf32, #tpu.memory_space<vmem>> -> memref<1x32x128xf32, #tpu.memory_space<vmem>>
      %dma_wait3A_2786 = tpu.memref_squeeze %dma_wait3A_2785 : memref<1x32x128xf32, #tpu.memory_space<vmem>> -> memref<32x128xf32, #tpu.memory_space<vmem>>
      %dma_wait3A_2787 = arith.constant 0 : i32
      %dma_wait3A_2788 = arith.constant 0 : i32
      %dma_wait3A_2789 = tpu.memref_slice %arg5[%dma_wait3A_2787, %dma_wait3A_2788] : memref<32x1000000xf32, #tpu.memory_space<hbm>> -> memref<32x128xf32, #tpu.memory_space<hbm>>
      %dma_wait3A_2790 = tpu.memref_slice %arg17[%dma_wait3A_2782] : memref<8x!tpu.dma_semaphore, #tpu.memory_space<semaphore_mem>> -> memref<1x!tpu.dma_semaphore, #tpu.memory_space<semaphore_mem>>
      %dma_wait3A_2791 = tpu.memref_squeeze %dma_wait3A_2790 : memref<1x!tpu.dma_semaphore, #tpu.memory_space<semaphore_mem>> -> memref<!tpu.dma_semaphore, #tpu.memory_space<semaphore_mem>>
      %dma_wait3A_2792 = arith.constant 0 : i32
      %dma_wait3A_2793 = arith.constant 0 : i32
      %dma_wait3A_2794 = tpu.memref_slice %arg12[%dma_wait3A_2781, %dma_wait3A_2792, %dma_wait3A_2793] : memref<8x32x128xf32, #tpu.memory_space<vmem>> -> memref<1x32x128xf32, #tpu.memory_space<vmem>>
      %dma_wait3A_2795 = tpu.memref_squeeze %dma_wait3A_2794 : memref<1x32x128xf32, #tpu.memory_space<vmem>> -> memref<32x128xf32, #tpu.memory_space<vmem>>
      %dma_wait3A_2796 = arith.constant 0 : i32
      %dma_wait3A_2797 = arith.constant 0 : i32
      %dma_wait3A_2798 = tpu.memref_slice %arg5[%dma_wait3A_2796, %dma_wait3A_2797] : memref<32x1000000xf32, #tpu.memory_space<hbm>> -> memref<32x128xf32, #tpu.memory_space<hbm>>
      tpu.wait_dma2 semaphore(%dma_wait3A_2791 : memref<!tpu.dma_semaphore, #tpu.memory_space<semaphore_mem>>) src(%dma_wait3A_2798 : memref<32x128xf32, #tpu.memory_space<hbm>>) dst(%dma_wait3A_2795 : memref<32x128xf32, #tpu.memory_space<vmem>>)
      %slice3A_2799 = vector.extract_strided_slice %get3A_671 {offsets = [15], sizes = [1], strides = [1]} : vector<16xi32> to vector<1xi32>
      %squeeze3A_2800 = vector.extract %slice3A_2799[0] : i32 from vector<1xi32>
      %and3A_2801 = arith.constant 127 : i32
      %and3A_2802 = arith.andi %squeeze3A_2800, %and3A_2801 : i32
      %broadcast_in_dim3A_2803 = vector.broadcast %and3A_2802 : i32 to vector<16xi32>
      %slice3A_2804 = vector.extract_strided_slice %get3A_675 {offsets = [15], sizes = [1], strides = [1]} : vector<16xi32> to vector<1xi32>
      %squeeze3A_2805 = vector.extract %slice3A_2804[0] : i32 from vector<1xi32>
      %and3A_2806 = arith.constant 127 : i32
      %and3A_2807 = arith.andi %squeeze3A_2805, %and3A_2806 : i32
      %broadcast_in_dim3A_2808 = vector.broadcast %and3A_2807 : i32 to vector<16xi32>
      %gather3A_2809 = arith.constant 7 : i32
      %gather3A_2810 = arith.constant 0 : i32
      %gather3A_2811 = arith.constant 0 : i32
      %gather3A_2812 = tpu.memref_slice %arg11[%gather3A_2809, %gather3A_2810, %gather3A_2811] : memref<8x32x128xf32, #tpu.memory_space<vmem>> -> memref<1x32x128xf32, #tpu.memory_space<vmem>>
      %gather3A_2813 = tpu.memref_squeeze %gather3A_2812 : memref<1x32x128xf32, #tpu.memory_space<vmem>> -> memref<32x128xf32, #tpu.memory_space<vmem>>
      %gather3A_2814 = tpu.vector_load_idx %gather3A_2813[%iota3A, %broadcast_in_dim3A_2803] : memref<32x128xf32, #tpu.memory_space<vmem>>[vector<16xi32>, vector<16xi32>], vector<16xf32>,
      %add3A_2815 = arith.constant 16 : i32
      %add3A_2816 = vector.broadcast %add3A_2815 : i32 to vector<16xi32>
      %add3A_2817 = arith.addi %iota3A, %add3A_2816 : vector<16xi32>
      %gather3A_2818 = arith.constant 7 : i32
      %gather3A_2819 = arith.constant 0 : i32
      %gather3A_2820 = arith.constant 0 : i32
      %gather3A_2821 = tpu.memref_slice %arg11[%gather3A_2818, %gather3A_2819, %gather3A_2820] : memref<8x32x128xf32, #tpu.memory_space<vmem>> -> memref<1x32x128xf32, #tpu.memory_space<vmem>>
      %gather3A_2822 = tpu.memref_squeeze %gather3A_2821 : memref<1x32x128xf32, #tpu.memory_space<vmem>> -> memref<32x128xf32, #tpu.memory_space<vmem>>
      %gather3A_2823 = tpu.vector_load_idx %gather3A_2822[%add3A_2817, %broadcast_in_dim3A_2803] : memref<32x128xf32, #tpu.memory_space<vmem>>[vector<16xi32>, vector<16xi32>], vector<16xf32>,
      %gather3A_2824 = arith.constant 7 : i32
      %gather3A_2825 = arith.constant 0 : i32
      %gather3A_2826 = arith.constant 0 : i32
      %gather3A_2827 = tpu.memref_slice %arg12[%gather3A_2824, %gather3A_2825, %gather3A_2826] : memref<8x32x128xf32, #tpu.memory_space<vmem>> -> memref<1x32x128xf32, #tpu.memory_space<vmem>>
      %gather3A_2828 = tpu.memref_squeeze %gather3A_2827 : memref<1x32x128xf32, #tpu.memory_space<vmem>> -> memref<32x128xf32, #tpu.memory_space<vmem>>
      %gather3A_2829 = tpu.vector_load_idx %gather3A_2828[%iota3A, %broadcast_in_dim3A_2808] : memref<32x128xf32, #tpu.memory_space<vmem>>[vector<16xi32>, vector<16xi32>], vector<16xf32>,
      %add3A_2830 = arith.constant 16 : i32
      %add3A_2831 = vector.broadcast %add3A_2830 : i32 to vector<16xi32>
      %add3A_2832 = arith.addi %iota3A, %add3A_2831 : vector<16xi32>
      %gather3A_2833 = arith.constant 7 : i32
      %gather3A_2834 = arith.constant 0 : i32
      %gather3A_2835 = arith.constant 0 : i32
      %gather3A_2836 = tpu.memref_slice %arg12[%gather3A_2833, %gather3A_2834, %gather3A_2835] : memref<8x32x128xf32, #tpu.memory_space<vmem>> -> memref<1x32x128xf32, #tpu.memory_space<vmem>>
      %gather3A_2837 = tpu.memref_squeeze %gather3A_2836 : memref<1x32x128xf32, #tpu.memory_space<vmem>> -> memref<32x128xf32, #tpu.memory_space<vmem>>
      %gather3A_2838 = tpu.vector_load_idx %gather3A_2837[%add3A_2832, %broadcast_in_dim3A_2808] : memref<32x128xf32, #tpu.memory_space<vmem>>[vector<16xi32>, vector<16xi32>], vector<16xf32>,
      %mul3A_2839 = arith.mulf %gather3A_2814, %gather3A_2829 : vector<16xf32>
      %mul3A_2840 = arith.mulf %mul3A_2839, %get3A_3 : vector<16xf32>
      %mul3A_2841 = arith.mulf %gather3A_2823, %gather3A_2838 : vector<16xf32>
      %mul3A_2842 = arith.mulf %mul3A_2841, %get3A_5 : vector<16xf32>
      %add3A_2843 = arith.addf %mul3A_2840, %mul3A_2842 : vector<16xf32>
      %reduce_sum3A_2844 = arith.constant true
      %reduce_sum3A_2845 = vector.broadcast %reduce_sum3A_2844 : i1 to vector<16xi1>
      %reduce_sum3A_2846 = tpu.scan <sum>, %add3A_2843 masked %reduce_sum3A_2845 : vector<16xf32>, vector<16xi1> -> vector<16xf32>
      %reduce_sum3A_2847 = vector.extract %reduce_sum3A_2846[15] : f32 from vector<16xf32>
      %eq3A_2848 = arith.constant 15 : i32
      %eq3A_2849 = vector.broadcast %eq3A_2848 : i32 to vector<16xi32>
      %eq3A_2850 = arith.cmpi eq, %iota3A, %eq3A_2849 : vector<16xi32>
      %jit3A_2851 = arith.constant 0.000000e+00 : f32
      %broadcast_in_dim3A_2852 = vector.broadcast %reduce_sum3A_2847 : f32 to vector<16xf32>
      %broadcast_in_dim3A_2853 = vector.broadcast %jit3A_2851 : f32 to vector<16xf32>
      %select_n3A_2854 = arith.select %eq3A_2850, %broadcast_in_dim3A_2852, %broadcast_in_dim3A_2853 : vector<16xi1>, vector<16xf32>
      %add3A_2855 = arith.addf %add3A_2716, %select_n3A_2854 : vector<16xf32>
      %slice3A_2856 = vector.extract_strided_slice %get3A_682 {offsets = [7], sizes = [1], strides = [1]} : vector<16xi32> to vector<1xi32>
      %squeeze3A_2857 = vector.extract %slice3A_2856[0] : i32 from vector<1xi32>
      %slice3A_2858 = vector.extract_strided_slice %get3A_684 {offsets = [7], sizes = [1], strides = [1]} : vector<16xi32> to vector<1xi32>
      %squeeze3A_2859 = vector.extract %slice3A_2858[0] : i32 from vector<1xi32>
      %shift_right_arithmetic3A_2860 = arith.constant 7 : i32
      %shift_right_arithmetic3A_2861 = arith.shrsi %squeeze3A_2857, %shift_right_arithmetic3A_2860 : i32
      %mul3A_2862 = arith.constant 128 : i32
      %mul3A_2863 = arith.muli %shift_right_arithmetic3A_2861, %mul3A_2862 : i32
      %multiple_of3A_2864 = tpu.assume_multiple %mul3A_2863, 128 : i32
      %shift_right_arithmetic3A_2865 = arith.constant 7 : i32
      %shift_right_arithmetic3A_2866 = arith.shrsi %squeeze3A_2859, %shift_right_arithmetic3A_2865 : i32
      %mul3A_2867 = arith.constant 128 : i32
      %mul3A_2868 = arith.muli %shift_right_arithmetic3A_2866, %mul3A_2867 : i32
      %multiple_of3A_2869 = tpu.assume_multiple %mul3A_2868, 128 : i32
      %dma_start3A_2870 = arith.constant 7 : i32
      %dma_start3A_2871 = arith.constant 7 : i32
      %dma_start3A_2872 = arith.constant 0 : i32
      %dma_start3A_2873 = arith.constant 0 : i32
      %dma_start3A_2874 = tpu.memref_slice %arg11[%dma_start3A_2870, %dma_start3A_2872, %dma_start3A_2873] : memref<8x32x128xf32, #tpu.memory_space<vmem>> -> memref<1x32x128xf32, #tpu.memory_space<vmem>>
      %dma_start3A_2875 = tpu.memref_squeeze %dma_start3A_2874 : memref<1x32x128xf32, #tpu.memory_space<vmem>> -> memref<32x128xf32, #tpu.memory_space<vmem>>
      %dma_start3A_2876 = arith.constant 0 : i32
      %dma_start3A_2877 = tpu.memref_slice %arg4[%dma_start3A_2876, %multiple_of3A_2864] : memref<32x1000000xf32, #tpu.memory_space<hbm>> -> memref<32x128xf32, #tpu.memory_space<hbm>>
      %dma_start3A_2878 = tpu.memref_slice %arg16[%dma_start3A_2871] : memref<8x!tpu.dma_semaphore, #tpu.memory_space<semaphore_mem>> -> memref<1x!tpu.dma_semaphore, #tpu.memory_space<semaphore_mem>>
      %dma_start3A_2879 = tpu.memref_squeeze %dma_start3A_2878 : memref<1x!tpu.dma_semaphore, #tpu.memory_space<semaphore_mem>> -> memref<!tpu.dma_semaphore, #tpu.memory_space<semaphore_mem>>
      %dma_start3A_2880 = arith.constant 0 : i32
      %dma_start3A_2881 = arith.constant 0 : i32
      %dma_start3A_2882 = tpu.memref_slice %arg11[%dma_start3A_2870, %dma_start3A_2880, %dma_start3A_2881] : memref<8x32x128xf32, #tpu.memory_space<vmem>> -> memref<1x32x128xf32, #tpu.memory_space<vmem>>
      %dma_start3A_2883 = tpu.memref_squeeze %dma_start3A_2882 : memref<1x32x128xf32, #tpu.memory_space<vmem>> -> memref<32x128xf32, #tpu.memory_space<vmem>>
      %dma_start3A_2884 = arith.constant 0 : i32
      %dma_start3A_2885 = tpu.memref_slice %arg4[%dma_start3A_2884, %multiple_of3A_2864] : memref<32x1000000xf32, #tpu.memory_space<hbm>> -> memref<32x128xf32, #tpu.memory_space<hbm>>
      tpu.enqueue_dma source(%dma_start3A_2885 : memref<32x128xf32, #tpu.memory_space<hbm>>) target(%dma_start3A_2883 : memref<32x128xf32, #tpu.memory_space<vmem>>) target_semaphore(%dma_start3A_2879 : memref<!tpu.dma_semaphore, #tpu.memory_space<semaphore_mem>>)
      %dma_start3A_2886 = arith.constant 7 : i32
      %dma_start3A_2887 = arith.constant 7 : i32
      %dma_start3A_2888 = arith.constant 0 : i32
      %dma_start3A_2889 = arith.constant 0 : i32
      %dma_start3A_2890 = tpu.memref_slice %arg12[%dma_start3A_2886, %dma_start3A_2888, %dma_start3A_2889] : memref<8x32x128xf32, #tpu.memory_space<vmem>> -> memref<1x32x128xf32, #tpu.memory_space<vmem>>
      %dma_start3A_2891 = tpu.memref_squeeze %dma_start3A_2890 : memref<1x32x128xf32, #tpu.memory_space<vmem>> -> memref<32x128xf32, #tpu.memory_space<vmem>>
      %dma_start3A_2892 = arith.constant 0 : i32
      %dma_start3A_2893 = tpu.memref_slice %arg5[%dma_start3A_2892, %multiple_of3A_2869] : memref<32x1000000xf32, #tpu.memory_space<hbm>> -> memref<32x128xf32, #tpu.memory_space<hbm>>
      %dma_start3A_2894 = tpu.memref_slice %arg17[%dma_start3A_2887] : memref<8x!tpu.dma_semaphore, #tpu.memory_space<semaphore_mem>> -> memref<1x!tpu.dma_semaphore, #tpu.memory_space<semaphore_mem>>
      %dma_start3A_2895 = tpu.memref_squeeze %dma_start3A_2894 : memref<1x!tpu.dma_semaphore, #tpu.memory_space<semaphore_mem>> -> memref<!tpu.dma_semaphore, #tpu.memory_space<semaphore_mem>>
      %dma_start3A_2896 = arith.constant 0 : i32
      %dma_start3A_2897 = arith.constant 0 : i32
      %dma_start3A_2898 = tpu.memref_slice %arg12[%dma_start3A_2886, %dma_start3A_2896, %dma_start3A_2897] : memref<8x32x128xf32, #tpu.memory_space<vmem>> -> memref<1x32x128xf32, #tpu.memory_space<vmem>>
      %dma_start3A_2899 = tpu.memref_squeeze %dma_start3A_2898 : memref<1x32x128xf32, #tpu.memory_space<vmem>> -> memref<32x128xf32, #tpu.memory_space<vmem>>
      %dma_start3A_2900 = arith.constant 0 : i32
      %dma_start3A_2901 = tpu.memref_slice %arg5[%dma_start3A_2900, %multiple_of3A_2869] : memref<32x1000000xf32, #tpu.memory_space<hbm>> -> memref<32x128xf32, #tpu.memory_space<hbm>>
      tpu.enqueue_dma source(%dma_start3A_2901 : memref<32x128xf32, #tpu.memory_space<hbm>>) target(%dma_start3A_2899 : memref<32x128xf32, #tpu.memory_space<vmem>>) target_semaphore(%dma_start3A_2895 : memref<!tpu.dma_semaphore, #tpu.memory_space<semaphore_mem>>)
      %neg3A = arith.constant 0.000000e+00 : f32
      %neg3A_2902 = vector.broadcast %neg3A : f32 to vector<16xf32>
      %neg3A_2903 = arith.subf %neg3A_2902, %add3A_2855 : vector<16xf32>
      %exp3A = math.exp %neg3A_2903 : vector<16xf32>
      %add3A_2904 = arith.constant 1.000000e+00 : f32
      %add3A_2905 = vector.broadcast %add3A_2904 : f32 to vector<16xf32>
      %add3A_2906 = arith.addf %add3A_2905, %exp3A : vector<16xf32>
      %div3A = arith.constant 1.000000e+00 : f32
      %div3A_2907 = vector.broadcast %div3A : f32 to vector<16xf32>
      %div3A_2908 = arith.divf %div3A_2907, %add3A_2906 : vector<16xf32>
      %mul3A_2909 = arith.constant 16 : i32
      %mul3A_2910 = arith.muli %scan3A_667, %mul3A_2909 : i32
      %swap3A = arith.index_cast %mul3A_2910 : i32 to index
      %swap3A_2911 = tpu.vector_load %arg13[%swap3A] {strides = array<i32>} : memref<512xf32, #tpu.memory_space<vmem>>, vector<16xf32>,
      tpu.vector_store %arg13[%swap3A], %div3A_2908 {strides = array<i32>} : memref<512xf32, #tpu.memory_space<vmem>>, vector<16xf32>,
    }
    %scan3A_379 = arith.constant 32 : i32
    %dma_wait3A = arith.constant 0 : i32
    %dma_wait3A_380 = arith.constant 0 : i32
    %dma_wait3A_381 = arith.constant 0 : i32
    %dma_wait3A_382 = arith.constant 0 : i32
    %dma_wait3A_383 = tpu.memref_slice %arg11[%dma_wait3A, %dma_wait3A_381, %dma_wait3A_382] : memref<8x32x128xf32, #tpu.memory_space<vmem>> -> memref<1x32x128xf32, #tpu.memory_space<vmem>>
    %dma_wait3A_384 = tpu.memref_squeeze %dma_wait3A_383 : memref<1x32x128xf32, #tpu.memory_space<vmem>> -> memref<32x128xf32, #tpu.memory_space<vmem>>
    %dma_wait3A_385 = arith.constant 0 : i32
    %dma_wait3A_386 = arith.constant 0 : i32
    %dma_wait3A_387 = tpu.memref_slice %arg4[%dma_wait3A_385, %dma_wait3A_386] : memref<32x1000000xf32, #tpu.memory_space<hbm>> -> memref<32x128xf32, #tpu.memory_space<hbm>>
    %dma_wait3A_388 = tpu.memref_slice %arg16[%dma_wait3A_380] : memref<8x!tpu.dma_semaphore, #tpu.memory_space<semaphore_mem>> -> memref<1x!tpu.dma_semaphore, #tpu.memory_space<semaphore_mem>>
    %dma_wait3A_389 = tpu.memref_squeeze %dma_wait3A_388 : memref<1x!tpu.dma_semaphore, #tpu.memory_space<semaphore_mem>> -> memref<!tpu.dma_semaphore, #tpu.memory_space<semaphore_mem>>
    %dma_wait3A_390 = arith.constant 0 : i32
    %dma_wait3A_391 = arith.constant 0 : i32
    %dma_wait3A_392 = tpu.memref_slice %arg11[%dma_wait3A, %dma_wait3A_390, %dma_wait3A_391] : memref<8x32x128xf32, #tpu.memory_space<vmem>> -> memref<1x32x128xf32, #tpu.memory_space<vmem>>
    %dma_wait3A_393 = tpu.memref_squeeze %dma_wait3A_392 : memref<1x32x128xf32, #tpu.memory_space<vmem>> -> memref<32x128xf32, #tpu.memory_space<vmem>>
    %dma_wait3A_394 = arith.constant 0 : i32
    %dma_wait3A_395 = arith.constant 0 : i32
    %dma_wait3A_396 = tpu.memref_slice %arg4[%dma_wait3A_394, %dma_wait3A_395] : memref<32x1000000xf32, #tpu.memory_space<hbm>> -> memref<32x128xf32, #tpu.memory_space<hbm>>
    tpu.wait_dma2 semaphore(%dma_wait3A_389 : memref<!tpu.dma_semaphore, #tpu.memory_space<semaphore_mem>>) src(%dma_wait3A_396 : memref<32x128xf32, #tpu.memory_space<hbm>>) dst(%dma_wait3A_393 : memref<32x128xf32, #tpu.memory_space<vmem>>)
    %dma_wait3A_397 = arith.constant 0 : i32
    %dma_wait3A_398 = arith.constant 0 : i32
    %dma_wait3A_399 = arith.constant 0 : i32
    %dma_wait3A_400 = arith.constant 0 : i32
    %dma_wait3A_401 = tpu.memref_slice %arg12[%dma_wait3A_397, %dma_wait3A_399, %dma_wait3A_400] : memref<8x32x128xf32, #tpu.memory_space<vmem>> -> memref<1x32x128xf32, #tpu.memory_space<vmem>>
    %dma_wait3A_402 = tpu.memref_squeeze %dma_wait3A_401 : memref<1x32x128xf32, #tpu.memory_space<vmem>> -> memref<32x128xf32, #tpu.memory_space<vmem>>
    %dma_wait3A_403 = arith.constant 0 : i32
    %dma_wait3A_404 = arith.constant 0 : i32
    %dma_wait3A_405 = tpu.memref_slice %arg5[%dma_wait3A_403, %dma_wait3A_404] : memref<32x1000000xf32, #tpu.memory_space<hbm>> -> memref<32x128xf32, #tpu.memory_space<hbm>>
    %dma_wait3A_406 = tpu.memref_slice %arg17[%dma_wait3A_398] : memref<8x!tpu.dma_semaphore, #tpu.memory_space<semaphore_mem>> -> memref<1x!tpu.dma_semaphore, #tpu.memory_space<semaphore_mem>>
    %dma_wait3A_407 = tpu.memref_squeeze %dma_wait3A_406 : memref<1x!tpu.dma_semaphore, #tpu.memory_space<semaphore_mem>> -> memref<!tpu.dma_semaphore, #tpu.memory_space<semaphore_mem>>
    %dma_wait3A_408 = arith.constant 0 : i32
    %dma_wait3A_409 = arith.constant 0 : i32
    %dma_wait3A_410 = tpu.memref_slice %arg12[%dma_wait3A_397, %dma_wait3A_408, %dma_wait3A_409] : memref<8x32x128xf32, #tpu.memory_space<vmem>> -> memref<1x32x128xf32, #tpu.memory_space<vmem>>
    %dma_wait3A_411 = tpu.memref_squeeze %dma_wait3A_410 : memref<1x32x128xf32, #tpu.memory_space<vmem>> -> memref<32x128xf32, #tpu.memory_space<vmem>>
    %dma_wait3A_412 = arith.constant 0 : i32
    %dma_wait3A_413 = arith.constant 0 : i32
    %dma_wait3A_414 = tpu.memref_slice %arg5[%dma_wait3A_412, %dma_wait3A_413] : memref<32x1000000xf32, #tpu.memory_space<hbm>> -> memref<32x128xf32, #tpu.memory_space<hbm>>
    tpu.wait_dma2 semaphore(%dma_wait3A_407 : memref<!tpu.dma_semaphore, #tpu.memory_space<semaphore_mem>>) src(%dma_wait3A_414 : memref<32x128xf32, #tpu.memory_space<hbm>>) dst(%dma_wait3A_411 : memref<32x128xf32, #tpu.memory_space<vmem>>)
    %dma_wait3A_415 = arith.constant 1 : i32
    %dma_wait3A_416 = arith.constant 1 : i32
    %dma_wait3A_417 = arith.constant 0 : i32
    %dma_wait3A_418 = arith.constant 0 : i32
    %dma_wait3A_419 = tpu.memref_slice %arg11[%dma_wait3A_415, %dma_wait3A_417, %dma_wait3A_418] : memref<8x32x128xf32, #tpu.memory_space<vmem>> -> memref<1x32x128xf32, #tpu.memory_space<vmem>>
    %dma_wait3A_420 = tpu.memref_squeeze %dma_wait3A_419 : memref<1x32x128xf32, #tpu.memory_space<vmem>> -> memref<32x128xf32, #tpu.memory_space<vmem>>
    %dma_wait3A_421 = arith.constant 0 : i32
    %dma_wait3A_422 = arith.constant 0 : i32
    %dma_wait3A_423 = tpu.memref_slice %arg4[%dma_wait3A_421, %dma_wait3A_422] : memref<32x1000000xf32, #tpu.memory_space<hbm>> -> memref<32x128xf32, #tpu.memory_space<hbm>>
    %dma_wait3A_424 = tpu.memref_slice %arg16[%dma_wait3A_416] : memref<8x!tpu.dma_semaphore, #tpu.memory_space<semaphore_mem>> -> memref<1x!tpu.dma_semaphore, #tpu.memory_space<semaphore_mem>>
    %dma_wait3A_425 = tpu.memref_squeeze %dma_wait3A_424 : memref<1x!tpu.dma_semaphore, #tpu.memory_space<semaphore_mem>> -> memref<!tpu.dma_semaphore, #tpu.memory_space<semaphore_mem>>
    %dma_wait3A_426 = arith.constant 0 : i32
    %dma_wait3A_427 = arith.constant 0 : i32
    %dma_wait3A_428 = tpu.memref_slice %arg11[%dma_wait3A_415, %dma_wait3A_426, %dma_wait3A_427] : memref<8x32x128xf32, #tpu.memory_space<vmem>> -> memref<1x32x128xf32, #tpu.memory_space<vmem>>
    %dma_wait3A_429 = tpu.memref_squeeze %dma_wait3A_428 : memref<1x32x128xf32, #tpu.memory_space<vmem>> -> memref<32x128xf32, #tpu.memory_space<vmem>>
    %dma_wait3A_430 = arith.constant 0 : i32
    %dma_wait3A_431 = arith.constant 0 : i32
    %dma_wait3A_432 = tpu.memref_slice %arg4[%dma_wait3A_430, %dma_wait3A_431] : memref<32x1000000xf32, #tpu.memory_space<hbm>> -> memref<32x128xf32, #tpu.memory_space<hbm>>
    tpu.wait_dma2 semaphore(%dma_wait3A_425 : memref<!tpu.dma_semaphore, #tpu.memory_space<semaphore_mem>>) src(%dma_wait3A_432 : memref<32x128xf32, #tpu.memory_space<hbm>>) dst(%dma_wait3A_429 : memref<32x128xf32, #tpu.memory_space<vmem>>)
    %dma_wait3A_433 = arith.constant 1 : i32
    %dma_wait3A_434 = arith.constant 1 : i32
    %dma_wait3A_435 = arith.constant 0 : i32
    %dma_wait3A_436 = arith.constant 0 : i32
    %dma_wait3A_437 = tpu.memref_slice %arg12[%dma_wait3A_433, %dma_wait3A_435, %dma_wait3A_436] : memref<8x32x128xf32, #tpu.memory_space<vmem>> -> memref<1x32x128xf32, #tpu.memory_space<vmem>>
    %dma_wait3A_438 = tpu.memref_squeeze %dma_wait3A_437 : memref<1x32x128xf32, #tpu.memory_space<vmem>> -> memref<32x128xf32, #tpu.memory_space<vmem>>
    %dma_wait3A_439 = arith.constant 0 : i32
    %dma_wait3A_440 = arith.constant 0 : i32
    %dma_wait3A_441 = tpu.memref_slice %arg5[%dma_wait3A_439, %dma_wait3A_440] : memref<32x1000000xf32, #tpu.memory_space<hbm>> -> memref<32x128xf32, #tpu.memory_space<hbm>>
    %dma_wait3A_442 = tpu.memref_slice %arg17[%dma_wait3A_434] : memref<8x!tpu.dma_semaphore, #tpu.memory_space<semaphore_mem>> -> memref<1x!tpu.dma_semaphore, #tpu.memory_space<semaphore_mem>>
    %dma_wait3A_443 = tpu.memref_squeeze %dma_wait3A_442 : memref<1x!tpu.dma_semaphore, #tpu.memory_space<semaphore_mem>> -> memref<!tpu.dma_semaphore, #tpu.memory_space<semaphore_mem>>
    %dma_wait3A_444 = arith.constant 0 : i32
    %dma_wait3A_445 = arith.constant 0 : i32
    %dma_wait3A_446 = tpu.memref_slice %arg12[%dma_wait3A_433, %dma_wait3A_444, %dma_wait3A_445] : memref<8x32x128xf32, #tpu.memory_space<vmem>> -> memref<1x32x128xf32, #tpu.memory_space<vmem>>
    %dma_wait3A_447 = tpu.memref_squeeze %dma_wait3A_446 : memref<1x32x128xf32, #tpu.memory_space<vmem>> -> memref<32x128xf32, #tpu.memory_space<vmem>>
    %dma_wait3A_448 = arith.constant 0 : i32
    %dma_wait3A_449 = arith.constant 0 : i32
    %dma_wait3A_450 = tpu.memref_slice %arg5[%dma_wait3A_448, %dma_wait3A_449] : memref<32x1000000xf32, #tpu.memory_space<hbm>> -> memref<32x128xf32, #tpu.memory_space<hbm>>
    tpu.wait_dma2 semaphore(%dma_wait3A_443 : memref<!tpu.dma_semaphore, #tpu.memory_space<semaphore_mem>>) src(%dma_wait3A_450 : memref<32x128xf32, #tpu.memory_space<hbm>>) dst(%dma_wait3A_447 : memref<32x128xf32, #tpu.memory_space<vmem>>)
    %dma_wait3A_451 = arith.constant 2 : i32
    %dma_wait3A_452 = arith.constant 2 : i32
    %dma_wait3A_453 = arith.constant 0 : i32
    %dma_wait3A_454 = arith.constant 0 : i32
    %dma_wait3A_455 = tpu.memref_slice %arg11[%dma_wait3A_451, %dma_wait3A_453, %dma_wait3A_454] : memref<8x32x128xf32, #tpu.memory_space<vmem>> -> memref<1x32x128xf32, #tpu.memory_space<vmem>>
    %dma_wait3A_456 = tpu.memref_squeeze %dma_wait3A_455 : memref<1x32x128xf32, #tpu.memory_space<vmem>> -> memref<32x128xf32, #tpu.memory_space<vmem>>
    %dma_wait3A_457 = arith.constant 0 : i32
    %dma_wait3A_458 = arith.constant 0 : i32
    %dma_wait3A_459 = tpu.memref_slice %arg4[%dma_wait3A_457, %dma_wait3A_458] : memref<32x1000000xf32, #tpu.memory_space<hbm>> -> memref<32x128xf32, #tpu.memory_space<hbm>>
    %dma_wait3A_460 = tpu.memref_slice %arg16[%dma_wait3A_452] : memref<8x!tpu.dma_semaphore, #tpu.memory_space<semaphore_mem>> -> memref<1x!tpu.dma_semaphore, #tpu.memory_space<semaphore_mem>>
    %dma_wait3A_461 = tpu.memref_squeeze %dma_wait3A_460 : memref<1x!tpu.dma_semaphore, #tpu.memory_space<semaphore_mem>> -> memref<!tpu.dma_semaphore, #tpu.memory_space<semaphore_mem>>
    %dma_wait3A_462 = arith.constant 0 : i32
    %dma_wait3A_463 = arith.constant 0 : i32
    %dma_wait3A_464 = tpu.memref_slice %arg11[%dma_wait3A_451, %dma_wait3A_462, %dma_wait3A_463] : memref<8x32x128xf32, #tpu.memory_space<vmem>> -> memref<1x32x128xf32, #tpu.memory_space<vmem>>
    %dma_wait3A_465 = tpu.memref_squeeze %dma_wait3A_464 : memref<1x32x128xf32, #tpu.memory_space<vmem>> -> memref<32x128xf32, #tpu.memory_space<vmem>>
    %dma_wait3A_466 = arith.constant 0 : i32
    %dma_wait3A_467 = arith.constant 0 : i32
    %dma_wait3A_468 = tpu.memref_slice %arg4[%dma_wait3A_466, %dma_wait3A_467] : memref<32x1000000xf32, #tpu.memory_space<hbm>> -> memref<32x128xf32, #tpu.memory_space<hbm>>
    tpu.wait_dma2 semaphore(%dma_wait3A_461 : memref<!tpu.dma_semaphore, #tpu.memory_space<semaphore_mem>>) src(%dma_wait3A_468 : memref<32x128xf32, #tpu.memory_space<hbm>>) dst(%dma_wait3A_465 : memref<32x128xf32, #tpu.memory_space<vmem>>)
    %dma_wait3A_469 = arith.constant 2 : i32
    %dma_wait3A_470 = arith.constant 2 : i32
    %dma_wait3A_471 = arith.constant 0 : i32
    %dma_wait3A_472 = arith.constant 0 : i32
    %dma_wait3A_473 = tpu.memref_slice %arg12[%dma_wait3A_469, %dma_wait3A_471, %dma_wait3A_472] : memref<8x32x128xf32, #tpu.memory_space<vmem>> -> memref<1x32x128xf32, #tpu.memory_space<vmem>>
    %dma_wait3A_474 = tpu.memref_squeeze %dma_wait3A_473 : memref<1x32x128xf32, #tpu.memory_space<vmem>> -> memref<32x128xf32, #tpu.memory_space<vmem>>
    %dma_wait3A_475 = arith.constant 0 : i32
    %dma_wait3A_476 = arith.constant 0 : i32
    %dma_wait3A_477 = tpu.memref_slice %arg5[%dma_wait3A_475, %dma_wait3A_476] : memref<32x1000000xf32, #tpu.memory_space<hbm>> -> memref<32x128xf32, #tpu.memory_space<hbm>>
    %dma_wait3A_478 = tpu.memref_slice %arg17[%dma_wait3A_470] : memref<8x!tpu.dma_semaphore, #tpu.memory_space<semaphore_mem>> -> memref<1x!tpu.dma_semaphore, #tpu.memory_space<semaphore_mem>>
    %dma_wait3A_479 = tpu.memref_squeeze %dma_wait3A_478 : memref<1x!tpu.dma_semaphore, #tpu.memory_space<semaphore_mem>> -> memref<!tpu.dma_semaphore, #tpu.memory_space<semaphore_mem>>
    %dma_wait3A_480 = arith.constant 0 : i32
    %dma_wait3A_481 = arith.constant 0 : i32
    %dma_wait3A_482 = tpu.memref_slice %arg12[%dma_wait3A_469, %dma_wait3A_480, %dma_wait3A_481] : memref<8x32x128xf32, #tpu.memory_space<vmem>> -> memref<1x32x128xf32, #tpu.memory_space<vmem>>
    %dma_wait3A_483 = tpu.memref_squeeze %dma_wait3A_482 : memref<1x32x128xf32, #tpu.memory_space<vmem>> -> memref<32x128xf32, #tpu.memory_space<vmem>>
    %dma_wait3A_484 = arith.constant 0 : i32
    %dma_wait3A_485 = arith.constant 0 : i32
    %dma_wait3A_486 = tpu.memref_slice %arg5[%dma_wait3A_484, %dma_wait3A_485] : memref<32x1000000xf32, #tpu.memory_space<hbm>> -> memref<32x128xf32, #tpu.memory_space<hbm>>
    tpu.wait_dma2 semaphore(%dma_wait3A_479 : memref<!tpu.dma_semaphore, #tpu.memory_space<semaphore_mem>>) src(%dma_wait3A_486 : memref<32x128xf32, #tpu.memory_space<hbm>>) dst(%dma_wait3A_483 : memref<32x128xf32, #tpu.memory_space<vmem>>)
    %dma_wait3A_487 = arith.constant 3 : i32
    %dma_wait3A_488 = arith.constant 3 : i32
    %dma_wait3A_489 = arith.constant 0 : i32
    %dma_wait3A_490 = arith.constant 0 : i32
    %dma_wait3A_491 = tpu.memref_slice %arg11[%dma_wait3A_487, %dma_wait3A_489, %dma_wait3A_490] : memref<8x32x128xf32, #tpu.memory_space<vmem>> -> memref<1x32x128xf32, #tpu.memory_space<vmem>>
    %dma_wait3A_492 = tpu.memref_squeeze %dma_wait3A_491 : memref<1x32x128xf32, #tpu.memory_space<vmem>> -> memref<32x128xf32, #tpu.memory_space<vmem>>
    %dma_wait3A_493 = arith.constant 0 : i32
    %dma_wait3A_494 = arith.constant 0 : i32
    %dma_wait3A_495 = tpu.memref_slice %arg4[%dma_wait3A_493, %dma_wait3A_494] : memref<32x1000000xf32, #tpu.memory_space<hbm>> -> memref<32x128xf32, #tpu.memory_space<hbm>>
    %dma_wait3A_496 = tpu.memref_slice %arg16[%dma_wait3A_488] : memref<8x!tpu.dma_semaphore, #tpu.memory_space<semaphore_mem>> -> memref<1x!tpu.dma_semaphore, #tpu.memory_space<semaphore_mem>>
    %dma_wait3A_497 = tpu.memref_squeeze %dma_wait3A_496 : memref<1x!tpu.dma_semaphore, #tpu.memory_space<semaphore_mem>> -> memref<!tpu.dma_semaphore, #tpu.memory_space<semaphore_mem>>
    %dma_wait3A_498 = arith.constant 0 : i32
    %dma_wait3A_499 = arith.constant 0 : i32
    %dma_wait3A_500 = tpu.memref_slice %arg11[%dma_wait3A_487, %dma_wait3A_498, %dma_wait3A_499] : memref<8x32x128xf32, #tpu.memory_space<vmem>> -> memref<1x32x128xf32, #tpu.memory_space<vmem>>
    %dma_wait3A_501 = tpu.memref_squeeze %dma_wait3A_500 : memref<1x32x128xf32, #tpu.memory_space<vmem>> -> memref<32x128xf32, #tpu.memory_space<vmem>>
    %dma_wait3A_502 = arith.constant 0 : i32
    %dma_wait3A_503 = arith.constant 0 : i32
    %dma_wait3A_504 = tpu.memref_slice %arg4[%dma_wait3A_502, %dma_wait3A_503] : memref<32x1000000xf32, #tpu.memory_space<hbm>> -> memref<32x128xf32, #tpu.memory_space<hbm>>
    tpu.wait_dma2 semaphore(%dma_wait3A_497 : memref<!tpu.dma_semaphore, #tpu.memory_space<semaphore_mem>>) src(%dma_wait3A_504 : memref<32x128xf32, #tpu.memory_space<hbm>>) dst(%dma_wait3A_501 : memref<32x128xf32, #tpu.memory_space<vmem>>)
    %dma_wait3A_505 = arith.constant 3 : i32
    %dma_wait3A_506 = arith.constant 3 : i32
    %dma_wait3A_507 = arith.constant 0 : i32
    %dma_wait3A_508 = arith.constant 0 : i32
    %dma_wait3A_509 = tpu.memref_slice %arg12[%dma_wait3A_505, %dma_wait3A_507, %dma_wait3A_508] : memref<8x32x128xf32, #tpu.memory_space<vmem>> -> memref<1x32x128xf32, #tpu.memory_space<vmem>>
    %dma_wait3A_510 = tpu.memref_squeeze %dma_wait3A_509 : memref<1x32x128xf32, #tpu.memory_space<vmem>> -> memref<32x128xf32, #tpu.memory_space<vmem>>
    %dma_wait3A_511 = arith.constant 0 : i32
    %dma_wait3A_512 = arith.constant 0 : i32
    %dma_wait3A_513 = tpu.memref_slice %arg5[%dma_wait3A_511, %dma_wait3A_512] : memref<32x1000000xf32, #tpu.memory_space<hbm>> -> memref<32x128xf32, #tpu.memory_space<hbm>>
    %dma_wait3A_514 = tpu.memref_slice %arg17[%dma_wait3A_506] : memref<8x!tpu.dma_semaphore, #tpu.memory_space<semaphore_mem>> -> memref<1x!tpu.dma_semaphore, #tpu.memory_space<semaphore_mem>>
    %dma_wait3A_515 = tpu.memref_squeeze %dma_wait3A_514 : memref<1x!tpu.dma_semaphore, #tpu.memory_space<semaphore_mem>> -> memref<!tpu.dma_semaphore, #tpu.memory_space<semaphore_mem>>
    %dma_wait3A_516 = arith.constant 0 : i32
    %dma_wait3A_517 = arith.constant 0 : i32
    %dma_wait3A_518 = tpu.memref_slice %arg12[%dma_wait3A_505, %dma_wait3A_516, %dma_wait3A_517] : memref<8x32x128xf32, #tpu.memory_space<vmem>> -> memref<1x32x128xf32, #tpu.memory_space<vmem>>
    %dma_wait3A_519 = tpu.memref_squeeze %dma_wait3A_518 : memref<1x32x128xf32, #tpu.memory_space<vmem>> -> memref<32x128xf32, #tpu.memory_space<vmem>>
    %dma_wait3A_520 = arith.constant 0 : i32
    %dma_wait3A_521 = arith.constant 0 : i32
    %dma_wait3A_522 = tpu.memref_slice %arg5[%dma_wait3A_520, %dma_wait3A_521] : memref<32x1000000xf32, #tpu.memory_space<hbm>> -> memref<32x128xf32, #tpu.memory_space<hbm>>
    tpu.wait_dma2 semaphore(%dma_wait3A_515 : memref<!tpu.dma_semaphore, #tpu.memory_space<semaphore_mem>>) src(%dma_wait3A_522 : memref<32x128xf32, #tpu.memory_space<hbm>>) dst(%dma_wait3A_519 : memref<32x128xf32, #tpu.memory_space<vmem>>)
    %dma_wait3A_523 = arith.constant 4 : i32
    %dma_wait3A_524 = arith.constant 4 : i32
    %dma_wait3A_525 = arith.constant 0 : i32
    %dma_wait3A_526 = arith.constant 0 : i32
    %dma_wait3A_527 = tpu.memref_slice %arg11[%dma_wait3A_523, %dma_wait3A_525, %dma_wait3A_526] : memref<8x32x128xf32, #tpu.memory_space<vmem>> -> memref<1x32x128xf32, #tpu.memory_space<vmem>>
    %dma_wait3A_528 = tpu.memref_squeeze %dma_wait3A_527 : memref<1x32x128xf32, #tpu.memory_space<vmem>> -> memref<32x128xf32, #tpu.memory_space<vmem>>
    %dma_wait3A_529 = arith.constant 0 : i32
    %dma_wait3A_530 = arith.constant 0 : i32
    %dma_wait3A_531 = tpu.memref_slice %arg4[%dma_wait3A_529, %dma_wait3A_530] : memref<32x1000000xf32, #tpu.memory_space<hbm>> -> memref<32x128xf32, #tpu.memory_space<hbm>>
    %dma_wait3A_532 = tpu.memref_slice %arg16[%dma_wait3A_524] : memref<8x!tpu.dma_semaphore, #tpu.memory_space<semaphore_mem>> -> memref<1x!tpu.dma_semaphore, #tpu.memory_space<semaphore_mem>>
    %dma_wait3A_533 = tpu.memref_squeeze %dma_wait3A_532 : memref<1x!tpu.dma_semaphore, #tpu.memory_space<semaphore_mem>> -> memref<!tpu.dma_semaphore, #tpu.memory_space<semaphore_mem>>
    %dma_wait3A_534 = arith.constant 0 : i32
    %dma_wait3A_535 = arith.constant 0 : i32
    %dma_wait3A_536 = tpu.memref_slice %arg11[%dma_wait3A_523, %dma_wait3A_534, %dma_wait3A_535] : memref<8x32x128xf32, #tpu.memory_space<vmem>> -> memref<1x32x128xf32, #tpu.memory_space<vmem>>
    %dma_wait3A_537 = tpu.memref_squeeze %dma_wait3A_536 : memref<1x32x128xf32, #tpu.memory_space<vmem>> -> memref<32x128xf32, #tpu.memory_space<vmem>>
    %dma_wait3A_538 = arith.constant 0 : i32
    %dma_wait3A_539 = arith.constant 0 : i32
    %dma_wait3A_540 = tpu.memref_slice %arg4[%dma_wait3A_538, %dma_wait3A_539] : memref<32x1000000xf32, #tpu.memory_space<hbm>> -> memref<32x128xf32, #tpu.memory_space<hbm>>
    tpu.wait_dma2 semaphore(%dma_wait3A_533 : memref<!tpu.dma_semaphore, #tpu.memory_space<semaphore_mem>>) src(%dma_wait3A_540 : memref<32x128xf32, #tpu.memory_space<hbm>>) dst(%dma_wait3A_537 : memref<32x128xf32, #tpu.memory_space<vmem>>)
    %dma_wait3A_541 = arith.constant 4 : i32
    %dma_wait3A_542 = arith.constant 4 : i32
    %dma_wait3A_543 = arith.constant 0 : i32
    %dma_wait3A_544 = arith.constant 0 : i32
    %dma_wait3A_545 = tpu.memref_slice %arg12[%dma_wait3A_541, %dma_wait3A_543, %dma_wait3A_544] : memref<8x32x128xf32, #tpu.memory_space<vmem>> -> memref<1x32x128xf32, #tpu.memory_space<vmem>>
    %dma_wait3A_546 = tpu.memref_squeeze %dma_wait3A_545 : memref<1x32x128xf32, #tpu.memory_space<vmem>> -> memref<32x128xf32, #tpu.memory_space<vmem>>
    %dma_wait3A_547 = arith.constant 0 : i32
    %dma_wait3A_548 = arith.constant 0 : i32
    %dma_wait3A_549 = tpu.memref_slice %arg5[%dma_wait3A_547, %dma_wait3A_548] : memref<32x1000000xf32, #tpu.memory_space<hbm>> -> memref<32x128xf32, #tpu.memory_space<hbm>>
    %dma_wait3A_550 = tpu.memref_slice %arg17[%dma_wait3A_542] : memref<8x!tpu.dma_semaphore, #tpu.memory_space<semaphore_mem>> -> memref<1x!tpu.dma_semaphore, #tpu.memory_space<semaphore_mem>>
    %dma_wait3A_551 = tpu.memref_squeeze %dma_wait3A_550 : memref<1x!tpu.dma_semaphore, #tpu.memory_space<semaphore_mem>> -> memref<!tpu.dma_semaphore, #tpu.memory_space<semaphore_mem>>
    %dma_wait3A_552 = arith.constant 0 : i32
    %dma_wait3A_553 = arith.constant 0 : i32
    %dma_wait3A_554 = tpu.memref_slice %arg12[%dma_wait3A_541, %dma_wait3A_552, %dma_wait3A_553] : memref<8x32x128xf32, #tpu.memory_space<vmem>> -> memref<1x32x128xf32, #tpu.memory_space<vmem>>
    %dma_wait3A_555 = tpu.memref_squeeze %dma_wait3A_554 : memref<1x32x128xf32, #tpu.memory_space<vmem>> -> memref<32x128xf32, #tpu.memory_space<vmem>>
    %dma_wait3A_556 = arith.constant 0 : i32
    %dma_wait3A_557 = arith.constant 0 : i32
    %dma_wait3A_558 = tpu.memref_slice %arg5[%dma_wait3A_556, %dma_wait3A_557] : memref<32x1000000xf32, #tpu.memory_space<hbm>> -> memref<32x128xf32, #tpu.memory_space<hbm>>
    tpu.wait_dma2 semaphore(%dma_wait3A_551 : memref<!tpu.dma_semaphore, #tpu.memory_space<semaphore_mem>>) src(%dma_wait3A_558 : memref<32x128xf32, #tpu.memory_space<hbm>>) dst(%dma_wait3A_555 : memref<32x128xf32, #tpu.memory_space<vmem>>)
    %dma_wait3A_559 = arith.constant 5 : i32
    %dma_wait3A_560 = arith.constant 5 : i32
    %dma_wait3A_561 = arith.constant 0 : i32
    %dma_wait3A_562 = arith.constant 0 : i32
    %dma_wait3A_563 = tpu.memref_slice %arg11[%dma_wait3A_559, %dma_wait3A_561, %dma_wait3A_562] : memref<8x32x128xf32, #tpu.memory_space<vmem>> -> memref<1x32x128xf32, #tpu.memory_space<vmem>>
    %dma_wait3A_564 = tpu.memref_squeeze %dma_wait3A_563 : memref<1x32x128xf32, #tpu.memory_space<vmem>> -> memref<32x128xf32, #tpu.memory_space<vmem>>
    %dma_wait3A_565 = arith.constant 0 : i32
    %dma_wait3A_566 = arith.constant 0 : i32
    %dma_wait3A_567 = tpu.memref_slice %arg4[%dma_wait3A_565, %dma_wait3A_566] : memref<32x1000000xf32, #tpu.memory_space<hbm>> -> memref<32x128xf32, #tpu.memory_space<hbm>>
    %dma_wait3A_568 = tpu.memref_slice %arg16[%dma_wait3A_560] : memref<8x!tpu.dma_semaphore, #tpu.memory_space<semaphore_mem>> -> memref<1x!tpu.dma_semaphore, #tpu.memory_space<semaphore_mem>>
    %dma_wait3A_569 = tpu.memref_squeeze %dma_wait3A_568 : memref<1x!tpu.dma_semaphore, #tpu.memory_space<semaphore_mem>> -> memref<!tpu.dma_semaphore, #tpu.memory_space<semaphore_mem>>
    %dma_wait3A_570 = arith.constant 0 : i32
    %dma_wait3A_571 = arith.constant 0 : i32
    %dma_wait3A_572 = tpu.memref_slice %arg11[%dma_wait3A_559, %dma_wait3A_570, %dma_wait3A_571] : memref<8x32x128xf32, #tpu.memory_space<vmem>> -> memref<1x32x128xf32, #tpu.memory_space<vmem>>
    %dma_wait3A_573 = tpu.memref_squeeze %dma_wait3A_572 : memref<1x32x128xf32, #tpu.memory_space<vmem>> -> memref<32x128xf32, #tpu.memory_space<vmem>>
    %dma_wait3A_574 = arith.constant 0 : i32
    %dma_wait3A_575 = arith.constant 0 : i32
    %dma_wait3A_576 = tpu.memref_slice %arg4[%dma_wait3A_574, %dma_wait3A_575] : memref<32x1000000xf32, #tpu.memory_space<hbm>> -> memref<32x128xf32, #tpu.memory_space<hbm>>
    tpu.wait_dma2 semaphore(%dma_wait3A_569 : memref<!tpu.dma_semaphore, #tpu.memory_space<semaphore_mem>>) src(%dma_wait3A_576 : memref<32x128xf32, #tpu.memory_space<hbm>>) dst(%dma_wait3A_573 : memref<32x128xf32, #tpu.memory_space<vmem>>)
    %dma_wait3A_577 = arith.constant 5 : i32
    %dma_wait3A_578 = arith.constant 5 : i32
    %dma_wait3A_579 = arith.constant 0 : i32
    %dma_wait3A_580 = arith.constant 0 : i32
    %dma_wait3A_581 = tpu.memref_slice %arg12[%dma_wait3A_577, %dma_wait3A_579, %dma_wait3A_580] : memref<8x32x128xf32, #tpu.memory_space<vmem>> -> memref<1x32x128xf32, #tpu.memory_space<vmem>>
    %dma_wait3A_582 = tpu.memref_squeeze %dma_wait3A_581 : memref<1x32x128xf32, #tpu.memory_space<vmem>> -> memref<32x128xf32, #tpu.memory_space<vmem>>
    %dma_wait3A_583 = arith.constant 0 : i32
    %dma_wait3A_584 = arith.constant 0 : i32
    %dma_wait3A_585 = tpu.memref_slice %arg5[%dma_wait3A_583, %dma_wait3A_584] : memref<32x1000000xf32, #tpu.memory_space<hbm>> -> memref<32x128xf32, #tpu.memory_space<hbm>>
    %dma_wait3A_586 = tpu.memref_slice %arg17[%dma_wait3A_578] : memref<8x!tpu.dma_semaphore, #tpu.memory_space<semaphore_mem>> -> memref<1x!tpu.dma_semaphore, #tpu.memory_space<semaphore_mem>>
    %dma_wait3A_587 = tpu.memref_squeeze %dma_wait3A_586 : memref<1x!tpu.dma_semaphore, #tpu.memory_space<semaphore_mem>> -> memref<!tpu.dma_semaphore, #tpu.memory_space<semaphore_mem>>
    %dma_wait3A_588 = arith.constant 0 : i32
    %dma_wait3A_589 = arith.constant 0 : i32
    %dma_wait3A_590 = tpu.memref_slice %arg12[%dma_wait3A_577, %dma_wait3A_588, %dma_wait3A_589] : memref<8x32x128xf32, #tpu.memory_space<vmem>> -> memref<1x32x128xf32, #tpu.memory_space<vmem>>
    %dma_wait3A_591 = tpu.memref_squeeze %dma_wait3A_590 : memref<1x32x128xf32, #tpu.memory_space<vmem>> -> memref<32x128xf32, #tpu.memory_space<vmem>>
    %dma_wait3A_592 = arith.constant 0 : i32
    %dma_wait3A_593 = arith.constant 0 : i32
    %dma_wait3A_594 = tpu.memref_slice %arg5[%dma_wait3A_592, %dma_wait3A_593] : memref<32x1000000xf32, #tpu.memory_space<hbm>> -> memref<32x128xf32, #tpu.memory_space<hbm>>
    tpu.wait_dma2 semaphore(%dma_wait3A_587 : memref<!tpu.dma_semaphore, #tpu.memory_space<semaphore_mem>>) src(%dma_wait3A_594 : memref<32x128xf32, #tpu.memory_space<hbm>>) dst(%dma_wait3A_591 : memref<32x128xf32, #tpu.memory_space<vmem>>)
    %dma_wait3A_595 = arith.constant 6 : i32
    %dma_wait3A_596 = arith.constant 6 : i32
    %dma_wait3A_597 = arith.constant 0 : i32
    %dma_wait3A_598 = arith.constant 0 : i32
    %dma_wait3A_599 = tpu.memref_slice %arg11[%dma_wait3A_595, %dma_wait3A_597, %dma_wait3A_598] : memref<8x32x128xf32, #tpu.memory_space<vmem>> -> memref<1x32x128xf32, #tpu.memory_space<vmem>>
    %dma_wait3A_600 = tpu.memref_squeeze %dma_wait3A_599 : memref<1x32x128xf32, #tpu.memory_space<vmem>> -> memref<32x128xf32, #tpu.memory_space<vmem>>
    %dma_wait3A_601 = arith.constant 0 : i32
    %dma_wait3A_602 = arith.constant 0 : i32
    %dma_wait3A_603 = tpu.memref_slice %arg4[%dma_wait3A_601, %dma_wait3A_602] : memref<32x1000000xf32, #tpu.memory_space<hbm>> -> memref<32x128xf32, #tpu.memory_space<hbm>>
    %dma_wait3A_604 = tpu.memref_slice %arg16[%dma_wait3A_596] : memref<8x!tpu.dma_semaphore, #tpu.memory_space<semaphore_mem>> -> memref<1x!tpu.dma_semaphore, #tpu.memory_space<semaphore_mem>>
    %dma_wait3A_605 = tpu.memref_squeeze %dma_wait3A_604 : memref<1x!tpu.dma_semaphore, #tpu.memory_space<semaphore_mem>> -> memref<!tpu.dma_semaphore, #tpu.memory_space<semaphore_mem>>
    %dma_wait3A_606 = arith.constant 0 : i32
    %dma_wait3A_607 = arith.constant 0 : i32
    %dma_wait3A_608 = tpu.memref_slice %arg11[%dma_wait3A_595, %dma_wait3A_606, %dma_wait3A_607] : memref<8x32x128xf32, #tpu.memory_space<vmem>> -> memref<1x32x128xf32, #tpu.memory_space<vmem>>
    %dma_wait3A_609 = tpu.memref_squeeze %dma_wait3A_608 : memref<1x32x128xf32, #tpu.memory_space<vmem>> -> memref<32x128xf32, #tpu.memory_space<vmem>>
    %dma_wait3A_610 = arith.constant 0 : i32
    %dma_wait3A_611 = arith.constant 0 : i32
    %dma_wait3A_612 = tpu.memref_slice %arg4[%dma_wait3A_610, %dma_wait3A_611] : memref<32x1000000xf32, #tpu.memory_space<hbm>> -> memref<32x128xf32, #tpu.memory_space<hbm>>
    tpu.wait_dma2 semaphore(%dma_wait3A_605 : memref<!tpu.dma_semaphore, #tpu.memory_space<semaphore_mem>>) src(%dma_wait3A_612 : memref<32x128xf32, #tpu.memory_space<hbm>>) dst(%dma_wait3A_609 : memref<32x128xf32, #tpu.memory_space<vmem>>)
    %dma_wait3A_613 = arith.constant 6 : i32
    %dma_wait3A_614 = arith.constant 6 : i32
    %dma_wait3A_615 = arith.constant 0 : i32
    %dma_wait3A_616 = arith.constant 0 : i32
    %dma_wait3A_617 = tpu.memref_slice %arg12[%dma_wait3A_613, %dma_wait3A_615, %dma_wait3A_616] : memref<8x32x128xf32, #tpu.memory_space<vmem>> -> memref<1x32x128xf32, #tpu.memory_space<vmem>>
    %dma_wait3A_618 = tpu.memref_squeeze %dma_wait3A_617 : memref<1x32x128xf32, #tpu.memory_space<vmem>> -> memref<32x128xf32, #tpu.memory_space<vmem>>
    %dma_wait3A_619 = arith.constant 0 : i32
    %dma_wait3A_620 = arith.constant 0 : i32
    %dma_wait3A_621 = tpu.memref_slice %arg5[%dma_wait3A_619, %dma_wait3A_620] : memref<32x1000000xf32, #tpu.memory_space<hbm>> -> memref<32x128xf32, #tpu.memory_space<hbm>>
    %dma_wait3A_622 = tpu.memref_slice %arg17[%dma_wait3A_614] : memref<8x!tpu.dma_semaphore, #tpu.memory_space<semaphore_mem>> -> memref<1x!tpu.dma_semaphore, #tpu.memory_space<semaphore_mem>>
    %dma_wait3A_623 = tpu.memref_squeeze %dma_wait3A_622 : memref<1x!tpu.dma_semaphore, #tpu.memory_space<semaphore_mem>> -> memref<!tpu.dma_semaphore, #tpu.memory_space<semaphore_mem>>
    %dma_wait3A_624 = arith.constant 0 : i32
    %dma_wait3A_625 = arith.constant 0 : i32
    %dma_wait3A_626 = tpu.memref_slice %arg12[%dma_wait3A_613, %dma_wait3A_624, %dma_wait3A_625] : memref<8x32x128xf32, #tpu.memory_space<vmem>> -> memref<1x32x128xf32, #tpu.memory_space<vmem>>
    %dma_wait3A_627 = tpu.memref_squeeze %dma_wait3A_626 : memref<1x32x128xf32, #tpu.memory_space<vmem>> -> memref<32x128xf32, #tpu.memory_space<vmem>>
    %dma_wait3A_628 = arith.constant 0 : i32
    %dma_wait3A_629 = arith.constant 0 : i32
    %dma_wait3A_630 = tpu.memref_slice %arg5[%dma_wait3A_628, %dma_wait3A_629] : memref<32x1000000xf32, #tpu.memory_space<hbm>> -> memref<32x128xf32, #tpu.memory_space<hbm>>
    tpu.wait_dma2 semaphore(%dma_wait3A_623 : memref<!tpu.dma_semaphore, #tpu.memory_space<semaphore_mem>>) src(%dma_wait3A_630 : memref<32x128xf32, #tpu.memory_space<hbm>>) dst(%dma_wait3A_627 : memref<32x128xf32, #tpu.memory_space<vmem>>)
    %dma_wait3A_631 = arith.constant 7 : i32
    %dma_wait3A_632 = arith.constant 7 : i32
    %dma_wait3A_633 = arith.constant 0 : i32
    %dma_wait3A_634 = arith.constant 0 : i32
    %dma_wait3A_635 = tpu.memref_slice %arg11[%dma_wait3A_631, %dma_wait3A_633, %dma_wait3A_634] : memref<8x32x128xf32, #tpu.memory_space<vmem>> -> memref<1x32x128xf32, #tpu.memory_space<vmem>>
    %dma_wait3A_636 = tpu.memref_squeeze %dma_wait3A_635 : memref<1x32x128xf32, #tpu.memory_space<vmem>> -> memref<32x128xf32, #tpu.memory_space<vmem>>
    %dma_wait3A_637 = arith.constant 0 : i32
    %dma_wait3A_638 = arith.constant 0 : i32
    %dma_wait3A_639 = tpu.memref_slice %arg4[%dma_wait3A_637, %dma_wait3A_638] : memref<32x1000000xf32, #tpu.memory_space<hbm>> -> memref<32x128xf32, #tpu.memory_space<hbm>>
    %dma_wait3A_640 = tpu.memref_slice %arg16[%dma_wait3A_632] : memref<8x!tpu.dma_semaphore, #tpu.memory_space<semaphore_mem>> -> memref<1x!tpu.dma_semaphore, #tpu.memory_space<semaphore_mem>>
    %dma_wait3A_641 = tpu.memref_squeeze %dma_wait3A_640 : memref<1x!tpu.dma_semaphore, #tpu.memory_space<semaphore_mem>> -> memref<!tpu.dma_semaphore, #tpu.memory_space<semaphore_mem>>
    %dma_wait3A_642 = arith.constant 0 : i32
    %dma_wait3A_643 = arith.constant 0 : i32
    %dma_wait3A_644 = tpu.memref_slice %arg11[%dma_wait3A_631, %dma_wait3A_642, %dma_wait3A_643] : memref<8x32x128xf32, #tpu.memory_space<vmem>> -> memref<1x32x128xf32, #tpu.memory_space<vmem>>
    %dma_wait3A_645 = tpu.memref_squeeze %dma_wait3A_644 : memref<1x32x128xf32, #tpu.memory_space<vmem>> -> memref<32x128xf32, #tpu.memory_space<vmem>>
    %dma_wait3A_646 = arith.constant 0 : i32
    %dma_wait3A_647 = arith.constant 0 : i32
    %dma_wait3A_648 = tpu.memref_slice %arg4[%dma_wait3A_646, %dma_wait3A_647] : memref<32x1000000xf32, #tpu.memory_space<hbm>> -> memref<32x128xf32, #tpu.memory_space<hbm>>
    tpu.wait_dma2 semaphore(%dma_wait3A_641 : memref<!tpu.dma_semaphore, #tpu.memory_space<semaphore_mem>>) src(%dma_wait3A_648 : memref<32x128xf32, #tpu.memory_space<hbm>>) dst(%dma_wait3A_645 : memref<32x128xf32, #tpu.memory_space<vmem>>)
    %dma_wait3A_649 = arith.constant 7 : i32
    %dma_wait3A_650 = arith.constant 7 : i32
    %dma_wait3A_651 = arith.constant 0 : i32
    %dma_wait3A_652 = arith.constant 0 : i32
    %dma_wait3A_653 = tpu.memref_slice %arg12[%dma_wait3A_649, %dma_wait3A_651, %dma_wait3A_652] : memref<8x32x128xf32, #tpu.memory_space<vmem>> -> memref<1x32x128xf32, #tpu.memory_space<vmem>>
    %dma_wait3A_654 = tpu.memref_squeeze %dma_wait3A_653 : memref<1x32x128xf32, #tpu.memory_space<vmem>> -> memref<32x128xf32, #tpu.memory_space<vmem>>
    %dma_wait3A_655 = arith.constant 0 : i32
    %dma_wait3A_656 = arith.constant 0 : i32
    %dma_wait3A_657 = tpu.memref_slice %arg5[%dma_wait3A_655, %dma_wait3A_656] : memref<32x1000000xf32, #tpu.memory_space<hbm>> -> memref<32x128xf32, #tpu.memory_space<hbm>>
    %dma_wait3A_658 = tpu.memref_slice %arg17[%dma_wait3A_650] : memref<8x!tpu.dma_semaphore, #tpu.memory_space<semaphore_mem>> -> memref<1x!tpu.dma_semaphore, #tpu.memory_space<semaphore_mem>>
    %dma_wait3A_659 = tpu.memref_squeeze %dma_wait3A_658 : memref<1x!tpu.dma_semaphore, #tpu.memory_space<semaphore_mem>> -> memref<!tpu.dma_semaphore, #tpu.memory_space<semaphore_mem>>
    %dma_wait3A_660 = arith.constant 0 : i32
    %dma_wait3A_661 = arith.constant 0 : i32
    %dma_wait3A_662 = tpu.memref_slice %arg12[%dma_wait3A_649, %dma_wait3A_660, %dma_wait3A_661] : memref<8x32x128xf32, #tpu.memory_space<vmem>> -> memref<1x32x128xf32, #tpu.memory_space<vmem>>
    %dma_wait3A_663 = tpu.memref_squeeze %dma_wait3A_662 : memref<1x32x128xf32, #tpu.memory_space<vmem>> -> memref<32x128xf32, #tpu.memory_space<vmem>>
    %dma_wait3A_664 = arith.constant 0 : i32
    %dma_wait3A_665 = arith.constant 0 : i32
    %dma_wait3A_666 = tpu.memref_slice %arg5[%dma_wait3A_664, %dma_wait3A_665] : memref<32x1000000xf32, #tpu.memory_space<hbm>> -> memref<32x128xf32, #tpu.memory_space<hbm>>
    tpu.wait_dma2 semaphore(%dma_wait3A_659 : memref<!tpu.dma_semaphore, #tpu.memory_space<semaphore_mem>>) src(%dma_wait3A_666 : memref<32x128xf32, #tpu.memory_space<hbm>>) dst(%dma_wait3A_663 : memref<32x128xf32, #tpu.memory_space<vmem>>)
    "tpu.region"() ({
      %run_scoped3A = tpu.sem_alloc : memref<!tpu.dma_semaphore, #tpu.memory_space<semaphore_mem>>
      %dma_start3A_667 = tpu.memref_slice %arg8[%mul3A_2] : memref<16384xf32, #tpu.memory_space<hbm>> -> memref<512xf32, #tpu.memory_space<hbm>>
      %dma_start3A_668 = tpu.memref_slice %arg8[%mul3A_2] : memref<16384xf32, #tpu.memory_space<hbm>> -> memref<512xf32, #tpu.memory_space<hbm>>
      tpu.enqueue_dma source(%arg13 : memref<512xf32, #tpu.memory_space<vmem>>) target(%dma_start3A_668 : memref<512xf32, #tpu.memory_space<hbm>>) target_semaphore(%run_scoped3A : memref<!tpu.dma_semaphore, #tpu.memory_space<semaphore_mem>>)
      %dma_wait3A_669 = tpu.memref_slice %arg8[%mul3A_2] : memref<16384xf32, #tpu.memory_space<hbm>> -> memref<512xf32, #tpu.memory_space<hbm>>
      %dma_wait3A_670 = tpu.memref_slice %arg8[%mul3A_2] : memref<16384xf32, #tpu.memory_space<hbm>> -> memref<512xf32, #tpu.memory_space<hbm>>
      tpu.wait_dma2 semaphore(%run_scoped3A : memref<!tpu.dma_semaphore, #tpu.memory_space<semaphore_mem>>) src(%arg13 : memref<512xf32, #tpu.memory_space<vmem>>) dst(%dma_wait3A_670 : memref<512xf32, #tpu.memory_space<hbm>>)
      tpu.yield
    }) : () -> ()
    return
  }
}

</mosaic_0001>

<sc_bundles>
// kernel: kernel.3.cloned.1.call-start
scs
__scs_entry_jumppad:
0x0: {  	(pc) =	sbr.rel $0x88, $3  }
0x1: {  	(tag) =	ssettag $0x0;
	lr =	simm.s32 $0x1  }
0x2: {  	[smem:$0x3F9B] =	sst lr;
	_ =	strace $0xD0000000  }
0x3: {  	_ = 	snop  }
0x4: {  	_ = 	snop  }
0x5: {  	_ = 	snop  }
0x6: {  	_ = 	snop  }
0x7: {  	_ = 	snop  }
__scs_overlays_trampoline_lowered:
0x8: {  	[smem:$0x3FAA] =	sst s0  }
0x9: {  	[smem:$0x3FAB] =	sst s1  }
0xa: {  	[smem:$0x3FAC] =	sst s2  }
0xb: {  	[smem:$0x3FAD] =	sst s3  }
0xc: {  	[smem:$0x3FAE] =	sst s4  }
0xd: {  	[smem:$0x3FAF] =	sst s5  }
0xe: {  	[smem:$0x3FB0] =	sst s6  }
0xf: {  	[smem:$0x3FB1] =	sst s7  }
0x10: {  	[smem:$0x3FB2] =	sst s8  }
0x11: {  	[smem:$0x3FB3] =	sst s9;
	s0 =	simm.s32 @!p0 $0x0  }
0x12: {  	s1 =	sld [smem:$0x3F99];
	s0 =	simm.s32 @p0 $0x1  }
0x13: {  	[smem:$0x3FB4] =	sst s0;
	s0 =	simm.s32 @!p1 $0x0  }
0x14: {  	s2 =	sld [smem:$0x3F98];
	s0 =	simm.s32 @p1 $0x1  }
0x15: {  	[smem:$0x3FB5] =	sst s0;
	s0 =	simm.s32 @!p2 $0x0  }
0x16: {  	s3 =	sld [smem:$0x3FDB];
	s0 =	simm.s32 @p2 $0x1  }
0x17: {  	s4 =	simm.s32 $0x1BF5;
	[smem:$0x3FB7] =	sst s0  }
0x18: {  	s0 =	sld [smem:$0x3F9A];
	_ =	swait.ge [sflag:s4], $0x0  }
0x19: {  	s7 =	sld [smem:$0x3F9B]  }
0x1a: {  	s8 =	sadd.s32 $0xFFFFE003, lr  }
0x1b: {  	s9 =	sadd.s32 $0xFFFFFEF7, lr;
	s5 =	simm.s32 $0xFFFFFFFF;
	p2 =	slt.u32 s8, $0xFFFFF086  }
0x1c: {  	p1 =	slt.u32 s9, $0xF7A;
	s5 =	simm.s32 @!p2 $0x0  }
0x1d: {  	s5 =	simm.s32 @p1 $0x1;
	p0 =	seq.s32 s7, s2  }
0x1e: {  	s7 =	smul.u32 @!p0 $0xF7A, s2;
	p2 =	seq.s32 @!p0 s5, $0x0  }
0x1f: {  	s9 =	smul.u32 $0xF7A, s1;
	s8 =	simm.s32 @!p0 $0x1BF5;
	p2 =	por !p2, p0  }
0x20: {  	[sflag:s8] =	ssyncset.s32 @!p0 $0xFFFFF086;
	s6 =	sadd.s32 @!p0 s3, s7;
	s7 =	simm.s32 @!p0 $0x108  }
0x21: {  	s3 =	sadd.s32 s3, s9;
	s6 =	sadd.s32 @!p0 $0x88, s6;
	s7 =	simm.s32 @p2 $0x1082  }
0x22: {  	[simem:s7], [sflag:s8] =	dma.local @!p0 [hbm:s6], $0xF7A  }
0x23: {  	s9 =	sor.u32 $0xD0000000, s2;
	s6 =	simm.s32 $0x108;
	_ =	swait.ge @!p0 [sflag:s8], $0x0  }
0x24: {  	s3 =	sadd.s32 $0x88, s3;
	s6 =	simm.s32 @!p1 $0x1082;
	[sflag:s4] =	ssyncset.s32 $0xFFFFF086  }
0x25: {  	[simem:s6], [sflag:s4] =	dma.local [hbm:s3], $0xF7A  }
0x26: {  	[smem:$0x3F9B] =	sst s1;
	(tag) =	ssettag s2;
	_ =	strace s9  }
0x27: {  	s1 =	sld [smem:$0x3FAB]  }
0x28: {  	s2 =	sld [smem:$0x3FAC]  }
0x29: {  	s4 =	sld [smem:$0x3FAE]  }
0x2a: {  	p0 =	seq.s32 s5, $0x0;
	s5 =	sld [smem:$0x3FAF]  }
0x2b: {  	s6 =	sld [smem:$0x3FB0]  }
0x2c: {  	s7 =	sld [smem:$0x3FB1]  }
0x2d: {  	s3 =	simm.s32 $0x108;
	s8 =	sld [smem:$0x3FB2]  }
0x2e: {  	s3 =	simm.s32 @!p0 $0x1082;
	s9 =	sld [smem:$0x3FB3]  }
0x2f: {  	lr =	sadd.s32 s0, s3;
	s0 =	sld [smem:$0x3FAA]  }
0x30: {  	s3 =	sld [smem:$0x3FAD]  }
0x31: {  	[smem:$0x3FB6] =	sst s10  }
0x32: {  	s10 =	sld [smem:$0x3FB4];
	_ =	sdelay $0x3  }
0x33: {  	p0 =	seq.s32 s10, $0x1;
	s10 =	sld [smem:$0x3FB6];
	_ =	sdelay $0x3  }
0x34: {  	[smem:$0x3FB6] =	sst s10  }
0x35: {  	s10 =	sld [smem:$0x3FB5];
	_ =	sdelay $0x3  }
0x36: {  	p1 =	seq.s32 s10, $0x1;
	s10 =	sld [smem:$0x3FB6];
	_ =	sdelay $0x3  }
0x37: {  	[smem:$0x3FB6] =	sst s10  }
0x38: {  	s10 =	sld [smem:$0x3FB7]  }
0x39: {  	_ = 	snop;
	(pc) =	sbr.ind lr, $3  }
0x3a: {  	_ = 	snop  }
0x3b: {  	_ = 	snop  }
0x3c: {  	p2 =	seq.s32 s10, $0x1;
	s10 =	sld [smem:$0x3FB6]  }
0x3d: {  	_ =	shalt  }
0x3e: {  	_ =	shalt  }
0x3f: {  	_ =	shalt  }
0x40: {  	_ =	shalt  }
0x41: {  	_ =	shalt  }
0x42: {  	_ =	shalt  }
0x43: {  	_ =	shalt  }
0x44: {  	_ =	shalt  }
0x45: {  	_ =	shalt  }
0x46: {  	_ =	shalt  }
0x47: {  	_ =	shalt  }
0x48: {  	_ =	shalt  }
0x49: {  	_ =	shalt  }
0x4a: {  	_ =	shalt  }
0x4b: {  	_ =	shalt  }
0x4c: {  	_ =	shalt  }
0x4d: {  	_ =	shalt  }
0x4e: {  	_ =	shalt  }
0x4f: {  	_ =	shalt  }
0x50: {  	_ =	shalt  }
0x51: {  	_ =	shalt  }
0x52: {  	_ =	shalt  }
0x53: {  	_ =	shalt  }
0x54: {  	_ =	shalt  }
0x55: {  	_ =	shalt  }
0x56: {  	_ =	shalt  }
0x57: {  	_ =	shalt  }
0x58: {  	_ =	shalt  }
0x59: {  	_ =	shalt  }
0x5a: {  	_ =	shalt  }
0x5b: {  	_ =	shalt  }
0x5c: {  	_ =	shalt  }
0x5d: {  	_ =	shalt  }
0x5e: {  	_ =	shalt  }
0x5f: {  	_ =	shalt  }
0x60: {  	_ =	shalt  }
0x61: {  	_ =	shalt  }
0x62: {  	_ =	shalt  }
0x63: {  	_ =	shalt  }
0x64: {  	_ =	shalt  }
0x65: {  	_ =	shalt  }
0x66: {  	_ =	shalt  }
0x67: {  	_ =	shalt  }
0x68: {  	_ =	shalt  }
0x69: {  	_ =	shalt  }
0x6a: {  	_ =	shalt  }
0x6b: {  	_ =	shalt  }
0x6c: {  	_ =	shalt  }
0x6d: {  	_ =	shalt  }
0x6e: {  	_ =	shalt  }
0x6f: {  	_ =	shalt  }
0x70: {  	_ =	shalt  }
0x71: {  	_ =	shalt  }
0x72: {  	_ =	shalt  }
0x73: {  	_ =	shalt  }
0x74: {  	_ =	shalt  }
0x75: {  	_ =	shalt  }
0x76: {  	_ =	shalt  }
0x77: {  	_ =	shalt  }
0x78: {  	_ =	shalt  }
0x79: {  	_ =	shalt  }
0x7a: {  	_ =	shalt  }
0x7b: {  	_ =	shalt  }
0x7c: {  	_ =	shalt  }
0x7d: {  	_ =	shalt  }
0x7e: {  	_ =	shalt  }
0x7f: {  	_ =	shalt  }
0x80: {  	_ =	shalt  }
0x81: {  	_ =	shalt  }
0x82: {  	_ =	shalt  }
0x83: {  	_ =	shalt  }
0x84: {  	_ =	shalt  }
0x85: {  	_ =	shalt  }
0x86: {  	_ =	shalt  }
0x87: {  	_ =	shalt  }
.Lfunc_end0:
.L_simem_size_0:
called_computation_lowered:
.L_overlay_start_0:
0x88: {  	s2 =	sld [smem:$0x3FD9]  }
0x89: {  	s3 =	sld [smem:$0x3FFE];
	_ =	sdelay $0x1  }
0x8a: {  	s1 =	srdreg.scid  }
0x8b: {  	s0 =	sand.u32 $0x1, s1  }
0x8c: {  	s17 =	sshll.u32 s0, $0xA;
	s2 =	sadd.s32 s3, s2  }
0x8d: {  	s2 =	sadd.s32 s2, s17  }
0x8e: {  	[smem:$0x3FC2] =	sst s2  }
0x8f: {  	_ = 	snop  }
0x90: {  	s2 =	sld [smem:$0x3FC9]  }
0x91: {  	s18 =	sld [smem:$0x3FC8]  }
0x92: {  	s4 =	sld [smem:$0x3FC7]  }
0x93: {  	s5 =	sld [smem:$0x3FC6]  }
0x94: {  	s6 =	sld [smem:$0x3FC5]  }
0x95: {  	s7 =	sld [smem:$0x3FD0];
	(tm) =	ssettm $0x1  }
0x96: {  	s8 =	sld [smem:$0x3FFB];
	_ =	sdelay $0x3  }
0x97: {  	_ =	strace s8  }
0x98: {  	s8 =	sld [smem:$0x3FFC];
	_ =	sdelay $0x3  }
0x99: {  	_ =	strace s8  }
0x9a: {  	s8 =	sld [smem:$0x3FFD];
	_ =	sdelay $0x3  }
0x9b: {  	_ =	strace s8  }
0x9c: {  	_ =	strace $0x8FFFFFFF  }
0x9d: {  	s19 =	sld [smem:$0x3FDB];
	_ =	sdelay $0x1  }
0x9e: {  	s9 =	simm.s32 $_scs_section_size  }
0x9f: {  	s10 =	simm.s32 $_size__tile_overlayer_lowered;
	s11 =	simm.s32 $_tile_overlayer_lowered  }
0xa0: {  	s22 =	simm.s32 $0x1BFF;
	s21 =	sshll.u32 s11, $0x1;
	s8 =	sadd.s32 s9, s19  }
0xa1: {  	s12 =	simm.s32 $0x0;
	s20 =	sshll.u32 s10, $0x1;
	s10 =	sadd.s32 s21, s8  }
0xa2: {  	[timem:s12], [sflag:s22] =	dma.local [hbm:s10], s20  }
0xa3: {  	_ =	swait.ge [sflag:s22], s20  }
0xa4: {  	s9 =	ssub.s32 $0x0, s20;
	[sflag:s22] =	ssyncset.done $0x0  }
0xa5: {  	[sflag:s22] =	ssyncadd.s32 s9;
	_ =	sdelay $0x1  }
0xa6: {  	s23 =	simm.s32 $0x1B8B  }
0xa7: {  	_ =	swait.ge [sflag:s23], $0x1  }
0xa8: {  	[sflag:s23] =	ssyncset.done $0x0  }
0xa9: {  	s25 =	simm.s32 $0x1B8E;
	s24 =	sld [smem:$0x3FFE];
	[sflag:s23] =	ssyncadd.s32 $0xFFFFFFFF  }
0xaa: {  	s26 =	simm.s32 $execute0_lowered;
	[smem:$0x3FD2] =	sst s25  }
0xab: {  	s10 =	sshll.u32 s26, $0x1;
	_ =	strace $0x80000046;
	[dreg:$0x1] =	wrdreg $0xFFFFFFFF  }
0xac: {  	s28 =	simm.s32 $_size_execute0_lowered;
	s8 =	sadd.s32 s8, s10;
	[dreg:$0x0] =	wrdreg $0x0  }
0xad: {  	s10 =	sshll.u32 s28, $0x1;
	[dreg:$0x2] =	wrdreg s8  }
0xae: {  	[dreg:$0x3] =	wrdreg s10  }
0xaf: {  	[dreg:$0x4] =	wrdreg $0xC0  }
0xb0: {  	_ =	task [dreg:s12], $0x5FFFF  }
0xb1: {  	[dreg:$0x1] =	wrdreg $0xFFFFFFFF  }
0xb2: {  	[dreg:$0x0] =	wrdreg $0x60  }
0xb3: {  	[dreg:$0x2] =	wrdreg s2  }
0xb4: {  	[dreg:$0x3] =	wrdreg s18  }
0xb5: {  	[dreg:$0x4] =	wrdreg s4  }
0xb6: {  	[dreg:$0x5] =	wrdreg s5  }
0xb7: {  	[dreg:$0x6] =	wrdreg s6  }
0xb8: {  	[dreg:$0x7] =	wrdreg s24  }
0xb9: {  	[dreg:$0x8] =	wrdreg s7  }
0xba: {  	[dreg:$0x9] =	wrdreg $0x9  }
0xbb: {  	_ =	task.clear_ibuf [dreg:s12], $0xAFFFF;
	_ =	strace $0x90000046  }
0xbc: {  	s29 =	simm.s32 $0x9;
	_ =	strace $0x80000048  }
0xbd: {  	_ =	swait.ge [sflag:s29], $0x1  }
0xbe: {  	[sflag:s29] =	ssyncadd.s32 $0xFFFFFFFF  }
0xbf: {  	_ =	strace $0x90000048  }
0xc0: {  	_ =	sfence  }
0xc1: {  	s30 =	sld [smem:$0x0];
	_ =	sdelay $0x2  }
0xc2: {  	s31 =	sshll.u32 s1, $0xD;
	s1 =	sshrl.u32 s1, $0x2  }
0xc3: {  	s3 =	sand.u32 $0x4000, s31;
	s1 =	sadd.s32 s1, s30  }
0xc4: {  	s0 =	sor.u32 s3, s0;
	s1 =	sshll.u32 s1, $0x11  }
0xc5: {  	s0 =	sor.u32 s1, s0  }
0xc6: {  	s0 =	sadd.s32 $0x8F2B, s0  }
0xc7: {  	[sflag:s0] =	ssyncadd.remote.s32 $0x1  }
0xc8: {  	_ =	sfence.sel $0xFFFF  }
0xc9: {  	[dreg:$0x0] =	wrdreg $0xFFFFFFFF;
	(pc) =	sbr.abs _section_cstart, $3  }
0xca: {  	[dreg:$0x1] =	wrdreg $0xFFFFFFFF  }
0xcb: {  	_ =	task.clear_ibuf [dreg:s12], $0x2FFFF;
	_ =	strace $0x9FFFFFFF  }
0xcc: {  	(tm) =	ssettm $0x7FFFFFFF  }
0xcd: {  	_ =	shalt  }
tec
execute0_lowered:
.L_overlay_start_1:
0x0: {  	(tag) =	ssettag $0x1  }
0x1: {  	s0 =	rddreg [dreg:$0x0]  }
0x2: {  	s3 =	rddreg [dreg:$0x1]  }
0x3: {  	s1 =	rddreg [dreg:$0x2]  }
0x4: {  	s2 =	rddreg [dreg:$0x3]  }
0x5: {  	s4 =	rddreg [dreg:$0x5]  }
0x6: {  	s5 =	rddreg [dreg:$0x6];
	s10 =	simm.s32 $0x0;
	s6 =	srdreg.scid  }
0x7: {  	s9 =	stileid.u32;
	s14 =	simm.s32 $0x7A1400;
	s15 =	simm.s32 $0x400  }
0x8: {  	s28 =	simm.s32 $0x9400;
	s29 =	simm.s32 $0x2400;
	s30 =	simm.s32 $0xA400  }
0x9: {  	s31 =	simm.s32 $0x3400;
	s12 =	simm.s32 $0x5400;
	s13 =	simm.s32 $0xD400  }
0xa: {  	s11 =	simm.s32 $0x7400;
	s16 =	simm.s32 $0xF400;
	s18 =	simm.s32 $0x4  }
0xb: {  	s22 =	simm.s32 $0x7;
	s21 =	simm.s32 $0xF;
	s20 =	simm.s32 $0x8  }
0xc: {  	[smem:$0x7FF] =	sst s10;
	s6 =	sand.u32 $0x1, s6;
	s9 =	sshll.u32 s9, $0x7  }
0xd: {  	s4 =	sadd.s32 $0x400, s4;
	_ =	strace $0x80000047;
	s7 =	ssub.s32 $0x2, s6  }
0xe: {  	s6 =	sshll.u32 s6, $0x6;
	[dreg:$0x8] =	wrdreg s4;
	s4 =	simm.s32 $0xB400  }
0xf: {  	v0 =	vlaneseq.u32;
	s8 =	sshrl.u32 s7, $0x1;
	s6 =	sor.u32 s6, s9;
	s9 =	simm.s32 $0xE400  }
0x10: {  	vm0 =	vmmov $0x1;
	vm1 =	vcmask $0x704;
	vm2 =	vcmask $0xB08;
	s23 =	ssub.s32 s7, s8;
	s0 =	sadd.s32 s0, s6;
	s24 =	sadd.s32 s3, s6  }
0x11: {  	vm3 =	vcmask $0xF0C;
	vm4 =	vcmask $0x1310;
	vm5 =	vcmask $0x1714;
	s25 =	sadd.s32 s5, s6;
	s3 =	simm.s32 $0x11;
	[dreg:$0x9] =	wrdreg s0  }
0x12: {  	vm6 =	vcmask $0x1B18;
	vm7 =	vcmask $0x1F1C;
	vm8 =	vcmask $0x2320;
	s6 =	simm.s32 $0x4400;
	s7 =	simm.s32 $0xC400;
	[dreg:$0xa] =	wrdreg s24  }
0x13: {  	vm9 =	vcmask $0x2724;
	vm10 =	vcmask $0x2B28;
	v0 =	vmul.u32 $0x80, v0;
	s8 =	simm.s32 $0x6400;
	s5 =	simm.s32 $0x0;
	[dreg:$0xb] =	wrdreg s25  }
0x14: {  	vm11 =	vcmask $0x2F2C;
	vm12 =	vcmask $0x3330;
	vm13 =	vcmask $0x3734;
	s26 =	smax.u32 s23, $0x1;
	s24 =	simm.s32 $0x8400;
	s25 =	simm.s32 $0x1  }
0x15: {  	vm14 =	vcmask $0x3B38;
	vm15 =	vmmov $0x7fff;
	v1 =	vor.u32 $0x800, v0;
	s23 =	simm.s32 $0x7400;
	[dreg:$0xc] =	wrdreg s26;
	s26 =	simm.s32 $0x1400  }
.LBB2_1:
0x16: {  	[dreg:$0xd] =	wrdreg s5  }
0x17: {  	s0 =	rddreg [dreg:$0x9]  }
0x18: {  	[tilespmem:s10], [sflag:$0x11] =	stream.linear.gather [hbm4b:s0+s10], $0x200, $0x38;
	[tilespmem:$0x10700] =	vst v63  }
0x19: {  	_ =	swait.ge [sflag:s3], $0x200  }
0x1a: {  	[sflag:s3] =	ssyncset.done $0x0  }
0x1b: {  	s17 =	simm.s32 $0x200;
	s19 =	rddreg [dreg:$0xa];
	[sflag:s3] =	ssyncadd.s32 $0xFFFFFE00  }
0x1c: {  	[tilespmem:s17], [sflag:$0x11] =	stream.linear.gather [hbm4b:s19+s10], $0x200, $0x38;
	[tilespmem:$0x10700] =	vst v63  }
0x1d: {  	_ =	swait.ge [sflag:s3], $0x200  }
0x1e: {  	[sflag:s3] =	ssyncset.done $0x0  }
0x1f: {  	[sflag:s3] =	ssyncadd.s32 $0xFFFFFE00  }
0x20: {  	s19 =	simm.s32 $0x10600;
	s5 =	rddreg [dreg:$0x4]  }
0x21: {  	[tilespmem:s19], [sflag:$0x11] =	stream.linear.gather [hbm4b:s5+s10], $0x80, $0x38;
	[tilespmem:$0x10700] =	vst v63  }
0x22: {  	_ =	swait.ge [sflag:s3], $0x80  }
0x23: {  	[sflag:s3] =	ssyncset.done $0x0  }
0x24: {  	s19 =	simm.s32 $0x10680;
	s5 =	rddreg [dreg:$0x8];
	[sflag:s3] =	ssyncadd.s32 $0xFFFFFF80  }
0x25: {  	[tilespmem:s19], [sflag:$0x11] =	stream.linear.gather [hbm4b:s5+s10], $0x80, $0x38;
	[tilespmem:$0x10700] =	vst v63  }
0x26: {  	_ =	swait.ge [sflag:s3], $0x80  }
0x27: {  	[sflag:s3] =	ssyncset.done $0x0  }
0x28: {  	[sflag:s3] =	ssyncadd.s32 $0xFFFFFF80  }
0x29: {  	v5 =	vld [tilespmem:$0x0];
	_ =	sdelay $0x3  }
0x2a: {  	v6 =	vld [tilespmem:$0x200]  }
0x2b: {  	(v2sf) =	vpush v5, $0x0;
	_ =	sdelay $0x3  }
0x2c: {  	(v2sf) =	vpush v6, $0x0;
	_ =	sdelay $0x4  }
0x2d: {  	(v2sf) =	vpush v5, $0x1  }
0x2e: {  	(v2sf) =	vpush v6, $0x1;
	_ =	sdelay $0x4  }
0x2f: {  	s5 =	spop (v2sf);
	(v2sf) =	vpush v5, $0x2;
	_ =	sdelay $0x3  }
0x30: {  	s10 =	spop (v2sf);
	(v2sf) =	vpush v6, $0x2;
	_ =	sdelay $0x1  }
0x31: {  	v2 =	vld [tilespmem:$0x10600];
	s0 =	sand.u32 $0xFFFFF80, s5  }
0x32: {  	v3 =	vld [tilespmem:$0x10610];
	s0 =	sadd.s32 s1, s0;
	(v2sf) =	vpush v5, $0x3  }
0x33: {  	v4 =	vld [tilespmem:$0x10680];
	[tilespmem:s15], [sflag:$0x1] =	stream.strided.gather [hbm4b:s0+s15], $0x1000, s14, s15, $0x38  }
0x34: {  	s19 =	spop (v2sf);
	s0 =	sand.u32 $0xFFFFF80, s10  }
0x35: {  	s3 =	spop (v2sf);
	(v2sf) =	vpush v6, $0x3;
	s0 =	sadd.s32 s2, s0  }
0x36: {  	[tilespmem:s24], [sflag:$0x9] =	stream.strided.gather [hbm4b:s0+s15], $0x1000, s14, s15, $0x38;
	[tilespmem:$0x10700] =	vst v63  }
0x37: {  	s0 =	sand.u32 $0xFFFFF80, s19  }
0x38: {  	s0 =	sadd.s32 s1, s0  }
0x39: {  	[tilespmem:s26], [sflag:$0x2] =	stream.strided.gather [hbm4b:s0+s15], $0x1000, s14, s15, $0x38;
	[tilespmem:$0x10700] =	vst v63  }
0x3a: {  	s0 =	sand.u32 $0xFFFFF80, s3;
	s5 =	spop (v2sf);
	(v2sf) =	vpush v5, $0x4  }
0x3b: {  	s0 =	sadd.s32 s2, s0  }
0x3c: {  	[tilespmem:s28], [sflag:$0xA] =	stream.strided.gather [hbm4b:s0+s15], $0x1000, s14, s15, $0x38;
	[tilespmem:$0x10700] =	vst v63  }
0x3d: {  	s0 =	sand.u32 $0xFFFFF80, s5  }
0x3e: {  	s10 =	spop (v2sf);
	(v2sf) =	vpush v6, $0x4;
	s0 =	sadd.s32 s1, s0  }
0x3f: {  	[tilespmem:s29], [sflag:$0x3] =	stream.strided.gather [hbm4b:s0+s15], $0x1000, s14, s15, $0x38;
	[tilespmem:$0x10700] =	vst v63  }
0x40: {  	s0 =	sand.u32 $0xFFFFF80, s10  }
0x41: {  	s19 =	spop (v2sf);
	(v2sf) =	vpush v5, $0x5;
	s0 =	sadd.s32 s2, s0  }
0x42: {  	[tilespmem:s30], [sflag:$0xB] =	stream.strided.gather [hbm4b:s0+s15], $0x1000, s14, s15, $0x38;
	[tilespmem:$0x10700] =	vst v63  }
0x43: {  	s0 =	sand.u32 $0xFFFFF80, s19  }
0x44: {  	(v2sf) =	vpush v6, $0x5;
	s3 =	spop (v2sf);
	s0 =	sadd.s32 s1, s0  }
0x45: {  	(v2sf) =	vpush v5, $0x6;
	[tilespmem:s31], [sflag:$0x4] =	stream.strided.gather [hbm4b:s0+s15], $0x1000, s14, s15, $0x38;
	[tilespmem:$0x10700] =	vst v63  }
0x46: {  	s0 =	sand.u32 $0xFFFFF80, s3  }
0x47: {  	s0 =	sadd.s32 s2, s0  }
0x48: {  	[tilespmem:s4], [sflag:$0xC] =	stream.strided.gather [hbm4b:s0+s15], $0x1000, s14, s15, $0x38;
	[tilespmem:$0x10700] =	vst v63  }
0x49: {  	s5 =	spop (v2sf)  }
0x4a: {  	s0 =	sand.u32 $0xFFFFF80, s5  }
0x4b: {  	(v2sf) =	vpush v6, $0x6;
	s0 =	sadd.s32 s1, s0  }
0x4c: {  	[tilespmem:s6], [sflag:$0x5] =	stream.strided.gather [hbm4b:s0+s15], $0x1000, s14, s15, $0x38;
	[tilespmem:$0x10700] =	vst v63  }
0x4d: {  	s6 =	spop (v2sf);
	(v2sf) =	vpush v5, $0x7;
	_ =	sdelay $0x2  }
0x4e: {  	s0 =	sand.u32 $0xFFFFF80, s6;
	s10 =	spop (v2sf);
	(v2sf) =	vpush v6, $0x7  }
0x4f: {  	s0 =	sadd.s32 s2, s0  }
0x50: {  	[tilespmem:s7], [sflag:$0xD] =	stream.strided.gather [hbm4b:s0+s15], $0x1000, s14, s15, $0x38;
	[tilespmem:$0x10700] =	vst v63  }
0x51: {  	s19 =	spop (v2sf);
	s0 =	sand.u32 $0xFFFFF80, s10  }
0x52: {  	s3 =	sand.u32 $0xFFFFF80, s19;
	s4 =	spop (v2sf);
	s0 =	sadd.s32 s1, s0  }
0x53: {  	[tilespmem:s12], [sflag:$0x6] =	stream.strided.gather [hbm4b:s0+s15], $0x1000, s14, s15, $0x38;
	[tilespmem:$0x10700] =	vst v63  }
0x54: {  	s5 =	sand.u32 $0xFFFFF80, s4;
	s0 =	sadd.s32 s2, s3  }
0x55: {  	[tilespmem:s13], [sflag:$0xE] =	stream.strided.gather [hbm4b:s0+s15], $0x1000, s14, s15, $0x38;
	[tilespmem:$0x10700] =	vst v63  }
0x56: {  	s0 =	sadd.s32 s1, s5  }
0x57: {  	[tilespmem:s8], [sflag:$0x7] =	stream.strided.gather [hbm4b:s0+s15], $0x1000, s14, s15, $0x38;
	[tilespmem:$0x10700] =	vst v63  }
0x58: {  	s6 =	spop (v2sf)  }
0x59: {  	s7 =	sand.u32 $0xFFFFF80, s6  }
0x5a: {  	s0 =	sadd.s32 s2, s7;
	s8 =	spop (v2sf)  }
0x5b: {  	[tilespmem:s9], [sflag:$0xF] =	stream.strided.gather [hbm4b:s0+s15], $0x1000, s14, s15, $0x38;
	[tilespmem:$0x10700] =	vst v63  }
0x5c: {  	s10 =	sand.u32 $0xFFFFF80, s8  }
0x5d: {  	s19 =	spop (v2sf);
	s0 =	sadd.s32 s1, s10  }
0x5e: {  	[tilespmem:s11], [sflag:$0x8] =	stream.strided.gather [hbm4b:s0+s15], $0x1000, s14, s15, $0x38;
	[tilespmem:$0x10700] =	vst v63  }
0x5f: {  	s0 =	sand.u32 $0xFFFFF80, s19  }
0x60: {  	s0 =	sadd.s32 s2, s0  }
0x61: {  	[tilespmem:s16], [sflag:$0x10] =	stream.strided.gather [hbm4b:s0+s15], $0x1000, s14, s15, $0x38;
	[tilespmem:$0x10700] =	vst v63  }
0x62: {  	s3 =	simm.s32 $0x0;
	s19 =	simm.s32 $0x0;
	s0 =	simm.s32 $0x10400  }
.LBB2_2:
0x63: {  	[dreg:$0x10] =	wrdreg s3;
	v14 =	vld [tilespmem:s3+$0x0]  }
0x64: {  	[dreg:$0xf] =	wrdreg s0;
	v15 =	vld [tilespmem:s17+$0x0];
	s6 =	smin.u32 s19, $0x1E0  }
0x65: {  	[dreg:$0xe] =	wrdreg s17;
	v6 =	vld [tilespmem:s6+$0x10]  }
0x66: {  	v5 =	vld [tilespmem:s6+$0x210];
	_ =	swait.ge [sflag:s25], $0x1000  }
0x67: {  	[sflag:s25] =	ssyncset.done $0x0  }
0x68: {  	s4 =	simm.s32 $0x9;
	[sflag:s25] =	ssyncadd.s32 $0xFFFFF000  }
0x69: {  	_ =	swait.ge [sflag:s4], $0x1000  }
0x6a: {  	(v2sf) =	vpush v14, $0x0;
	_ =	sdelay $0x1  }
0x6b: {  	(v2sf) =	vpush v15, $0x0;
	_ =	sdelay $0xc  }
0x6c: {  	s7 =	spop (v2sf)  }
0x6d: {  	s0 =	sand.u32 $0x7F, s7  }
0x6e: {  	s8 =	spop (v2sf);
	v7 =	vor.u32 s0, v0  }
0x6f: {  	s3 =	sand.u32 $0x7F, s8;
	v8 =	vor.u32 s0, v1  }
0x70: {  	v9 =	vor.u32 s3, v0  }
0x71: {  	[sflag:s4] =	ssyncset.done $0x0;
	v10 =	vor.u32 s3, v1  }
0x72: {  	[sflag:s4] =	ssyncadd.s32 $0xFFFFF000  }
0x73: {  	v7 =	vld.idx.msk [tilespmem:v7+s15+$0x0], $0xffff  }
0x74: {  	v8 =	vld.idx.msk [tilespmem:v8+s15+$0x0], $0xffff  }
0x75: {  	v9 =	vld.idx.msk [tilespmem:v9+s24+$0x0], $0xffff  }
0x76: {  	v10 =	vld.idx.msk [tilespmem:v10+s24+$0x0], $0xffff  }
0x77: {  	(v2sf) =	vpush v14, $0x8  }
0x78: {  	(v2sf) =	vpush v15, $0x8;
	_ =	sdelay $0x2  }
0x79: {  	v7 =	vmul.f32 v9, v7;
	v8 =	vmul.f32 v10, v8;
	_ =	sdelay $0x1  }
0x7a: {  	v7 =	vmul.f32 v7, v2;
	v8 =	vmul.f32 v8, v3;
	_ =	sdelay $0x1  }
0x7b: {  	v7 =	vadd.f32 v8, v7;
	_ =	sdelay $0x1  }
0x7c: {  	(xrf2) =	vadd.scan.msk.f32 $0xffff, v7;
	_ =	sdelay $0x4  }
0x7d: {  	s25 =	spop (v2sf)  }
0x7e: {  	s9 =	sand.u32 $0xFFFFF80, s25;
	s24 =	spop (v2sf)  }
0x7f: {  	s0 =	sadd.s32 s1, s9;
	s11 =	sand.u32 $0xFFFFF80, s24  }
0x80: {  	[tilespmem:s15], [sflag:$0x1] =	stream.strided.gather [hbm4b:s0+s15], $0x1000, s14, s15, $0x38;
	[tilespmem:$0x10700] =	vst v63  }
0x81: {  	s10 =	simm.s32 $0x8400;
	s16 =	simm.s32 $0x2;
	s0 =	sadd.s32 s2, s11  }
0x82: {  	[tilespmem:s10], [sflag:$0x9] =	stream.strided.gather [hbm4b:s0+s15], $0x1000, s14, s15, $0x38;
	v7, _, _ =	vpop (xrf2);
	[tilespmem:$0x10700] =	vst v63  }
0x83: {  	_ =	swait.ge [sflag:s16], $0x1000  }
0x84: {  	[sflag:s16] =	ssyncset.done $0x0  }
0x85: {  	s17 =	simm.s32 $0xA;
	[sflag:s16] =	ssyncadd.s32 $0xFFFFF000  }
0x86: {  	_ =	swait.ge [sflag:s17], $0x1000  }
0x87: {  	(v2sf) =	vpush v14, $0x1;
	_ =	sdelay $0x1  }
0x88: {  	(v2sf) =	vpush v15, $0x1;
	_ =	sdelay $0xc  }
0x89: {  	s3 =	spop (v2sf)  }
0x8a: {  	s0 =	sand.u32 $0x7F, s3  }
0x8b: {  	s5 =	spop (v2sf);
	v31 =	vor.u32 s0, v0  }
0x8c: {  	s3 =	sand.u32 $0x7F, s5;
	v32 =	vor.u32 s0, v1  }
0x8d: {  	v33 =	vor.u32 s3, v0  }
0x8e: {  	[sflag:s17] =	ssyncset.done $0x0;
	v11 =	vor.u32 s3, v1  }
0x8f: {  	[sflag:s17] =	ssyncadd.s32 $0xFFFFF000  }
0x90: {  	v8 =	vld.idx.msk [tilespmem:v31+s26+$0x0], $0xffff  }
0x91: {  	v9 =	vld.idx.msk [tilespmem:v32+s26+$0x0], $0xffff  }
0x92: {  	v10 =	vld.idx.msk [tilespmem:v33+s28+$0x0], $0xffff  }
0x93: {  	v11 =	vld.idx.msk [tilespmem:v11+s28+$0x0], $0xffff  }
0x94: {  	(v2sf) =	vpush v14, $0x9  }
0x95: {  	(v2sf) =	vpush v15, $0x9;
	_ =	sdelay $0x2  }
0x96: {  	v8 =	vmul.f32 v10, v8;
	v9 =	vmul.f32 v11, v9;
	_ =	sdelay $0x1  }
0x97: {  	v8 =	vmul.f32 v8, v2;
	v9 =	vmul.f32 v9, v3;
	_ =	sdelay $0x1  }
0x98: {  	v8 =	vadd.f32 v9, v8;
	_ =	sdelay $0x1  }
0x99: {  	(xrf2) =	vadd.scan.msk.f32 $0xffff, v8;
	_ =	sdelay $0x4  }
0x9a: {  	s28 =	spop (v2sf)  }
0x9b: {  	s6 =	sand.u32 $0xFFFFF80, s28;
	s26 =	spop (v2sf)  }
0x9c: {  	s7 =	simm.s32 $0x1400;
	s0 =	sadd.s32 s1, s6;
	s8 =	sand.u32 $0xFFFFF80, s26  }
0x9d: {  	[tilespmem:s7], [sflag:$0x2] =	stream.strided.gather [hbm4b:s0+s15], $0x1000, s14, s15, $0x38;
	[tilespmem:$0x10700] =	vst v63  }
0x9e: {  	s9 =	simm.s32 $0x3;
	s5 =	simm.s32 $0x9400;
	s0 =	sadd.s32 s2, s8  }
0x9f: {  	[tilespmem:s5], [sflag:$0xA] =	stream.strided.gather [hbm4b:s0+s15], $0x1000, s14, s15, $0x38;
	v8, _, _ =	vpop (xrf2);
	[tilespmem:$0x10700] =	vst v63  }
0xa0: {  	_ =	swait.ge [sflag:s9], $0x1000  }
0xa1: {  	[sflag:s9] =	ssyncset.done $0x0  }
0xa2: {  	s10 =	simm.s32 $0xB;
	[sflag:s9] =	ssyncadd.s32 $0xFFFFF000  }
0xa3: {  	_ =	swait.ge [sflag:s10], $0x1000  }
0xa4: {  	(v2sf) =	vpush v14, $0x2;
	_ =	sdelay $0x1  }
0xa5: {  	(v2sf) =	vpush v15, $0x2;
	_ =	sdelay $0xc  }
0xa6: {  	s11 =	spop (v2sf)  }
0xa7: {  	s0 =	sand.u32 $0x7F, s11  }
0xa8: {  	s16 =	spop (v2sf);
	v34 =	vor.u32 s0, v0  }
0xa9: {  	s3 =	sand.u32 $0x7F, s16;
	v35 =	vor.u32 s0, v1  }
0xaa: {  	v36 =	vor.u32 s3, v0  }
0xab: {  	[sflag:s10] =	ssyncset.done $0x0;
	v12 =	vor.u32 s3, v1  }
0xac: {  	[sflag:s10] =	ssyncadd.s32 $0xFFFFF000  }
0xad: {  	v9 =	vld.idx.msk [tilespmem:v34+s29+$0x0], $0xffff  }
0xae: {  	v10 =	vld.idx.msk [tilespmem:v35+s29+$0x0], $0xffff  }
0xaf: {  	v11 =	vld.idx.msk [tilespmem:v36+s30+$0x0], $0xffff  }
0xb0: {  	v12 =	vld.idx.msk [tilespmem:v12+s30+$0x0], $0xffff  }
0xb1: {  	(v2sf) =	vpush v14, $0xA  }
0xb2: {  	(v2sf) =	vpush v15, $0xA;
	_ =	sdelay $0x2  }
0xb3: {  	v9 =	vmul.f32 v11, v9;
	v10 =	vmul.f32 v12, v10;
	_ =	sdelay $0x1  }
0xb4: {  	v9 =	vmul.f32 v9, v2;
	v10 =	vmul.f32 v10, v3;
	_ =	sdelay $0x1  }
0xb5: {  	v9 =	vadd.f32 v10, v9;
	_ =	sdelay $0x1  }
0xb6: {  	(xrf2) =	vadd.scan.msk.f32 $0xffff, v9;
	_ =	sdelay $0x4  }
0xb7: {  	s30 =	spop (v2sf)  }
0xb8: {  	s4 =	sand.u32 $0xFFFFF80, s30;
	s29 =	spop (v2sf)  }
0xb9: {  	s6 =	simm.s32 $0x2400;
	s0 =	sadd.s32 s1, s4;
	s7 =	sand.u32 $0xFFFFF80, s29  }
0xba: {  	[tilespmem:s6], [sflag:$0x3] =	stream.strided.gather [hbm4b:s0+s15], $0x1000, s14, s15, $0x38;
	[tilespmem:$0x10700] =	vst v63  }
0xbb: {  	s17 =	simm.s32 $0xA400;
	s0 =	sadd.s32 s2, s7  }
0xbc: {  	[tilespmem:s17], [sflag:$0xB] =	stream.strided.gather [hbm4b:s0+s15], $0x1000, s14, s15, $0x38;
	v9, _, _ =	vpop (xrf2);
	[tilespmem:$0x10700] =	vst v63  }
0xbd: {  	_ =	swait.ge [sflag:s18], $0x1000  }
0xbe: {  	[sflag:s18] =	ssyncset.done $0x0  }
0xbf: {  	s17 =	simm.s32 $0xC;
	[sflag:s18] =	ssyncadd.s32 $0xFFFFF000  }
0xc0: {  	_ =	swait.ge [sflag:s17], $0x1000  }
0xc1: {  	(v2sf) =	vpush v14, $0x3;
	_ =	sdelay $0x1  }
0xc2: {  	(v2sf) =	vpush v15, $0x3;
	_ =	sdelay $0xc  }
0xc3: {  	s8 =	spop (v2sf)  }
0xc4: {  	s0 =	sand.u32 $0x7F, s8  }
0xc5: {  	s9 =	spop (v2sf);
	v37 =	vor.u32 s0, v0  }
0xc6: {  	s3 =	sand.u32 $0x7F, s9;
	v38 =	vor.u32 s0, v1  }
0xc7: {  	v39 =	vor.u32 s3, v0  }
0xc8: {  	[sflag:s17] =	ssyncset.done $0x0;
	v13 =	vor.u32 s3, v1  }
0xc9: {  	[sflag:s17] =	ssyncadd.s32 $0xFFFFF000  }
0xca: {  	v10 =	vld.idx.msk [tilespmem:v37+s31+$0x0], $0xffff  }
0xcb: {  	s10 =	simm.s32 $0xB400;
	v11 =	vld.idx.msk [tilespmem:v38+s31+$0x0], $0xffff  }
0xcc: {  	v12 =	vld.idx.msk [tilespmem:v39+s10+$0x0], $0xffff  }
0xcd: {  	v13 =	vld.idx.msk [tilespmem:v13+s10+$0x0], $0xffff  }
0xce: {  	(v2sf) =	vpush v14, $0xB  }
0xcf: {  	(v2sf) =	vpush v15, $0xB;
	_ =	sdelay $0x2  }
0xd0: {  	v10 =	vmul.f32 v12, v10;
	v11 =	vmul.f32 v13, v11;
	_ =	sdelay $0x1  }
0xd1: {  	v10 =	vmul.f32 v10, v2;
	v11 =	vmul.f32 v11, v3;
	_ =	sdelay $0x1  }
0xd2: {  	v10 =	vadd.f32 v11, v10;
	_ =	sdelay $0x1  }
0xd3: {  	(xrf2) =	vadd.scan.msk.f32 $0xffff, v10;
	_ =	sdelay $0x4  }
0xd4: {  	s31 =	spop (v2sf)  }
0xd5: {  	s11 =	simm.s32 $0xB400;
	s16 =	sand.u32 $0xFFFFF80, s31;
	s6 =	spop (v2sf)  }
0xd6: {  	s4 =	simm.s32 $0x3400;
	s3 =	sadd.s32 s1, s16;
	s7 =	sand.u32 $0xFFFFF80, s6  }
0xd7: {  	[tilespmem:s4], [sflag:$0x4] =	stream.strided.gather [hbm4b:s3+s15], $0x1000, s14, s15, $0x38;
	[tilespmem:$0x10700] =	vst v63  }
0xd8: {  	[dreg:$0x11] =	wrdreg s6;
	s16 =	simm.s32 $0x5;
	s3 =	sadd.s32 s2, s7  }
0xd9: {  	[tilespmem:s11], [sflag:$0xC] =	stream.strided.gather [hbm4b:s3+s15], $0x1000, s14, s15, $0x38;
	v10, _, _ =	vpop (xrf2);
	[tilespmem:$0x10700] =	vst v63  }
0xda: {  	_ =	swait.ge [sflag:s16], $0x1000  }
0xdb: {  	[sflag:s16] =	ssyncset.done $0x0  }
0xdc: {  	s11 =	simm.s32 $0xD;
	[sflag:s16] =	ssyncadd.s32 $0xFFFFF000  }
0xdd: {  	_ =	swait.ge [sflag:s11], $0x1000  }
0xde: {  	(v2sf) =	vpush v14, $0x4;
	_ =	sdelay $0x1  }
0xdf: {  	(v2sf) =	vpush v15, $0x4;
	_ =	sdelay $0xc  }
0xe0: {  	s8 =	spop (v2sf)  }
0xe1: {  	s3 =	sand.u32 $0x7F, s8  }
0xe2: {  	s9 =	spop (v2sf);
	v40 =	vor.u32 s3, v0  }
0xe3: {  	s5 =	sand.u32 $0x7F, s9;
	v41 =	vor.u32 s3, v1  }
0xe4: {  	v42 =	vor.u32 s5, v0  }
0xe5: {  	[sflag:s11] =	ssyncset.done $0x0;
	v16 =	vor.u32 s5, v1  }
0xe6: {  	s10 =	simm.s32 $0x4400;
	[sflag:s11] =	ssyncadd.s32 $0xFFFFF000  }
0xe7: {  	v11 =	vld.idx.msk [tilespmem:v40+s10+$0x0], $0xffff  }
0xe8: {  	s4 =	simm.s32 $0xC400;
	v12 =	vld.idx.msk [tilespmem:v41+s10+$0x0], $0xffff  }
0xe9: {  	v13 =	vld.idx.msk [tilespmem:v42+s4+$0x0], $0xffff  }
0xea: {  	v16 =	vld.idx.msk [tilespmem:v16+s4+$0x0], $0xffff  }
0xeb: {  	(v2sf) =	vpush v14, $0xC  }
0xec: {  	(v2sf) =	vpush v15, $0xC;
	_ =	sdelay $0x2  }
0xed: {  	v11 =	vmul.f32 v13, v11;
	v12 =	vmul.f32 v16, v12;
	_ =	sdelay $0x1  }
0xee: {  	v11 =	vmul.f32 v11, v2;
	v12 =	vmul.f32 v12, v3;
	_ =	sdelay $0x1  }
0xef: {  	v11 =	vadd.f32 v12, v11;
	_ =	sdelay $0x1  }
0xf0: {  	(xrf2) =	vadd.scan.msk.f32 $0xffff, v11;
	_ =	sdelay $0x4  }
0xf1: {  	s7 =	spop (v2sf)  }
0xf2: {  	s3 =	simm.s32 $0x6;
	s6 =	sand.u32 $0xFFFFF80, s7;
	s8 =	spop (v2sf)  }
0xf3: {  	[dreg:$0x13] =	wrdreg s7;
	s6 =	sadd.s32 s1, s6;
	s9 =	sand.u32 $0xFFFFF80, s8  }
0xf4: {  	[tilespmem:s10], [sflag:$0x5] =	stream.strided.gather [hbm4b:s6+s15], $0x1000, s14, s15, $0x38;
	[tilespmem:$0x10700] =	vst v63  }
0xf5: {  	s5 =	simm.s32 $0xC400;
	[dreg:$0x12] =	wrdreg s8;
	s6 =	sadd.s32 s2, s9  }
0xf6: {  	[tilespmem:s5], [sflag:$0xD] =	stream.strided.gather [hbm4b:s6+s15], $0x1000, s14, s15, $0x38;
	v11, _, _ =	vpop (xrf2);
	[tilespmem:$0x10700] =	vst v63  }
0xf7: {  	_ =	swait.ge [sflag:s3], $0x1000  }
0xf8: {  	[sflag:s3] =	ssyncset.done $0x0  }
0xf9: {  	s5 =	simm.s32 $0xE;
	[sflag:s3] =	ssyncadd.s32 $0xFFFFF000  }
0xfa: {  	_ =	swait.ge [sflag:s5], $0x1000  }
0xfb: {  	(v2sf) =	vpush v14, $0x5;
	_ =	sdelay $0x1  }
0xfc: {  	(v2sf) =	vpush v15, $0x5;
	_ =	sdelay $0xc  }
0xfd: {  	s10 =	spop (v2sf)  }
0xfe: {  	s6 =	sand.u32 $0x7F, s10  }
0xff: {  	s7 =	spop (v2sf);
	v43 =	vor.u32 s6, v0  }
0x100: {  	s7 =	sand.u32 $0x7F, s7;
	v44 =	vor.u32 s6, v1  }
0x101: {  	v45 =	vor.u32 s7, v0  }
0x102: {  	[sflag:s5] =	ssyncset.done $0x0;
	v17 =	vor.u32 s7, v1  }
0x103: {  	[sflag:s5] =	ssyncadd.s32 $0xFFFFF000  }
0x104: {  	v12 =	vld.idx.msk [tilespmem:v43+s12+$0x0], $0xffff  }
0x105: {  	v13 =	vld.idx.msk [tilespmem:v44+s12+$0x0], $0xffff  }
0x106: {  	v16 =	vld.idx.msk [tilespmem:v45+s13+$0x0], $0xffff  }
0x107: {  	v17 =	vld.idx.msk [tilespmem:v17+s13+$0x0], $0xffff  }
0x108: {  	(v2sf) =	vpush v14, $0xD  }
0x109: {  	(v2sf) =	vpush v15, $0xD;
	_ =	sdelay $0x2  }
0x10a: {  	v12 =	vmul.f32 v16, v12;
	v13 =	vmul.f32 v17, v13;
	_ =	sdelay $0x1  }
0x10b: {  	v12 =	vmul.f32 v12, v2;
	v13 =	vmul.f32 v13, v3;
	_ =	sdelay $0x1  }
0x10c: {  	v12 =	vadd.f32 v13, v12;
	_ =	sdelay $0x1  }
0x10d: {  	(xrf2) =	vadd.scan.msk.f32 $0xffff, v12;
	_ =	sdelay $0x4  }
0x10e: {  	s13 =	spop (v2sf)  }
0x10f: {  	s0 =	sand.u32 $0xFFFFF80, s13;
	s12 =	spop (v2sf)  }
0x110: {  	s4 =	simm.s32 $0x5400;
	s6 =	sadd.s32 s1, s0;
	s7 =	sand.u32 $0xFFFFF80, s12  }
0x111: {  	[tilespmem:s4], [sflag:$0x6] =	stream.strided.gather [hbm4b:s6+s15], $0x1000, s14, s15, $0x38;
	[tilespmem:$0x10700] =	vst v63  }
0x112: {  	s8 =	simm.s32 $0xD400;
	s6 =	sadd.s32 s2, s7  }
0x113: {  	[tilespmem:s8], [sflag:$0xE] =	stream.strided.gather [hbm4b:s6+s15], $0x1000, s14, s15, $0x38;
	v12, _, _ =	vpop (xrf2);
	[tilespmem:$0x10700] =	vst v63  }
0x114: {  	_ =	swait.ge [sflag:s22], $0x1000  }
0x115: {  	[sflag:s22] =	ssyncset.done $0x0  }
0x116: {  	[sflag:s22] =	ssyncadd.s32 $0xFFFFF000  }
0x117: {  	_ =	swait.ge [sflag:s21], $0x1000  }
0x118: {  	(v2sf) =	vpush v14, $0x6;
	_ =	sdelay $0x1  }
0x119: {  	(v2sf) =	vpush v15, $0x6;
	_ =	sdelay $0xc  }
0x11a: {  	s8 =	spop (v2sf)  }
0x11b: {  	s6 =	sand.u32 $0x7F, s8  }
0x11c: {  	s9 =	spop (v2sf);
	v46 =	vor.u32 s6, v0  }
0x11d: {  	s7 =	sand.u32 $0x7F, s9;
	v47 =	vor.u32 s6, v1  }
0x11e: {  	v48 =	vor.u32 s7, v0  }
0x11f: {  	[sflag:s21] =	ssyncset.done $0x0;
	v18 =	vor.u32 s7, v1  }
0x120: {  	s4 =	simm.s32 $0x6400;
	[sflag:s21] =	ssyncadd.s32 $0xFFFFF000  }
0x121: {  	v13 =	vld.idx.msk [tilespmem:v46+s4+$0x0], $0xffff  }
0x122: {  	s8 =	simm.s32 $0xE400;
	v16 =	vld.idx.msk [tilespmem:v47+s4+$0x0], $0xffff  }
0x123: {  	v17 =	vld.idx.msk [tilespmem:v48+s8+$0x0], $0xffff  }
0x124: {  	v18 =	vld.idx.msk [tilespmem:v18+s8+$0x0], $0xffff  }
0x125: {  	(v2sf) =	vpush v14, $0xE  }
0x126: {  	(v2sf) =	vpush v15, $0xE;
	_ =	sdelay $0x2  }
0x127: {  	v13 =	vmul.f32 v17, v13;
	v16 =	vmul.f32 v18, v16;
	_ =	sdelay $0x1  }
0x128: {  	v13 =	vmul.f32 v13, v2;
	v16 =	vmul.f32 v16, v3;
	_ =	sdelay $0x1  }
0x129: {  	v13 =	vadd.f32 v16, v13;
	_ =	sdelay $0x1  }
0x12a: {  	(xrf2) =	vadd.scan.msk.f32 $0xffff, v13;
	_ =	sdelay $0x4  }
0x12b: {  	s10 =	spop (v2sf)  }
0x12c: {  	s6 =	sand.u32 $0xFFFFF80, s10;
	s9 =	spop (v2sf)  }
0x12d: {  	[dreg:$0x15] =	wrdreg s10;
	s7 =	sadd.s32 s1, s6;
	s10 =	sand.u32 $0xFFFFF80, s9  }
0x12e: {  	[tilespmem:s4], [sflag:$0x7] =	stream.strided.gather [hbm4b:s7+s15], $0x1000, s14, s15, $0x38;
	[tilespmem:$0x10700] =	vst v63  }
0x12f: {  	[dreg:$0x14] =	wrdreg s9;
	s7 =	sadd.s32 s2, s10  }
0x130: {  	[tilespmem:s8], [sflag:$0xF] =	stream.strided.gather [hbm4b:s7+s15], $0x1000, s14, s15, $0x38;
	v13, _, _ =	vpop (xrf2);
	[tilespmem:$0x10700] =	vst v63  }
0x131: {  	_ =	swait.ge [sflag:s20], $0x1000  }
0x132: {  	[sflag:s20] =	ssyncset.done $0x0  }
0x133: {  	s6 =	simm.s32 $0x10;
	[sflag:s20] =	ssyncadd.s32 $0xFFFFF000  }
0x134: {  	_ =	swait.ge [sflag:s6], $0x1000  }
0x135: {  	(v2sf) =	vpush v14, $0x7;
	_ =	sdelay $0x1  }
0x136: {  	(v2sf) =	vpush v15, $0x7;
	_ =	sdelay $0xc  }
0x137: {  	s0 =	spop (v2sf)  }
0x138: {  	s7 =	sand.u32 $0x7F, s0  }
0x139: {  	s9 =	spop (v2sf);
	v49 =	vor.u32 s7, v0  }
0x13a: {  	s9 =	sand.u32 $0x7F, s9;
	v50 =	vor.u32 s7, v1  }
0x13b: {  	v51 =	vor.u32 s9, v0  }
0x13c: {  	[sflag:s6] =	ssyncset.done $0x0;
	v19 =	vor.u32 s9, v1  }
0x13d: {  	[sflag:s6] =	ssyncadd.s32 $0xFFFFF000;
	s9 =	simm.s32 $0x7400  }
0x13e: {  	v16 =	vld.idx.msk [tilespmem:v49+s9+$0x0], $0xffff  }
0x13f: {  	s10 =	simm.s32 $0xF400;
	v17 =	vld.idx.msk [tilespmem:v50+s9+$0x0], $0xffff  }
0x140: {  	(v2sf) =	vpush v14, $0xF;
	v18 =	vld.idx.msk [tilespmem:v51+s10+$0x0], $0xffff  }
0x141: {  	v19 =	vld.idx.msk [tilespmem:v19+s10+$0x0], $0xffff  }
0x142: {  	(v2sf) =	vpush v15, $0xF;
	_ =	sdelay $0x3  }
0x143: {  	v52 =	vmul.f32 v18, v16;
	v53 =	vmul.f32 v19, v17;
	_ =	sdelay $0x1  }
0x144: {  	v14 =	vmul.f32 v52, v2;
	v15 =	vmul.f32 v53, v3;
	_ =	sdelay $0x1  }
0x145: {  	v14 =	vadd.f32 v15, v14;
	_ =	sdelay $0x1  }
0x146: {  	(xrf2) =	vadd.scan.msk.f32 $0xffff, v14;
	_ =	sdelay $0x2  }
0x147: {  	s9 =	spop (v2sf)  }
0x148: {  	s10 =	sand.u32 $0xFFFFF80, s9  }
0x149: {  	s7 =	spop (v2sf);
	s10 =	sadd.s32 s1, s10  }
0x14a: {  	[tilespmem:s23], [sflag:$0x8] =	stream.strided.gather [hbm4b:s10+s15], $0x1000, s14, s15, $0x38;
	[tilespmem:$0x10700] =	vst v63  }
0x14b: {  	s10 =	sand.u32 $0xFFFFF80, s7  }
0x14c: {  	s0 =	simm.s32 $0xF400;
	s10 =	sadd.s32 s2, s10  }
0x14d: {  	[tilespmem:s0], [sflag:$0x10] =	stream.strided.gather [hbm4b:s10+s15], $0x1000, s14, s15, $0x38;
	[tilespmem:$0x10700] =	vst v63  }
0x14e: {  	s0 =	simm.s32 $0x1;
	v14, _, _ =	vpop (xrf2)  }
0x14f: {  	_ =	swait.ge [sflag:s0], $0x1000;
	s0 =	sand.u32 $0x7F, s25;
	s25 =	simm.s32 $0x1  }
0x150: {  	[sflag:s25] =	ssyncset.done $0x0;
	v54 =	vor.u32 s0, v0  }
0x151: {  	s10 =	sand.u32 $0x7F, s24;
	v55 =	vor.u32 s0, v1;
	s0 =	simm.s32 $0x9;
	[sflag:s25] =	ssyncadd.s32 $0xFFFFF000  }
0x152: {  	v56 =	vor.u32 s10, v0;
	_ =	swait.ge [sflag:s0], $0x1000  }
0x153: {  	v57 =	vor.u32 s10, v1;
	[sflag:s0] =	ssyncset.done $0x0;
	s0 =	simm.s32 $0x9  }
0x154: {  	[sflag:s0] =	ssyncadd.s32 $0xFFFFF000  }
0x155: {  	v15 =	vld.idx.msk [tilespmem:v54+s15+$0x0], $0xffff  }
0x156: {  	s24 =	simm.s32 $0x8400;
	v16 =	vld.idx.msk [tilespmem:v55+s15+$0x0], $0xffff  }
0x157: {  	v17 =	vld.idx.msk [tilespmem:v56+s24+$0x0], $0xffff  }
0x158: {  	(v2sf) =	vpush v6, $0x0;
	v18 =	vld.idx.msk [tilespmem:v57+s24+$0x0], $0xffff;
	_ =	sdelay $0x1  }
0x159: {  	(v2sf) =	vpush v5, $0x0;
	_ =	sdelay $0x2  }
0x15a: {  	v15 =	vmul.f32 v17, v15;
	v16 =	vmul.f32 v18, v16;
	_ =	sdelay $0x1  }
0x15b: {  	v15 =	vmul.f32 v15, v2;
	v16 =	vmul.f32 v16, v3;
	_ =	sdelay $0x1  }
0x15c: {  	v15 =	vadd.f32 v16, v15;
	_ =	sdelay $0x1  }
0x15d: {  	(xrf2) =	vadd.scan.msk.f32 $0xffff, v15;
	_ =	sdelay $0x3  }
0x15e: {  	s0 =	spop (v2sf)  }
0x15f: {  	s10 =	sand.u32 $0xFFFFF80, s0  }
0x160: {  	s0 =	spop (v2sf);
	s10 =	sadd.s32 s1, s10  }
0x161: {  	[tilespmem:s15], [sflag:$0x1] =	stream.strided.gather [hbm4b:s10+s15], $0x1000, s14, s15, $0x38;
	[tilespmem:$0x10700] =	vst v63  }
0x162: {  	s10 =	sand.u32 $0xFFFFF80, s0  }
0x163: {  	s0 =	simm.s32 $0x2;
	s10 =	sadd.s32 s2, s10  }
0x164: {  	[tilespmem:s24], [sflag:$0x9] =	stream.strided.gather [hbm4b:s10+s15], $0x1000, s14, s15, $0x38;
	v15, _, _ =	vpop (xrf2);
	[tilespmem:$0x10700] =	vst v63  }
0x165: {  	s10 =	sand.u32 $0x7F, s28;
	_ =	swait.ge [sflag:s0], $0x1000  }
0x166: {  	v58 =	vor.u32 s10, v0;
	[sflag:s0] =	ssyncset.done $0x0;
	s0 =	simm.s32 $0x2  }
0x167: {  	v59 =	vor.u32 s10, v1;
	s10 =	sand.u32 $0x7F, s26;
	[sflag:s0] =	ssyncadd.s32 $0xFFFFF000;
	s0 =	simm.s32 $0xA  }
0x168: {  	v60 =	vor.u32 s10, v0;
	_ =	swait.ge [sflag:s0], $0x1000  }
0x169: {  	v61 =	vor.u32 s10, v1;
	[sflag:s0] =	ssyncset.done $0x0;
	s0 =	simm.s32 $0xA  }
0x16a: {  	s26 =	simm.s32 $0x1400;
	[sflag:s0] =	ssyncadd.s32 $0xFFFFF000  }
0x16b: {  	v16 =	vld.idx.msk [tilespmem:v58+s26+$0x0], $0xffff  }
0x16c: {  	s28 =	simm.s32 $0x9400;
	v17 =	vld.idx.msk [tilespmem:v59+s26+$0x0], $0xffff  }
0x16d: {  	v18 =	vld.idx.msk [tilespmem:v60+s28+$0x0], $0xffff  }
0x16e: {  	(v2sf) =	vpush v6, $0x1;
	v19 =	vld.idx.msk [tilespmem:v61+s28+$0x0], $0xffff;
	_ =	sdelay $0x1  }
0x16f: {  	(v2sf) =	vpush v5, $0x1;
	_ =	sdelay $0x2  }
0x170: {  	v16 =	vmul.f32 v18, v16;
	v17 =	vmul.f32 v19, v17;
	_ =	sdelay $0x1  }
0x171: {  	v16 =	vmul.f32 v16, v2;
	v17 =	vmul.f32 v17, v3;
	_ =	sdelay $0x1  }
0x172: {  	v16 =	vadd.f32 v17, v16;
	_ =	sdelay $0x1  }
0x173: {  	(xrf2) =	vadd.scan.msk.f32 $0xffff, v16;
	_ =	sdelay $0x3  }
0x174: {  	s0 =	spop (v2sf)  }
0x175: {  	s10 =	sand.u32 $0xFFFFF80, s0  }
0x176: {  	s0 =	spop (v2sf);
	s10 =	sadd.s32 s1, s10  }
0x177: {  	[tilespmem:s26], [sflag:$0x2] =	stream.strided.gather [hbm4b:s10+s15], $0x1000, s14, s15, $0x38;
	[tilespmem:$0x10700] =	vst v63  }
0x178: {  	s10 =	sand.u32 $0xFFFFF80, s0  }
0x179: {  	s0 =	simm.s32 $0x3;
	s10 =	sadd.s32 s2, s10  }
0x17a: {  	[tilespmem:s28], [sflag:$0xA] =	stream.strided.gather [hbm4b:s10+s15], $0x1000, s14, s15, $0x38;
	v16, _, _ =	vpop (xrf2);
	[tilespmem:$0x10700] =	vst v63  }
0x17b: {  	s10 =	sand.u32 $0x7F, s30;
	_ =	swait.ge [sflag:s0], $0x1000  }
0x17c: {  	v62 =	vor.u32 s10, v0;
	[sflag:s0] =	ssyncset.done $0x0;
	s0 =	simm.s32 $0x3  }
0x17d: {  	v63 =	vor.u32 s10, v1;
	s10 =	sand.u32 $0x7F, s29;
	[sflag:s0] =	ssyncadd.s32 $0xFFFFF000;
	s0 =	simm.s32 $0xB  }
0x17e: {  	v24 =	vor.u32 s10, v0;
	_ =	swait.ge [sflag:s0], $0x1000  }
0x17f: {  	v20 =	vor.u32 s10, v1;
	[sflag:s0] =	ssyncset.done $0x0;
	s0 =	simm.s32 $0xB  }
0x180: {  	s29 =	simm.s32 $0x2400;
	[sflag:s0] =	ssyncadd.s32 $0xFFFFF000  }
0x181: {  	v17 =	vld.idx.msk [tilespmem:v62+s29+$0x0], $0xffff  }
0x182: {  	s30 =	simm.s32 $0xA400;
	v18 =	vld.idx.msk [tilespmem:v63+s29+$0x0], $0xffff  }
0x183: {  	v19 =	vld.idx.msk [tilespmem:v24+s30+$0x0], $0xffff  }
0x184: {  	(v2sf) =	vpush v6, $0x2;
	v20 =	vld.idx.msk [tilespmem:v20+s30+$0x0], $0xffff;
	_ =	sdelay $0x1  }
0x185: {  	(v2sf) =	vpush v5, $0x2;
	_ =	sdelay $0x2  }
0x186: {  	v17 =	vmul.f32 v19, v17;
	v18 =	vmul.f32 v20, v18;
	_ =	sdelay $0x1  }
0x187: {  	v17 =	vmul.f32 v17, v2;
	v18 =	vmul.f32 v18, v3;
	_ =	sdelay $0x1  }
0x188: {  	v17 =	vadd.f32 v18, v17;
	_ =	sdelay $0x1  }
0x189: {  	(xrf2) =	vadd.scan.msk.f32 $0xffff, v17;
	_ =	sdelay $0x3  }
0x18a: {  	s0 =	spop (v2sf)  }
0x18b: {  	s10 =	sand.u32 $0xFFFFF80, s0  }
0x18c: {  	s0 =	spop (v2sf);
	s10 =	sadd.s32 s1, s10  }
0x18d: {  	[tilespmem:s29], [sflag:$0x3] =	stream.strided.gather [hbm4b:s10+s15], $0x1000, s14, s15, $0x38;
	[tilespmem:$0x10700] =	vst v63  }
0x18e: {  	s10 =	sand.u32 $0xFFFFF80, s0  }
0x18f: {  	s10 =	sadd.s32 s2, s10  }
0x190: {  	[tilespmem:s30], [sflag:$0xB] =	stream.strided.gather [hbm4b:s10+s15], $0x1000, s14, s15, $0x38;
	v17, _, _ =	vpop (xrf2);
	[tilespmem:$0x10700] =	vst v63  }
0x191: {  	s10 =	sand.u32 $0x7F, s31;
	_ =	swait.ge [sflag:s18], $0x1000  }
0x192: {  	v25 =	vor.u32 s10, v0;
	v26 =	vor.u32 s10, v1;
	[sflag:s18] =	ssyncset.done $0x0;
	s10 =	rddreg [dreg:$0x11]  }
0x193: {  	[sflag:s18] =	ssyncadd.s32 $0xFFFFF000;
	s0 =	sand.u32 $0x7F, s10  }
0x194: {  	_ =	swait.ge [sflag:s17], $0x1000;
	v27 =	vor.u32 s0, v0  }
0x195: {  	v21 =	vor.u32 s0, v1;
	[sflag:s17] =	ssyncset.done $0x0  }
0x196: {  	s31 =	simm.s32 $0x3400;
	[sflag:s17] =	ssyncadd.s32 $0xFFFFF000  }
0x197: {  	v18 =	vld.idx.msk [tilespmem:v25+s31+$0x0], $0xffff  }
0x198: {  	s10 =	simm.s32 $0xB400;
	v19 =	vld.idx.msk [tilespmem:v26+s31+$0x0], $0xffff  }
0x199: {  	(v2sf) =	vpush v6, $0x3;
	v20 =	vld.idx.msk [tilespmem:v27+s10+$0x0], $0xffff  }
0x19a: {  	v21 =	vld.idx.msk [tilespmem:v21+s10+$0x0], $0xffff;
	_ =	sdelay $0x2  }
0x19b: {  	(v2sf) =	vpush v5, $0x3;
	_ =	sdelay $0x1  }
0x19c: {  	v18 =	vmul.f32 v20, v18;
	v19 =	vmul.f32 v21, v19;
	_ =	sdelay $0x1  }
0x19d: {  	v18 =	vmul.f32 v18, v2;
	v19 =	vmul.f32 v19, v3;
	_ =	sdelay $0x1  }
0x19e: {  	v18 =	vadd.f32 v19, v18;
	_ =	sdelay $0x1  }
0x19f: {  	(xrf2) =	vadd.scan.msk.f32 $0xffff, v18;
	_ =	sdelay $0x2  }
0x1a0: {  	s0 =	spop (v2sf)  }
0x1a1: {  	s0 =	sand.u32 $0xFFFFF80, s0  }
0x1a2: {  	s0 =	sadd.s32 s1, s0  }
0x1a3: {  	[tilespmem:s31], [sflag:$0x4] =	stream.strided.gather [hbm4b:s0+s15], $0x1000, s14, s15, $0x38;
	[tilespmem:$0x10700] =	vst v63  }
0x1a4: {  	s0 =	spop (v2sf)  }
0x1a5: {  	s0 =	sand.u32 $0xFFFFF80, s0  }
0x1a6: {  	s10 =	simm.s32 $0xB400;
	s0 =	sadd.s32 s2, s0  }
0x1a7: {  	[tilespmem:s10], [sflag:$0xC] =	stream.strided.gather [hbm4b:s0+s15], $0x1000, s14, s15, $0x38;
	v18, _, _ =	vpop (xrf2);
	[tilespmem:$0x10700] =	vst v63  }
0x1a8: {  	s17 =	rddreg [dreg:$0xe];
	_ =	swait.ge [sflag:s16], $0x1000  }
0x1a9: {  	s10 =	rddreg [dreg:$0x13]  }
0x1aa: {  	[sflag:s16] =	ssyncset.done $0x0;
	s0 =	sand.u32 $0x7F, s10  }
0x1ab: {  	[sflag:s16] =	ssyncadd.s32 $0xFFFFF000;
	s16 =	rddreg [dreg:$0x12];
	v28 =	vor.u32 s0, v0  }
0x1ac: {  	v29 =	vor.u32 s0, v1;
	s0 =	sand.u32 $0x7F, s16  }
0x1ad: {  	_ =	swait.ge [sflag:s11], $0x1000;
	v30 =	vor.u32 s0, v0  }
0x1ae: {  	[sflag:s11] =	ssyncset.done $0x0;
	v22 =	vor.u32 s0, v1  }
0x1af: {  	s10 =	simm.s32 $0x4400;
	[sflag:s11] =	ssyncadd.s32 $0xFFFFF000  }
0x1b0: {  	v19 =	vld.idx.msk [tilespmem:v28+s10+$0x0], $0xffff  }
0x1b1: {  	s11 =	simm.s32 $0xC400;
	v20 =	vld.idx.msk [tilespmem:v29+s10+$0x0], $0xffff  }
0x1b2: {  	(v2sf) =	vpush v6, $0x4;
	v21 =	vld.idx.msk [tilespmem:v30+s11+$0x0], $0xffff  }
0x1b3: {  	v22 =	vld.idx.msk [tilespmem:v22+s11+$0x0], $0xffff;
	_ =	sdelay $0x2  }
0x1b4: {  	(v2sf) =	vpush v5, $0x4;
	_ =	sdelay $0x1  }
0x1b5: {  	v19 =	vmul.f32 v21, v19;
	v20 =	vmul.f32 v22, v20;
	_ =	sdelay $0x1  }
0x1b6: {  	v19 =	vmul.f32 v19, v2;
	v20 =	vmul.f32 v20, v3;
	_ =	sdelay $0x1  }
0x1b7: {  	v19 =	vadd.f32 v20, v19;
	_ =	sdelay $0x1  }
0x1b8: {  	(xrf2) =	vadd.scan.msk.f32 $0xffff, v19;
	_ =	sdelay $0x2  }
0x1b9: {  	s16 =	spop (v2sf)  }
0x1ba: {  	s0 =	sand.u32 $0xFFFFF80, s16  }
0x1bb: {  	s10 =	simm.s32 $0x4400;
	s0 =	sadd.s32 s1, s0  }
0x1bc: {  	[tilespmem:s10], [sflag:$0x5] =	stream.strided.gather [hbm4b:s0+s15], $0x1000, s14, s15, $0x38;
	[tilespmem:$0x10700] =	vst v63  }
0x1bd: {  	s10 =	spop (v2sf)  }
0x1be: {  	s0 =	sand.u32 $0xFFFFF80, s10  }
0x1bf: {  	s11 =	simm.s32 $0xC400;
	s0 =	sadd.s32 s2, s0  }
0x1c0: {  	[tilespmem:s11], [sflag:$0xD] =	stream.strided.gather [hbm4b:s0+s15], $0x1000, s14, s15, $0x38;
	v19, _, _ =	vpop (xrf2);
	[tilespmem:$0x10700] =	vst v63  }
0x1c1: {  	s16 =	sand.u32 $0x7F, s13;
	_ =	swait.ge [sflag:s3], $0x1000  }
0x1c2: {  	v31 =	vor.u32 s16, v0;
	[sflag:s3] =	ssyncset.done $0x0  }
0x1c3: {  	v32 =	vor.u32 s16, v1;
	s10 =	sand.u32 $0x7F, s12;
	[sflag:s3] =	ssyncadd.s32 $0xFFFFF000  }
0x1c4: {  	v33 =	vor.u32 s10, v0;
	s3 =	rddreg [dreg:$0x10];
	_ =	swait.ge [sflag:s5], $0x1000  }
0x1c5: {  	v23 =	vor.u32 s10, v1;
	[sflag:s5] =	ssyncset.done $0x0  }
0x1c6: {  	s12 =	simm.s32 $0x5400;
	[sflag:s5] =	ssyncadd.s32 $0xFFFFF000  }
0x1c7: {  	v20 =	vld.idx.msk [tilespmem:v31+s12+$0x0], $0xffff  }
0x1c8: {  	s13 =	simm.s32 $0xD400;
	v21 =	vld.idx.msk [tilespmem:v32+s12+$0x0], $0xffff  }
0x1c9: {  	v22 =	vld.idx.msk [tilespmem:v33+s13+$0x0], $0xffff  }
0x1ca: {  	(v2sf) =	vpush v6, $0x5;
	v23 =	vld.idx.msk [tilespmem:v23+s13+$0x0], $0xffff;
	_ =	sdelay $0x1  }
0x1cb: {  	(v2sf) =	vpush v5, $0x5;
	_ =	sdelay $0x2  }
0x1cc: {  	v20 =	vmul.f32 v22, v20;
	v21 =	vmul.f32 v23, v21;
	_ =	sdelay $0x1  }
0x1cd: {  	v20 =	vmul.f32 v20, v2;
	v21 =	vmul.f32 v21, v3;
	_ =	sdelay $0x1  }
0x1ce: {  	v20 =	vadd.f32 v21, v20;
	_ =	sdelay $0x1  }
0x1cf: {  	(xrf2) =	vadd.scan.msk.f32 $0xffff, v20;
	_ =	sdelay $0x3  }
0x1d0: {  	s11 =	spop (v2sf)  }
0x1d1: {  	s0 =	sand.u32 $0xFFFFF80, s11  }
0x1d2: {  	s16 =	spop (v2sf);
	s0 =	sadd.s32 s1, s0  }
0x1d3: {  	[tilespmem:s12], [sflag:$0x6] =	stream.strided.gather [hbm4b:s0+s15], $0x1000, s14, s15, $0x38;
	[tilespmem:$0x10700] =	vst v63  }
0x1d4: {  	s0 =	sand.u32 $0xFFFFF80, s16  }
0x1d5: {  	s0 =	sadd.s32 s2, s0  }
0x1d6: {  	[tilespmem:s13], [sflag:$0xE] =	stream.strided.gather [hbm4b:s0+s15], $0x1000, s14, s15, $0x38;
	v20, _, _ =	vpop (xrf2);
	[tilespmem:$0x10700] =	vst v63  }
0x1d7: {  	_ =	swait.ge [sflag:s22], $0x1000  }
0x1d8: {  	s5 =	rddreg [dreg:$0x15]  }
0x1d9: {  	s0 =	sand.u32 $0x7F, s5  }
0x1da: {  	[sflag:s22] =	ssyncset.done $0x0;
	s10 =	rddreg [dreg:$0x14];
	v34 =	vor.u32 s0, v0  }
0x1db: {  	[sflag:s22] =	ssyncadd.s32 $0xFFFFF000;
	v35 =	vor.u32 s0, v1;
	s0 =	sand.u32 $0x7F, s10  }
0x1dc: {  	_ =	swait.ge [sflag:s21], $0x1000;
	v36 =	vor.u32 s0, v0  }
0x1dd: {  	[sflag:s21] =	ssyncset.done $0x0;
	v24 =	vor.u32 s0, v1  }
0x1de: {  	[sflag:s21] =	ssyncadd.s32 $0xFFFFF000  }
0x1df: {  	v21 =	vld.idx.msk [tilespmem:v34+s4+$0x0], $0xffff  }
0x1e0: {  	v22 =	vld.idx.msk [tilespmem:v35+s4+$0x0], $0xffff  }
0x1e1: {  	v23 =	vld.idx.msk [tilespmem:v36+s8+$0x0], $0xffff  }
0x1e2: {  	(v2sf) =	vpush v6, $0x6;
	v24 =	vld.idx.msk [tilespmem:v24+s8+$0x0], $0xffff;
	_ =	sdelay $0x1  }
0x1e3: {  	(v2sf) =	vpush v5, $0x6;
	_ =	sdelay $0x2  }
0x1e4: {  	v21 =	vmul.f32 v23, v21;
	v22 =	vmul.f32 v24, v22;
	_ =	sdelay $0x1  }
0x1e5: {  	v21 =	vmul.f32 v21, v2;
	v22 =	vmul.f32 v22, v3;
	_ =	sdelay $0x1  }
0x1e6: {  	v21 =	vadd.f32 v22, v21;
	_ =	sdelay $0x1  }
0x1e7: {  	(xrf2) =	vadd.scan.msk.f32 $0xffff, v21;
	_ =	sdelay $0x3  }
0x1e8: {  	s11 =	spop (v2sf)  }
0x1e9: {  	s0 =	sand.u32 $0xFFFFF80, s11  }
0x1ea: {  	s16 =	spop (v2sf);
	s0 =	sadd.s32 s1, s0  }
0x1eb: {  	[tilespmem:s4], [sflag:$0x7] =	stream.strided.gather [hbm4b:s0+s15], $0x1000, s14, s15, $0x38;
	[tilespmem:$0x10700] =	vst v63  }
0x1ec: {  	s0 =	sand.u32 $0xFFFFF80, s16  }
0x1ed: {  	s0 =	sadd.s32 s2, s0  }
0x1ee: {  	v7 =	vbroadcast v7, $0xF;
	[tilespmem:s8], [sflag:$0xF] =	stream.strided.gather [hbm4b:s0+s15], $0x1000, s14, s15, $0x38;
	v21, _, _ =	vpop (xrf2);
	[tilespmem:$0x10700] =	vst v63  }
0x1ef: {  	s4 =	sand.u32 $0x7F, s9;
	_ =	swait.ge [sflag:s20], $0x1000  }
0x1f0: {  	v7 =	vnsel vm0, $0x0, v7;
	v8 =	vbroadcast v8, $0xF;
	v37 =	vor.u32 s4, v0;
	[sflag:s20] =	ssyncset.done $0x0  }
0x1f1: {  	v7 =	vadd.f32 v7, v4;
	s5 =	sand.u32 $0x7F, s7;
	v38 =	vor.u32 s4, v1;
	[sflag:s20] =	ssyncadd.s32 $0xFFFFF000  }
0x1f2: {  	v8 =	vnsel vm1, $0x0, v8;
	v9 =	vbroadcast v9, $0xF;
	v39 =	vor.u32 s5, v0;
	_ =	swait.ge [sflag:s6], $0x1000  }
0x1f3: {  	v7 =	vadd.f32 v8, v7;
	v40 =	vor.u32 s5, v1;
	[sflag:s6] =	ssyncset.done $0x0  }
0x1f4: {  	v9 =	vnsel vm2, $0x0, v9;
	v10 =	vbroadcast v10, $0xF;
	[sflag:s6] =	ssyncadd.s32 $0xFFFFF000;
	s6 =	simm.s32 $0x7400  }
0x1f5: {  	v7 =	vadd.f32 v9, v7;
	v41 =	vld.idx.msk [tilespmem:v37+s6+$0x0], $0xffff  }
0x1f6: {  	v10 =	vnsel vm3, $0x0, v10;
	v11 =	vbroadcast v11, $0xF;
	s8 =	simm.s32 $0xF400;
	v42 =	vld.idx.msk [tilespmem:v38+s6+$0x0], $0xffff  }
0x1f7: {  	v7 =	vadd.f32 v10, v7;
	v43 =	vld.idx.msk [tilespmem:v39+s8+$0x0], $0xffff  }
0x1f8: {  	v11 =	vnsel vm4, $0x0, v11;
	v12 =	vbroadcast v12, $0xF;
	v8 =	vld.idx.msk [tilespmem:v40+s8+$0x0], $0xffff  }
0x1f9: {  	v7 =	vadd.f32 v11, v7  }
0x1fa: {  	v44 =	vnsel vm5, $0x0, v12;
	v45 =	vbroadcast v13, $0xF  }
0x1fb: {  	v7 =	vadd.f32 v44, v7  }
0x1fc: {  	v46 =	vnsel vm6, $0x0, v45;
	v47 =	vbroadcast v14, $0xF  }
0x1fd: {  	v7 =	vadd.f32 v46, v7;
	v9 =	vmul.f32 v43, v41;
	v8 =	vmul.f32 v8, v42  }
0x1fe: {  	v48 =	vnsel vm7, $0x0, v47;
	v49 =	vbroadcast v15, $0xF  }
0x1ff: {  	v7 =	vadd.f32 v48, v7;
	v9 =	vmul.f32 v9, v2;
	v8 =	vmul.f32 v8, v3  }
0x200: {  	v50 =	vnsel vm8, $0x0, v49;
	v51 =	vbroadcast v16, $0xF  }
0x201: {  	v7 =	vadd.f32 v50, v7;
	v8 =	vadd.f32 v8, v9  }
0x202: {  	v52 =	vnsel vm9, $0x0, v51;
	v53 =	vbroadcast v17, $0xF  }
0x203: {  	v7 =	vadd.f32 v52, v7;
	(xrf2) =	vadd.scan.msk.f32 $0xffff, v8  }
0x204: {  	v54 =	vnsel vm10, $0x0, v53;
	v55 =	vbroadcast v18, $0xF  }
0x205: {  	v7 =	vadd.f32 v54, v7  }
0x206: {  	v56 =	vnsel vm11, $0x0, v55;
	v57 =	vbroadcast v19, $0xF  }
0x207: {  	v7 =	vadd.f32 v56, v7  }
0x208: {  	v58 =	vnsel vm12, $0x0, v57;
	v59 =	vbroadcast v20, $0xF  }
0x209: {  	v7 =	vadd.f32 v58, v7  }
0x20a: {  	v60 =	vnsel vm13, $0x0, v59;
	v61 =	vbroadcast v21, $0xF  }
0x20b: {  	v7 =	vadd.f32 v60, v7  }
0x20c: {  	v62 =	vnsel vm14, $0x0, v61  }
0x20d: {  	v7 =	vadd.f32 v62, v7;
	v63, _, _ =	vpop (xrf2)  }
0x20e: {  	v8 =	vsel vm15, $0x0, v63  }
0x20f: {  	v7 =	vadd.f32 v8, v7;
	_ =	sdelay $0x1  }
0x210: {  	v7 =	vsub.f32 $0.0e+00, v7;
	_ =	sdelay $0x1  }
0x211: {  	v7 =	vmul.f32 $1.442695020e+00, v7  }
0x212: {  	(v2sf) =	vpush v6, $0x7  }
0x213: {  	(erf) = vpow2.f32 v7;
	_ =	sdelay $0x2  }
0x214: {  	(v2sf) =	vpush v5, $0x7;
	_ =	sdelay $0x5  }
0x215: {  	v5 =	vpop (erf)  }
0x216: {  	v5 =	vadd.f32 $1.000000000e+00, v5;
	_ =	sdelay $0x1  }
0x217: {  	(erf) = vrcp.f32 v5;
	_ =	sdelay $0x1  }
0x218: {  	s10 =	spop (v2sf)  }
0x219: {  	s0 =	sand.u32 $0xFFFFF80, s10  }
0x21a: {  	p0 =	sne.s32 s19, $0x1F0;
	s7 =	simm.s32 $0x7400;
	s0 =	sadd.s32 s1, s0  }
0x21b: {  	[tilespmem:s7], [sflag:$0x8] =	stream.strided.gather [hbm4b:s0+s15], $0x1000, s14, s15, $0x38;
	[tilespmem:$0x10700] =	vst v63  }
.Ltmp0:
0x21c: {  	s11 =	spop (v2sf);
	(pc) =	sbr.rel @p0 .LBB2_2-.Ltmp0, $4  }
0x21d: {  	s19 =	sadd.s32 $0x10, s19;
	s0 =	sand.u32 $0xFFFFF80, s11  }
0x21e: {  	s9 =	simm.s32 $0xF400;
	s16 =	rddreg [dreg:$0xf];
	s0 =	sadd.s32 s2, s0  }
0x21f: {  	[tilespmem:s9], [sflag:$0x10] =	stream.strided.gather [hbm4b:s0+s15], $0x1000, s14, s15, $0x38;
	v5 =	vpop (erf);
	[tilespmem:$0x10700] =	vst v63  }
0x220: {  	s17 =	sadd.s32 $0x10, s17;
	s3 =	sadd.s32 $0x10, s3;
	s0 =	sadd.s32 $0x10, s16;
	[tilespmem:s16+$0x0] =	vst v5  }
0x221: {  	_ =	swait.ge [sflag:s25], $0x1000  }
0x222: {  	[sflag:s25] =	ssyncset.done $0x0  }
0x223: {  	s0 =	simm.s32 $0x9;
	[sflag:s25] =	ssyncadd.s32 $0xFFFFF000  }
0x224: {  	_ =	swait.ge [sflag:s0], $0x1000  }
0x225: {  	[sflag:s0] =	ssyncset.done $0x0  }
0x226: {  	s11 =	simm.s32 $0x2;
	[sflag:s0] =	ssyncadd.s32 $0xFFFFF000  }
0x227: {  	_ =	swait.ge [sflag:s11], $0x1000  }
0x228: {  	[sflag:s11] =	ssyncset.done $0x0  }
0x229: {  	s16 =	simm.s32 $0xA;
	[sflag:s11] =	ssyncadd.s32 $0xFFFFF000  }
0x22a: {  	_ =	swait.ge [sflag:s16], $0x1000  }
0x22b: {  	[sflag:s16] =	ssyncset.done $0x0  }
0x22c: {  	s17 =	simm.s32 $0x3;
	[sflag:s16] =	ssyncadd.s32 $0xFFFFF000  }
0x22d: {  	_ =	swait.ge [sflag:s17], $0x1000  }
0x22e: {  	[sflag:s17] =	ssyncset.done $0x0  }
0x22f: {  	s19 =	simm.s32 $0xB;
	[sflag:s17] =	ssyncadd.s32 $0xFFFFF000  }
0x230: {  	_ =	swait.ge [sflag:s19], $0x1000  }
0x231: {  	[sflag:s19] =	ssyncset.done $0x0  }
0x232: {  	s3 =	simm.s32 $0x4;
	[sflag:s19] =	ssyncadd.s32 $0xFFFFF000  }
0x233: {  	_ =	swait.ge [sflag:s3], $0x1000  }
0x234: {  	[sflag:s3] =	ssyncset.done $0x0  }
0x235: {  	s4 =	simm.s32 $0xC;
	[sflag:s3] =	ssyncadd.s32 $0xFFFFF000  }
0x236: {  	_ =	swait.ge [sflag:s4], $0x1000  }
0x237: {  	[sflag:s4] =	ssyncset.done $0x0  }
0x238: {  	s5 =	simm.s32 $0x5;
	[sflag:s4] =	ssyncadd.s32 $0xFFFFF000  }
0x239: {  	_ =	swait.ge [sflag:s5], $0x1000  }
0x23a: {  	[sflag:s5] =	ssyncset.done $0x0  }
0x23b: {  	s6 =	simm.s32 $0xD;
	[sflag:s5] =	ssyncadd.s32 $0xFFFFF000  }
0x23c: {  	_ =	swait.ge [sflag:s6], $0x1000  }
0x23d: {  	[sflag:s6] =	ssyncset.done $0x0  }
0x23e: {  	s7 =	simm.s32 $0x6;
	[sflag:s6] =	ssyncadd.s32 $0xFFFFF000  }
0x23f: {  	_ =	swait.ge [sflag:s7], $0x1000  }
0x240: {  	[sflag:s7] =	ssyncset.done $0x0  }
0x241: {  	s8 =	simm.s32 $0xE;
	[sflag:s7] =	ssyncadd.s32 $0xFFFFF000  }
0x242: {  	_ =	swait.ge [sflag:s8], $0x1000  }
0x243: {  	[sflag:s8] =	ssyncset.done $0x0  }
0x244: {  	s9 =	simm.s32 $0x7;
	[sflag:s8] =	ssyncadd.s32 $0xFFFFF000  }
0x245: {  	_ =	swait.ge [sflag:s9], $0x1000  }
0x246: {  	[sflag:s9] =	ssyncset.done $0x0  }
0x247: {  	s10 =	simm.s32 $0xF;
	[sflag:s9] =	ssyncadd.s32 $0xFFFFF000  }
0x248: {  	_ =	swait.ge [sflag:s10], $0x1000  }
0x249: {  	[sflag:s10] =	ssyncset.done $0x0  }
0x24a: {  	s11 =	simm.s32 $0x8;
	[sflag:s10] =	ssyncadd.s32 $0xFFFFF000  }
0x24b: {  	_ =	swait.ge [sflag:s11], $0x1000  }
0x24c: {  	[sflag:s11] =	ssyncset.done $0x0  }
0x24d: {  	s16 =	simm.s32 $0x10;
	[sflag:s11] =	ssyncadd.s32 $0xFFFFF000  }
0x24e: {  	_ =	swait.ge [sflag:s16], $0x1000  }
0x24f: {  	s3 =	simm.s32 $0x10400;
	[sflag:s16] =	ssyncset.done $0x0  }
0x250: {  	s10 =	simm.s32 $0x0;
	s17 =	rddreg [dreg:$0xb];
	[sflag:s16] =	ssyncadd.s32 $0xFFFFF000  }
0x251: {  	[hbm4b:s17+s10] =	stream.linear.scatter [tilespmem:s3], [sflag:$0x11], $0x200, $0x38;
	[tilespmem:$0x10700] =	vst v63  }
0x252: {  	s3 =	simm.s32 $0x11  }
0x253: {  	_ =	swait.ge [sflag:s3], $0x200  }
0x254: {  	s5 =	rddreg [dreg:$0xd]  }
0x255: {  	s19 =	rddreg [dreg:$0xc];
	s5 =	sadd.s32 $0x1, s5  }
0x256: {  	p0 =	sne.s32 s5, s19  }
.Ltmp1:
0x257: {  	_ = 	snop;
	(pc) =	sbr.rel @p0 .LBB2_1-.Ltmp1, $4  }
0x258: {  	_ = 	snop  }
0x259: {  	s4 =	simm.s32 $0xB400;
	s6 =	simm.s32 $0x4400;
	s7 =	simm.s32 $0xC400  }
0x25a: {  	s8 =	simm.s32 $0x6400;
	s9 =	simm.s32 $0xE400;
	[sflag:s3] =	ssyncset.done $0x0  }
0x25b: {  	s11 =	simm.s32 $0x7400;
	s16 =	simm.s32 $0xF400;
	[sflag:s3] =	ssyncadd.s32 $0xFFFFFE00  }
0x25c: {  	_ =	sfence.sel $0x180000  }
0x25d: {  	[bflag:$0x0] =	sbarrier.arrive $0xFFFF  }
0x25e: {  	_ =	strace $0x90000047  }
0x25f: {  	s0 =	stileid.u32;
	[bflag:$0x2] =	sbarrier.arrive $0xFFFF  }
0x260: {  	p0 =	sne.s32 s0, $0x0;
	s0 =	rddreg [dreg:$0x7]  }
0x261: {  	s0 =	sadd.s32 @!p0 $0x100000, s0  }
0x262: {  	[sflag:s0] =	ssyncadd.tile.s32 @!p0 $0x1;
	_ =	shalt  }
.Lfunc_end2:
_tile_overlayer_lowered:
.L_overlay_start_2:
0x263: {  	(tag) =	ssettag $0x2  }
0x264: {  	s0 =	rddreg [dreg:$0x0];
	s2 =	stileid.u32  }
0x265: {  	s1 =	rddreg [dreg:$0x1];
	p0 =	sne.s32 s2, $0x0  }
0x266: {  	s3 =	rddreg [dreg:$0x2];
	[bflag:$0x3] =	sbarrier.arrive $0xFFFF;
	s2 =	simm.s32 @!p0 $0x1C11  }
0x267: {  	[timem:s3], [sflag:s2] =	dma.local @!p0 [hbm:s0], s1  }
0x268: {  	s0 =	simm.s32 @!p0 $0x11  }
0x269: {  	_ =	swait.ge @!p0 [sflag:s0], s1  }
0x26a: {  	s1 =	ssub.s32 @!p0 $0x0, s1;
	[sflag:s0] =	ssyncset.done @!p0 $0x0  }
0x26b: {  	[sflag:s0] =	ssyncadd.s32 @!p0 s1  }
0x26c: {  	[bflag:$0x3] =	sbarrier.arrive $0xFFFF  }
0x26d: {  	_ =	shalt  }

</sc_bundles>
